<compile_context>
chip_gen: v7x
topology: tpu7x:2x2x1
jax: 0.10.2.dev20260603
libtpu: 0.0.44.dev20260713+nightly
codegen_flags: <defaults>
</compile_context>

<pallas_src>
import jax
import jax.numpy as jnp
from jax import lax
from jax.experimental import pallas as pl
from jax.experimental.pallas import tpu as pltpu
from jax.experimental.pallas import tpu_sc as plsc

N = 200000
D = 100
DP = 128
K = 50000
NPEERS_USED = 3
M = NPEERS_USED * K
NC = 2
NS = 16
L = 16

PER_TILE = 9472
M_PAD = NS * PER_TILE
CH_SC = 8576
CH_TOTAL = NC * CH_SC
PASSES = -(-N // CH_TOTAL)
ROWS_PER_TILE = CH_SC // NS
BND = (N - (PASSES - 1) * CH_TOTAL) % ROWS_PER_TILE
BATCH = 128
G = 2
SEL_CAP = PER_TILE + G * BATCH
DUMP = CH_SC


def _matmul_kernel(x_ref, wt_ref, b_ref, o_ref):
    o_ref[...] = (
        jnp.dot(x_ref[...], wt_ref[...], preferred_element_type=jnp.float32)
        + b_ref[0:1, :]
    )


def _linear(x, wtp, b8p):
    br = 2000
    return pl.pallas_call(
        _matmul_kernel,
        grid=(N // br,),
        in_specs=[
            pl.BlockSpec((br, D), lambda i: (i, 0)),
            pl.BlockSpec((D, DP), lambda i: (0, 0)),
            pl.BlockSpec((8, DP), lambda i: (0, 0)),
        ],
        out_specs=pl.BlockSpec((br, DP), lambda i: (i, 0)),
        out_shape=jax.ShapeDtypeStruct((N, DP), jnp.float32),
    )(x, wtp, b8p)


def _shuffle_body(a_hbm, from_hbm, to_hbm, out_hbm,
                  from_t, to_t, sel_idx, stage_to, stage_off,
                  rows, acc, gsem, ssem, isem):
    c = lax.axis_index("c")
    s = lax.axis_index("s")
    lane = lax.iota(jnp.int32, L)

    base_idx = s * PER_TILE
    pltpu.sync_copy(from_hbm.at[pl.ds(base_idx, PER_TILE)], from_t)
    pltpu.sync_copy(to_hbm.at[pl.ds(base_idx, PER_TILE)], to_t)

    def do_pass(lo, last):
        row0 = lo + s * ROWS_PER_TILE

        if not last:
            pltpu.async_copy(a_hbm.at[pl.ds(row0, ROWS_PER_TILE)],
                             acc.at[pl.ds(s * ROWS_PER_TILE, ROWS_PER_TILE)],
                             isem)
        else:
            @pl.when(row0 + ROWS_PER_TILE <= N)
            def _():
                pltpu.sync_copy(
                    a_hbm.at[pl.ds(row0, ROWS_PER_TILE)],
                    acc.at[pl.ds(s * ROWS_PER_TILE, ROWS_PER_TILE)])

            @pl.when((row0 < N) & (row0 + ROWS_PER_TILE > N))
            def _():
                pltpu.sync_copy(a_hbm.at[pl.ds(row0, BND)],
                                acc.at[pl.ds(s * ROWS_PER_TILE, BND)])

        def scan_body(i, ptr):
            idx = i * L + lane
            f = plsc.load_gather(from_t, [idx])
            m = (f >= lo) & (f < lo + CH_SC)
            mi = jnp.where(m, 1, 0).astype(jnp.int32)
            cum = plsc.cumsum(mi)
            pos = ptr + cum - 1
            plsc.store_scatter(sel_idx, [pos], idx, mask=m)
            return ptr + jnp.sum(mi)

        nsel = lax.fori_loop(0, PER_TILE // L, scan_body, jnp.int32(0))

        for q in range(BATCH // L):
            pos = nsel + q * L + lane
            plsc.store_scatter(sel_idx, [pos],
                               jnp.full((L,), PER_TILE, jnp.int32))

        if not last:
            pltpu.make_async_copy(
                a_hbm.at[pl.ds(row0, ROWS_PER_TILE)],
                acc.at[pl.ds(s * ROWS_PER_TILE, ROWS_PER_TILE)],
                isem).wait()
        plsc.subcore_barrier()

        nb = (nsel + BATCH - 1) // BATCH

        def group_body(g, carry):
            for u in range(G):
                jv = g * G + u

                @pl.when(jv < nb)
                def _(u=u, jv=jv):
                    st = stage_to.at[u]
                    so = stage_off.at[u]
                    for q in range(BATCH // L):
                        idx = jv * BATCH + q * L + lane
                        k = plsc.load_gather(sel_idx, [idx])
                        kc = jnp.minimum(k, PER_TILE - 1)
                        t16 = plsc.load_gather(to_t, [kc])
                        f16 = plsc.load_gather(from_t, [kc])
                        off = jnp.where(k >= PER_TILE, DUMP, f16 - lo)
                        st[pl.ds(q * L, L)] = t16
                        so[pl.ds(q * L, L)] = off
                    pltpu.async_copy(a_hbm.at[stage_to.at[u]], rows.at[u],
                                     gsem.at[u])
            for u in range(G):
                jv = g * G + u

                @pl.when(jv < nb)
                def _(u=u):
                    pltpu.make_async_copy(a_hbm.at[stage_to.at[u]],
                                          rows.at[u], gsem.at[u]).wait()
                    pltpu.async_copy(rows.at[u], acc.at[stage_off.at[u]],
                                     ssem.at[u], add=True)
            for u in range(G):
                jv = g * G + u

                @pl.when(jv < nb)
                def _(u=u):
                    pltpu.make_async_copy(rows.at[u],
                                          acc.at[stage_off.at[u]],
                                          ssem.at[u]).wait()
            return carry

        ngrp = (nb + G - 1) // G
        lax.fori_loop(0, ngrp, group_body, jnp.int32(0))
        plsc.subcore_barrier()

        if not last:
            pltpu.sync_copy(acc.at[pl.ds(s * ROWS_PER_TILE, ROWS_PER_TILE)],
                            out_hbm.at[pl.ds(row0, ROWS_PER_TILE)])
        else:
            @pl.when(row0 + ROWS_PER_TILE <= N)
            def _():
                pltpu.sync_copy(
                    acc.at[pl.ds(s * ROWS_PER_TILE, ROWS_PER_TILE)],
                    out_hbm.at[pl.ds(row0, ROWS_PER_TILE)])

            @pl.when((row0 < N) & (row0 + ROWS_PER_TILE > N))
            def _():
                pltpu.sync_copy(acc.at[pl.ds(s * ROWS_PER_TILE, BND)],
                                out_hbm.at[pl.ds(row0, BND)])

    def pass_body(p, carry):
        do_pass(p * CH_TOTAL + c * CH_SC, last=False)
        return carry

    lax.fori_loop(0, PASSES - 1, pass_body, jnp.int32(0))
    do_pass((PASSES - 1) * CH_TOTAL + c * CH_SC, last=True)


def _shuffle(a, fp, tp):
    return pl.kernel(
        _shuffle_body,
        out_type=jax.ShapeDtypeStruct((N, DP), jnp.float32),
        mesh=plsc.VectorSubcoreMesh(
            core_axis_name="c", subcore_axis_name="s",
            num_cores=NC, num_subcores=NS),
        scratch_types=[
            pltpu.VMEM((PER_TILE,), jnp.int32),
            pltpu.VMEM((PER_TILE,), jnp.int32),
            pltpu.VMEM((SEL_CAP,), jnp.int32),
            pltpu.VMEM((G, BATCH), jnp.int32),
            pltpu.VMEM((G, BATCH), jnp.int32),
            pltpu.VMEM((G, BATCH, DP), jnp.float32),
            pltpu.VMEM_SHARED((CH_SC + 8, DP), jnp.float32),
            pltpu.SemaphoreType.DMA((G,)),
            pltpu.SemaphoreType.DMA((G,)),
            pltpu.SemaphoreType.DMA,
        ],
        compiler_params=pltpu.CompilerParams(needs_layout_passes=False),
    )(a, fp, tp)


def kernel(input, from_id, to_id, W, b):
    wtp = jnp.zeros((D, DP), jnp.float32).at[:, :D].set(W.T)
    b8p = jnp.zeros((8, DP), jnp.float32).at[:, :D].set(
        jnp.broadcast_to(b, (8, D)))
    a = _linear(input, wtp, b8p)
    pad_f = jnp.full((M_PAD - M,), -1, jnp.int32)
    pad_t = jnp.zeros((M_PAD - M,), jnp.int32)
    fp = jnp.concatenate([from_id[1:].reshape(-1), pad_f])
    tp = jnp.concatenate([to_id[1:].reshape(-1), pad_t])
    out_pad = _shuffle(a, fp, tp)
    return out_pad[:, :D]

# --- scband reference (transcript-rebuilt; emitter-appended) ---
"""Pipeline reference for scband-toy-single-6493990551913 (READ-ONLY COPY).

The authoritative reference and input builder live on the scoring server;
editing this copy changes nothing except your own understanding.
"""

import jax, jax.numpy as jnp
import numpy as np

N = 200000
D = 100
K = 50000
N_PEERS = 4
DEVICE_ID = 0

def setup_inputs(seed: int = 0) -> dict:
    key = jax.random.key(seed)
    k1, k2, k3, k4, k5 = jax.random.split(key, 5)
    inp = {
        "input": jax.random.normal(k1, (N, D), dtype=jnp.float32),
        "from_id": jax.random.randint(k2, (N_PEERS, K), 0, N, dtype=jnp.int32),
        "to_id": jax.random.randint(k3, (N_PEERS, K), 0, N, dtype=jnp.int32),
        # Linear(100, 100) parameters
        "W": jax.random.normal(k4, (D, D), dtype=jnp.float32) * (1.0 / np.sqrt(D)),
        "b": jax.random.normal(k5, (D,), dtype=jnp.float32) * 0.01,
    }
    return inp

def reference(input, from_id, to_id, W, b):
    # ToySingle.forward: a = Linear(input); b = Shuffle(a, ..., to_dict=to_id, from_dict=from_id)
    a = input @ W.T + b
    # Shuffle semantics (single-node simulation of the 4-way all-to-all):
    # each peer qid != device_id receives a[to_dict[qid]]; locally we receive
    # temp[from_id] and do input_t[from_dict[from_id]] += temp[from_id].
    # In the loopback simulation the received payload from peer i is the slice
    # a[to_dict[i]] (same shapes by construction), giving a gather + scatter-add.
    out = a
    for i in range(N_PEERS):
        if i == DEVICE_ID:
            continue
        sent = jnp.take(a, to_id[i], axis=0)          # gather: rows shipped to peer i
        out = out.at[from_id[i]].add(sent)            # scatter-add: rows received from peer i
    return out

if __name__ == "__main__":
    import jax
    _d = setup_inputs()
    print(jax.jit(kernel)(*tuple(_d.values())))

</pallas_src>

<mosaic_0001>
#map = affine_map<(d0, d1) -> (0, 0)>
#map1 = affine_map<(d0, d1) -> (0)>
module attributes {stable_mosaic.version = 14 : i64} {
  func.func @_shuffle_body(%arg0: i32, %arg1: i32, %arg2: memref<200000x128xf32, #tpu.memory_space<hbm>>, %arg3: memref<151552xi32, #tpu.memory_space<hbm>>, %arg4: memref<151552xi32, #tpu.memory_space<hbm>>, %arg5: memref<200000x128xf32, #tpu.memory_space<hbm>>, %arg6: memref<9472xi32, #tpu.memory_space<vmem>>, %arg7: memref<9472xi32, #tpu.memory_space<vmem>>, %arg8: memref<9728xi32, #tpu.memory_space<vmem>>, %arg9: memref<2x128xi32, #tpu.memory_space<vmem>>, %arg10: memref<2x128xi32, #tpu.memory_space<vmem>>, %arg11: memref<2x128x128xf32, #tpu.memory_space<vmem>>, %arg12: memref<8584x128xf32, #tpu.memory_space<vmem_shared>>, %arg13: memref<2x!tpu.dma_semaphore, #tpu.memory_space<semaphore_mem>>, %arg14: memref<2x!tpu.dma_semaphore, #tpu.memory_space<semaphore_mem>>, %arg15: memref<!tpu.dma_semaphore, #tpu.memory_space<semaphore_mem>>) attributes {dimension_semantics = [#tpu.dimension_semantics<core_parallel>, #tpu.dimension_semantics<subcore_parallel>], iteration_bounds = array<i64: 2, 16>, scalar_prefetch = 0 : i64, scratch_operands = 10 : i64, tpu.core_type = #tpu.core_type<sc_vector_subcore>, window_params = [{transform_indices = #map}, {transform_indices = #map1}, {transform_indices = #map1}, {transform_indices = #map}]} {
    %iota3A = tpu.iota {dimensions = array<i32: 0>} : vector<16xi32>
    %mul3A = arith.constant 9472 : i32
    %mul3A_0 = arith.muli %arg1, %mul3A : i32
    "tpu.region"() ({
      %run_scoped3A = tpu.sem_alloc : memref<!tpu.dma_semaphore, #tpu.memory_space<semaphore_mem>>
      %dma_start3A = tpu.memref_slice %arg3[%mul3A_0] : memref<151552xi32, #tpu.memory_space<hbm>> -> memref<9472xi32, #tpu.memory_space<hbm>>
      %dma_start3A_153 = tpu.memref_slice %arg3[%mul3A_0] : memref<151552xi32, #tpu.memory_space<hbm>> -> memref<9472xi32, #tpu.memory_space<hbm>>
      tpu.enqueue_dma source(%dma_start3A_153 : memref<9472xi32, #tpu.memory_space<hbm>>) target(%arg6 : memref<9472xi32, #tpu.memory_space<vmem>>) target_semaphore(%run_scoped3A : memref<!tpu.dma_semaphore, #tpu.memory_space<semaphore_mem>>)
      %dma_wait3A = tpu.memref_slice %arg3[%mul3A_0] : memref<151552xi32, #tpu.memory_space<hbm>> -> memref<9472xi32, #tpu.memory_space<hbm>>
      %dma_wait3A_154 = tpu.memref_slice %arg3[%mul3A_0] : memref<151552xi32, #tpu.memory_space<hbm>> -> memref<9472xi32, #tpu.memory_space<hbm>>
      tpu.wait_dma2 semaphore(%run_scoped3A : memref<!tpu.dma_semaphore, #tpu.memory_space<semaphore_mem>>) src(%dma_wait3A_154 : memref<9472xi32, #tpu.memory_space<hbm>>) dst(%arg6 : memref<9472xi32, #tpu.memory_space<vmem>>)
      tpu.yield
    }) : () -> ()
    "tpu.region"() ({
      %run_scoped3A = tpu.sem_alloc : memref<!tpu.dma_semaphore, #tpu.memory_space<semaphore_mem>>
      %dma_start3A = tpu.memref_slice %arg4[%mul3A_0] : memref<151552xi32, #tpu.memory_space<hbm>> -> memref<9472xi32, #tpu.memory_space<hbm>>
      %dma_start3A_153 = tpu.memref_slice %arg4[%mul3A_0] : memref<151552xi32, #tpu.memory_space<hbm>> -> memref<9472xi32, #tpu.memory_space<hbm>>
      tpu.enqueue_dma source(%dma_start3A_153 : memref<9472xi32, #tpu.memory_space<hbm>>) target(%arg7 : memref<9472xi32, #tpu.memory_space<vmem>>) target_semaphore(%run_scoped3A : memref<!tpu.dma_semaphore, #tpu.memory_space<semaphore_mem>>)
      %dma_wait3A = tpu.memref_slice %arg4[%mul3A_0] : memref<151552xi32, #tpu.memory_space<hbm>> -> memref<9472xi32, #tpu.memory_space<hbm>>
      %dma_wait3A_154 = tpu.memref_slice %arg4[%mul3A_0] : memref<151552xi32, #tpu.memory_space<hbm>> -> memref<9472xi32, #tpu.memory_space<hbm>>
      tpu.wait_dma2 semaphore(%run_scoped3A : memref<!tpu.dma_semaphore, #tpu.memory_space<semaphore_mem>>) src(%dma_wait3A_154 : memref<9472xi32, #tpu.memory_space<hbm>>) dst(%arg7 : memref<9472xi32, #tpu.memory_space<vmem>>)
      tpu.yield
    }) : () -> ()
    %scan3A = arith.constant 0 : i32
    %scan3A_1 = arith.constant 0 : i32
    %scan3A_2 = arith.constant 11 : i32
    %scan3A_3 = arith.addi %scan3A_1, %scan3A_2 : i32
    %scan3A_4 = arith.constant 1 : i32
    scf.for %scan3A_153 = %scan3A_1 to %scan3A_3 step %scan3A_4  : i32 {
      %mul3A_154 = arith.constant 17152 : i32
      %mul3A_155 = arith.muli %scan3A_153, %mul3A_154 : i32
      %mul3A_156 = arith.constant 8576 : i32
      %mul3A_157 = arith.muli %arg0, %mul3A_156 : i32
      %add3A_158 = arith.addi %mul3A_155, %mul3A_157 : i32
      %mul3A_159 = arith.constant 536 : i32
      %mul3A_160 = arith.muli %arg1, %mul3A_159 : i32
      %add3A_161 = arith.addi %add3A_158, %mul3A_160 : i32
      %mul3A_162 = arith.constant 536 : i32
      %mul3A_163 = arith.muli %arg1, %mul3A_162 : i32
      %dma_start3A = arith.constant 0 : i32
      %dma_start3A_164 = tpu.memref_slice %arg12[%mul3A_163, %dma_start3A] : memref<8584x128xf32, #tpu.memory_space<vmem_shared>> -> memref<536x128xf32, #tpu.memory_space<vmem_shared>>
      %dma_start3A_165 = arith.constant 0 : i32
      %dma_start3A_166 = tpu.memref_slice %arg2[%add3A_161, %dma_start3A_165] : memref<200000x128xf32, #tpu.memory_space<hbm>> -> memref<536x128xf32, #tpu.memory_space<hbm>>
      tpu.enqueue_dma source(%dma_start3A_166 : memref<536x128xf32, #tpu.memory_space<hbm>>) target(%dma_start3A_164 : memref<536x128xf32, #tpu.memory_space<vmem_shared>>) target_semaphore(%arg15 : memref<!tpu.dma_semaphore, #tpu.memory_space<semaphore_mem>>)
      %scan3A_167 = arith.constant 0 : i32
      %scan3A_168 = arith.constant 0 : i32
      %scan3A_169 = arith.constant 592 : i32
      %scan3A_170 = arith.addi %scan3A_168, %scan3A_169 : i32
      %scan3A_171 = arith.constant 1 : i32
      %scan3A_172 = scf.for %scan3A_297 = %scan3A_168 to %scan3A_170 step %scan3A_171 iter_args(%scan3A_298 = %scan3A_167) -> (i32)  : i32 {
        %mul3A_299 = arith.constant 16 : i32
        %mul3A_300 = arith.muli %scan3A_297, %mul3A_299 : i32
        %add3A_301 = vector.broadcast %mul3A_300 : i32 to vector<16xi32>
        %add3A_302 = arith.addi %add3A_301, %iota3A : vector<16xi32>
        %gather3A = tpu.vector_load_idx %arg6[%add3A_302] : memref<9472xi32, #tpu.memory_space<vmem>>[vector<16xi32>], vector<16xi32>,
        %ge3A = vector.broadcast %add3A_158 : i32 to vector<16xi32>
        %ge3A_303 = arith.cmpi sge, %gather3A, %ge3A : vector<16xi32>
        %add3A_304 = arith.constant 8576 : i32
        %add3A_305 = arith.addi %add3A_158, %add3A_304 : i32
        %lt3A_306 = vector.broadcast %add3A_305 : i32 to vector<16xi32>
        %lt3A_307 = arith.cmpi slt, %gather3A, %lt3A_306 : vector<16xi32>
        %and3A_308 = arith.andi %ge3A_303, %lt3A_307 : vector<16xi1>
        %jit3A_309 = arith.constant 1 : i32
        %jit3A_310 = arith.constant 0 : i32
        %broadcast_in_dim3A_311 = vector.broadcast %jit3A_309 : i32 to vector<16xi32>
        %broadcast_in_dim3A_312 = vector.broadcast %jit3A_310 : i32 to vector<16xi32>
        %select_n3A_313 = arith.select %and3A_308, %broadcast_in_dim3A_311, %broadcast_in_dim3A_312 : vector<16xi1>, vector<16xi32>
        %broadcast_in_dim3A_314 = arith.constant true
        %broadcast_in_dim3A_315 = vector.broadcast %broadcast_in_dim3A_314 : i1 to vector<16xi1>
        %masked_cumsum3A = tpu.scan <sum>, %select_n3A_313 masked %broadcast_in_dim3A_315 : vector<16xi32>, vector<16xi1> -> vector<16xi32>
        %add3A_316 = vector.broadcast %scan3A_298 : i32 to vector<16xi32>
        %add3A_317 = arith.addi %add3A_316, %masked_cumsum3A : vector<16xi32>
        %sub3A_318 = arith.constant 1 : i32
        %sub3A_319 = vector.broadcast %sub3A_318 : i32 to vector<16xi32>
        %sub3A_320 = arith.subi %add3A_317, %sub3A_319 : vector<16xi32>
        tpu.vector_store_idx %arg8[%sub3A_320], %add3A_302 masked %and3A_308 : memref<9728xi32, #tpu.memory_space<vmem>>[vector<16xi32>], vector<16xi32>, vector<16xi1>
        %reduce_sum3A = arith.constant true
        %reduce_sum3A_321 = vector.broadcast %reduce_sum3A : i1 to vector<16xi1>
        %reduce_sum3A_322 = tpu.scan <sum>, %select_n3A_313 masked %reduce_sum3A_321 : vector<16xi32>, vector<16xi1> -> vector<16xi32>
        %reduce_sum3A_323 = vector.extract %reduce_sum3A_322[15] : i32 from vector<16xi32>
        %add3A_324 = arith.addi %scan3A_298, %reduce_sum3A_323 : i32
        scf.yield %add3A_324 : i32
      }
      %scan3A_173 = arith.constant 592 : i32
      %add3A_174 = arith.constant 0 : i32
      %add3A_175 = arith.addi %scan3A_172, %add3A_174 : i32
      %add3A_176 = vector.broadcast %add3A_175 : i32 to vector<16xi32>
      %add3A_177 = arith.addi %add3A_176, %iota3A : vector<16xi32>
      %broadcast_in_dim3A_178 = arith.constant 9472 : i32
      %broadcast_in_dim3A_179 = vector.broadcast %broadcast_in_dim3A_178 : i32 to vector<16xi32>
      tpu.vector_store_idx %arg8[%add3A_177], %broadcast_in_dim3A_179 : memref<9728xi32, #tpu.memory_space<vmem>>[vector<16xi32>], vector<16xi32>,
      %add3A_180 = arith.constant 16 : i32
      %add3A_181 = arith.addi %scan3A_172, %add3A_180 : i32
      %add3A_182 = vector.broadcast %add3A_181 : i32 to vector<16xi32>
      %add3A_183 = arith.addi %add3A_182, %iota3A : vector<16xi32>
      %broadcast_in_dim3A_184 = arith.constant 9472 : i32
      %broadcast_in_dim3A_185 = vector.broadcast %broadcast_in_dim3A_184 : i32 to vector<16xi32>
      tpu.vector_store_idx %arg8[%add3A_183], %broadcast_in_dim3A_185 : memref<9728xi32, #tpu.memory_space<vmem>>[vector<16xi32>], vector<16xi32>,
      %add3A_186 = arith.constant 32 : i32
      %add3A_187 = arith.addi %scan3A_172, %add3A_186 : i32
      %add3A_188 = vector.broadcast %add3A_187 : i32 to vector<16xi32>
      %add3A_189 = arith.addi %add3A_188, %iota3A : vector<16xi32>
      %broadcast_in_dim3A_190 = arith.constant 9472 : i32
      %broadcast_in_dim3A_191 = vector.broadcast %broadcast_in_dim3A_190 : i32 to vector<16xi32>
      tpu.vector_store_idx %arg8[%add3A_189], %broadcast_in_dim3A_191 : memref<9728xi32, #tpu.memory_space<vmem>>[vector<16xi32>], vector<16xi32>,
      %add3A_192 = arith.constant 48 : i32
      %add3A_193 = arith.addi %scan3A_172, %add3A_192 : i32
      %add3A_194 = vector.broadcast %add3A_193 : i32 to vector<16xi32>
      %add3A_195 = arith.addi %add3A_194, %iota3A : vector<16xi32>
      %broadcast_in_dim3A_196 = arith.constant 9472 : i32
      %broadcast_in_dim3A_197 = vector.broadcast %broadcast_in_dim3A_196 : i32 to vector<16xi32>
      tpu.vector_store_idx %arg8[%add3A_195], %broadcast_in_dim3A_197 : memref<9728xi32, #tpu.memory_space<vmem>>[vector<16xi32>], vector<16xi32>,
      %add3A_198 = arith.constant 64 : i32
      %add3A_199 = arith.addi %scan3A_172, %add3A_198 : i32
      %add3A_200 = vector.broadcast %add3A_199 : i32 to vector<16xi32>
      %add3A_201 = arith.addi %add3A_200, %iota3A : vector<16xi32>
      %broadcast_in_dim3A_202 = arith.constant 9472 : i32
      %broadcast_in_dim3A_203 = vector.broadcast %broadcast_in_dim3A_202 : i32 to vector<16xi32>
      tpu.vector_store_idx %arg8[%add3A_201], %broadcast_in_dim3A_203 : memref<9728xi32, #tpu.memory_space<vmem>>[vector<16xi32>], vector<16xi32>,
      %add3A_204 = arith.constant 80 : i32
      %add3A_205 = arith.addi %scan3A_172, %add3A_204 : i32
      %add3A_206 = vector.broadcast %add3A_205 : i32 to vector<16xi32>
      %add3A_207 = arith.addi %add3A_206, %iota3A : vector<16xi32>
      %broadcast_in_dim3A_208 = arith.constant 9472 : i32
      %broadcast_in_dim3A_209 = vector.broadcast %broadcast_in_dim3A_208 : i32 to vector<16xi32>
      tpu.vector_store_idx %arg8[%add3A_207], %broadcast_in_dim3A_209 : memref<9728xi32, #tpu.memory_space<vmem>>[vector<16xi32>], vector<16xi32>,
      %add3A_210 = arith.constant 96 : i32
      %add3A_211 = arith.addi %scan3A_172, %add3A_210 : i32
      %add3A_212 = vector.broadcast %add3A_211 : i32 to vector<16xi32>
      %add3A_213 = arith.addi %add3A_212, %iota3A : vector<16xi32>
      %broadcast_in_dim3A_214 = arith.constant 9472 : i32
      %broadcast_in_dim3A_215 = vector.broadcast %broadcast_in_dim3A_214 : i32 to vector<16xi32>
      tpu.vector_store_idx %arg8[%add3A_213], %broadcast_in_dim3A_215 : memref<9728xi32, #tpu.memory_space<vmem>>[vector<16xi32>], vector<16xi32>,
      %add3A_216 = arith.constant 112 : i32
      %add3A_217 = arith.addi %scan3A_172, %add3A_216 : i32
      %add3A_218 = vector.broadcast %add3A_217 : i32 to vector<16xi32>
      %add3A_219 = arith.addi %add3A_218, %iota3A : vector<16xi32>
      %broadcast_in_dim3A_220 = arith.constant 9472 : i32
      %broadcast_in_dim3A_221 = vector.broadcast %broadcast_in_dim3A_220 : i32 to vector<16xi32>
      tpu.vector_store_idx %arg8[%add3A_219], %broadcast_in_dim3A_221 : memref<9728xi32, #tpu.memory_space<vmem>>[vector<16xi32>], vector<16xi32>,
      %mul3A_222 = arith.constant 536 : i32
      %mul3A_223 = arith.muli %arg1, %mul3A_222 : i32
      %dma_wait3A = arith.constant 0 : i32
      %dma_wait3A_224 = tpu.memref_slice %arg12[%mul3A_223, %dma_wait3A] : memref<8584x128xf32, #tpu.memory_space<vmem_shared>> -> memref<536x128xf32, #tpu.memory_space<vmem_shared>>
      %dma_wait3A_225 = arith.constant 0 : i32
      %dma_wait3A_226 = tpu.memref_slice %arg2[%add3A_161, %dma_wait3A_225] : memref<200000x128xf32, #tpu.memory_space<hbm>> -> memref<536x128xf32, #tpu.memory_space<hbm>>
      tpu.wait_dma2 semaphore(%arg15 : memref<!tpu.dma_semaphore, #tpu.memory_space<semaphore_mem>>) src(%dma_wait3A_226 : memref<536x128xf32, #tpu.memory_space<hbm>>) dst(%dma_wait3A_224 : memref<536x128xf32, #tpu.memory_space<vmem_shared>>)
      %barrier3A_227 = arith.constant 0 : index
      tpu.barrier barrier_id(%barrier3A_227)
      %add3A_228 = arith.constant 128 : i32
      %add3A_229 = arith.addi %scan3A_172, %add3A_228 : i32
      %sub3A_230 = arith.constant 1 : i32
      %sub3A_231 = arith.subi %add3A_229, %sub3A_230 : i32
      %jit3A_232 = arith.constant 128 : i32
      %div3A_233 = arith.divsi %sub3A_231, %jit3A_232 : i32
      %sign3A_234 = arith.constant 0 : i32
      %sign3A_235 = arith.cmpi sgt, %sub3A_231, %sign3A_234 : i32
      %sign3A_236 = arith.extui %sign3A_235 : i1 to i32
      %sign3A_237 = arith.constant 0 : i32
      %sign3A_238 = arith.cmpi slt, %sub3A_231, %sign3A_237 : i32
      %sign3A_239 = arith.extui %sign3A_238 : i1 to i32
      %sign3A_240 = arith.subi %sign3A_236, %sign3A_239 : i32
      %sign3A_241 = arith.constant 0 : i32
      %sign3A_242 = arith.cmpi sgt, %jit3A_232, %sign3A_241 : i32
      %sign3A_243 = arith.extui %sign3A_242 : i1 to i32
      %sign3A_244 = arith.constant 0 : i32
      %sign3A_245 = arith.cmpi slt, %jit3A_232, %sign3A_244 : i32
      %sign3A_246 = arith.extui %sign3A_245 : i1 to i32
      %sign3A_247 = arith.subi %sign3A_243, %sign3A_246 : i32
      %ne3A_248 = arith.cmpi ne, %sign3A_240, %sign3A_247 : i32
      %rem3A_249 = arith.remsi %sub3A_231, %jit3A_232 : i32
      %ne3A_250 = arith.constant 0 : i32
      %ne3A_251 = arith.cmpi ne, %rem3A_249, %ne3A_250 : i32
      %and3A_252 = arith.andi %ne3A_248, %ne3A_251 : i1
      %sub3A_253 = arith.constant 1 : i32
      %sub3A_254 = arith.subi %div3A_233, %sub3A_253 : i32
      %select_n3A_255 = arith.select %and3A_252, %sub3A_254, %div3A_233 : i32
      %add3A_256 = arith.constant 2 : i32
      %add3A_257 = arith.addi %select_n3A_255, %add3A_256 : i32
      %sub3A_258 = arith.constant 1 : i32
      %sub3A_259 = arith.subi %add3A_257, %sub3A_258 : i32
      %jit3A_260 = arith.constant 2 : i32
      %div3A_261 = arith.divsi %sub3A_259, %jit3A_260 : i32
      %sign3A_262 = arith.constant 0 : i32
      %sign3A_263 = arith.cmpi sgt, %sub3A_259, %sign3A_262 : i32
      %sign3A_264 = arith.extui %sign3A_263 : i1 to i32
      %sign3A_265 = arith.constant 0 : i32
      %sign3A_266 = arith.cmpi slt, %sub3A_259, %sign3A_265 : i32
      %sign3A_267 = arith.extui %sign3A_266 : i1 to i32
      %sign3A_268 = arith.subi %sign3A_264, %sign3A_267 : i32
      %sign3A_269 = arith.constant 0 : i32
      %sign3A_270 = arith.cmpi sgt, %jit3A_260, %sign3A_269 : i32
      %sign3A_271 = arith.extui %sign3A_270 : i1 to i32
      %sign3A_272 = arith.constant 0 : i32
      %sign3A_273 = arith.cmpi slt, %jit3A_260, %sign3A_272 : i32
      %sign3A_274 = arith.extui %sign3A_273 : i1 to i32
      %sign3A_275 = arith.subi %sign3A_271, %sign3A_274 : i32
      %ne3A_276 = arith.cmpi ne, %sign3A_268, %sign3A_275 : i32
      %rem3A_277 = arith.remsi %sub3A_259, %jit3A_260 : i32
      %ne3A_278 = arith.constant 0 : i32
      %ne3A_279 = arith.cmpi ne, %rem3A_277, %ne3A_278 : i32
      %and3A_280 = arith.andi %ne3A_276, %ne3A_279 : i1
      %sub3A_281 = arith.constant 1 : i32
      %sub3A_282 = arith.subi %div3A_261, %sub3A_281 : i32
      %select_n3A_283 = arith.select %and3A_280, %sub3A_282, %div3A_261 : i32
      %while3A_284 = arith.constant 0 : i32
      %while3A_285 = arith.constant 0 : i32
      %while3A_286 = arith.subi %select_n3A_283, %while3A_285 : i32
      %while3A_287 = arith.addi %while3A_285, %while3A_286 : i32
      %while3A_288 = arith.constant 1 : i32
      %while3A_289 = arith.divsi %while3A_286, %while3A_288 : i32
      %while3A_290 = arith.muli %while3A_289, %while3A_288 : i32
      %while3A_291 = arith.addi %while3A_285, %while3A_290 : i32
      %while3A_292 = arith.constant 1 : i32
      scf.for %while3A_297 = %while3A_285 to %while3A_291 step %while3A_292  : i32 {
        %mul3A_298 = arith.constant 2 : i32
        %mul3A_299 = arith.muli %while3A_297, %mul3A_298 : i32
        %add3A_300 = arith.constant 0 : i32
        %add3A_301 = arith.addi %mul3A_299, %add3A_300 : i32
        %lt3A_302 = arith.cmpi slt, %add3A_301, %select_n3A_255 : i32
        %convert_element_type3A_303 = arith.extui %lt3A_302 : i1 to i32
        %cond3A_304 = arith.constant 0 : i32
        %cond3A_305 = arith.cmpi ne, %convert_element_type3A_303, %cond3A_304 : i32
        scf.if %cond3A_305 {
          %mul3A_346 = arith.constant 128 : i32
          %mul3A_347 = arith.muli %add3A_301, %mul3A_346 : i32
          %add3A_348 = arith.constant 0 : i32
          %add3A_349 = arith.addi %mul3A_347, %add3A_348 : i32
          %add3A_350 = vector.broadcast %add3A_349 : i32 to vector<16xi32>
          %add3A_351 = arith.addi %add3A_350, %iota3A : vector<16xi32>
          %gather3A = tpu.vector_load_idx %arg8[%add3A_351] : memref<9728xi32, #tpu.memory_space<vmem>>[vector<16xi32>], vector<16xi32>,
          %min3A = arith.constant 9471 : i32
          %min3A_352 = vector.broadcast %min3A : i32 to vector<16xi32>
          %min3A_353 = arith.minsi %gather3A, %min3A_352 : vector<16xi32>
          %gather3A_354 = tpu.vector_load_idx %arg7[%min3A_353] : memref<9472xi32, #tpu.memory_space<vmem>>[vector<16xi32>], vector<16xi32>,
          %gather3A_355 = tpu.vector_load_idx %arg6[%min3A_353] : memref<9472xi32, #tpu.memory_space<vmem>>[vector<16xi32>], vector<16xi32>,
          %ge3A = arith.constant 9472 : i32
          %ge3A_356 = vector.broadcast %ge3A : i32 to vector<16xi32>
          %ge3A_357 = arith.cmpi sge, %gather3A, %ge3A_356 : vector<16xi32>
          %sub3A_358 = vector.broadcast %add3A_158 : i32 to vector<16xi32>
          %sub3A_359 = arith.subi %gather3A_355, %sub3A_358 : vector<16xi32>
          %jit3A_360 = arith.constant 8576 : i32
          %broadcast_in_dim3A_361 = vector.broadcast %jit3A_360 : i32 to vector<16xi32>
          %select_n3A_362 = arith.select %ge3A_357, %broadcast_in_dim3A_361, %sub3A_359 : vector<16xi1>, vector<16xi32>
          %swap3A = arith.constant 0 : i32
          %swap3A_363 = arith.constant 0 : i32
          %swap3A_364 = tpu.memref_slice %arg9[%swap3A, %swap3A_363] : memref<2x128xi32, #tpu.memory_space<vmem>> -> memref<1x128xi32, #tpu.memory_space<vmem>>
          %swap3A_365 = tpu.memref_squeeze %swap3A_364 : memref<1x128xi32, #tpu.memory_space<vmem>> -> memref<128xi32, #tpu.memory_space<vmem>>
          %swap3A_366 = arith.constant 0 : index
          %swap3A_367 = tpu.vector_load %swap3A_365[%swap3A_366] {strides = array<i32>} : memref<128xi32, #tpu.memory_space<vmem>>, vector<16xi32>,
          tpu.vector_store %swap3A_365[%swap3A_366], %gather3A_354 {strides = array<i32>} : memref<128xi32, #tpu.memory_space<vmem>>, vector<16xi32>,
          %swap3A_368 = arith.constant 0 : i32
          %swap3A_369 = arith.constant 0 : i32
          %swap3A_370 = tpu.memref_slice %arg10[%swap3A_368, %swap3A_369] : memref<2x128xi32, #tpu.memory_space<vmem>> -> memref<1x128xi32, #tpu.memory_space<vmem>>
          %swap3A_371 = tpu.memref_squeeze %swap3A_370 : memref<1x128xi32, #tpu.memory_space<vmem>> -> memref<128xi32, #tpu.memory_space<vmem>>
          %swap3A_372 = arith.constant 0 : index
          %swap3A_373 = tpu.vector_load %swap3A_371[%swap3A_372] {strides = array<i32>} : memref<128xi32, #tpu.memory_space<vmem>>, vector<16xi32>,
          tpu.vector_store %swap3A_371[%swap3A_372], %select_n3A_362 {strides = array<i32>} : memref<128xi32, #tpu.memory_space<vmem>>, vector<16xi32>,
          %mul3A_374 = arith.constant 128 : i32
          %mul3A_375 = arith.muli %add3A_301, %mul3A_374 : i32
          %add3A_376 = arith.constant 16 : i32
          %add3A_377 = arith.addi %mul3A_375, %add3A_376 : i32
          %add3A_378 = vector.broadcast %add3A_377 : i32 to vector<16xi32>
          %add3A_379 = arith.addi %add3A_378, %iota3A : vector<16xi32>
          %gather3A_380 = tpu.vector_load_idx %arg8[%add3A_379] : memref<9728xi32, #tpu.memory_space<vmem>>[vector<16xi32>], vector<16xi32>,
          %min3A_381 = arith.constant 9471 : i32
          %min3A_382 = vector.broadcast %min3A_381 : i32 to vector<16xi32>
          %min3A_383 = arith.minsi %gather3A_380, %min3A_382 : vector<16xi32>
          %gather3A_384 = tpu.vector_load_idx %arg7[%min3A_383] : memref<9472xi32, #tpu.memory_space<vmem>>[vector<16xi32>], vector<16xi32>,
          %gather3A_385 = tpu.vector_load_idx %arg6[%min3A_383] : memref<9472xi32, #tpu.memory_space<vmem>>[vector<16xi32>], vector<16xi32>,
          %ge3A_386 = arith.constant 9472 : i32
          %ge3A_387 = vector.broadcast %ge3A_386 : i32 to vector<16xi32>
          %ge3A_388 = arith.cmpi sge, %gather3A_380, %ge3A_387 : vector<16xi32>
          %sub3A_389 = vector.broadcast %add3A_158 : i32 to vector<16xi32>
          %sub3A_390 = arith.subi %gather3A_385, %sub3A_389 : vector<16xi32>
          %jit3A_391 = arith.constant 8576 : i32
          %broadcast_in_dim3A_392 = vector.broadcast %jit3A_391 : i32 to vector<16xi32>
          %select_n3A_393 = arith.select %ge3A_388, %broadcast_in_dim3A_392, %sub3A_390 : vector<16xi1>, vector<16xi32>
          %swap3A_394 = arith.constant 0 : i32
          %swap3A_395 = arith.constant 0 : i32
          %swap3A_396 = tpu.memref_slice %arg9[%swap3A_394, %swap3A_395] : memref<2x128xi32, #tpu.memory_space<vmem>> -> memref<1x128xi32, #tpu.memory_space<vmem>>
          %swap3A_397 = tpu.memref_squeeze %swap3A_396 : memref<1x128xi32, #tpu.memory_space<vmem>> -> memref<128xi32, #tpu.memory_space<vmem>>
          %swap3A_398 = arith.constant 16 : index
          %swap3A_399 = tpu.vector_load %swap3A_397[%swap3A_398] {strides = array<i32>} : memref<128xi32, #tpu.memory_space<vmem>>, vector<16xi32>,
          tpu.vector_store %swap3A_397[%swap3A_398], %gather3A_384 {strides = array<i32>} : memref<128xi32, #tpu.memory_space<vmem>>, vector<16xi32>,
          %swap3A_400 = arith.constant 0 : i32
          %swap3A_401 = arith.constant 0 : i32
          %swap3A_402 = tpu.memref_slice %arg10[%swap3A_400, %swap3A_401] : memref<2x128xi32, #tpu.memory_space<vmem>> -> memref<1x128xi32, #tpu.memory_space<vmem>>
          %swap3A_403 = tpu.memref_squeeze %swap3A_402 : memref<1x128xi32, #tpu.memory_space<vmem>> -> memref<128xi32, #tpu.memory_space<vmem>>
          %swap3A_404 = arith.constant 16 : index
          %swap3A_405 = tpu.vector_load %swap3A_403[%swap3A_404] {strides = array<i32>} : memref<128xi32, #tpu.memory_space<vmem>>, vector<16xi32>,
          tpu.vector_store %swap3A_403[%swap3A_404], %select_n3A_393 {strides = array<i32>} : memref<128xi32, #tpu.memory_space<vmem>>, vector<16xi32>,
          %mul3A_406 = arith.constant 128 : i32
          %mul3A_407 = arith.muli %add3A_301, %mul3A_406 : i32
          %add3A_408 = arith.constant 32 : i32
          %add3A_409 = arith.addi %mul3A_407, %add3A_408 : i32
          %add3A_410 = vector.broadcast %add3A_409 : i32 to vector<16xi32>
          %add3A_411 = arith.addi %add3A_410, %iota3A : vector<16xi32>
          %gather3A_412 = tpu.vector_load_idx %arg8[%add3A_411] : memref<9728xi32, #tpu.memory_space<vmem>>[vector<16xi32>], vector<16xi32>,
          %min3A_413 = arith.constant 9471 : i32
          %min3A_414 = vector.broadcast %min3A_413 : i32 to vector<16xi32>
          %min3A_415 = arith.minsi %gather3A_412, %min3A_414 : vector<16xi32>
          %gather3A_416 = tpu.vector_load_idx %arg7[%min3A_415] : memref<9472xi32, #tpu.memory_space<vmem>>[vector<16xi32>], vector<16xi32>,
          %gather3A_417 = tpu.vector_load_idx %arg6[%min3A_415] : memref<9472xi32, #tpu.memory_space<vmem>>[vector<16xi32>], vector<16xi32>,
          %ge3A_418 = arith.constant 9472 : i32
          %ge3A_419 = vector.broadcast %ge3A_418 : i32 to vector<16xi32>
          %ge3A_420 = arith.cmpi sge, %gather3A_412, %ge3A_419 : vector<16xi32>
          %sub3A_421 = vector.broadcast %add3A_158 : i32 to vector<16xi32>
          %sub3A_422 = arith.subi %gather3A_417, %sub3A_421 : vector<16xi32>
          %jit3A_423 = arith.constant 8576 : i32
          %broadcast_in_dim3A_424 = vector.broadcast %jit3A_423 : i32 to vector<16xi32>
          %select_n3A_425 = arith.select %ge3A_420, %broadcast_in_dim3A_424, %sub3A_422 : vector<16xi1>, vector<16xi32>
          %swap3A_426 = arith.constant 0 : i32
          %swap3A_427 = arith.constant 0 : i32
          %swap3A_428 = tpu.memref_slice %arg9[%swap3A_426, %swap3A_427] : memref<2x128xi32, #tpu.memory_space<vmem>> -> memref<1x128xi32, #tpu.memory_space<vmem>>
          %swap3A_429 = tpu.memref_squeeze %swap3A_428 : memref<1x128xi32, #tpu.memory_space<vmem>> -> memref<128xi32, #tpu.memory_space<vmem>>
          %swap3A_430 = arith.constant 32 : index
          %swap3A_431 = tpu.vector_load %swap3A_429[%swap3A_430] {strides = array<i32>} : memref<128xi32, #tpu.memory_space<vmem>>, vector<16xi32>,
          tpu.vector_store %swap3A_429[%swap3A_430], %gather3A_416 {strides = array<i32>} : memref<128xi32, #tpu.memory_space<vmem>>, vector<16xi32>,
          %swap3A_432 = arith.constant 0 : i32
          %swap3A_433 = arith.constant 0 : i32
          %swap3A_434 = tpu.memref_slice %arg10[%swap3A_432, %swap3A_433] : memref<2x128xi32, #tpu.memory_space<vmem>> -> memref<1x128xi32, #tpu.memory_space<vmem>>
          %swap3A_435 = tpu.memref_squeeze %swap3A_434 : memref<1x128xi32, #tpu.memory_space<vmem>> -> memref<128xi32, #tpu.memory_space<vmem>>
          %swap3A_436 = arith.constant 32 : index
          %swap3A_437 = tpu.vector_load %swap3A_435[%swap3A_436] {strides = array<i32>} : memref<128xi32, #tpu.memory_space<vmem>>, vector<16xi32>,
          tpu.vector_store %swap3A_435[%swap3A_436], %select_n3A_425 {strides = array<i32>} : memref<128xi32, #tpu.memory_space<vmem>>, vector<16xi32>,
          %mul3A_438 = arith.constant 128 : i32
          %mul3A_439 = arith.muli %add3A_301, %mul3A_438 : i32
          %add3A_440 = arith.constant 48 : i32
          %add3A_441 = arith.addi %mul3A_439, %add3A_440 : i32
          %add3A_442 = vector.broadcast %add3A_441 : i32 to vector<16xi32>
          %add3A_443 = arith.addi %add3A_442, %iota3A : vector<16xi32>
          %gather3A_444 = tpu.vector_load_idx %arg8[%add3A_443] : memref<9728xi32, #tpu.memory_space<vmem>>[vector<16xi32>], vector<16xi32>,
          %min3A_445 = arith.constant 9471 : i32
          %min3A_446 = vector.broadcast %min3A_445 : i32 to vector<16xi32>
          %min3A_447 = arith.minsi %gather3A_444, %min3A_446 : vector<16xi32>
          %gather3A_448 = tpu.vector_load_idx %arg7[%min3A_447] : memref<9472xi32, #tpu.memory_space<vmem>>[vector<16xi32>], vector<16xi32>,
          %gather3A_449 = tpu.vector_load_idx %arg6[%min3A_447] : memref<9472xi32, #tpu.memory_space<vmem>>[vector<16xi32>], vector<16xi32>,
          %ge3A_450 = arith.constant 9472 : i32
          %ge3A_451 = vector.broadcast %ge3A_450 : i32 to vector<16xi32>
          %ge3A_452 = arith.cmpi sge, %gather3A_444, %ge3A_451 : vector<16xi32>
          %sub3A_453 = vector.broadcast %add3A_158 : i32 to vector<16xi32>
          %sub3A_454 = arith.subi %gather3A_449, %sub3A_453 : vector<16xi32>
          %jit3A_455 = arith.constant 8576 : i32
          %broadcast_in_dim3A_456 = vector.broadcast %jit3A_455 : i32 to vector<16xi32>
          %select_n3A_457 = arith.select %ge3A_452, %broadcast_in_dim3A_456, %sub3A_454 : vector<16xi1>, vector<16xi32>
          %swap3A_458 = arith.constant 0 : i32
          %swap3A_459 = arith.constant 0 : i32
          %swap3A_460 = tpu.memref_slice %arg9[%swap3A_458, %swap3A_459] : memref<2x128xi32, #tpu.memory_space<vmem>> -> memref<1x128xi32, #tpu.memory_space<vmem>>
          %swap3A_461 = tpu.memref_squeeze %swap3A_460 : memref<1x128xi32, #tpu.memory_space<vmem>> -> memref<128xi32, #tpu.memory_space<vmem>>
          %swap3A_462 = arith.constant 48 : index
          %swap3A_463 = tpu.vector_load %swap3A_461[%swap3A_462] {strides = array<i32>} : memref<128xi32, #tpu.memory_space<vmem>>, vector<16xi32>,
          tpu.vector_store %swap3A_461[%swap3A_462], %gather3A_448 {strides = array<i32>} : memref<128xi32, #tpu.memory_space<vmem>>, vector<16xi32>,
          %swap3A_464 = arith.constant 0 : i32
          %swap3A_465 = arith.constant 0 : i32
          %swap3A_466 = tpu.memref_slice %arg10[%swap3A_464, %swap3A_465] : memref<2x128xi32, #tpu.memory_space<vmem>> -> memref<1x128xi32, #tpu.memory_space<vmem>>
          %swap3A_467 = tpu.memref_squeeze %swap3A_466 : memref<1x128xi32, #tpu.memory_space<vmem>> -> memref<128xi32, #tpu.memory_space<vmem>>
          %swap3A_468 = arith.constant 48 : index
          %swap3A_469 = tpu.vector_load %swap3A_467[%swap3A_468] {strides = array<i32>} : memref<128xi32, #tpu.memory_space<vmem>>, vector<16xi32>,
          tpu.vector_store %swap3A_467[%swap3A_468], %select_n3A_457 {strides = array<i32>} : memref<128xi32, #tpu.memory_space<vmem>>, vector<16xi32>,
          %mul3A_470 = arith.constant 128 : i32
          %mul3A_471 = arith.muli %add3A_301, %mul3A_470 : i32
          %add3A_472 = arith.constant 64 : i32
          %add3A_473 = arith.addi %mul3A_471, %add3A_472 : i32
          %add3A_474 = vector.broadcast %add3A_473 : i32 to vector<16xi32>
          %add3A_475 = arith.addi %add3A_474, %iota3A : vector<16xi32>
          %gather3A_476 = tpu.vector_load_idx %arg8[%add3A_475] : memref<9728xi32, #tpu.memory_space<vmem>>[vector<16xi32>], vector<16xi32>,
          %min3A_477 = arith.constant 9471 : i32
          %min3A_478 = vector.broadcast %min3A_477 : i32 to vector<16xi32>
          %min3A_479 = arith.minsi %gather3A_476, %min3A_478 : vector<16xi32>
          %gather3A_480 = tpu.vector_load_idx %arg7[%min3A_479] : memref<9472xi32, #tpu.memory_space<vmem>>[vector<16xi32>], vector<16xi32>,
          %gather3A_481 = tpu.vector_load_idx %arg6[%min3A_479] : memref<9472xi32, #tpu.memory_space<vmem>>[vector<16xi32>], vector<16xi32>,
          %ge3A_482 = arith.constant 9472 : i32
          %ge3A_483 = vector.broadcast %ge3A_482 : i32 to vector<16xi32>
          %ge3A_484 = arith.cmpi sge, %gather3A_476, %ge3A_483 : vector<16xi32>
          %sub3A_485 = vector.broadcast %add3A_158 : i32 to vector<16xi32>
          %sub3A_486 = arith.subi %gather3A_481, %sub3A_485 : vector<16xi32>
          %jit3A_487 = arith.constant 8576 : i32
          %broadcast_in_dim3A_488 = vector.broadcast %jit3A_487 : i32 to vector<16xi32>
          %select_n3A_489 = arith.select %ge3A_484, %broadcast_in_dim3A_488, %sub3A_486 : vector<16xi1>, vector<16xi32>
          %swap3A_490 = arith.constant 0 : i32
          %swap3A_491 = arith.constant 0 : i32
          %swap3A_492 = tpu.memref_slice %arg9[%swap3A_490, %swap3A_491] : memref<2x128xi32, #tpu.memory_space<vmem>> -> memref<1x128xi32, #tpu.memory_space<vmem>>
          %swap3A_493 = tpu.memref_squeeze %swap3A_492 : memref<1x128xi32, #tpu.memory_space<vmem>> -> memref<128xi32, #tpu.memory_space<vmem>>
          %swap3A_494 = arith.constant 64 : index
          %swap3A_495 = tpu.vector_load %swap3A_493[%swap3A_494] {strides = array<i32>} : memref<128xi32, #tpu.memory_space<vmem>>, vector<16xi32>,
          tpu.vector_store %swap3A_493[%swap3A_494], %gather3A_480 {strides = array<i32>} : memref<128xi32, #tpu.memory_space<vmem>>, vector<16xi32>,
          %swap3A_496 = arith.constant 0 : i32
          %swap3A_497 = arith.constant 0 : i32
          %swap3A_498 = tpu.memref_slice %arg10[%swap3A_496, %swap3A_497] : memref<2x128xi32, #tpu.memory_space<vmem>> -> memref<1x128xi32, #tpu.memory_space<vmem>>
          %swap3A_499 = tpu.memref_squeeze %swap3A_498 : memref<1x128xi32, #tpu.memory_space<vmem>> -> memref<128xi32, #tpu.memory_space<vmem>>
          %swap3A_500 = arith.constant 64 : index
          %swap3A_501 = tpu.vector_load %swap3A_499[%swap3A_500] {strides = array<i32>} : memref<128xi32, #tpu.memory_space<vmem>>, vector<16xi32>,
          tpu.vector_store %swap3A_499[%swap3A_500], %select_n3A_489 {strides = array<i32>} : memref<128xi32, #tpu.memory_space<vmem>>, vector<16xi32>,
          %mul3A_502 = arith.constant 128 : i32
          %mul3A_503 = arith.muli %add3A_301, %mul3A_502 : i32
          %add3A_504 = arith.constant 80 : i32
          %add3A_505 = arith.addi %mul3A_503, %add3A_504 : i32
          %add3A_506 = vector.broadcast %add3A_505 : i32 to vector<16xi32>
          %add3A_507 = arith.addi %add3A_506, %iota3A : vector<16xi32>
          %gather3A_508 = tpu.vector_load_idx %arg8[%add3A_507] : memref<9728xi32, #tpu.memory_space<vmem>>[vector<16xi32>], vector<16xi32>,
          %min3A_509 = arith.constant 9471 : i32
          %min3A_510 = vector.broadcast %min3A_509 : i32 to vector<16xi32>
          %min3A_511 = arith.minsi %gather3A_508, %min3A_510 : vector<16xi32>
          %gather3A_512 = tpu.vector_load_idx %arg7[%min3A_511] : memref<9472xi32, #tpu.memory_space<vmem>>[vector<16xi32>], vector<16xi32>,
          %gather3A_513 = tpu.vector_load_idx %arg6[%min3A_511] : memref<9472xi32, #tpu.memory_space<vmem>>[vector<16xi32>], vector<16xi32>,
          %ge3A_514 = arith.constant 9472 : i32
          %ge3A_515 = vector.broadcast %ge3A_514 : i32 to vector<16xi32>
          %ge3A_516 = arith.cmpi sge, %gather3A_508, %ge3A_515 : vector<16xi32>
          %sub3A_517 = vector.broadcast %add3A_158 : i32 to vector<16xi32>
          %sub3A_518 = arith.subi %gather3A_513, %sub3A_517 : vector<16xi32>
          %jit3A_519 = arith.constant 8576 : i32
          %broadcast_in_dim3A_520 = vector.broadcast %jit3A_519 : i32 to vector<16xi32>
          %select_n3A_521 = arith.select %ge3A_516, %broadcast_in_dim3A_520, %sub3A_518 : vector<16xi1>, vector<16xi32>
          %swap3A_522 = arith.constant 0 : i32
          %swap3A_523 = arith.constant 0 : i32
          %swap3A_524 = tpu.memref_slice %arg9[%swap3A_522, %swap3A_523] : memref<2x128xi32, #tpu.memory_space<vmem>> -> memref<1x128xi32, #tpu.memory_space<vmem>>
          %swap3A_525 = tpu.memref_squeeze %swap3A_524 : memref<1x128xi32, #tpu.memory_space<vmem>> -> memref<128xi32, #tpu.memory_space<vmem>>
          %swap3A_526 = arith.constant 80 : index
          %swap3A_527 = tpu.vector_load %swap3A_525[%swap3A_526] {strides = array<i32>} : memref<128xi32, #tpu.memory_space<vmem>>, vector<16xi32>,
          tpu.vector_store %swap3A_525[%swap3A_526], %gather3A_512 {strides = array<i32>} : memref<128xi32, #tpu.memory_space<vmem>>, vector<16xi32>,
          %swap3A_528 = arith.constant 0 : i32
          %swap3A_529 = arith.constant 0 : i32
          %swap3A_530 = tpu.memref_slice %arg10[%swap3A_528, %swap3A_529] : memref<2x128xi32, #tpu.memory_space<vmem>> -> memref<1x128xi32, #tpu.memory_space<vmem>>
          %swap3A_531 = tpu.memref_squeeze %swap3A_530 : memref<1x128xi32, #tpu.memory_space<vmem>> -> memref<128xi32, #tpu.memory_space<vmem>>
          %swap3A_532 = arith.constant 80 : index
          %swap3A_533 = tpu.vector_load %swap3A_531[%swap3A_532] {strides = array<i32>} : memref<128xi32, #tpu.memory_space<vmem>>, vector<16xi32>,
          tpu.vector_store %swap3A_531[%swap3A_532], %select_n3A_521 {strides = array<i32>} : memref<128xi32, #tpu.memory_space<vmem>>, vector<16xi32>,
          %mul3A_534 = arith.constant 128 : i32
          %mul3A_535 = arith.muli %add3A_301, %mul3A_534 : i32
          %add3A_536 = arith.constant 96 : i32
          %add3A_537 = arith.addi %mul3A_535, %add3A_536 : i32
          %add3A_538 = vector.broadcast %add3A_537 : i32 to vector<16xi32>
          %add3A_539 = arith.addi %add3A_538, %iota3A : vector<16xi32>
          %gather3A_540 = tpu.vector_load_idx %arg8[%add3A_539] : memref<9728xi32, #tpu.memory_space<vmem>>[vector<16xi32>], vector<16xi32>,
          %min3A_541 = arith.constant 9471 : i32
          %min3A_542 = vector.broadcast %min3A_541 : i32 to vector<16xi32>
          %min3A_543 = arith.minsi %gather3A_540, %min3A_542 : vector<16xi32>
          %gather3A_544 = tpu.vector_load_idx %arg7[%min3A_543] : memref<9472xi32, #tpu.memory_space<vmem>>[vector<16xi32>], vector<16xi32>,
          %gather3A_545 = tpu.vector_load_idx %arg6[%min3A_543] : memref<9472xi32, #tpu.memory_space<vmem>>[vector<16xi32>], vector<16xi32>,
          %ge3A_546 = arith.constant 9472 : i32
          %ge3A_547 = vector.broadcast %ge3A_546 : i32 to vector<16xi32>
          %ge3A_548 = arith.cmpi sge, %gather3A_540, %ge3A_547 : vector<16xi32>
          %sub3A_549 = vector.broadcast %add3A_158 : i32 to vector<16xi32>
          %sub3A_550 = arith.subi %gather3A_545, %sub3A_549 : vector<16xi32>
          %jit3A_551 = arith.constant 8576 : i32
          %broadcast_in_dim3A_552 = vector.broadcast %jit3A_551 : i32 to vector<16xi32>
          %select_n3A_553 = arith.select %ge3A_548, %broadcast_in_dim3A_552, %sub3A_550 : vector<16xi1>, vector<16xi32>
          %swap3A_554 = arith.constant 0 : i32
          %swap3A_555 = arith.constant 0 : i32
          %swap3A_556 = tpu.memref_slice %arg9[%swap3A_554, %swap3A_555] : memref<2x128xi32, #tpu.memory_space<vmem>> -> memref<1x128xi32, #tpu.memory_space<vmem>>
          %swap3A_557 = tpu.memref_squeeze %swap3A_556 : memref<1x128xi32, #tpu.memory_space<vmem>> -> memref<128xi32, #tpu.memory_space<vmem>>
          %swap3A_558 = arith.constant 96 : index
          %swap3A_559 = tpu.vector_load %swap3A_557[%swap3A_558] {strides = array<i32>} : memref<128xi32, #tpu.memory_space<vmem>>, vector<16xi32>,
          tpu.vector_store %swap3A_557[%swap3A_558], %gather3A_544 {strides = array<i32>} : memref<128xi32, #tpu.memory_space<vmem>>, vector<16xi32>,
          %swap3A_560 = arith.constant 0 : i32
          %swap3A_561 = arith.constant 0 : i32
          %swap3A_562 = tpu.memref_slice %arg10[%swap3A_560, %swap3A_561] : memref<2x128xi32, #tpu.memory_space<vmem>> -> memref<1x128xi32, #tpu.memory_space<vmem>>
          %swap3A_563 = tpu.memref_squeeze %swap3A_562 : memref<1x128xi32, #tpu.memory_space<vmem>> -> memref<128xi32, #tpu.memory_space<vmem>>
          %swap3A_564 = arith.constant 96 : index
          %swap3A_565 = tpu.vector_load %swap3A_563[%swap3A_564] {strides = array<i32>} : memref<128xi32, #tpu.memory_space<vmem>>, vector<16xi32>,
          tpu.vector_store %swap3A_563[%swap3A_564], %select_n3A_553 {strides = array<i32>} : memref<128xi32, #tpu.memory_space<vmem>>, vector<16xi32>,
          %mul3A_566 = arith.constant 128 : i32
          %mul3A_567 = arith.muli %add3A_301, %mul3A_566 : i32
          %add3A_568 = arith.constant 112 : i32
          %add3A_569 = arith.addi %mul3A_567, %add3A_568 : i32
          %add3A_570 = vector.broadcast %add3A_569 : i32 to vector<16xi32>
          %add3A_571 = arith.addi %add3A_570, %iota3A : vector<16xi32>
          %gather3A_572 = tpu.vector_load_idx %arg8[%add3A_571] : memref<9728xi32, #tpu.memory_space<vmem>>[vector<16xi32>], vector<16xi32>,
          %min3A_573 = arith.constant 9471 : i32
          %min3A_574 = vector.broadcast %min3A_573 : i32 to vector<16xi32>
          %min3A_575 = arith.minsi %gather3A_572, %min3A_574 : vector<16xi32>
          %gather3A_576 = tpu.vector_load_idx %arg7[%min3A_575] : memref<9472xi32, #tpu.memory_space<vmem>>[vector<16xi32>], vector<16xi32>,
          %gather3A_577 = tpu.vector_load_idx %arg6[%min3A_575] : memref<9472xi32, #tpu.memory_space<vmem>>[vector<16xi32>], vector<16xi32>,
          %ge3A_578 = arith.constant 9472 : i32
          %ge3A_579 = vector.broadcast %ge3A_578 : i32 to vector<16xi32>
          %ge3A_580 = arith.cmpi sge, %gather3A_572, %ge3A_579 : vector<16xi32>
          %sub3A_581 = vector.broadcast %add3A_158 : i32 to vector<16xi32>
          %sub3A_582 = arith.subi %gather3A_577, %sub3A_581 : vector<16xi32>
          %jit3A_583 = arith.constant 8576 : i32
          %broadcast_in_dim3A_584 = vector.broadcast %jit3A_583 : i32 to vector<16xi32>
          %select_n3A_585 = arith.select %ge3A_580, %broadcast_in_dim3A_584, %sub3A_582 : vector<16xi1>, vector<16xi32>
          %swap3A_586 = arith.constant 0 : i32
          %swap3A_587 = arith.constant 0 : i32
          %swap3A_588 = tpu.memref_slice %arg9[%swap3A_586, %swap3A_587] : memref<2x128xi32, #tpu.memory_space<vmem>> -> memref<1x128xi32, #tpu.memory_space<vmem>>
          %swap3A_589 = tpu.memref_squeeze %swap3A_588 : memref<1x128xi32, #tpu.memory_space<vmem>> -> memref<128xi32, #tpu.memory_space<vmem>>
          %swap3A_590 = arith.constant 112 : index
          %swap3A_591 = tpu.vector_load %swap3A_589[%swap3A_590] {strides = array<i32>} : memref<128xi32, #tpu.memory_space<vmem>>, vector<16xi32>,
          tpu.vector_store %swap3A_589[%swap3A_590], %gather3A_576 {strides = array<i32>} : memref<128xi32, #tpu.memory_space<vmem>>, vector<16xi32>,
          %swap3A_592 = arith.constant 0 : i32
          %swap3A_593 = arith.constant 0 : i32
          %swap3A_594 = tpu.memref_slice %arg10[%swap3A_592, %swap3A_593] : memref<2x128xi32, #tpu.memory_space<vmem>> -> memref<1x128xi32, #tpu.memory_space<vmem>>
          %swap3A_595 = tpu.memref_squeeze %swap3A_594 : memref<1x128xi32, #tpu.memory_space<vmem>> -> memref<128xi32, #tpu.memory_space<vmem>>
          %swap3A_596 = arith.constant 112 : index
          %swap3A_597 = tpu.vector_load %swap3A_595[%swap3A_596] {strides = array<i32>} : memref<128xi32, #tpu.memory_space<vmem>>, vector<16xi32>,
          tpu.vector_store %swap3A_595[%swap3A_596], %select_n3A_585 {strides = array<i32>} : memref<128xi32, #tpu.memory_space<vmem>>, vector<16xi32>,
          %dma_start3A_598 = arith.constant 0 : i32
          %dma_start3A_599 = arith.constant 0 : i32
          %dma_start3A_600 = arith.constant 0 : i32
          %dma_start3A_601 = arith.constant 0 : i32
          %dma_start3A_602 = arith.constant 0 : i32
          %dma_start3A_603 = tpu.memref_slice %arg11[%dma_start3A_599, %dma_start3A_601, %dma_start3A_602] : memref<2x128x128xf32, #tpu.memory_space<vmem>> -> memref<1x128x128xf32, #tpu.memory_space<vmem>>
          %dma_start3A_604 = tpu.memref_squeeze %dma_start3A_603 : memref<1x128x128xf32, #tpu.memory_space<vmem>> -> memref<128x128xf32, #tpu.memory_space<vmem>>
          %dma_start3A_605 = arith.constant 0 : i32
          %dma_start3A_606 = tpu.memref_slice %arg9[%dma_start3A_598, %dma_start3A_605] : memref<2x128xi32, #tpu.memory_space<vmem>> -> memref<1x128xi32, #tpu.memory_space<vmem>>
          %dma_start3A_607 = tpu.memref_squeeze %dma_start3A_606 : memref<1x128xi32, #tpu.memory_space<vmem>> -> memref<128xi32, #tpu.memory_space<vmem>>
          %dma_start3A_608 = arith.constant 0 : i32
          %dma_start3A_609 = arith.constant 0 : i32
          %dma_start3A_610 = tpu.memref_slice %arg2[%dma_start3A_608, %dma_start3A_609] : memref<200000x128xf32, #tpu.memory_space<hbm>> -> memref<200000x128xf32, #tpu.memory_space<hbm>>
          %dma_start3A_611 = tpu.memref_slice %arg13[%dma_start3A_600] : memref<2x!tpu.dma_semaphore, #tpu.memory_space<semaphore_mem>> -> memref<1x!tpu.dma_semaphore, #tpu.memory_space<semaphore_mem>>
          %dma_start3A_612 = tpu.memref_squeeze %dma_start3A_611 : memref<1x!tpu.dma_semaphore, #tpu.memory_space<semaphore_mem>> -> memref<!tpu.dma_semaphore, #tpu.memory_space<semaphore_mem>>
          tpu.enqueue_indirect_dma source(%dma_start3A_610 : memref<200000x128xf32, #tpu.memory_space<hbm>>) target(%dma_start3A_604 : memref<128x128xf32, #tpu.memory_space<vmem>>) offsets(%dma_start3A_607 : memref<128xi32, #tpu.memory_space<vmem>>) semaphore(%dma_start3A_612 : memref<!tpu.dma_semaphore, #tpu.memory_space<semaphore_mem>>)
        } else {
        }
        %mul3A_306 = arith.constant 2 : i32
        %mul3A_307 = arith.muli %while3A_297, %mul3A_306 : i32
        %add3A_308 = arith.constant 1 : i32
        %add3A_309 = arith.addi %mul3A_307, %add3A_308 : i32
        %lt3A_310 = arith.cmpi slt, %add3A_309, %select_n3A_255 : i32
        %convert_element_type3A_311 = arith.extui %lt3A_310 : i1 to i32
        %cond3A_312 = arith.constant 0 : i32
        %cond3A_313 = arith.cmpi ne, %convert_element_type3A_311, %cond3A_312 : i32
        scf.if %cond3A_313 {
          %mul3A_346 = arith.constant 128 : i32
          %mul3A_347 = arith.muli %add3A_309, %mul3A_346 : i32
          %add3A_348 = arith.constant 0 : i32
          %add3A_349 = arith.addi %mul3A_347, %add3A_348 : i32
          %add3A_350 = vector.broadcast %add3A_349 : i32 to vector<16xi32>
          %add3A_351 = arith.addi %add3A_350, %iota3A : vector<16xi32>
          %gather3A = tpu.vector_load_idx %arg8[%add3A_351] : memref<9728xi32, #tpu.memory_space<vmem>>[vector<16xi32>], vector<16xi32>,
          %min3A = arith.constant 9471 : i32
          %min3A_352 = vector.broadcast %min3A : i32 to vector<16xi32>
          %min3A_353 = arith.minsi %gather3A, %min3A_352 : vector<16xi32>
          %gather3A_354 = tpu.vector_load_idx %arg7[%min3A_353] : memref<9472xi32, #tpu.memory_space<vmem>>[vector<16xi32>], vector<16xi32>,
          %gather3A_355 = tpu.vector_load_idx %arg6[%min3A_353] : memref<9472xi32, #tpu.memory_space<vmem>>[vector<16xi32>], vector<16xi32>,
          %ge3A = arith.constant 9472 : i32
          %ge3A_356 = vector.broadcast %ge3A : i32 to vector<16xi32>
          %ge3A_357 = arith.cmpi sge, %gather3A, %ge3A_356 : vector<16xi32>
          %sub3A_358 = vector.broadcast %add3A_158 : i32 to vector<16xi32>
          %sub3A_359 = arith.subi %gather3A_355, %sub3A_358 : vector<16xi32>
          %jit3A_360 = arith.constant 8576 : i32
          %broadcast_in_dim3A_361 = vector.broadcast %jit3A_360 : i32 to vector<16xi32>
          %select_n3A_362 = arith.select %ge3A_357, %broadcast_in_dim3A_361, %sub3A_359 : vector<16xi1>, vector<16xi32>
          %swap3A = arith.constant 1 : i32
          %swap3A_363 = arith.constant 0 : i32
          %swap3A_364 = tpu.memref_slice %arg9[%swap3A, %swap3A_363] : memref<2x128xi32, #tpu.memory_space<vmem>> -> memref<1x128xi32, #tpu.memory_space<vmem>>
          %swap3A_365 = tpu.memref_squeeze %swap3A_364 : memref<1x128xi32, #tpu.memory_space<vmem>> -> memref<128xi32, #tpu.memory_space<vmem>>
          %swap3A_366 = arith.constant 0 : index
          %swap3A_367 = tpu.vector_load %swap3A_365[%swap3A_366] {strides = array<i32>} : memref<128xi32, #tpu.memory_space<vmem>>, vector<16xi32>,
          tpu.vector_store %swap3A_365[%swap3A_366], %gather3A_354 {strides = array<i32>} : memref<128xi32, #tpu.memory_space<vmem>>, vector<16xi32>,
          %swap3A_368 = arith.constant 1 : i32
          %swap3A_369 = arith.constant 0 : i32
          %swap3A_370 = tpu.memref_slice %arg10[%swap3A_368, %swap3A_369] : memref<2x128xi32, #tpu.memory_space<vmem>> -> memref<1x128xi32, #tpu.memory_space<vmem>>
          %swap3A_371 = tpu.memref_squeeze %swap3A_370 : memref<1x128xi32, #tpu.memory_space<vmem>> -> memref<128xi32, #tpu.memory_space<vmem>>
          %swap3A_372 = arith.constant 0 : index
          %swap3A_373 = tpu.vector_load %swap3A_371[%swap3A_372] {strides = array<i32>} : memref<128xi32, #tpu.memory_space<vmem>>, vector<16xi32>,
          tpu.vector_store %swap3A_371[%swap3A_372], %select_n3A_362 {strides = array<i32>} : memref<128xi32, #tpu.memory_space<vmem>>, vector<16xi32>,
          %mul3A_374 = arith.constant 128 : i32
          %mul3A_375 = arith.muli %add3A_309, %mul3A_374 : i32
          %add3A_376 = arith.constant 16 : i32
          %add3A_377 = arith.addi %mul3A_375, %add3A_376 : i32
          %add3A_378 = vector.broadcast %add3A_377 : i32 to vector<16xi32>
          %add3A_379 = arith.addi %add3A_378, %iota3A : vector<16xi32>
          %gather3A_380 = tpu.vector_load_idx %arg8[%add3A_379] : memref<9728xi32, #tpu.memory_space<vmem>>[vector<16xi32>], vector<16xi32>,
          %min3A_381 = arith.constant 9471 : i32
          %min3A_382 = vector.broadcast %min3A_381 : i32 to vector<16xi32>
          %min3A_383 = arith.minsi %gather3A_380, %min3A_382 : vector<16xi32>
          %gather3A_384 = tpu.vector_load_idx %arg7[%min3A_383] : memref<9472xi32, #tpu.memory_space<vmem>>[vector<16xi32>], vector<16xi32>,
          %gather3A_385 = tpu.vector_load_idx %arg6[%min3A_383] : memref<9472xi32, #tpu.memory_space<vmem>>[vector<16xi32>], vector<16xi32>,
          %ge3A_386 = arith.constant 9472 : i32
          %ge3A_387 = vector.broadcast %ge3A_386 : i32 to vector<16xi32>
          %ge3A_388 = arith.cmpi sge, %gather3A_380, %ge3A_387 : vector<16xi32>
          %sub3A_389 = vector.broadcast %add3A_158 : i32 to vector<16xi32>
          %sub3A_390 = arith.subi %gather3A_385, %sub3A_389 : vector<16xi32>
          %jit3A_391 = arith.constant 8576 : i32
          %broadcast_in_dim3A_392 = vector.broadcast %jit3A_391 : i32 to vector<16xi32>
          %select_n3A_393 = arith.select %ge3A_388, %broadcast_in_dim3A_392, %sub3A_390 : vector<16xi1>, vector<16xi32>
          %swap3A_394 = arith.constant 1 : i32
          %swap3A_395 = arith.constant 0 : i32
          %swap3A_396 = tpu.memref_slice %arg9[%swap3A_394, %swap3A_395] : memref<2x128xi32, #tpu.memory_space<vmem>> -> memref<1x128xi32, #tpu.memory_space<vmem>>
          %swap3A_397 = tpu.memref_squeeze %swap3A_396 : memref<1x128xi32, #tpu.memory_space<vmem>> -> memref<128xi32, #tpu.memory_space<vmem>>
          %swap3A_398 = arith.constant 16 : index
          %swap3A_399 = tpu.vector_load %swap3A_397[%swap3A_398] {strides = array<i32>} : memref<128xi32, #tpu.memory_space<vmem>>, vector<16xi32>,
          tpu.vector_store %swap3A_397[%swap3A_398], %gather3A_384 {strides = array<i32>} : memref<128xi32, #tpu.memory_space<vmem>>, vector<16xi32>,
          %swap3A_400 = arith.constant 1 : i32
          %swap3A_401 = arith.constant 0 : i32
          %swap3A_402 = tpu.memref_slice %arg10[%swap3A_400, %swap3A_401] : memref<2x128xi32, #tpu.memory_space<vmem>> -> memref<1x128xi32, #tpu.memory_space<vmem>>
          %swap3A_403 = tpu.memref_squeeze %swap3A_402 : memref<1x128xi32, #tpu.memory_space<vmem>> -> memref<128xi32, #tpu.memory_space<vmem>>
          %swap3A_404 = arith.constant 16 : index
          %swap3A_405 = tpu.vector_load %swap3A_403[%swap3A_404] {strides = array<i32>} : memref<128xi32, #tpu.memory_space<vmem>>, vector<16xi32>,
          tpu.vector_store %swap3A_403[%swap3A_404], %select_n3A_393 {strides = array<i32>} : memref<128xi32, #tpu.memory_space<vmem>>, vector<16xi32>,
          %mul3A_406 = arith.constant 128 : i32
          %mul3A_407 = arith.muli %add3A_309, %mul3A_406 : i32
          %add3A_408 = arith.constant 32 : i32
          %add3A_409 = arith.addi %mul3A_407, %add3A_408 : i32
          %add3A_410 = vector.broadcast %add3A_409 : i32 to vector<16xi32>
          %add3A_411 = arith.addi %add3A_410, %iota3A : vector<16xi32>
          %gather3A_412 = tpu.vector_load_idx %arg8[%add3A_411] : memref<9728xi32, #tpu.memory_space<vmem>>[vector<16xi32>], vector<16xi32>,
          %min3A_413 = arith.constant 9471 : i32
          %min3A_414 = vector.broadcast %min3A_413 : i32 to vector<16xi32>
          %min3A_415 = arith.minsi %gather3A_412, %min3A_414 : vector<16xi32>
          %gather3A_416 = tpu.vector_load_idx %arg7[%min3A_415] : memref<9472xi32, #tpu.memory_space<vmem>>[vector<16xi32>], vector<16xi32>,
          %gather3A_417 = tpu.vector_load_idx %arg6[%min3A_415] : memref<9472xi32, #tpu.memory_space<vmem>>[vector<16xi32>], vector<16xi32>,
          %ge3A_418 = arith.constant 9472 : i32
          %ge3A_419 = vector.broadcast %ge3A_418 : i32 to vector<16xi32>
          %ge3A_420 = arith.cmpi sge, %gather3A_412, %ge3A_419 : vector<16xi32>
          %sub3A_421 = vector.broadcast %add3A_158 : i32 to vector<16xi32>
          %sub3A_422 = arith.subi %gather3A_417, %sub3A_421 : vector<16xi32>
          %jit3A_423 = arith.constant 8576 : i32
          %broadcast_in_dim3A_424 = vector.broadcast %jit3A_423 : i32 to vector<16xi32>
          %select_n3A_425 = arith.select %ge3A_420, %broadcast_in_dim3A_424, %sub3A_422 : vector<16xi1>, vector<16xi32>
          %swap3A_426 = arith.constant 1 : i32
          %swap3A_427 = arith.constant 0 : i32
          %swap3A_428 = tpu.memref_slice %arg9[%swap3A_426, %swap3A_427] : memref<2x128xi32, #tpu.memory_space<vmem>> -> memref<1x128xi32, #tpu.memory_space<vmem>>
          %swap3A_429 = tpu.memref_squeeze %swap3A_428 : memref<1x128xi32, #tpu.memory_space<vmem>> -> memref<128xi32, #tpu.memory_space<vmem>>
          %swap3A_430 = arith.constant 32 : index
          %swap3A_431 = tpu.vector_load %swap3A_429[%swap3A_430] {strides = array<i32>} : memref<128xi32, #tpu.memory_space<vmem>>, vector<16xi32>,
          tpu.vector_store %swap3A_429[%swap3A_430], %gather3A_416 {strides = array<i32>} : memref<128xi32, #tpu.memory_space<vmem>>, vector<16xi32>,
          %swap3A_432 = arith.constant 1 : i32
          %swap3A_433 = arith.constant 0 : i32
          %swap3A_434 = tpu.memref_slice %arg10[%swap3A_432, %swap3A_433] : memref<2x128xi32, #tpu.memory_space<vmem>> -> memref<1x128xi32, #tpu.memory_space<vmem>>
          %swap3A_435 = tpu.memref_squeeze %swap3A_434 : memref<1x128xi32, #tpu.memory_space<vmem>> -> memref<128xi32, #tpu.memory_space<vmem>>
          %swap3A_436 = arith.constant 32 : index
          %swap3A_437 = tpu.vector_load %swap3A_435[%swap3A_436] {strides = array<i32>} : memref<128xi32, #tpu.memory_space<vmem>>, vector<16xi32>,
          tpu.vector_store %swap3A_435[%swap3A_436], %select_n3A_425 {strides = array<i32>} : memref<128xi32, #tpu.memory_space<vmem>>, vector<16xi32>,
          %mul3A_438 = arith.constant 128 : i32
          %mul3A_439 = arith.muli %add3A_309, %mul3A_438 : i32
          %add3A_440 = arith.constant 48 : i32
          %add3A_441 = arith.addi %mul3A_439, %add3A_440 : i32
          %add3A_442 = vector.broadcast %add3A_441 : i32 to vector<16xi32>
          %add3A_443 = arith.addi %add3A_442, %iota3A : vector<16xi32>
          %gather3A_444 = tpu.vector_load_idx %arg8[%add3A_443] : memref<9728xi32, #tpu.memory_space<vmem>>[vector<16xi32>], vector<16xi32>,
          %min3A_445 = arith.constant 9471 : i32
          %min3A_446 = vector.broadcast %min3A_445 : i32 to vector<16xi32>
          %min3A_447 = arith.minsi %gather3A_444, %min3A_446 : vector<16xi32>
          %gather3A_448 = tpu.vector_load_idx %arg7[%min3A_447] : memref<9472xi32, #tpu.memory_space<vmem>>[vector<16xi32>], vector<16xi32>,
          %gather3A_449 = tpu.vector_load_idx %arg6[%min3A_447] : memref<9472xi32, #tpu.memory_space<vmem>>[vector<16xi32>], vector<16xi32>,
          %ge3A_450 = arith.constant 9472 : i32
          %ge3A_451 = vector.broadcast %ge3A_450 : i32 to vector<16xi32>
          %ge3A_452 = arith.cmpi sge, %gather3A_444, %ge3A_451 : vector<16xi32>
          %sub3A_453 = vector.broadcast %add3A_158 : i32 to vector<16xi32>
          %sub3A_454 = arith.subi %gather3A_449, %sub3A_453 : vector<16xi32>
          %jit3A_455 = arith.constant 8576 : i32
          %broadcast_in_dim3A_456 = vector.broadcast %jit3A_455 : i32 to vector<16xi32>
          %select_n3A_457 = arith.select %ge3A_452, %broadcast_in_dim3A_456, %sub3A_454 : vector<16xi1>, vector<16xi32>
          %swap3A_458 = arith.constant 1 : i32
          %swap3A_459 = arith.constant 0 : i32
          %swap3A_460 = tpu.memref_slice %arg9[%swap3A_458, %swap3A_459] : memref<2x128xi32, #tpu.memory_space<vmem>> -> memref<1x128xi32, #tpu.memory_space<vmem>>
          %swap3A_461 = tpu.memref_squeeze %swap3A_460 : memref<1x128xi32, #tpu.memory_space<vmem>> -> memref<128xi32, #tpu.memory_space<vmem>>
          %swap3A_462 = arith.constant 48 : index
          %swap3A_463 = tpu.vector_load %swap3A_461[%swap3A_462] {strides = array<i32>} : memref<128xi32, #tpu.memory_space<vmem>>, vector<16xi32>,
          tpu.vector_store %swap3A_461[%swap3A_462], %gather3A_448 {strides = array<i32>} : memref<128xi32, #tpu.memory_space<vmem>>, vector<16xi32>,
          %swap3A_464 = arith.constant 1 : i32
          %swap3A_465 = arith.constant 0 : i32
          %swap3A_466 = tpu.memref_slice %arg10[%swap3A_464, %swap3A_465] : memref<2x128xi32, #tpu.memory_space<vmem>> -> memref<1x128xi32, #tpu.memory_space<vmem>>
          %swap3A_467 = tpu.memref_squeeze %swap3A_466 : memref<1x128xi32, #tpu.memory_space<vmem>> -> memref<128xi32, #tpu.memory_space<vmem>>
          %swap3A_468 = arith.constant 48 : index
          %swap3A_469 = tpu.vector_load %swap3A_467[%swap3A_468] {strides = array<i32>} : memref<128xi32, #tpu.memory_space<vmem>>, vector<16xi32>,
          tpu.vector_store %swap3A_467[%swap3A_468], %select_n3A_457 {strides = array<i32>} : memref<128xi32, #tpu.memory_space<vmem>>, vector<16xi32>,
          %mul3A_470 = arith.constant 128 : i32
          %mul3A_471 = arith.muli %add3A_309, %mul3A_470 : i32
          %add3A_472 = arith.constant 64 : i32
          %add3A_473 = arith.addi %mul3A_471, %add3A_472 : i32
          %add3A_474 = vector.broadcast %add3A_473 : i32 to vector<16xi32>
          %add3A_475 = arith.addi %add3A_474, %iota3A : vector<16xi32>
          %gather3A_476 = tpu.vector_load_idx %arg8[%add3A_475] : memref<9728xi32, #tpu.memory_space<vmem>>[vector<16xi32>], vector<16xi32>,
          %min3A_477 = arith.constant 9471 : i32
          %min3A_478 = vector.broadcast %min3A_477 : i32 to vector<16xi32>
          %min3A_479 = arith.minsi %gather3A_476, %min3A_478 : vector<16xi32>
          %gather3A_480 = tpu.vector_load_idx %arg7[%min3A_479] : memref<9472xi32, #tpu.memory_space<vmem>>[vector<16xi32>], vector<16xi32>,
          %gather3A_481 = tpu.vector_load_idx %arg6[%min3A_479] : memref<9472xi32, #tpu.memory_space<vmem>>[vector<16xi32>], vector<16xi32>,
          %ge3A_482 = arith.constant 9472 : i32
          %ge3A_483 = vector.broadcast %ge3A_482 : i32 to vector<16xi32>
          %ge3A_484 = arith.cmpi sge, %gather3A_476, %ge3A_483 : vector<16xi32>
          %sub3A_485 = vector.broadcast %add3A_158 : i32 to vector<16xi32>
          %sub3A_486 = arith.subi %gather3A_481, %sub3A_485 : vector<16xi32>
          %jit3A_487 = arith.constant 8576 : i32
          %broadcast_in_dim3A_488 = vector.broadcast %jit3A_487 : i32 to vector<16xi32>
          %select_n3A_489 = arith.select %ge3A_484, %broadcast_in_dim3A_488, %sub3A_486 : vector<16xi1>, vector<16xi32>
          %swap3A_490 = arith.constant 1 : i32
          %swap3A_491 = arith.constant 0 : i32
          %swap3A_492 = tpu.memref_slice %arg9[%swap3A_490, %swap3A_491] : memref<2x128xi32, #tpu.memory_space<vmem>> -> memref<1x128xi32, #tpu.memory_space<vmem>>
          %swap3A_493 = tpu.memref_squeeze %swap3A_492 : memref<1x128xi32, #tpu.memory_space<vmem>> -> memref<128xi32, #tpu.memory_space<vmem>>
          %swap3A_494 = arith.constant 64 : index
          %swap3A_495 = tpu.vector_load %swap3A_493[%swap3A_494] {strides = array<i32>} : memref<128xi32, #tpu.memory_space<vmem>>, vector<16xi32>,
          tpu.vector_store %swap3A_493[%swap3A_494], %gather3A_480 {strides = array<i32>} : memref<128xi32, #tpu.memory_space<vmem>>, vector<16xi32>,
          %swap3A_496 = arith.constant 1 : i32
          %swap3A_497 = arith.constant 0 : i32
          %swap3A_498 = tpu.memref_slice %arg10[%swap3A_496, %swap3A_497] : memref<2x128xi32, #tpu.memory_space<vmem>> -> memref<1x128xi32, #tpu.memory_space<vmem>>
          %swap3A_499 = tpu.memref_squeeze %swap3A_498 : memref<1x128xi32, #tpu.memory_space<vmem>> -> memref<128xi32, #tpu.memory_space<vmem>>
          %swap3A_500 = arith.constant 64 : index
          %swap3A_501 = tpu.vector_load %swap3A_499[%swap3A_500] {strides = array<i32>} : memref<128xi32, #tpu.memory_space<vmem>>, vector<16xi32>,
          tpu.vector_store %swap3A_499[%swap3A_500], %select_n3A_489 {strides = array<i32>} : memref<128xi32, #tpu.memory_space<vmem>>, vector<16xi32>,
          %mul3A_502 = arith.constant 128 : i32
          %mul3A_503 = arith.muli %add3A_309, %mul3A_502 : i32
          %add3A_504 = arith.constant 80 : i32
          %add3A_505 = arith.addi %mul3A_503, %add3A_504 : i32
          %add3A_506 = vector.broadcast %add3A_505 : i32 to vector<16xi32>
          %add3A_507 = arith.addi %add3A_506, %iota3A : vector<16xi32>
          %gather3A_508 = tpu.vector_load_idx %arg8[%add3A_507] : memref<9728xi32, #tpu.memory_space<vmem>>[vector<16xi32>], vector<16xi32>,
          %min3A_509 = arith.constant 9471 : i32
          %min3A_510 = vector.broadcast %min3A_509 : i32 to vector<16xi32>
          %min3A_511 = arith.minsi %gather3A_508, %min3A_510 : vector<16xi32>
          %gather3A_512 = tpu.vector_load_idx %arg7[%min3A_511] : memref<9472xi32, #tpu.memory_space<vmem>>[vector<16xi32>], vector<16xi32>,
          %gather3A_513 = tpu.vector_load_idx %arg6[%min3A_511] : memref<9472xi32, #tpu.memory_space<vmem>>[vector<16xi32>], vector<16xi32>,
          %ge3A_514 = arith.constant 9472 : i32
          %ge3A_515 = vector.broadcast %ge3A_514 : i32 to vector<16xi32>
          %ge3A_516 = arith.cmpi sge, %gather3A_508, %ge3A_515 : vector<16xi32>
          %sub3A_517 = vector.broadcast %add3A_158 : i32 to vector<16xi32>
          %sub3A_518 = arith.subi %gather3A_513, %sub3A_517 : vector<16xi32>
          %jit3A_519 = arith.constant 8576 : i32
          %broadcast_in_dim3A_520 = vector.broadcast %jit3A_519 : i32 to vector<16xi32>
          %select_n3A_521 = arith.select %ge3A_516, %broadcast_in_dim3A_520, %sub3A_518 : vector<16xi1>, vector<16xi32>
          %swap3A_522 = arith.constant 1 : i32
          %swap3A_523 = arith.constant 0 : i32
          %swap3A_524 = tpu.memref_slice %arg9[%swap3A_522, %swap3A_523] : memref<2x128xi32, #tpu.memory_space<vmem>> -> memref<1x128xi32, #tpu.memory_space<vmem>>
          %swap3A_525 = tpu.memref_squeeze %swap3A_524 : memref<1x128xi32, #tpu.memory_space<vmem>> -> memref<128xi32, #tpu.memory_space<vmem>>
          %swap3A_526 = arith.constant 80 : index
          %swap3A_527 = tpu.vector_load %swap3A_525[%swap3A_526] {strides = array<i32>} : memref<128xi32, #tpu.memory_space<vmem>>, vector<16xi32>,
          tpu.vector_store %swap3A_525[%swap3A_526], %gather3A_512 {strides = array<i32>} : memref<128xi32, #tpu.memory_space<vmem>>, vector<16xi32>,
          %swap3A_528 = arith.constant 1 : i32
          %swap3A_529 = arith.constant 0 : i32
          %swap3A_530 = tpu.memref_slice %arg10[%swap3A_528, %swap3A_529] : memref<2x128xi32, #tpu.memory_space<vmem>> -> memref<1x128xi32, #tpu.memory_space<vmem>>
          %swap3A_531 = tpu.memref_squeeze %swap3A_530 : memref<1x128xi32, #tpu.memory_space<vmem>> -> memref<128xi32, #tpu.memory_space<vmem>>
          %swap3A_532 = arith.constant 80 : index
          %swap3A_533 = tpu.vector_load %swap3A_531[%swap3A_532] {strides = array<i32>} : memref<128xi32, #tpu.memory_space<vmem>>, vector<16xi32>,
          tpu.vector_store %swap3A_531[%swap3A_532], %select_n3A_521 {strides = array<i32>} : memref<128xi32, #tpu.memory_space<vmem>>, vector<16xi32>,
          %mul3A_534 = arith.constant 128 : i32
          %mul3A_535 = arith.muli %add3A_309, %mul3A_534 : i32
          %add3A_536 = arith.constant 96 : i32
          %add3A_537 = arith.addi %mul3A_535, %add3A_536 : i32
          %add3A_538 = vector.broadcast %add3A_537 : i32 to vector<16xi32>
          %add3A_539 = arith.addi %add3A_538, %iota3A : vector<16xi32>
          %gather3A_540 = tpu.vector_load_idx %arg8[%add3A_539] : memref<9728xi32, #tpu.memory_space<vmem>>[vector<16xi32>], vector<16xi32>,
          %min3A_541 = arith.constant 9471 : i32
          %min3A_542 = vector.broadcast %min3A_541 : i32 to vector<16xi32>
          %min3A_543 = arith.minsi %gather3A_540, %min3A_542 : vector<16xi32>
          %gather3A_544 = tpu.vector_load_idx %arg7[%min3A_543] : memref<9472xi32, #tpu.memory_space<vmem>>[vector<16xi32>], vector<16xi32>,
          %gather3A_545 = tpu.vector_load_idx %arg6[%min3A_543] : memref<9472xi32, #tpu.memory_space<vmem>>[vector<16xi32>], vector<16xi32>,
          %ge3A_546 = arith.constant 9472 : i32
          %ge3A_547 = vector.broadcast %ge3A_546 : i32 to vector<16xi32>
          %ge3A_548 = arith.cmpi sge, %gather3A_540, %ge3A_547 : vector<16xi32>
          %sub3A_549 = vector.broadcast %add3A_158 : i32 to vector<16xi32>
          %sub3A_550 = arith.subi %gather3A_545, %sub3A_549 : vector<16xi32>
          %jit3A_551 = arith.constant 8576 : i32
          %broadcast_in_dim3A_552 = vector.broadcast %jit3A_551 : i32 to vector<16xi32>
          %select_n3A_553 = arith.select %ge3A_548, %broadcast_in_dim3A_552, %sub3A_550 : vector<16xi1>, vector<16xi32>
          %swap3A_554 = arith.constant 1 : i32
          %swap3A_555 = arith.constant 0 : i32
          %swap3A_556 = tpu.memref_slice %arg9[%swap3A_554, %swap3A_555] : memref<2x128xi32, #tpu.memory_space<vmem>> -> memref<1x128xi32, #tpu.memory_space<vmem>>
          %swap3A_557 = tpu.memref_squeeze %swap3A_556 : memref<1x128xi32, #tpu.memory_space<vmem>> -> memref<128xi32, #tpu.memory_space<vmem>>
          %swap3A_558 = arith.constant 96 : index
          %swap3A_559 = tpu.vector_load %swap3A_557[%swap3A_558] {strides = array<i32>} : memref<128xi32, #tpu.memory_space<vmem>>, vector<16xi32>,
          tpu.vector_store %swap3A_557[%swap3A_558], %gather3A_544 {strides = array<i32>} : memref<128xi32, #tpu.memory_space<vmem>>, vector<16xi32>,
          %swap3A_560 = arith.constant 1 : i32
          %swap3A_561 = arith.constant 0 : i32
          %swap3A_562 = tpu.memref_slice %arg10[%swap3A_560, %swap3A_561] : memref<2x128xi32, #tpu.memory_space<vmem>> -> memref<1x128xi32, #tpu.memory_space<vmem>>
          %swap3A_563 = tpu.memref_squeeze %swap3A_562 : memref<1x128xi32, #tpu.memory_space<vmem>> -> memref<128xi32, #tpu.memory_space<vmem>>
          %swap3A_564 = arith.constant 96 : index
          %swap3A_565 = tpu.vector_load %swap3A_563[%swap3A_564] {strides = array<i32>} : memref<128xi32, #tpu.memory_space<vmem>>, vector<16xi32>,
          tpu.vector_store %swap3A_563[%swap3A_564], %select_n3A_553 {strides = array<i32>} : memref<128xi32, #tpu.memory_space<vmem>>, vector<16xi32>,
          %mul3A_566 = arith.constant 128 : i32
          %mul3A_567 = arith.muli %add3A_309, %mul3A_566 : i32
          %add3A_568 = arith.constant 112 : i32
          %add3A_569 = arith.addi %mul3A_567, %add3A_568 : i32
          %add3A_570 = vector.broadcast %add3A_569 : i32 to vector<16xi32>
          %add3A_571 = arith.addi %add3A_570, %iota3A : vector<16xi32>
          %gather3A_572 = tpu.vector_load_idx %arg8[%add3A_571] : memref<9728xi32, #tpu.memory_space<vmem>>[vector<16xi32>], vector<16xi32>,
          %min3A_573 = arith.constant 9471 : i32
          %min3A_574 = vector.broadcast %min3A_573 : i32 to vector<16xi32>
          %min3A_575 = arith.minsi %gather3A_572, %min3A_574 : vector<16xi32>
          %gather3A_576 = tpu.vector_load_idx %arg7[%min3A_575] : memref<9472xi32, #tpu.memory_space<vmem>>[vector<16xi32>], vector<16xi32>,
          %gather3A_577 = tpu.vector_load_idx %arg6[%min3A_575] : memref<9472xi32, #tpu.memory_space<vmem>>[vector<16xi32>], vector<16xi32>,
          %ge3A_578 = arith.constant 9472 : i32
          %ge3A_579 = vector.broadcast %ge3A_578 : i32 to vector<16xi32>
          %ge3A_580 = arith.cmpi sge, %gather3A_572, %ge3A_579 : vector<16xi32>
          %sub3A_581 = vector.broadcast %add3A_158 : i32 to vector<16xi32>
          %sub3A_582 = arith.subi %gather3A_577, %sub3A_581 : vector<16xi32>
          %jit3A_583 = arith.constant 8576 : i32
          %broadcast_in_dim3A_584 = vector.broadcast %jit3A_583 : i32 to vector<16xi32>
          %select_n3A_585 = arith.select %ge3A_580, %broadcast_in_dim3A_584, %sub3A_582 : vector<16xi1>, vector<16xi32>
          %swap3A_586 = arith.constant 1 : i32
          %swap3A_587 = arith.constant 0 : i32
          %swap3A_588 = tpu.memref_slice %arg9[%swap3A_586, %swap3A_587] : memref<2x128xi32, #tpu.memory_space<vmem>> -> memref<1x128xi32, #tpu.memory_space<vmem>>
          %swap3A_589 = tpu.memref_squeeze %swap3A_588 : memref<1x128xi32, #tpu.memory_space<vmem>> -> memref<128xi32, #tpu.memory_space<vmem>>
          %swap3A_590 = arith.constant 112 : index
          %swap3A_591 = tpu.vector_load %swap3A_589[%swap3A_590] {strides = array<i32>} : memref<128xi32, #tpu.memory_space<vmem>>, vector<16xi32>,
          tpu.vector_store %swap3A_589[%swap3A_590], %gather3A_576 {strides = array<i32>} : memref<128xi32, #tpu.memory_space<vmem>>, vector<16xi32>,
          %swap3A_592 = arith.constant 1 : i32
          %swap3A_593 = arith.constant 0 : i32
          %swap3A_594 = tpu.memref_slice %arg10[%swap3A_592, %swap3A_593] : memref<2x128xi32, #tpu.memory_space<vmem>> -> memref<1x128xi32, #tpu.memory_space<vmem>>
          %swap3A_595 = tpu.memref_squeeze %swap3A_594 : memref<1x128xi32, #tpu.memory_space<vmem>> -> memref<128xi32, #tpu.memory_space<vmem>>
          %swap3A_596 = arith.constant 112 : index
          %swap3A_597 = tpu.vector_load %swap3A_595[%swap3A_596] {strides = array<i32>} : memref<128xi32, #tpu.memory_space<vmem>>, vector<16xi32>,
          tpu.vector_store %swap3A_595[%swap3A_596], %select_n3A_585 {strides = array<i32>} : memref<128xi32, #tpu.memory_space<vmem>>, vector<16xi32>,
          %dma_start3A_598 = arith.constant 1 : i32
          %dma_start3A_599 = arith.constant 1 : i32
          %dma_start3A_600 = arith.constant 1 : i32
          %dma_start3A_601 = arith.constant 0 : i32
          %dma_start3A_602 = arith.constant 0 : i32
          %dma_start3A_603 = tpu.memref_slice %arg11[%dma_start3A_599, %dma_start3A_601, %dma_start3A_602] : memref<2x128x128xf32, #tpu.memory_space<vmem>> -> memref<1x128x128xf32, #tpu.memory_space<vmem>>
          %dma_start3A_604 = tpu.memref_squeeze %dma_start3A_603 : memref<1x128x128xf32, #tpu.memory_space<vmem>> -> memref<128x128xf32, #tpu.memory_space<vmem>>
          %dma_start3A_605 = arith.constant 0 : i32
          %dma_start3A_606 = tpu.memref_slice %arg9[%dma_start3A_598, %dma_start3A_605] : memref<2x128xi32, #tpu.memory_space<vmem>> -> memref<1x128xi32, #tpu.memory_space<vmem>>
          %dma_start3A_607 = tpu.memref_squeeze %dma_start3A_606 : memref<1x128xi32, #tpu.memory_space<vmem>> -> memref<128xi32, #tpu.memory_space<vmem>>
          %dma_start3A_608 = arith.constant 0 : i32
          %dma_start3A_609 = arith.constant 0 : i32
          %dma_start3A_610 = tpu.memref_slice %arg2[%dma_start3A_608, %dma_start3A_609] : memref<200000x128xf32, #tpu.memory_space<hbm>> -> memref<200000x128xf32, #tpu.memory_space<hbm>>
          %dma_start3A_611 = tpu.memref_slice %arg13[%dma_start3A_600] : memref<2x!tpu.dma_semaphore, #tpu.memory_space<semaphore_mem>> -> memref<1x!tpu.dma_semaphore, #tpu.memory_space<semaphore_mem>>
          %dma_start3A_612 = tpu.memref_squeeze %dma_start3A_611 : memref<1x!tpu.dma_semaphore, #tpu.memory_space<semaphore_mem>> -> memref<!tpu.dma_semaphore, #tpu.memory_space<semaphore_mem>>
          tpu.enqueue_indirect_dma source(%dma_start3A_610 : memref<200000x128xf32, #tpu.memory_space<hbm>>) target(%dma_start3A_604 : memref<128x128xf32, #tpu.memory_space<vmem>>) offsets(%dma_start3A_607 : memref<128xi32, #tpu.memory_space<vmem>>) semaphore(%dma_start3A_612 : memref<!tpu.dma_semaphore, #tpu.memory_space<semaphore_mem>>)
        } else {
        }
        %mul3A_314 = arith.constant 2 : i32
        %mul3A_315 = arith.muli %while3A_297, %mul3A_314 : i32
        %add3A_316 = arith.constant 0 : i32
        %add3A_317 = arith.addi %mul3A_315, %add3A_316 : i32
        %lt3A_318 = arith.cmpi slt, %add3A_317, %select_n3A_255 : i32
        %convert_element_type3A_319 = arith.extui %lt3A_318 : i1 to i32
        %cond3A_320 = arith.constant 0 : i32
        %cond3A_321 = arith.cmpi ne, %convert_element_type3A_319, %cond3A_320 : i32
        scf.if %cond3A_321 {
          %dma_wait3A_346 = arith.constant 0 : i32
          %dma_wait3A_347 = arith.constant 0 : i32
          %dma_wait3A_348 = arith.constant 0 : i32
          %dma_wait3A_349 = arith.constant 0 : i32
          %dma_wait3A_350 = arith.constant 0 : i32
          %dma_wait3A_351 = tpu.memref_slice %arg11[%dma_wait3A_347, %dma_wait3A_349, %dma_wait3A_350] : memref<2x128x128xf32, #tpu.memory_space<vmem>> -> memref<1x128x128xf32, #tpu.memory_space<vmem>>
          %dma_wait3A_352 = tpu.memref_squeeze %dma_wait3A_351 : memref<1x128x128xf32, #tpu.memory_space<vmem>> -> memref<128x128xf32, #tpu.memory_space<vmem>>
          %dma_wait3A_353 = arith.constant 0 : i32
          %dma_wait3A_354 = tpu.memref_slice %arg9[%dma_wait3A_346, %dma_wait3A_353] : memref<2x128xi32, #tpu.memory_space<vmem>> -> memref<1x128xi32, #tpu.memory_space<vmem>>
          %dma_wait3A_355 = tpu.memref_squeeze %dma_wait3A_354 : memref<1x128xi32, #tpu.memory_space<vmem>> -> memref<128xi32, #tpu.memory_space<vmem>>
          %dma_wait3A_356 = arith.constant 0 : i32
          %dma_wait3A_357 = arith.constant 0 : i32
          %dma_wait3A_358 = tpu.memref_slice %arg2[%dma_wait3A_356, %dma_wait3A_357] : memref<200000x128xf32, #tpu.memory_space<hbm>> -> memref<200000x128xf32, #tpu.memory_space<hbm>>
          %dma_wait3A_359 = tpu.memref_slice %arg13[%dma_wait3A_348] : memref<2x!tpu.dma_semaphore, #tpu.memory_space<semaphore_mem>> -> memref<1x!tpu.dma_semaphore, #tpu.memory_space<semaphore_mem>>
          %dma_wait3A_360 = tpu.memref_squeeze %dma_wait3A_359 : memref<1x!tpu.dma_semaphore, #tpu.memory_space<semaphore_mem>> -> memref<!tpu.dma_semaphore, #tpu.memory_space<semaphore_mem>>
          tpu.wait_indirect_dma semaphore(%dma_wait3A_360 : memref<!tpu.dma_semaphore, #tpu.memory_space<semaphore_mem>>) src(%dma_wait3A_358 : memref<200000x128xf32, #tpu.memory_space<hbm>>) dst(%dma_wait3A_352 : memref<128x128xf32, #tpu.memory_space<vmem>>)
          %dma_start3A_361 = arith.constant 0 : i32
          %dma_start3A_362 = arith.constant 0 : i32
          %dma_start3A_363 = arith.constant 0 : i32
          %dma_start3A_364 = arith.constant 0 : i32
          %dma_start3A_365 = arith.constant 0 : i32
          %dma_start3A_366 = tpu.memref_slice %arg11[%dma_start3A_361, %dma_start3A_364, %dma_start3A_365] : memref<2x128x128xf32, #tpu.memory_space<vmem>> -> memref<1x128x128xf32, #tpu.memory_space<vmem>>
          %dma_start3A_367 = tpu.memref_squeeze %dma_start3A_366 : memref<1x128x128xf32, #tpu.memory_space<vmem>> -> memref<128x128xf32, #tpu.memory_space<vmem>>
          %dma_start3A_368 = arith.constant 0 : i32
          %dma_start3A_369 = tpu.memref_slice %arg10[%dma_start3A_362, %dma_start3A_368] : memref<2x128xi32, #tpu.memory_space<vmem>> -> memref<1x128xi32, #tpu.memory_space<vmem>>
          %dma_start3A_370 = tpu.memref_squeeze %dma_start3A_369 : memref<1x128xi32, #tpu.memory_space<vmem>> -> memref<128xi32, #tpu.memory_space<vmem>>
          %dma_start3A_371 = arith.constant 0 : i32
          %dma_start3A_372 = arith.constant 0 : i32
          %dma_start3A_373 = tpu.memref_slice %arg12[%dma_start3A_371, %dma_start3A_372] : memref<8584x128xf32, #tpu.memory_space<vmem_shared>> -> memref<8584x128xf32, #tpu.memory_space<vmem_shared>>
          %dma_start3A_374 = tpu.memref_slice %arg14[%dma_start3A_363] : memref<2x!tpu.dma_semaphore, #tpu.memory_space<semaphore_mem>> -> memref<1x!tpu.dma_semaphore, #tpu.memory_space<semaphore_mem>>
          %dma_start3A_375 = tpu.memref_squeeze %dma_start3A_374 : memref<1x!tpu.dma_semaphore, #tpu.memory_space<semaphore_mem>> -> memref<!tpu.dma_semaphore, #tpu.memory_space<semaphore_mem>>
          tpu.enqueue_indirect_dma source(%dma_start3A_367 : memref<128x128xf32, #tpu.memory_space<vmem>>) target(%dma_start3A_373 : memref<8584x128xf32, #tpu.memory_space<vmem_shared>>) offsets(%dma_start3A_370 : memref<128xi32, #tpu.memory_space<vmem>>) semaphore(%dma_start3A_375 : memref<!tpu.dma_semaphore, #tpu.memory_space<semaphore_mem>>) {add = true}
        } else {
        }
        %mul3A_322 = arith.constant 2 : i32
        %mul3A_323 = arith.muli %while3A_297, %mul3A_322 : i32
        %add3A_324 = arith.constant 1 : i32
        %add3A_325 = arith.addi %mul3A_323, %add3A_324 : i32
        %lt3A_326 = arith.cmpi slt, %add3A_325, %select_n3A_255 : i32
        %convert_element_type3A_327 = arith.extui %lt3A_326 : i1 to i32
        %cond3A_328 = arith.constant 0 : i32
        %cond3A_329 = arith.cmpi ne, %convert_element_type3A_327, %cond3A_328 : i32
        scf.if %cond3A_329 {
          %dma_wait3A_346 = arith.constant 1 : i32
          %dma_wait3A_347 = arith.constant 1 : i32
          %dma_wait3A_348 = arith.constant 1 : i32
          %dma_wait3A_349 = arith.constant 0 : i32
          %dma_wait3A_350 = arith.constant 0 : i32
          %dma_wait3A_351 = tpu.memref_slice %arg11[%dma_wait3A_347, %dma_wait3A_349, %dma_wait3A_350] : memref<2x128x128xf32, #tpu.memory_space<vmem>> -> memref<1x128x128xf32, #tpu.memory_space<vmem>>
          %dma_wait3A_352 = tpu.memref_squeeze %dma_wait3A_351 : memref<1x128x128xf32, #tpu.memory_space<vmem>> -> memref<128x128xf32, #tpu.memory_space<vmem>>
          %dma_wait3A_353 = arith.constant 0 : i32
          %dma_wait3A_354 = tpu.memref_slice %arg9[%dma_wait3A_346, %dma_wait3A_353] : memref<2x128xi32, #tpu.memory_space<vmem>> -> memref<1x128xi32, #tpu.memory_space<vmem>>
          %dma_wait3A_355 = tpu.memref_squeeze %dma_wait3A_354 : memref<1x128xi32, #tpu.memory_space<vmem>> -> memref<128xi32, #tpu.memory_space<vmem>>
          %dma_wait3A_356 = arith.constant 0 : i32
          %dma_wait3A_357 = arith.constant 0 : i32
          %dma_wait3A_358 = tpu.memref_slice %arg2[%dma_wait3A_356, %dma_wait3A_357] : memref<200000x128xf32, #tpu.memory_space<hbm>> -> memref<200000x128xf32, #tpu.memory_space<hbm>>
          %dma_wait3A_359 = tpu.memref_slice %arg13[%dma_wait3A_348] : memref<2x!tpu.dma_semaphore, #tpu.memory_space<semaphore_mem>> -> memref<1x!tpu.dma_semaphore, #tpu.memory_space<semaphore_mem>>
          %dma_wait3A_360 = tpu.memref_squeeze %dma_wait3A_359 : memref<1x!tpu.dma_semaphore, #tpu.memory_space<semaphore_mem>> -> memref<!tpu.dma_semaphore, #tpu.memory_space<semaphore_mem>>
          tpu.wait_indirect_dma semaphore(%dma_wait3A_360 : memref<!tpu.dma_semaphore, #tpu.memory_space<semaphore_mem>>) src(%dma_wait3A_358 : memref<200000x128xf32, #tpu.memory_space<hbm>>) dst(%dma_wait3A_352 : memref<128x128xf32, #tpu.memory_space<vmem>>)
          %dma_start3A_361 = arith.constant 1 : i32
          %dma_start3A_362 = arith.constant 1 : i32
          %dma_start3A_363 = arith.constant 1 : i32
          %dma_start3A_364 = arith.constant 0 : i32
          %dma_start3A_365 = arith.constant 0 : i32
          %dma_start3A_366 = tpu.memref_slice %arg11[%dma_start3A_361, %dma_start3A_364, %dma_start3A_365] : memref<2x128x128xf32, #tpu.memory_space<vmem>> -> memref<1x128x128xf32, #tpu.memory_space<vmem>>
          %dma_start3A_367 = tpu.memref_squeeze %dma_start3A_366 : memref<1x128x128xf32, #tpu.memory_space<vmem>> -> memref<128x128xf32, #tpu.memory_space<vmem>>
          %dma_start3A_368 = arith.constant 0 : i32
          %dma_start3A_369 = tpu.memref_slice %arg10[%dma_start3A_362, %dma_start3A_368] : memref<2x128xi32, #tpu.memory_space<vmem>> -> memref<1x128xi32, #tpu.memory_space<vmem>>
          %dma_start3A_370 = tpu.memref_squeeze %dma_start3A_369 : memref<1x128xi32, #tpu.memory_space<vmem>> -> memref<128xi32, #tpu.memory_space<vmem>>
          %dma_start3A_371 = arith.constant 0 : i32
          %dma_start3A_372 = arith.constant 0 : i32
          %dma_start3A_373 = tpu.memref_slice %arg12[%dma_start3A_371, %dma_start3A_372] : memref<8584x128xf32, #tpu.memory_space<vmem_shared>> -> memref<8584x128xf32, #tpu.memory_space<vmem_shared>>
          %dma_start3A_374 = tpu.memref_slice %arg14[%dma_start3A_363] : memref<2x!tpu.dma_semaphore, #tpu.memory_space<semaphore_mem>> -> memref<1x!tpu.dma_semaphore, #tpu.memory_space<semaphore_mem>>
          %dma_start3A_375 = tpu.memref_squeeze %dma_start3A_374 : memref<1x!tpu.dma_semaphore, #tpu.memory_space<semaphore_mem>> -> memref<!tpu.dma_semaphore, #tpu.memory_space<semaphore_mem>>
          tpu.enqueue_indirect_dma source(%dma_start3A_367 : memref<128x128xf32, #tpu.memory_space<vmem>>) target(%dma_start3A_373 : memref<8584x128xf32, #tpu.memory_space<vmem_shared>>) offsets(%dma_start3A_370 : memref<128xi32, #tpu.memory_space<vmem>>) semaphore(%dma_start3A_375 : memref<!tpu.dma_semaphore, #tpu.memory_space<semaphore_mem>>) {add = true}
        } else {
        }
        %mul3A_330 = arith.constant 2 : i32
        %mul3A_331 = arith.muli %while3A_297, %mul3A_330 : i32
        %add3A_332 = arith.constant 0 : i32
        %add3A_333 = arith.addi %mul3A_331, %add3A_332 : i32
        %lt3A_334 = arith.cmpi slt, %add3A_333, %select_n3A_255 : i32
        %convert_element_type3A_335 = arith.extui %lt3A_334 : i1 to i32
        %cond3A_336 = arith.constant 0 : i32
        %cond3A_337 = arith.cmpi ne, %convert_element_type3A_335, %cond3A_336 : i32
        scf.if %cond3A_337 {
          %dma_wait3A_346 = arith.constant 0 : i32
          %dma_wait3A_347 = arith.constant 0 : i32
          %dma_wait3A_348 = arith.constant 0 : i32
          %dma_wait3A_349 = arith.constant 0 : i32
          %dma_wait3A_350 = arith.constant 0 : i32
          %dma_wait3A_351 = tpu.memref_slice %arg11[%dma_wait3A_346, %dma_wait3A_349, %dma_wait3A_350] : memref<2x128x128xf32, #tpu.memory_space<vmem>> -> memref<1x128x128xf32, #tpu.memory_space<vmem>>
          %dma_wait3A_352 = tpu.memref_squeeze %dma_wait3A_351 : memref<1x128x128xf32, #tpu.memory_space<vmem>> -> memref<128x128xf32, #tpu.memory_space<vmem>>
          %dma_wait3A_353 = arith.constant 0 : i32
          %dma_wait3A_354 = tpu.memref_slice %arg10[%dma_wait3A_347, %dma_wait3A_353] : memref<2x128xi32, #tpu.memory_space<vmem>> -> memref<1x128xi32, #tpu.memory_space<vmem>>
          %dma_wait3A_355 = tpu.memref_squeeze %dma_wait3A_354 : memref<1x128xi32, #tpu.memory_space<vmem>> -> memref<128xi32, #tpu.memory_space<vmem>>
          %dma_wait3A_356 = arith.constant 0 : i32
          %dma_wait3A_357 = arith.constant 0 : i32
          %dma_wait3A_358 = tpu.memref_slice %arg12[%dma_wait3A_356, %dma_wait3A_357] : memref<8584x128xf32, #tpu.memory_space<vmem_shared>> -> memref<8584x128xf32, #tpu.memory_space<vmem_shared>>
          %dma_wait3A_359 = tpu.memref_slice %arg14[%dma_wait3A_348] : memref<2x!tpu.dma_semaphore, #tpu.memory_space<semaphore_mem>> -> memref<1x!tpu.dma_semaphore, #tpu.memory_space<semaphore_mem>>
          %dma_wait3A_360 = tpu.memref_squeeze %dma_wait3A_359 : memref<1x!tpu.dma_semaphore, #tpu.memory_space<semaphore_mem>> -> memref<!tpu.dma_semaphore, #tpu.memory_space<semaphore_mem>>
          tpu.wait_indirect_dma semaphore(%dma_wait3A_360 : memref<!tpu.dma_semaphore, #tpu.memory_space<semaphore_mem>>) src(%dma_wait3A_352 : memref<128x128xf32, #tpu.memory_space<vmem>>) dst(%dma_wait3A_358 : memref<8584x128xf32, #tpu.memory_space<vmem_shared>>)
        } else {
        }
        %mul3A_338 = arith.constant 2 : i32
        %mul3A_339 = arith.muli %while3A_297, %mul3A_338 : i32
        %add3A_340 = arith.constant 1 : i32
        %add3A_341 = arith.addi %mul3A_339, %add3A_340 : i32
        %lt3A_342 = arith.cmpi slt, %add3A_341, %select_n3A_255 : i32
        %convert_element_type3A_343 = arith.extui %lt3A_342 : i1 to i32
        %cond3A_344 = arith.constant 0 : i32
        %cond3A_345 = arith.cmpi ne, %convert_element_type3A_343, %cond3A_344 : i32
        scf.if %cond3A_345 {
          %dma_wait3A_346 = arith.constant 1 : i32
          %dma_wait3A_347 = arith.constant 1 : i32
          %dma_wait3A_348 = arith.constant 1 : i32
          %dma_wait3A_349 = arith.constant 0 : i32
          %dma_wait3A_350 = arith.constant 0 : i32
          %dma_wait3A_351 = tpu.memref_slice %arg11[%dma_wait3A_346, %dma_wait3A_349, %dma_wait3A_350] : memref<2x128x128xf32, #tpu.memory_space<vmem>> -> memref<1x128x128xf32, #tpu.memory_space<vmem>>
          %dma_wait3A_352 = tpu.memref_squeeze %dma_wait3A_351 : memref<1x128x128xf32, #tpu.memory_space<vmem>> -> memref<128x128xf32, #tpu.memory_space<vmem>>
          %dma_wait3A_353 = arith.constant 0 : i32
          %dma_wait3A_354 = tpu.memref_slice %arg10[%dma_wait3A_347, %dma_wait3A_353] : memref<2x128xi32, #tpu.memory_space<vmem>> -> memref<1x128xi32, #tpu.memory_space<vmem>>
          %dma_wait3A_355 = tpu.memref_squeeze %dma_wait3A_354 : memref<1x128xi32, #tpu.memory_space<vmem>> -> memref<128xi32, #tpu.memory_space<vmem>>
          %dma_wait3A_356 = arith.constant 0 : i32
          %dma_wait3A_357 = arith.constant 0 : i32
          %dma_wait3A_358 = tpu.memref_slice %arg12[%dma_wait3A_356, %dma_wait3A_357] : memref<8584x128xf32, #tpu.memory_space<vmem_shared>> -> memref<8584x128xf32, #tpu.memory_space<vmem_shared>>
          %dma_wait3A_359 = tpu.memref_slice %arg14[%dma_wait3A_348] : memref<2x!tpu.dma_semaphore, #tpu.memory_space<semaphore_mem>> -> memref<1x!tpu.dma_semaphore, #tpu.memory_space<semaphore_mem>>
          %dma_wait3A_360 = tpu.memref_squeeze %dma_wait3A_359 : memref<1x!tpu.dma_semaphore, #tpu.memory_space<semaphore_mem>> -> memref<!tpu.dma_semaphore, #tpu.memory_space<semaphore_mem>>
          tpu.wait_indirect_dma semaphore(%dma_wait3A_360 : memref<!tpu.dma_semaphore, #tpu.memory_space<semaphore_mem>>) src(%dma_wait3A_352 : memref<128x128xf32, #tpu.memory_space<vmem>>) dst(%dma_wait3A_358 : memref<8584x128xf32, #tpu.memory_space<vmem_shared>>)
        } else {
        }
      }
      %while3A_293 = arith.constant 1 : i32
      scf.for %while3A_297 = %while3A_291 to %while3A_287 step %while3A_293  : i32 {
        %mul3A_298 = arith.constant 2 : i32
        %mul3A_299 = arith.muli %while3A_297, %mul3A_298 : i32
        %add3A_300 = arith.constant 0 : i32
        %add3A_301 = arith.addi %mul3A_299, %add3A_300 : i32
        %lt3A_302 = arith.cmpi slt, %add3A_301, %select_n3A_255 : i32
        %convert_element_type3A_303 = arith.extui %lt3A_302 : i1 to i32
        %cond3A_304 = arith.constant 0 : i32
        %cond3A_305 = arith.cmpi ne, %convert_element_type3A_303, %cond3A_304 : i32
        scf.if %cond3A_305 {
          %mul3A_346 = arith.constant 128 : i32
          %mul3A_347 = arith.muli %add3A_301, %mul3A_346 : i32
          %add3A_348 = arith.constant 0 : i32
          %add3A_349 = arith.addi %mul3A_347, %add3A_348 : i32
          %add3A_350 = vector.broadcast %add3A_349 : i32 to vector<16xi32>
          %add3A_351 = arith.addi %add3A_350, %iota3A : vector<16xi32>
          %gather3A = tpu.vector_load_idx %arg8[%add3A_351] : memref<9728xi32, #tpu.memory_space<vmem>>[vector<16xi32>], vector<16xi32>,
          %min3A = arith.constant 9471 : i32
          %min3A_352 = vector.broadcast %min3A : i32 to vector<16xi32>
          %min3A_353 = arith.minsi %gather3A, %min3A_352 : vector<16xi32>
          %gather3A_354 = tpu.vector_load_idx %arg7[%min3A_353] : memref<9472xi32, #tpu.memory_space<vmem>>[vector<16xi32>], vector<16xi32>,
          %gather3A_355 = tpu.vector_load_idx %arg6[%min3A_353] : memref<9472xi32, #tpu.memory_space<vmem>>[vector<16xi32>], vector<16xi32>,
          %ge3A = arith.constant 9472 : i32
          %ge3A_356 = vector.broadcast %ge3A : i32 to vector<16xi32>
          %ge3A_357 = arith.cmpi sge, %gather3A, %ge3A_356 : vector<16xi32>
          %sub3A_358 = vector.broadcast %add3A_158 : i32 to vector<16xi32>
          %sub3A_359 = arith.subi %gather3A_355, %sub3A_358 : vector<16xi32>
          %jit3A_360 = arith.constant 8576 : i32
          %broadcast_in_dim3A_361 = vector.broadcast %jit3A_360 : i32 to vector<16xi32>
          %select_n3A_362 = arith.select %ge3A_357, %broadcast_in_dim3A_361, %sub3A_359 : vector<16xi1>, vector<16xi32>
          %swap3A = arith.constant 0 : i32
          %swap3A_363 = arith.constant 0 : i32
          %swap3A_364 = tpu.memref_slice %arg9[%swap3A, %swap3A_363] : memref<2x128xi32, #tpu.memory_space<vmem>> -> memref<1x128xi32, #tpu.memory_space<vmem>>
          %swap3A_365 = tpu.memref_squeeze %swap3A_364 : memref<1x128xi32, #tpu.memory_space<vmem>> -> memref<128xi32, #tpu.memory_space<vmem>>
          %swap3A_366 = arith.constant 0 : index
          %swap3A_367 = tpu.vector_load %swap3A_365[%swap3A_366] {strides = array<i32>} : memref<128xi32, #tpu.memory_space<vmem>>, vector<16xi32>,
          tpu.vector_store %swap3A_365[%swap3A_366], %gather3A_354 {strides = array<i32>} : memref<128xi32, #tpu.memory_space<vmem>>, vector<16xi32>,
          %swap3A_368 = arith.constant 0 : i32
          %swap3A_369 = arith.constant 0 : i32
          %swap3A_370 = tpu.memref_slice %arg10[%swap3A_368, %swap3A_369] : memref<2x128xi32, #tpu.memory_space<vmem>> -> memref<1x128xi32, #tpu.memory_space<vmem>>
          %swap3A_371 = tpu.memref_squeeze %swap3A_370 : memref<1x128xi32, #tpu.memory_space<vmem>> -> memref<128xi32, #tpu.memory_space<vmem>>
          %swap3A_372 = arith.constant 0 : index
          %swap3A_373 = tpu.vector_load %swap3A_371[%swap3A_372] {strides = array<i32>} : memref<128xi32, #tpu.memory_space<vmem>>, vector<16xi32>,
          tpu.vector_store %swap3A_371[%swap3A_372], %select_n3A_362 {strides = array<i32>} : memref<128xi32, #tpu.memory_space<vmem>>, vector<16xi32>,
          %mul3A_374 = arith.constant 128 : i32
          %mul3A_375 = arith.muli %add3A_301, %mul3A_374 : i32
          %add3A_376 = arith.constant 16 : i32
          %add3A_377 = arith.addi %mul3A_375, %add3A_376 : i32
          %add3A_378 = vector.broadcast %add3A_377 : i32 to vector<16xi32>
          %add3A_379 = arith.addi %add3A_378, %iota3A : vector<16xi32>
          %gather3A_380 = tpu.vector_load_idx %arg8[%add3A_379] : memref<9728xi32, #tpu.memory_space<vmem>>[vector<16xi32>], vector<16xi32>,
          %min3A_381 = arith.constant 9471 : i32
          %min3A_382 = vector.broadcast %min3A_381 : i32 to vector<16xi32>
          %min3A_383 = arith.minsi %gather3A_380, %min3A_382 : vector<16xi32>
          %gather3A_384 = tpu.vector_load_idx %arg7[%min3A_383] : memref<9472xi32, #tpu.memory_space<vmem>>[vector<16xi32>], vector<16xi32>,
          %gather3A_385 = tpu.vector_load_idx %arg6[%min3A_383] : memref<9472xi32, #tpu.memory_space<vmem>>[vector<16xi32>], vector<16xi32>,
          %ge3A_386 = arith.constant 9472 : i32
          %ge3A_387 = vector.broadcast %ge3A_386 : i32 to vector<16xi32>
          %ge3A_388 = arith.cmpi sge, %gather3A_380, %ge3A_387 : vector<16xi32>
          %sub3A_389 = vector.broadcast %add3A_158 : i32 to vector<16xi32>
          %sub3A_390 = arith.subi %gather3A_385, %sub3A_389 : vector<16xi32>
          %jit3A_391 = arith.constant 8576 : i32
          %broadcast_in_dim3A_392 = vector.broadcast %jit3A_391 : i32 to vector<16xi32>
          %select_n3A_393 = arith.select %ge3A_388, %broadcast_in_dim3A_392, %sub3A_390 : vector<16xi1>, vector<16xi32>
          %swap3A_394 = arith.constant 0 : i32
          %swap3A_395 = arith.constant 0 : i32
          %swap3A_396 = tpu.memref_slice %arg9[%swap3A_394, %swap3A_395] : memref<2x128xi32, #tpu.memory_space<vmem>> -> memref<1x128xi32, #tpu.memory_space<vmem>>
          %swap3A_397 = tpu.memref_squeeze %swap3A_396 : memref<1x128xi32, #tpu.memory_space<vmem>> -> memref<128xi32, #tpu.memory_space<vmem>>
          %swap3A_398 = arith.constant 16 : index
          %swap3A_399 = tpu.vector_load %swap3A_397[%swap3A_398] {strides = array<i32>} : memref<128xi32, #tpu.memory_space<vmem>>, vector<16xi32>,
          tpu.vector_store %swap3A_397[%swap3A_398], %gather3A_384 {strides = array<i32>} : memref<128xi32, #tpu.memory_space<vmem>>, vector<16xi32>,
          %swap3A_400 = arith.constant 0 : i32
          %swap3A_401 = arith.constant 0 : i32
          %swap3A_402 = tpu.memref_slice %arg10[%swap3A_400, %swap3A_401] : memref<2x128xi32, #tpu.memory_space<vmem>> -> memref<1x128xi32, #tpu.memory_space<vmem>>
          %swap3A_403 = tpu.memref_squeeze %swap3A_402 : memref<1x128xi32, #tpu.memory_space<vmem>> -> memref<128xi32, #tpu.memory_space<vmem>>
          %swap3A_404 = arith.constant 16 : index
          %swap3A_405 = tpu.vector_load %swap3A_403[%swap3A_404] {strides = array<i32>} : memref<128xi32, #tpu.memory_space<vmem>>, vector<16xi32>,
          tpu.vector_store %swap3A_403[%swap3A_404], %select_n3A_393 {strides = array<i32>} : memref<128xi32, #tpu.memory_space<vmem>>, vector<16xi32>,
          %mul3A_406 = arith.constant 128 : i32
          %mul3A_407 = arith.muli %add3A_301, %mul3A_406 : i32
          %add3A_408 = arith.constant 32 : i32
          %add3A_409 = arith.addi %mul3A_407, %add3A_408 : i32
          %add3A_410 = vector.broadcast %add3A_409 : i32 to vector<16xi32>
          %add3A_411 = arith.addi %add3A_410, %iota3A : vector<16xi32>
          %gather3A_412 = tpu.vector_load_idx %arg8[%add3A_411] : memref<9728xi32, #tpu.memory_space<vmem>>[vector<16xi32>], vector<16xi32>,
          %min3A_413 = arith.constant 9471 : i32
          %min3A_414 = vector.broadcast %min3A_413 : i32 to vector<16xi32>
          %min3A_415 = arith.minsi %gather3A_412, %min3A_414 : vector<16xi32>
          %gather3A_416 = tpu.vector_load_idx %arg7[%min3A_415] : memref<9472xi32, #tpu.memory_space<vmem>>[vector<16xi32>], vector<16xi32>,
          %gather3A_417 = tpu.vector_load_idx %arg6[%min3A_415] : memref<9472xi32, #tpu.memory_space<vmem>>[vector<16xi32>], vector<16xi32>,
          %ge3A_418 = arith.constant 9472 : i32
          %ge3A_419 = vector.broadcast %ge3A_418 : i32 to vector<16xi32>
          %ge3A_420 = arith.cmpi sge, %gather3A_412, %ge3A_419 : vector<16xi32>
          %sub3A_421 = vector.broadcast %add3A_158 : i32 to vector<16xi32>
          %sub3A_422 = arith.subi %gather3A_417, %sub3A_421 : vector<16xi32>
          %jit3A_423 = arith.constant 8576 : i32
          %broadcast_in_dim3A_424 = vector.broadcast %jit3A_423 : i32 to vector<16xi32>
          %select_n3A_425 = arith.select %ge3A_420, %broadcast_in_dim3A_424, %sub3A_422 : vector<16xi1>, vector<16xi32>
          %swap3A_426 = arith.constant 0 : i32
          %swap3A_427 = arith.constant 0 : i32
          %swap3A_428 = tpu.memref_slice %arg9[%swap3A_426, %swap3A_427] : memref<2x128xi32, #tpu.memory_space<vmem>> -> memref<1x128xi32, #tpu.memory_space<vmem>>
          %swap3A_429 = tpu.memref_squeeze %swap3A_428 : memref<1x128xi32, #tpu.memory_space<vmem>> -> memref<128xi32, #tpu.memory_space<vmem>>
          %swap3A_430 = arith.constant 32 : index
          %swap3A_431 = tpu.vector_load %swap3A_429[%swap3A_430] {strides = array<i32>} : memref<128xi32, #tpu.memory_space<vmem>>, vector<16xi32>,
          tpu.vector_store %swap3A_429[%swap3A_430], %gather3A_416 {strides = array<i32>} : memref<128xi32, #tpu.memory_space<vmem>>, vector<16xi32>,
          %swap3A_432 = arith.constant 0 : i32
          %swap3A_433 = arith.constant 0 : i32
          %swap3A_434 = tpu.memref_slice %arg10[%swap3A_432, %swap3A_433] : memref<2x128xi32, #tpu.memory_space<vmem>> -> memref<1x128xi32, #tpu.memory_space<vmem>>
          %swap3A_435 = tpu.memref_squeeze %swap3A_434 : memref<1x128xi32, #tpu.memory_space<vmem>> -> memref<128xi32, #tpu.memory_space<vmem>>
          %swap3A_436 = arith.constant 32 : index
          %swap3A_437 = tpu.vector_load %swap3A_435[%swap3A_436] {strides = array<i32>} : memref<128xi32, #tpu.memory_space<vmem>>, vector<16xi32>,
          tpu.vector_store %swap3A_435[%swap3A_436], %select_n3A_425 {strides = array<i32>} : memref<128xi32, #tpu.memory_space<vmem>>, vector<16xi32>,
          %mul3A_438 = arith.constant 128 : i32
          %mul3A_439 = arith.muli %add3A_301, %mul3A_438 : i32
          %add3A_440 = arith.constant 48 : i32
          %add3A_441 = arith.addi %mul3A_439, %add3A_440 : i32
          %add3A_442 = vector.broadcast %add3A_441 : i32 to vector<16xi32>
          %add3A_443 = arith.addi %add3A_442, %iota3A : vector<16xi32>
          %gather3A_444 = tpu.vector_load_idx %arg8[%add3A_443] : memref<9728xi32, #tpu.memory_space<vmem>>[vector<16xi32>], vector<16xi32>,
          %min3A_445 = arith.constant 9471 : i32
          %min3A_446 = vector.broadcast %min3A_445 : i32 to vector<16xi32>
          %min3A_447 = arith.minsi %gather3A_444, %min3A_446 : vector<16xi32>
          %gather3A_448 = tpu.vector_load_idx %arg7[%min3A_447] : memref<9472xi32, #tpu.memory_space<vmem>>[vector<16xi32>], vector<16xi32>,
          %gather3A_449 = tpu.vector_load_idx %arg6[%min3A_447] : memref<9472xi32, #tpu.memory_space<vmem>>[vector<16xi32>], vector<16xi32>,
          %ge3A_450 = arith.constant 9472 : i32
          %ge3A_451 = vector.broadcast %ge3A_450 : i32 to vector<16xi32>
          %ge3A_452 = arith.cmpi sge, %gather3A_444, %ge3A_451 : vector<16xi32>
          %sub3A_453 = vector.broadcast %add3A_158 : i32 to vector<16xi32>
          %sub3A_454 = arith.subi %gather3A_449, %sub3A_453 : vector<16xi32>
          %jit3A_455 = arith.constant 8576 : i32
          %broadcast_in_dim3A_456 = vector.broadcast %jit3A_455 : i32 to vector<16xi32>
          %select_n3A_457 = arith.select %ge3A_452, %broadcast_in_dim3A_456, %sub3A_454 : vector<16xi1>, vector<16xi32>
          %swap3A_458 = arith.constant 0 : i32
          %swap3A_459 = arith.constant 0 : i32
          %swap3A_460 = tpu.memref_slice %arg9[%swap3A_458, %swap3A_459] : memref<2x128xi32, #tpu.memory_space<vmem>> -> memref<1x128xi32, #tpu.memory_space<vmem>>
          %swap3A_461 = tpu.memref_squeeze %swap3A_460 : memref<1x128xi32, #tpu.memory_space<vmem>> -> memref<128xi32, #tpu.memory_space<vmem>>
          %swap3A_462 = arith.constant 48 : index
          %swap3A_463 = tpu.vector_load %swap3A_461[%swap3A_462] {strides = array<i32>} : memref<128xi32, #tpu.memory_space<vmem>>, vector<16xi32>,
          tpu.vector_store %swap3A_461[%swap3A_462], %gather3A_448 {strides = array<i32>} : memref<128xi32, #tpu.memory_space<vmem>>, vector<16xi32>,
          %swap3A_464 = arith.constant 0 : i32
          %swap3A_465 = arith.constant 0 : i32
          %swap3A_466 = tpu.memref_slice %arg10[%swap3A_464, %swap3A_465] : memref<2x128xi32, #tpu.memory_space<vmem>> -> memref<1x128xi32, #tpu.memory_space<vmem>>
          %swap3A_467 = tpu.memref_squeeze %swap3A_466 : memref<1x128xi32, #tpu.memory_space<vmem>> -> memref<128xi32, #tpu.memory_space<vmem>>
          %swap3A_468 = arith.constant 48 : index
          %swap3A_469 = tpu.vector_load %swap3A_467[%swap3A_468] {strides = array<i32>} : memref<128xi32, #tpu.memory_space<vmem>>, vector<16xi32>,
          tpu.vector_store %swap3A_467[%swap3A_468], %select_n3A_457 {strides = array<i32>} : memref<128xi32, #tpu.memory_space<vmem>>, vector<16xi32>,
          %mul3A_470 = arith.constant 128 : i32
          %mul3A_471 = arith.muli %add3A_301, %mul3A_470 : i32
          %add3A_472 = arith.constant 64 : i32
          %add3A_473 = arith.addi %mul3A_471, %add3A_472 : i32
          %add3A_474 = vector.broadcast %add3A_473 : i32 to vector<16xi32>
          %add3A_475 = arith.addi %add3A_474, %iota3A : vector<16xi32>
          %gather3A_476 = tpu.vector_load_idx %arg8[%add3A_475] : memref<9728xi32, #tpu.memory_space<vmem>>[vector<16xi32>], vector<16xi32>,
          %min3A_477 = arith.constant 9471 : i32
          %min3A_478 = vector.broadcast %min3A_477 : i32 to vector<16xi32>
          %min3A_479 = arith.minsi %gather3A_476, %min3A_478 : vector<16xi32>
          %gather3A_480 = tpu.vector_load_idx %arg7[%min3A_479] : memref<9472xi32, #tpu.memory_space<vmem>>[vector<16xi32>], vector<16xi32>,
          %gather3A_481 = tpu.vector_load_idx %arg6[%min3A_479] : memref<9472xi32, #tpu.memory_space<vmem>>[vector<16xi32>], vector<16xi32>,
          %ge3A_482 = arith.constant 9472 : i32
          %ge3A_483 = vector.broadcast %ge3A_482 : i32 to vector<16xi32>
          %ge3A_484 = arith.cmpi sge, %gather3A_476, %ge3A_483 : vector<16xi32>
          %sub3A_485 = vector.broadcast %add3A_158 : i32 to vector<16xi32>
          %sub3A_486 = arith.subi %gather3A_481, %sub3A_485 : vector<16xi32>
          %jit3A_487 = arith.constant 8576 : i32
          %broadcast_in_dim3A_488 = vector.broadcast %jit3A_487 : i32 to vector<16xi32>
          %select_n3A_489 = arith.select %ge3A_484, %broadcast_in_dim3A_488, %sub3A_486 : vector<16xi1>, vector<16xi32>
          %swap3A_490 = arith.constant 0 : i32
          %swap3A_491 = arith.constant 0 : i32
          %swap3A_492 = tpu.memref_slice %arg9[%swap3A_490, %swap3A_491] : memref<2x128xi32, #tpu.memory_space<vmem>> -> memref<1x128xi32, #tpu.memory_space<vmem>>
          %swap3A_493 = tpu.memref_squeeze %swap3A_492 : memref<1x128xi32, #tpu.memory_space<vmem>> -> memref<128xi32, #tpu.memory_space<vmem>>
          %swap3A_494 = arith.constant 64 : index
          %swap3A_495 = tpu.vector_load %swap3A_493[%swap3A_494] {strides = array<i32>} : memref<128xi32, #tpu.memory_space<vmem>>, vector<16xi32>,
          tpu.vector_store %swap3A_493[%swap3A_494], %gather3A_480 {strides = array<i32>} : memref<128xi32, #tpu.memory_space<vmem>>, vector<16xi32>,
          %swap3A_496 = arith.constant 0 : i32
          %swap3A_497 = arith.constant 0 : i32
          %swap3A_498 = tpu.memref_slice %arg10[%swap3A_496, %swap3A_497] : memref<2x128xi32, #tpu.memory_space<vmem>> -> memref<1x128xi32, #tpu.memory_space<vmem>>
          %swap3A_499 = tpu.memref_squeeze %swap3A_498 : memref<1x128xi32, #tpu.memory_space<vmem>> -> memref<128xi32, #tpu.memory_space<vmem>>
          %swap3A_500 = arith.constant 64 : index
          %swap3A_501 = tpu.vector_load %swap3A_499[%swap3A_500] {strides = array<i32>} : memref<128xi32, #tpu.memory_space<vmem>>, vector<16xi32>,
          tpu.vector_store %swap3A_499[%swap3A_500], %select_n3A_489 {strides = array<i32>} : memref<128xi32, #tpu.memory_space<vmem>>, vector<16xi32>,
          %mul3A_502 = arith.constant 128 : i32
          %mul3A_503 = arith.muli %add3A_301, %mul3A_502 : i32
          %add3A_504 = arith.constant 80 : i32
          %add3A_505 = arith.addi %mul3A_503, %add3A_504 : i32
          %add3A_506 = vector.broadcast %add3A_505 : i32 to vector<16xi32>
          %add3A_507 = arith.addi %add3A_506, %iota3A : vector<16xi32>
          %gather3A_508 = tpu.vector_load_idx %arg8[%add3A_507] : memref<9728xi32, #tpu.memory_space<vmem>>[vector<16xi32>], vector<16xi32>,
          %min3A_509 = arith.constant 9471 : i32
          %min3A_510 = vector.broadcast %min3A_509 : i32 to vector<16xi32>
          %min3A_511 = arith.minsi %gather3A_508, %min3A_510 : vector<16xi32>
          %gather3A_512 = tpu.vector_load_idx %arg7[%min3A_511] : memref<9472xi32, #tpu.memory_space<vmem>>[vector<16xi32>], vector<16xi32>,
          %gather3A_513 = tpu.vector_load_idx %arg6[%min3A_511] : memref<9472xi32, #tpu.memory_space<vmem>>[vector<16xi32>], vector<16xi32>,
          %ge3A_514 = arith.constant 9472 : i32
          %ge3A_515 = vector.broadcast %ge3A_514 : i32 to vector<16xi32>
          %ge3A_516 = arith.cmpi sge, %gather3A_508, %ge3A_515 : vector<16xi32>
          %sub3A_517 = vector.broadcast %add3A_158 : i32 to vector<16xi32>
          %sub3A_518 = arith.subi %gather3A_513, %sub3A_517 : vector<16xi32>
          %jit3A_519 = arith.constant 8576 : i32
          %broadcast_in_dim3A_520 = vector.broadcast %jit3A_519 : i32 to vector<16xi32>
          %select_n3A_521 = arith.select %ge3A_516, %broadcast_in_dim3A_520, %sub3A_518 : vector<16xi1>, vector<16xi32>
          %swap3A_522 = arith.constant 0 : i32
          %swap3A_523 = arith.constant 0 : i32
          %swap3A_524 = tpu.memref_slice %arg9[%swap3A_522, %swap3A_523] : memref<2x128xi32, #tpu.memory_space<vmem>> -> memref<1x128xi32, #tpu.memory_space<vmem>>
          %swap3A_525 = tpu.memref_squeeze %swap3A_524 : memref<1x128xi32, #tpu.memory_space<vmem>> -> memref<128xi32, #tpu.memory_space<vmem>>
          %swap3A_526 = arith.constant 80 : index
          %swap3A_527 = tpu.vector_load %swap3A_525[%swap3A_526] {strides = array<i32>} : memref<128xi32, #tpu.memory_space<vmem>>, vector<16xi32>,
          tpu.vector_store %swap3A_525[%swap3A_526], %gather3A_512 {strides = array<i32>} : memref<128xi32, #tpu.memory_space<vmem>>, vector<16xi32>,
          %swap3A_528 = arith.constant 0 : i32
          %swap3A_529 = arith.constant 0 : i32
          %swap3A_530 = tpu.memref_slice %arg10[%swap3A_528, %swap3A_529] : memref<2x128xi32, #tpu.memory_space<vmem>> -> memref<1x128xi32, #tpu.memory_space<vmem>>
          %swap3A_531 = tpu.memref_squeeze %swap3A_530 : memref<1x128xi32, #tpu.memory_space<vmem>> -> memref<128xi32, #tpu.memory_space<vmem>>
          %swap3A_532 = arith.constant 80 : index
          %swap3A_533 = tpu.vector_load %swap3A_531[%swap3A_532] {strides = array<i32>} : memref<128xi32, #tpu.memory_space<vmem>>, vector<16xi32>,
          tpu.vector_store %swap3A_531[%swap3A_532], %select_n3A_521 {strides = array<i32>} : memref<128xi32, #tpu.memory_space<vmem>>, vector<16xi32>,
          %mul3A_534 = arith.constant 128 : i32
          %mul3A_535 = arith.muli %add3A_301, %mul3A_534 : i32
          %add3A_536 = arith.constant 96 : i32
          %add3A_537 = arith.addi %mul3A_535, %add3A_536 : i32
          %add3A_538 = vector.broadcast %add3A_537 : i32 to vector<16xi32>
          %add3A_539 = arith.addi %add3A_538, %iota3A : vector<16xi32>
          %gather3A_540 = tpu.vector_load_idx %arg8[%add3A_539] : memref<9728xi32, #tpu.memory_space<vmem>>[vector<16xi32>], vector<16xi32>,
          %min3A_541 = arith.constant 9471 : i32
          %min3A_542 = vector.broadcast %min3A_541 : i32 to vector<16xi32>
          %min3A_543 = arith.minsi %gather3A_540, %min3A_542 : vector<16xi32>
          %gather3A_544 = tpu.vector_load_idx %arg7[%min3A_543] : memref<9472xi32, #tpu.memory_space<vmem>>[vector<16xi32>], vector<16xi32>,
          %gather3A_545 = tpu.vector_load_idx %arg6[%min3A_543] : memref<9472xi32, #tpu.memory_space<vmem>>[vector<16xi32>], vector<16xi32>,
          %ge3A_546 = arith.constant 9472 : i32
          %ge3A_547 = vector.broadcast %ge3A_546 : i32 to vector<16xi32>
          %ge3A_548 = arith.cmpi sge, %gather3A_540, %ge3A_547 : vector<16xi32>
          %sub3A_549 = vector.broadcast %add3A_158 : i32 to vector<16xi32>
          %sub3A_550 = arith.subi %gather3A_545, %sub3A_549 : vector<16xi32>
          %jit3A_551 = arith.constant 8576 : i32
          %broadcast_in_dim3A_552 = vector.broadcast %jit3A_551 : i32 to vector<16xi32>
          %select_n3A_553 = arith.select %ge3A_548, %broadcast_in_dim3A_552, %sub3A_550 : vector<16xi1>, vector<16xi32>
          %swap3A_554 = arith.constant 0 : i32
          %swap3A_555 = arith.constant 0 : i32
          %swap3A_556 = tpu.memref_slice %arg9[%swap3A_554, %swap3A_555] : memref<2x128xi32, #tpu.memory_space<vmem>> -> memref<1x128xi32, #tpu.memory_space<vmem>>
          %swap3A_557 = tpu.memref_squeeze %swap3A_556 : memref<1x128xi32, #tpu.memory_space<vmem>> -> memref<128xi32, #tpu.memory_space<vmem>>
          %swap3A_558 = arith.constant 96 : index
          %swap3A_559 = tpu.vector_load %swap3A_557[%swap3A_558] {strides = array<i32>} : memref<128xi32, #tpu.memory_space<vmem>>, vector<16xi32>,
          tpu.vector_store %swap3A_557[%swap3A_558], %gather3A_544 {strides = array<i32>} : memref<128xi32, #tpu.memory_space<vmem>>, vector<16xi32>,
          %swap3A_560 = arith.constant 0 : i32
          %swap3A_561 = arith.constant 0 : i32
          %swap3A_562 = tpu.memref_slice %arg10[%swap3A_560, %swap3A_561] : memref<2x128xi32, #tpu.memory_space<vmem>> -> memref<1x128xi32, #tpu.memory_space<vmem>>
          %swap3A_563 = tpu.memref_squeeze %swap3A_562 : memref<1x128xi32, #tpu.memory_space<vmem>> -> memref<128xi32, #tpu.memory_space<vmem>>
          %swap3A_564 = arith.constant 96 : index
          %swap3A_565 = tpu.vector_load %swap3A_563[%swap3A_564] {strides = array<i32>} : memref<128xi32, #tpu.memory_space<vmem>>, vector<16xi32>,
          tpu.vector_store %swap3A_563[%swap3A_564], %select_n3A_553 {strides = array<i32>} : memref<128xi32, #tpu.memory_space<vmem>>, vector<16xi32>,
          %mul3A_566 = arith.constant 128 : i32
          %mul3A_567 = arith.muli %add3A_301, %mul3A_566 : i32
          %add3A_568 = arith.constant 112 : i32
          %add3A_569 = arith.addi %mul3A_567, %add3A_568 : i32
          %add3A_570 = vector.broadcast %add3A_569 : i32 to vector<16xi32>
          %add3A_571 = arith.addi %add3A_570, %iota3A : vector<16xi32>
          %gather3A_572 = tpu.vector_load_idx %arg8[%add3A_571] : memref<9728xi32, #tpu.memory_space<vmem>>[vector<16xi32>], vector<16xi32>,
          %min3A_573 = arith.constant 9471 : i32
          %min3A_574 = vector.broadcast %min3A_573 : i32 to vector<16xi32>
          %min3A_575 = arith.minsi %gather3A_572, %min3A_574 : vector<16xi32>
          %gather3A_576 = tpu.vector_load_idx %arg7[%min3A_575] : memref<9472xi32, #tpu.memory_space<vmem>>[vector<16xi32>], vector<16xi32>,
          %gather3A_577 = tpu.vector_load_idx %arg6[%min3A_575] : memref<9472xi32, #tpu.memory_space<vmem>>[vector<16xi32>], vector<16xi32>,
          %ge3A_578 = arith.constant 9472 : i32
          %ge3A_579 = vector.broadcast %ge3A_578 : i32 to vector<16xi32>
          %ge3A_580 = arith.cmpi sge, %gather3A_572, %ge3A_579 : vector<16xi32>
          %sub3A_581 = vector.broadcast %add3A_158 : i32 to vector<16xi32>
          %sub3A_582 = arith.subi %gather3A_577, %sub3A_581 : vector<16xi32>
          %jit3A_583 = arith.constant 8576 : i32
          %broadcast_in_dim3A_584 = vector.broadcast %jit3A_583 : i32 to vector<16xi32>
          %select_n3A_585 = arith.select %ge3A_580, %broadcast_in_dim3A_584, %sub3A_582 : vector<16xi1>, vector<16xi32>
          %swap3A_586 = arith.constant 0 : i32
          %swap3A_587 = arith.constant 0 : i32
          %swap3A_588 = tpu.memref_slice %arg9[%swap3A_586, %swap3A_587] : memref<2x128xi32, #tpu.memory_space<vmem>> -> memref<1x128xi32, #tpu.memory_space<vmem>>
          %swap3A_589 = tpu.memref_squeeze %swap3A_588 : memref<1x128xi32, #tpu.memory_space<vmem>> -> memref<128xi32, #tpu.memory_space<vmem>>
          %swap3A_590 = arith.constant 112 : index
          %swap3A_591 = tpu.vector_load %swap3A_589[%swap3A_590] {strides = array<i32>} : memref<128xi32, #tpu.memory_space<vmem>>, vector<16xi32>,
          tpu.vector_store %swap3A_589[%swap3A_590], %gather3A_576 {strides = array<i32>} : memref<128xi32, #tpu.memory_space<vmem>>, vector<16xi32>,
          %swap3A_592 = arith.constant 0 : i32
          %swap3A_593 = arith.constant 0 : i32
          %swap3A_594 = tpu.memref_slice %arg10[%swap3A_592, %swap3A_593] : memref<2x128xi32, #tpu.memory_space<vmem>> -> memref<1x128xi32, #tpu.memory_space<vmem>>
          %swap3A_595 = tpu.memref_squeeze %swap3A_594 : memref<1x128xi32, #tpu.memory_space<vmem>> -> memref<128xi32, #tpu.memory_space<vmem>>
          %swap3A_596 = arith.constant 112 : index
          %swap3A_597 = tpu.vector_load %swap3A_595[%swap3A_596] {strides = array<i32>} : memref<128xi32, #tpu.memory_space<vmem>>, vector<16xi32>,
          tpu.vector_store %swap3A_595[%swap3A_596], %select_n3A_585 {strides = array<i32>} : memref<128xi32, #tpu.memory_space<vmem>>, vector<16xi32>,
          %dma_start3A_598 = arith.constant 0 : i32
          %dma_start3A_599 = arith.constant 0 : i32
          %dma_start3A_600 = arith.constant 0 : i32
          %dma_start3A_601 = arith.constant 0 : i32
          %dma_start3A_602 = arith.constant 0 : i32
          %dma_start3A_603 = tpu.memref_slice %arg11[%dma_start3A_599, %dma_start3A_601, %dma_start3A_602] : memref<2x128x128xf32, #tpu.memory_space<vmem>> -> memref<1x128x128xf32, #tpu.memory_space<vmem>>
          %dma_start3A_604 = tpu.memref_squeeze %dma_start3A_603 : memref<1x128x128xf32, #tpu.memory_space<vmem>> -> memref<128x128xf32, #tpu.memory_space<vmem>>
          %dma_start3A_605 = arith.constant 0 : i32
          %dma_start3A_606 = tpu.memref_slice %arg9[%dma_start3A_598, %dma_start3A_605] : memref<2x128xi32, #tpu.memory_space<vmem>> -> memref<1x128xi32, #tpu.memory_space<vmem>>
          %dma_start3A_607 = tpu.memref_squeeze %dma_start3A_606 : memref<1x128xi32, #tpu.memory_space<vmem>> -> memref<128xi32, #tpu.memory_space<vmem>>
          %dma_start3A_608 = arith.constant 0 : i32
          %dma_start3A_609 = arith.constant 0 : i32
          %dma_start3A_610 = tpu.memref_slice %arg2[%dma_start3A_608, %dma_start3A_609] : memref<200000x128xf32, #tpu.memory_space<hbm>> -> memref<200000x128xf32, #tpu.memory_space<hbm>>
          %dma_start3A_611 = tpu.memref_slice %arg13[%dma_start3A_600] : memref<2x!tpu.dma_semaphore, #tpu.memory_space<semaphore_mem>> -> memref<1x!tpu.dma_semaphore, #tpu.memory_space<semaphore_mem>>
          %dma_start3A_612 = tpu.memref_squeeze %dma_start3A_611 : memref<1x!tpu.dma_semaphore, #tpu.memory_space<semaphore_mem>> -> memref<!tpu.dma_semaphore, #tpu.memory_space<semaphore_mem>>
          tpu.enqueue_indirect_dma source(%dma_start3A_610 : memref<200000x128xf32, #tpu.memory_space<hbm>>) target(%dma_start3A_604 : memref<128x128xf32, #tpu.memory_space<vmem>>) offsets(%dma_start3A_607 : memref<128xi32, #tpu.memory_space<vmem>>) semaphore(%dma_start3A_612 : memref<!tpu.dma_semaphore, #tpu.memory_space<semaphore_mem>>)
        } else {
        }
        %mul3A_306 = arith.constant 2 : i32
        %mul3A_307 = arith.muli %while3A_297, %mul3A_306 : i32
        %add3A_308 = arith.constant 1 : i32
        %add3A_309 = arith.addi %mul3A_307, %add3A_308 : i32
        %lt3A_310 = arith.cmpi slt, %add3A_309, %select_n3A_255 : i32
        %convert_element_type3A_311 = arith.extui %lt3A_310 : i1 to i32
        %cond3A_312 = arith.constant 0 : i32
        %cond3A_313 = arith.cmpi ne, %convert_element_type3A_311, %cond3A_312 : i32
        scf.if %cond3A_313 {
          %mul3A_346 = arith.constant 128 : i32
          %mul3A_347 = arith.muli %add3A_309, %mul3A_346 : i32
          %add3A_348 = arith.constant 0 : i32
          %add3A_349 = arith.addi %mul3A_347, %add3A_348 : i32
          %add3A_350 = vector.broadcast %add3A_349 : i32 to vector<16xi32>
          %add3A_351 = arith.addi %add3A_350, %iota3A : vector<16xi32>
          %gather3A = tpu.vector_load_idx %arg8[%add3A_351] : memref<9728xi32, #tpu.memory_space<vmem>>[vector<16xi32>], vector<16xi32>,
          %min3A = arith.constant 9471 : i32
          %min3A_352 = vector.broadcast %min3A : i32 to vector<16xi32>
          %min3A_353 = arith.minsi %gather3A, %min3A_352 : vector<16xi32>
          %gather3A_354 = tpu.vector_load_idx %arg7[%min3A_353] : memref<9472xi32, #tpu.memory_space<vmem>>[vector<16xi32>], vector<16xi32>,
          %gather3A_355 = tpu.vector_load_idx %arg6[%min3A_353] : memref<9472xi32, #tpu.memory_space<vmem>>[vector<16xi32>], vector<16xi32>,
          %ge3A = arith.constant 9472 : i32
          %ge3A_356 = vector.broadcast %ge3A : i32 to vector<16xi32>
          %ge3A_357 = arith.cmpi sge, %gather3A, %ge3A_356 : vector<16xi32>
          %sub3A_358 = vector.broadcast %add3A_158 : i32 to vector<16xi32>
          %sub3A_359 = arith.subi %gather3A_355, %sub3A_358 : vector<16xi32>
          %jit3A_360 = arith.constant 8576 : i32
          %broadcast_in_dim3A_361 = vector.broadcast %jit3A_360 : i32 to vector<16xi32>
          %select_n3A_362 = arith.select %ge3A_357, %broadcast_in_dim3A_361, %sub3A_359 : vector<16xi1>, vector<16xi32>
          %swap3A = arith.constant 1 : i32
          %swap3A_363 = arith.constant 0 : i32
          %swap3A_364 = tpu.memref_slice %arg9[%swap3A, %swap3A_363] : memref<2x128xi32, #tpu.memory_space<vmem>> -> memref<1x128xi32, #tpu.memory_space<vmem>>
          %swap3A_365 = tpu.memref_squeeze %swap3A_364 : memref<1x128xi32, #tpu.memory_space<vmem>> -> memref<128xi32, #tpu.memory_space<vmem>>
          %swap3A_366 = arith.constant 0 : index
          %swap3A_367 = tpu.vector_load %swap3A_365[%swap3A_366] {strides = array<i32>} : memref<128xi32, #tpu.memory_space<vmem>>, vector<16xi32>,
          tpu.vector_store %swap3A_365[%swap3A_366], %gather3A_354 {strides = array<i32>} : memref<128xi32, #tpu.memory_space<vmem>>, vector<16xi32>,
          %swap3A_368 = arith.constant 1 : i32
          %swap3A_369 = arith.constant 0 : i32
          %swap3A_370 = tpu.memref_slice %arg10[%swap3A_368, %swap3A_369] : memref<2x128xi32, #tpu.memory_space<vmem>> -> memref<1x128xi32, #tpu.memory_space<vmem>>
          %swap3A_371 = tpu.memref_squeeze %swap3A_370 : memref<1x128xi32, #tpu.memory_space<vmem>> -> memref<128xi32, #tpu.memory_space<vmem>>
          %swap3A_372 = arith.constant 0 : index
          %swap3A_373 = tpu.vector_load %swap3A_371[%swap3A_372] {strides = array<i32>} : memref<128xi32, #tpu.memory_space<vmem>>, vector<16xi32>,
          tpu.vector_store %swap3A_371[%swap3A_372], %select_n3A_362 {strides = array<i32>} : memref<128xi32, #tpu.memory_space<vmem>>, vector<16xi32>,
          %mul3A_374 = arith.constant 128 : i32
          %mul3A_375 = arith.muli %add3A_309, %mul3A_374 : i32
          %add3A_376 = arith.constant 16 : i32
          %add3A_377 = arith.addi %mul3A_375, %add3A_376 : i32
          %add3A_378 = vector.broadcast %add3A_377 : i32 to vector<16xi32>
          %add3A_379 = arith.addi %add3A_378, %iota3A : vector<16xi32>
          %gather3A_380 = tpu.vector_load_idx %arg8[%add3A_379] : memref<9728xi32, #tpu.memory_space<vmem>>[vector<16xi32>], vector<16xi32>,
          %min3A_381 = arith.constant 9471 : i32
          %min3A_382 = vector.broadcast %min3A_381 : i32 to vector<16xi32>
          %min3A_383 = arith.minsi %gather3A_380, %min3A_382 : vector<16xi32>
          %gather3A_384 = tpu.vector_load_idx %arg7[%min3A_383] : memref<9472xi32, #tpu.memory_space<vmem>>[vector<16xi32>], vector<16xi32>,
          %gather3A_385 = tpu.vector_load_idx %arg6[%min3A_383] : memref<9472xi32, #tpu.memory_space<vmem>>[vector<16xi32>], vector<16xi32>,
          %ge3A_386 = arith.constant 9472 : i32
          %ge3A_387 = vector.broadcast %ge3A_386 : i32 to vector<16xi32>
          %ge3A_388 = arith.cmpi sge, %gather3A_380, %ge3A_387 : vector<16xi32>
          %sub3A_389 = vector.broadcast %add3A_158 : i32 to vector<16xi32>
          %sub3A_390 = arith.subi %gather3A_385, %sub3A_389 : vector<16xi32>
          %jit3A_391 = arith.constant 8576 : i32
          %broadcast_in_dim3A_392 = vector.broadcast %jit3A_391 : i32 to vector<16xi32>
          %select_n3A_393 = arith.select %ge3A_388, %broadcast_in_dim3A_392, %sub3A_390 : vector<16xi1>, vector<16xi32>
          %swap3A_394 = arith.constant 1 : i32
          %swap3A_395 = arith.constant 0 : i32
          %swap3A_396 = tpu.memref_slice %arg9[%swap3A_394, %swap3A_395] : memref<2x128xi32, #tpu.memory_space<vmem>> -> memref<1x128xi32, #tpu.memory_space<vmem>>
          %swap3A_397 = tpu.memref_squeeze %swap3A_396 : memref<1x128xi32, #tpu.memory_space<vmem>> -> memref<128xi32, #tpu.memory_space<vmem>>
          %swap3A_398 = arith.constant 16 : index
          %swap3A_399 = tpu.vector_load %swap3A_397[%swap3A_398] {strides = array<i32>} : memref<128xi32, #tpu.memory_space<vmem>>, vector<16xi32>,
          tpu.vector_store %swap3A_397[%swap3A_398], %gather3A_384 {strides = array<i32>} : memref<128xi32, #tpu.memory_space<vmem>>, vector<16xi32>,
          %swap3A_400 = arith.constant 1 : i32
          %swap3A_401 = arith.constant 0 : i32
          %swap3A_402 = tpu.memref_slice %arg10[%swap3A_400, %swap3A_401] : memref<2x128xi32, #tpu.memory_space<vmem>> -> memref<1x128xi32, #tpu.memory_space<vmem>>
          %swap3A_403 = tpu.memref_squeeze %swap3A_402 : memref<1x128xi32, #tpu.memory_space<vmem>> -> memref<128xi32, #tpu.memory_space<vmem>>
          %swap3A_404 = arith.constant 16 : index
          %swap3A_405 = tpu.vector_load %swap3A_403[%swap3A_404] {strides = array<i32>} : memref<128xi32, #tpu.memory_space<vmem>>, vector<16xi32>,
          tpu.vector_store %swap3A_403[%swap3A_404], %select_n3A_393 {strides = array<i32>} : memref<128xi32, #tpu.memory_space<vmem>>, vector<16xi32>,
          %mul3A_406 = arith.constant 128 : i32
          %mul3A_407 = arith.muli %add3A_309, %mul3A_406 : i32
          %add3A_408 = arith.constant 32 : i32
          %add3A_409 = arith.addi %mul3A_407, %add3A_408 : i32
          %add3A_410 = vector.broadcast %add3A_409 : i32 to vector<16xi32>
          %add3A_411 = arith.addi %add3A_410, %iota3A : vector<16xi32>
          %gather3A_412 = tpu.vector_load_idx %arg8[%add3A_411] : memref<9728xi32, #tpu.memory_space<vmem>>[vector<16xi32>], vector<16xi32>,
          %min3A_413 = arith.constant 9471 : i32
          %min3A_414 = vector.broadcast %min3A_413 : i32 to vector<16xi32>
          %min3A_415 = arith.minsi %gather3A_412, %min3A_414 : vector<16xi32>
          %gather3A_416 = tpu.vector_load_idx %arg7[%min3A_415] : memref<9472xi32, #tpu.memory_space<vmem>>[vector<16xi32>], vector<16xi32>,
          %gather3A_417 = tpu.vector_load_idx %arg6[%min3A_415] : memref<9472xi32, #tpu.memory_space<vmem>>[vector<16xi32>], vector<16xi32>,
          %ge3A_418 = arith.constant 9472 : i32
          %ge3A_419 = vector.broadcast %ge3A_418 : i32 to vector<16xi32>
          %ge3A_420 = arith.cmpi sge, %gather3A_412, %ge3A_419 : vector<16xi32>
          %sub3A_421 = vector.broadcast %add3A_158 : i32 to vector<16xi32>
          %sub3A_422 = arith.subi %gather3A_417, %sub3A_421 : vector<16xi32>
          %jit3A_423 = arith.constant 8576 : i32
          %broadcast_in_dim3A_424 = vector.broadcast %jit3A_423 : i32 to vector<16xi32>
          %select_n3A_425 = arith.select %ge3A_420, %broadcast_in_dim3A_424, %sub3A_422 : vector<16xi1>, vector<16xi32>
          %swap3A_426 = arith.constant 1 : i32
          %swap3A_427 = arith.constant 0 : i32
          %swap3A_428 = tpu.memref_slice %arg9[%swap3A_426, %swap3A_427] : memref<2x128xi32, #tpu.memory_space<vmem>> -> memref<1x128xi32, #tpu.memory_space<vmem>>
          %swap3A_429 = tpu.memref_squeeze %swap3A_428 : memref<1x128xi32, #tpu.memory_space<vmem>> -> memref<128xi32, #tpu.memory_space<vmem>>
          %swap3A_430 = arith.constant 32 : index
          %swap3A_431 = tpu.vector_load %swap3A_429[%swap3A_430] {strides = array<i32>} : memref<128xi32, #tpu.memory_space<vmem>>, vector<16xi32>,
          tpu.vector_store %swap3A_429[%swap3A_430], %gather3A_416 {strides = array<i32>} : memref<128xi32, #tpu.memory_space<vmem>>, vector<16xi32>,
          %swap3A_432 = arith.constant 1 : i32
          %swap3A_433 = arith.constant 0 : i32
          %swap3A_434 = tpu.memref_slice %arg10[%swap3A_432, %swap3A_433] : memref<2x128xi32, #tpu.memory_space<vmem>> -> memref<1x128xi32, #tpu.memory_space<vmem>>
          %swap3A_435 = tpu.memref_squeeze %swap3A_434 : memref<1x128xi32, #tpu.memory_space<vmem>> -> memref<128xi32, #tpu.memory_space<vmem>>
          %swap3A_436 = arith.constant 32 : index
          %swap3A_437 = tpu.vector_load %swap3A_435[%swap3A_436] {strides = array<i32>} : memref<128xi32, #tpu.memory_space<vmem>>, vector<16xi32>,
          tpu.vector_store %swap3A_435[%swap3A_436], %select_n3A_425 {strides = array<i32>} : memref<128xi32, #tpu.memory_space<vmem>>, vector<16xi32>,
          %mul3A_438 = arith.constant 128 : i32
          %mul3A_439 = arith.muli %add3A_309, %mul3A_438 : i32
          %add3A_440 = arith.constant 48 : i32
          %add3A_441 = arith.addi %mul3A_439, %add3A_440 : i32
          %add3A_442 = vector.broadcast %add3A_441 : i32 to vector<16xi32>
          %add3A_443 = arith.addi %add3A_442, %iota3A : vector<16xi32>
          %gather3A_444 = tpu.vector_load_idx %arg8[%add3A_443] : memref<9728xi32, #tpu.memory_space<vmem>>[vector<16xi32>], vector<16xi32>,
          %min3A_445 = arith.constant 9471 : i32
          %min3A_446 = vector.broadcast %min3A_445 : i32 to vector<16xi32>
          %min3A_447 = arith.minsi %gather3A_444, %min3A_446 : vector<16xi32>
          %gather3A_448 = tpu.vector_load_idx %arg7[%min3A_447] : memref<9472xi32, #tpu.memory_space<vmem>>[vector<16xi32>], vector<16xi32>,
          %gather3A_449 = tpu.vector_load_idx %arg6[%min3A_447] : memref<9472xi32, #tpu.memory_space<vmem>>[vector<16xi32>], vector<16xi32>,
          %ge3A_450 = arith.constant 9472 : i32
          %ge3A_451 = vector.broadcast %ge3A_450 : i32 to vector<16xi32>
          %ge3A_452 = arith.cmpi sge, %gather3A_444, %ge3A_451 : vector<16xi32>
          %sub3A_453 = vector.broadcast %add3A_158 : i32 to vector<16xi32>
          %sub3A_454 = arith.subi %gather3A_449, %sub3A_453 : vector<16xi32>
          %jit3A_455 = arith.constant 8576 : i32
          %broadcast_in_dim3A_456 = vector.broadcast %jit3A_455 : i32 to vector<16xi32>
          %select_n3A_457 = arith.select %ge3A_452, %broadcast_in_dim3A_456, %sub3A_454 : vector<16xi1>, vector<16xi32>
          %swap3A_458 = arith.constant 1 : i32
          %swap3A_459 = arith.constant 0 : i32
          %swap3A_460 = tpu.memref_slice %arg9[%swap3A_458, %swap3A_459] : memref<2x128xi32, #tpu.memory_space<vmem>> -> memref<1x128xi32, #tpu.memory_space<vmem>>
          %swap3A_461 = tpu.memref_squeeze %swap3A_460 : memref<1x128xi32, #tpu.memory_space<vmem>> -> memref<128xi32, #tpu.memory_space<vmem>>
          %swap3A_462 = arith.constant 48 : index
          %swap3A_463 = tpu.vector_load %swap3A_461[%swap3A_462] {strides = array<i32>} : memref<128xi32, #tpu.memory_space<vmem>>, vector<16xi32>,
          tpu.vector_store %swap3A_461[%swap3A_462], %gather3A_448 {strides = array<i32>} : memref<128xi32, #tpu.memory_space<vmem>>, vector<16xi32>,
          %swap3A_464 = arith.constant 1 : i32
          %swap3A_465 = arith.constant 0 : i32
          %swap3A_466 = tpu.memref_slice %arg10[%swap3A_464, %swap3A_465] : memref<2x128xi32, #tpu.memory_space<vmem>> -> memref<1x128xi32, #tpu.memory_space<vmem>>
          %swap3A_467 = tpu.memref_squeeze %swap3A_466 : memref<1x128xi32, #tpu.memory_space<vmem>> -> memref<128xi32, #tpu.memory_space<vmem>>
          %swap3A_468 = arith.constant 48 : index
          %swap3A_469 = tpu.vector_load %swap3A_467[%swap3A_468] {strides = array<i32>} : memref<128xi32, #tpu.memory_space<vmem>>, vector<16xi32>,
          tpu.vector_store %swap3A_467[%swap3A_468], %select_n3A_457 {strides = array<i32>} : memref<128xi32, #tpu.memory_space<vmem>>, vector<16xi32>,
          %mul3A_470 = arith.constant 128 : i32
          %mul3A_471 = arith.muli %add3A_309, %mul3A_470 : i32
          %add3A_472 = arith.constant 64 : i32
          %add3A_473 = arith.addi %mul3A_471, %add3A_472 : i32
          %add3A_474 = vector.broadcast %add3A_473 : i32 to vector<16xi32>
          %add3A_475 = arith.addi %add3A_474, %iota3A : vector<16xi32>
          %gather3A_476 = tpu.vector_load_idx %arg8[%add3A_475] : memref<9728xi32, #tpu.memory_space<vmem>>[vector<16xi32>], vector<16xi32>,
          %min3A_477 = arith.constant 9471 : i32
          %min3A_478 = vector.broadcast %min3A_477 : i32 to vector<16xi32>
          %min3A_479 = arith.minsi %gather3A_476, %min3A_478 : vector<16xi32>
          %gather3A_480 = tpu.vector_load_idx %arg7[%min3A_479] : memref<9472xi32, #tpu.memory_space<vmem>>[vector<16xi32>], vector<16xi32>,
          %gather3A_481 = tpu.vector_load_idx %arg6[%min3A_479] : memref<9472xi32, #tpu.memory_space<vmem>>[vector<16xi32>], vector<16xi32>,
          %ge3A_482 = arith.constant 9472 : i32
          %ge3A_483 = vector.broadcast %ge3A_482 : i32 to vector<16xi32>
          %ge3A_484 = arith.cmpi sge, %gather3A_476, %ge3A_483 : vector<16xi32>
          %sub3A_485 = vector.broadcast %add3A_158 : i32 to vector<16xi32>
          %sub3A_486 = arith.subi %gather3A_481, %sub3A_485 : vector<16xi32>
          %jit3A_487 = arith.constant 8576 : i32
          %broadcast_in_dim3A_488 = vector.broadcast %jit3A_487 : i32 to vector<16xi32>
          %select_n3A_489 = arith.select %ge3A_484, %broadcast_in_dim3A_488, %sub3A_486 : vector<16xi1>, vector<16xi32>
          %swap3A_490 = arith.constant 1 : i32
          %swap3A_491 = arith.constant 0 : i32
          %swap3A_492 = tpu.memref_slice %arg9[%swap3A_490, %swap3A_491] : memref<2x128xi32, #tpu.memory_space<vmem>> -> memref<1x128xi32, #tpu.memory_space<vmem>>
          %swap3A_493 = tpu.memref_squeeze %swap3A_492 : memref<1x128xi32, #tpu.memory_space<vmem>> -> memref<128xi32, #tpu.memory_space<vmem>>
          %swap3A_494 = arith.constant 64 : index
          %swap3A_495 = tpu.vector_load %swap3A_493[%swap3A_494] {strides = array<i32>} : memref<128xi32, #tpu.memory_space<vmem>>, vector<16xi32>,
          tpu.vector_store %swap3A_493[%swap3A_494], %gather3A_480 {strides = array<i32>} : memref<128xi32, #tpu.memory_space<vmem>>, vector<16xi32>,
          %swap3A_496 = arith.constant 1 : i32
          %swap3A_497 = arith.constant 0 : i32
          %swap3A_498 = tpu.memref_slice %arg10[%swap3A_496, %swap3A_497] : memref<2x128xi32, #tpu.memory_space<vmem>> -> memref<1x128xi32, #tpu.memory_space<vmem>>
          %swap3A_499 = tpu.memref_squeeze %swap3A_498 : memref<1x128xi32, #tpu.memory_space<vmem>> -> memref<128xi32, #tpu.memory_space<vmem>>
          %swap3A_500 = arith.constant 64 : index
          %swap3A_501 = tpu.vector_load %swap3A_499[%swap3A_500] {strides = array<i32>} : memref<128xi32, #tpu.memory_space<vmem>>, vector<16xi32>,
          tpu.vector_store %swap3A_499[%swap3A_500], %select_n3A_489 {strides = array<i32>} : memref<128xi32, #tpu.memory_space<vmem>>, vector<16xi32>,
          %mul3A_502 = arith.constant 128 : i32
          %mul3A_503 = arith.muli %add3A_309, %mul3A_502 : i32
          %add3A_504 = arith.constant 80 : i32
          %add3A_505 = arith.addi %mul3A_503, %add3A_504 : i32
          %add3A_506 = vector.broadcast %add3A_505 : i32 to vector<16xi32>
          %add3A_507 = arith.addi %add3A_506, %iota3A : vector<16xi32>
          %gather3A_508 = tpu.vector_load_idx %arg8[%add3A_507] : memref<9728xi32, #tpu.memory_space<vmem>>[vector<16xi32>], vector<16xi32>,
          %min3A_509 = arith.constant 9471 : i32
          %min3A_510 = vector.broadcast %min3A_509 : i32 to vector<16xi32>
          %min3A_511 = arith.minsi %gather3A_508, %min3A_510 : vector<16xi32>
          %gather3A_512 = tpu.vector_load_idx %arg7[%min3A_511] : memref<9472xi32, #tpu.memory_space<vmem>>[vector<16xi32>], vector<16xi32>,
          %gather3A_513 = tpu.vector_load_idx %arg6[%min3A_511] : memref<9472xi32, #tpu.memory_space<vmem>>[vector<16xi32>], vector<16xi32>,
          %ge3A_514 = arith.constant 9472 : i32
          %ge3A_515 = vector.broadcast %ge3A_514 : i32 to vector<16xi32>
          %ge3A_516 = arith.cmpi sge, %gather3A_508, %ge3A_515 : vector<16xi32>
          %sub3A_517 = vector.broadcast %add3A_158 : i32 to vector<16xi32>
          %sub3A_518 = arith.subi %gather3A_513, %sub3A_517 : vector<16xi32>
          %jit3A_519 = arith.constant 8576 : i32
          %broadcast_in_dim3A_520 = vector.broadcast %jit3A_519 : i32 to vector<16xi32>
          %select_n3A_521 = arith.select %ge3A_516, %broadcast_in_dim3A_520, %sub3A_518 : vector<16xi1>, vector<16xi32>
          %swap3A_522 = arith.constant 1 : i32
          %swap3A_523 = arith.constant 0 : i32
          %swap3A_524 = tpu.memref_slice %arg9[%swap3A_522, %swap3A_523] : memref<2x128xi32, #tpu.memory_space<vmem>> -> memref<1x128xi32, #tpu.memory_space<vmem>>
          %swap3A_525 = tpu.memref_squeeze %swap3A_524 : memref<1x128xi32, #tpu.memory_space<vmem>> -> memref<128xi32, #tpu.memory_space<vmem>>
          %swap3A_526 = arith.constant 80 : index
          %swap3A_527 = tpu.vector_load %swap3A_525[%swap3A_526] {strides = array<i32>} : memref<128xi32, #tpu.memory_space<vmem>>, vector<16xi32>,
          tpu.vector_store %swap3A_525[%swap3A_526], %gather3A_512 {strides = array<i32>} : memref<128xi32, #tpu.memory_space<vmem>>, vector<16xi32>,
          %swap3A_528 = arith.constant 1 : i32
          %swap3A_529 = arith.constant 0 : i32
          %swap3A_530 = tpu.memref_slice %arg10[%swap3A_528, %swap3A_529] : memref<2x128xi32, #tpu.memory_space<vmem>> -> memref<1x128xi32, #tpu.memory_space<vmem>>
          %swap3A_531 = tpu.memref_squeeze %swap3A_530 : memref<1x128xi32, #tpu.memory_space<vmem>> -> memref<128xi32, #tpu.memory_space<vmem>>
          %swap3A_532 = arith.constant 80 : index
          %swap3A_533 = tpu.vector_load %swap3A_531[%swap3A_532] {strides = array<i32>} : memref<128xi32, #tpu.memory_space<vmem>>, vector<16xi32>,
          tpu.vector_store %swap3A_531[%swap3A_532], %select_n3A_521 {strides = array<i32>} : memref<128xi32, #tpu.memory_space<vmem>>, vector<16xi32>,
          %mul3A_534 = arith.constant 128 : i32
          %mul3A_535 = arith.muli %add3A_309, %mul3A_534 : i32
          %add3A_536 = arith.constant 96 : i32
          %add3A_537 = arith.addi %mul3A_535, %add3A_536 : i32
          %add3A_538 = vector.broadcast %add3A_537 : i32 to vector<16xi32>
          %add3A_539 = arith.addi %add3A_538, %iota3A : vector<16xi32>
          %gather3A_540 = tpu.vector_load_idx %arg8[%add3A_539] : memref<9728xi32, #tpu.memory_space<vmem>>[vector<16xi32>], vector<16xi32>,
          %min3A_541 = arith.constant 9471 : i32
          %min3A_542 = vector.broadcast %min3A_541 : i32 to vector<16xi32>
          %min3A_543 = arith.minsi %gather3A_540, %min3A_542 : vector<16xi32>
          %gather3A_544 = tpu.vector_load_idx %arg7[%min3A_543] : memref<9472xi32, #tpu.memory_space<vmem>>[vector<16xi32>], vector<16xi32>,
          %gather3A_545 = tpu.vector_load_idx %arg6[%min3A_543] : memref<9472xi32, #tpu.memory_space<vmem>>[vector<16xi32>], vector<16xi32>,
          %ge3A_546 = arith.constant 9472 : i32
          %ge3A_547 = vector.broadcast %ge3A_546 : i32 to vector<16xi32>
          %ge3A_548 = arith.cmpi sge, %gather3A_540, %ge3A_547 : vector<16xi32>
          %sub3A_549 = vector.broadcast %add3A_158 : i32 to vector<16xi32>
          %sub3A_550 = arith.subi %gather3A_545, %sub3A_549 : vector<16xi32>
          %jit3A_551 = arith.constant 8576 : i32
          %broadcast_in_dim3A_552 = vector.broadcast %jit3A_551 : i32 to vector<16xi32>
          %select_n3A_553 = arith.select %ge3A_548, %broadcast_in_dim3A_552, %sub3A_550 : vector<16xi1>, vector<16xi32>
          %swap3A_554 = arith.constant 1 : i32
          %swap3A_555 = arith.constant 0 : i32
          %swap3A_556 = tpu.memref_slice %arg9[%swap3A_554, %swap3A_555] : memref<2x128xi32, #tpu.memory_space<vmem>> -> memref<1x128xi32, #tpu.memory_space<vmem>>
          %swap3A_557 = tpu.memref_squeeze %swap3A_556 : memref<1x128xi32, #tpu.memory_space<vmem>> -> memref<128xi32, #tpu.memory_space<vmem>>
          %swap3A_558 = arith.constant 96 : index
          %swap3A_559 = tpu.vector_load %swap3A_557[%swap3A_558] {strides = array<i32>} : memref<128xi32, #tpu.memory_space<vmem>>, vector<16xi32>,
          tpu.vector_store %swap3A_557[%swap3A_558], %gather3A_544 {strides = array<i32>} : memref<128xi32, #tpu.memory_space<vmem>>, vector<16xi32>,
          %swap3A_560 = arith.constant 1 : i32
          %swap3A_561 = arith.constant 0 : i32
          %swap3A_562 = tpu.memref_slice %arg10[%swap3A_560, %swap3A_561] : memref<2x128xi32, #tpu.memory_space<vmem>> -> memref<1x128xi32, #tpu.memory_space<vmem>>
          %swap3A_563 = tpu.memref_squeeze %swap3A_562 : memref<1x128xi32, #tpu.memory_space<vmem>> -> memref<128xi32, #tpu.memory_space<vmem>>
          %swap3A_564 = arith.constant 96 : index
          %swap3A_565 = tpu.vector_load %swap3A_563[%swap3A_564] {strides = array<i32>} : memref<128xi32, #tpu.memory_space<vmem>>, vector<16xi32>,
          tpu.vector_store %swap3A_563[%swap3A_564], %select_n3A_553 {strides = array<i32>} : memref<128xi32, #tpu.memory_space<vmem>>, vector<16xi32>,
          %mul3A_566 = arith.constant 128 : i32
          %mul3A_567 = arith.muli %add3A_309, %mul3A_566 : i32
          %add3A_568 = arith.constant 112 : i32
          %add3A_569 = arith.addi %mul3A_567, %add3A_568 : i32
          %add3A_570 = vector.broadcast %add3A_569 : i32 to vector<16xi32>
          %add3A_571 = arith.addi %add3A_570, %iota3A : vector<16xi32>
          %gather3A_572 = tpu.vector_load_idx %arg8[%add3A_571] : memref<9728xi32, #tpu.memory_space<vmem>>[vector<16xi32>], vector<16xi32>,
          %min3A_573 = arith.constant 9471 : i32
          %min3A_574 = vector.broadcast %min3A_573 : i32 to vector<16xi32>
          %min3A_575 = arith.minsi %gather3A_572, %min3A_574 : vector<16xi32>
          %gather3A_576 = tpu.vector_load_idx %arg7[%min3A_575] : memref<9472xi32, #tpu.memory_space<vmem>>[vector<16xi32>], vector<16xi32>,
          %gather3A_577 = tpu.vector_load_idx %arg6[%min3A_575] : memref<9472xi32, #tpu.memory_space<vmem>>[vector<16xi32>], vector<16xi32>,
          %ge3A_578 = arith.constant 9472 : i32
          %ge3A_579 = vector.broadcast %ge3A_578 : i32 to vector<16xi32>
          %ge3A_580 = arith.cmpi sge, %gather3A_572, %ge3A_579 : vector<16xi32>
          %sub3A_581 = vector.broadcast %add3A_158 : i32 to vector<16xi32>
          %sub3A_582 = arith.subi %gather3A_577, %sub3A_581 : vector<16xi32>
          %jit3A_583 = arith.constant 8576 : i32
          %broadcast_in_dim3A_584 = vector.broadcast %jit3A_583 : i32 to vector<16xi32>
          %select_n3A_585 = arith.select %ge3A_580, %broadcast_in_dim3A_584, %sub3A_582 : vector<16xi1>, vector<16xi32>
          %swap3A_586 = arith.constant 1 : i32
          %swap3A_587 = arith.constant 0 : i32
          %swap3A_588 = tpu.memref_slice %arg9[%swap3A_586, %swap3A_587] : memref<2x128xi32, #tpu.memory_space<vmem>> -> memref<1x128xi32, #tpu.memory_space<vmem>>
          %swap3A_589 = tpu.memref_squeeze %swap3A_588 : memref<1x128xi32, #tpu.memory_space<vmem>> -> memref<128xi32, #tpu.memory_space<vmem>>
          %swap3A_590 = arith.constant 112 : index
          %swap3A_591 = tpu.vector_load %swap3A_589[%swap3A_590] {strides = array<i32>} : memref<128xi32, #tpu.memory_space<vmem>>, vector<16xi32>,
          tpu.vector_store %swap3A_589[%swap3A_590], %gather3A_576 {strides = array<i32>} : memref<128xi32, #tpu.memory_space<vmem>>, vector<16xi32>,
          %swap3A_592 = arith.constant 1 : i32
          %swap3A_593 = arith.constant 0 : i32
          %swap3A_594 = tpu.memref_slice %arg10[%swap3A_592, %swap3A_593] : memref<2x128xi32, #tpu.memory_space<vmem>> -> memref<1x128xi32, #tpu.memory_space<vmem>>
          %swap3A_595 = tpu.memref_squeeze %swap3A_594 : memref<1x128xi32, #tpu.memory_space<vmem>> -> memref<128xi32, #tpu.memory_space<vmem>>
          %swap3A_596 = arith.constant 112 : index
          %swap3A_597 = tpu.vector_load %swap3A_595[%swap3A_596] {strides = array<i32>} : memref<128xi32, #tpu.memory_space<vmem>>, vector<16xi32>,
          tpu.vector_store %swap3A_595[%swap3A_596], %select_n3A_585 {strides = array<i32>} : memref<128xi32, #tpu.memory_space<vmem>>, vector<16xi32>,
          %dma_start3A_598 = arith.constant 1 : i32
          %dma_start3A_599 = arith.constant 1 : i32
          %dma_start3A_600 = arith.constant 1 : i32
          %dma_start3A_601 = arith.constant 0 : i32
          %dma_start3A_602 = arith.constant 0 : i32
          %dma_start3A_603 = tpu.memref_slice %arg11[%dma_start3A_599, %dma_start3A_601, %dma_start3A_602] : memref<2x128x128xf32, #tpu.memory_space<vmem>> -> memref<1x128x128xf32, #tpu.memory_space<vmem>>
          %dma_start3A_604 = tpu.memref_squeeze %dma_start3A_603 : memref<1x128x128xf32, #tpu.memory_space<vmem>> -> memref<128x128xf32, #tpu.memory_space<vmem>>
          %dma_start3A_605 = arith.constant 0 : i32
          %dma_start3A_606 = tpu.memref_slice %arg9[%dma_start3A_598, %dma_start3A_605] : memref<2x128xi32, #tpu.memory_space<vmem>> -> memref<1x128xi32, #tpu.memory_space<vmem>>
          %dma_start3A_607 = tpu.memref_squeeze %dma_start3A_606 : memref<1x128xi32, #tpu.memory_space<vmem>> -> memref<128xi32, #tpu.memory_space<vmem>>
          %dma_start3A_608 = arith.constant 0 : i32
          %dma_start3A_609 = arith.constant 0 : i32
          %dma_start3A_610 = tpu.memref_slice %arg2[%dma_start3A_608, %dma_start3A_609] : memref<200000x128xf32, #tpu.memory_space<hbm>> -> memref<200000x128xf32, #tpu.memory_space<hbm>>
          %dma_start3A_611 = tpu.memref_slice %arg13[%dma_start3A_600] : memref<2x!tpu.dma_semaphore, #tpu.memory_space<semaphore_mem>> -> memref<1x!tpu.dma_semaphore, #tpu.memory_space<semaphore_mem>>
          %dma_start3A_612 = tpu.memref_squeeze %dma_start3A_611 : memref<1x!tpu.dma_semaphore, #tpu.memory_space<semaphore_mem>> -> memref<!tpu.dma_semaphore, #tpu.memory_space<semaphore_mem>>
          tpu.enqueue_indirect_dma source(%dma_start3A_610 : memref<200000x128xf32, #tpu.memory_space<hbm>>) target(%dma_start3A_604 : memref<128x128xf32, #tpu.memory_space<vmem>>) offsets(%dma_start3A_607 : memref<128xi32, #tpu.memory_space<vmem>>) semaphore(%dma_start3A_612 : memref<!tpu.dma_semaphore, #tpu.memory_space<semaphore_mem>>)
        } else {
        }
        %mul3A_314 = arith.constant 2 : i32
        %mul3A_315 = arith.muli %while3A_297, %mul3A_314 : i32
        %add3A_316 = arith.constant 0 : i32
        %add3A_317 = arith.addi %mul3A_315, %add3A_316 : i32
        %lt3A_318 = arith.cmpi slt, %add3A_317, %select_n3A_255 : i32
        %convert_element_type3A_319 = arith.extui %lt3A_318 : i1 to i32
        %cond3A_320 = arith.constant 0 : i32
        %cond3A_321 = arith.cmpi ne, %convert_element_type3A_319, %cond3A_320 : i32
        scf.if %cond3A_321 {
          %dma_wait3A_346 = arith.constant 0 : i32
          %dma_wait3A_347 = arith.constant 0 : i32
          %dma_wait3A_348 = arith.constant 0 : i32
          %dma_wait3A_349 = arith.constant 0 : i32
          %dma_wait3A_350 = arith.constant 0 : i32
          %dma_wait3A_351 = tpu.memref_slice %arg11[%dma_wait3A_347, %dma_wait3A_349, %dma_wait3A_350] : memref<2x128x128xf32, #tpu.memory_space<vmem>> -> memref<1x128x128xf32, #tpu.memory_space<vmem>>
          %dma_wait3A_352 = tpu.memref_squeeze %dma_wait3A_351 : memref<1x128x128xf32, #tpu.memory_space<vmem>> -> memref<128x128xf32, #tpu.memory_space<vmem>>
          %dma_wait3A_353 = arith.constant 0 : i32
          %dma_wait3A_354 = tpu.memref_slice %arg9[%dma_wait3A_346, %dma_wait3A_353] : memref<2x128xi32, #tpu.memory_space<vmem>> -> memref<1x128xi32, #tpu.memory_space<vmem>>
          %dma_wait3A_355 = tpu.memref_squeeze %dma_wait3A_354 : memref<1x128xi32, #tpu.memory_space<vmem>> -> memref<128xi32, #tpu.memory_space<vmem>>
          %dma_wait3A_356 = arith.constant 0 : i32
          %dma_wait3A_357 = arith.constant 0 : i32
          %dma_wait3A_358 = tpu.memref_slice %arg2[%dma_wait3A_356, %dma_wait3A_357] : memref<200000x128xf32, #tpu.memory_space<hbm>> -> memref<200000x128xf32, #tpu.memory_space<hbm>>
          %dma_wait3A_359 = tpu.memref_slice %arg13[%dma_wait3A_348] : memref<2x!tpu.dma_semaphore, #tpu.memory_space<semaphore_mem>> -> memref<1x!tpu.dma_semaphore, #tpu.memory_space<semaphore_mem>>
          %dma_wait3A_360 = tpu.memref_squeeze %dma_wait3A_359 : memref<1x!tpu.dma_semaphore, #tpu.memory_space<semaphore_mem>> -> memref<!tpu.dma_semaphore, #tpu.memory_space<semaphore_mem>>
          tpu.wait_indirect_dma semaphore(%dma_wait3A_360 : memref<!tpu.dma_semaphore, #tpu.memory_space<semaphore_mem>>) src(%dma_wait3A_358 : memref<200000x128xf32, #tpu.memory_space<hbm>>) dst(%dma_wait3A_352 : memref<128x128xf32, #tpu.memory_space<vmem>>)
          %dma_start3A_361 = arith.constant 0 : i32
          %dma_start3A_362 = arith.constant 0 : i32
          %dma_start3A_363 = arith.constant 0 : i32
          %dma_start3A_364 = arith.constant 0 : i32
          %dma_start3A_365 = arith.constant 0 : i32
          %dma_start3A_366 = tpu.memref_slice %arg11[%dma_start3A_361, %dma_start3A_364, %dma_start3A_365] : memref<2x128x128xf32, #tpu.memory_space<vmem>> -> memref<1x128x128xf32, #tpu.memory_space<vmem>>
          %dma_start3A_367 = tpu.memref_squeeze %dma_start3A_366 : memref<1x128x128xf32, #tpu.memory_space<vmem>> -> memref<128x128xf32, #tpu.memory_space<vmem>>
          %dma_start3A_368 = arith.constant 0 : i32
          %dma_start3A_369 = tpu.memref_slice %arg10[%dma_start3A_362, %dma_start3A_368] : memref<2x128xi32, #tpu.memory_space<vmem>> -> memref<1x128xi32, #tpu.memory_space<vmem>>
          %dma_start3A_370 = tpu.memref_squeeze %dma_start3A_369 : memref<1x128xi32, #tpu.memory_space<vmem>> -> memref<128xi32, #tpu.memory_space<vmem>>
          %dma_start3A_371 = arith.constant 0 : i32
          %dma_start3A_372 = arith.constant 0 : i32
          %dma_start3A_373 = tpu.memref_slice %arg12[%dma_start3A_371, %dma_start3A_372] : memref<8584x128xf32, #tpu.memory_space<vmem_shared>> -> memref<8584x128xf32, #tpu.memory_space<vmem_shared>>
          %dma_start3A_374 = tpu.memref_slice %arg14[%dma_start3A_363] : memref<2x!tpu.dma_semaphore, #tpu.memory_space<semaphore_mem>> -> memref<1x!tpu.dma_semaphore, #tpu.memory_space<semaphore_mem>>
          %dma_start3A_375 = tpu.memref_squeeze %dma_start3A_374 : memref<1x!tpu.dma_semaphore, #tpu.memory_space<semaphore_mem>> -> memref<!tpu.dma_semaphore, #tpu.memory_space<semaphore_mem>>
          tpu.enqueue_indirect_dma source(%dma_start3A_367 : memref<128x128xf32, #tpu.memory_space<vmem>>) target(%dma_start3A_373 : memref<8584x128xf32, #tpu.memory_space<vmem_shared>>) offsets(%dma_start3A_370 : memref<128xi32, #tpu.memory_space<vmem>>) semaphore(%dma_start3A_375 : memref<!tpu.dma_semaphore, #tpu.memory_space<semaphore_mem>>) {add = true}
        } else {
        }
        %mul3A_322 = arith.constant 2 : i32
        %mul3A_323 = arith.muli %while3A_297, %mul3A_322 : i32
        %add3A_324 = arith.constant 1 : i32
        %add3A_325 = arith.addi %mul3A_323, %add3A_324 : i32
        %lt3A_326 = arith.cmpi slt, %add3A_325, %select_n3A_255 : i32
        %convert_element_type3A_327 = arith.extui %lt3A_326 : i1 to i32
        %cond3A_328 = arith.constant 0 : i32
        %cond3A_329 = arith.cmpi ne, %convert_element_type3A_327, %cond3A_328 : i32
        scf.if %cond3A_329 {
          %dma_wait3A_346 = arith.constant 1 : i32
          %dma_wait3A_347 = arith.constant 1 : i32
          %dma_wait3A_348 = arith.constant 1 : i32
          %dma_wait3A_349 = arith.constant 0 : i32
          %dma_wait3A_350 = arith.constant 0 : i32
          %dma_wait3A_351 = tpu.memref_slice %arg11[%dma_wait3A_347, %dma_wait3A_349, %dma_wait3A_350] : memref<2x128x128xf32, #tpu.memory_space<vmem>> -> memref<1x128x128xf32, #tpu.memory_space<vmem>>
          %dma_wait3A_352 = tpu.memref_squeeze %dma_wait3A_351 : memref<1x128x128xf32, #tpu.memory_space<vmem>> -> memref<128x128xf32, #tpu.memory_space<vmem>>
          %dma_wait3A_353 = arith.constant 0 : i32
          %dma_wait3A_354 = tpu.memref_slice %arg9[%dma_wait3A_346, %dma_wait3A_353] : memref<2x128xi32, #tpu.memory_space<vmem>> -> memref<1x128xi32, #tpu.memory_space<vmem>>
          %dma_wait3A_355 = tpu.memref_squeeze %dma_wait3A_354 : memref<1x128xi32, #tpu.memory_space<vmem>> -> memref<128xi32, #tpu.memory_space<vmem>>
          %dma_wait3A_356 = arith.constant 0 : i32
          %dma_wait3A_357 = arith.constant 0 : i32
          %dma_wait3A_358 = tpu.memref_slice %arg2[%dma_wait3A_356, %dma_wait3A_357] : memref<200000x128xf32, #tpu.memory_space<hbm>> -> memref<200000x128xf32, #tpu.memory_space<hbm>>
          %dma_wait3A_359 = tpu.memref_slice %arg13[%dma_wait3A_348] : memref<2x!tpu.dma_semaphore, #tpu.memory_space<semaphore_mem>> -> memref<1x!tpu.dma_semaphore, #tpu.memory_space<semaphore_mem>>
          %dma_wait3A_360 = tpu.memref_squeeze %dma_wait3A_359 : memref<1x!tpu.dma_semaphore, #tpu.memory_space<semaphore_mem>> -> memref<!tpu.dma_semaphore, #tpu.memory_space<semaphore_mem>>
          tpu.wait_indirect_dma semaphore(%dma_wait3A_360 : memref<!tpu.dma_semaphore, #tpu.memory_space<semaphore_mem>>) src(%dma_wait3A_358 : memref<200000x128xf32, #tpu.memory_space<hbm>>) dst(%dma_wait3A_352 : memref<128x128xf32, #tpu.memory_space<vmem>>)
          %dma_start3A_361 = arith.constant 1 : i32
          %dma_start3A_362 = arith.constant 1 : i32
          %dma_start3A_363 = arith.constant 1 : i32
          %dma_start3A_364 = arith.constant 0 : i32
          %dma_start3A_365 = arith.constant 0 : i32
          %dma_start3A_366 = tpu.memref_slice %arg11[%dma_start3A_361, %dma_start3A_364, %dma_start3A_365] : memref<2x128x128xf32, #tpu.memory_space<vmem>> -> memref<1x128x128xf32, #tpu.memory_space<vmem>>
          %dma_start3A_367 = tpu.memref_squeeze %dma_start3A_366 : memref<1x128x128xf32, #tpu.memory_space<vmem>> -> memref<128x128xf32, #tpu.memory_space<vmem>>
          %dma_start3A_368 = arith.constant 0 : i32
          %dma_start3A_369 = tpu.memref_slice %arg10[%dma_start3A_362, %dma_start3A_368] : memref<2x128xi32, #tpu.memory_space<vmem>> -> memref<1x128xi32, #tpu.memory_space<vmem>>
          %dma_start3A_370 = tpu.memref_squeeze %dma_start3A_369 : memref<1x128xi32, #tpu.memory_space<vmem>> -> memref<128xi32, #tpu.memory_space<vmem>>
          %dma_start3A_371 = arith.constant 0 : i32
          %dma_start3A_372 = arith.constant 0 : i32
          %dma_start3A_373 = tpu.memref_slice %arg12[%dma_start3A_371, %dma_start3A_372] : memref<8584x128xf32, #tpu.memory_space<vmem_shared>> -> memref<8584x128xf32, #tpu.memory_space<vmem_shared>>
          %dma_start3A_374 = tpu.memref_slice %arg14[%dma_start3A_363] : memref<2x!tpu.dma_semaphore, #tpu.memory_space<semaphore_mem>> -> memref<1x!tpu.dma_semaphore, #tpu.memory_space<semaphore_mem>>
          %dma_start3A_375 = tpu.memref_squeeze %dma_start3A_374 : memref<1x!tpu.dma_semaphore, #tpu.memory_space<semaphore_mem>> -> memref<!tpu.dma_semaphore, #tpu.memory_space<semaphore_mem>>
          tpu.enqueue_indirect_dma source(%dma_start3A_367 : memref<128x128xf32, #tpu.memory_space<vmem>>) target(%dma_start3A_373 : memref<8584x128xf32, #tpu.memory_space<vmem_shared>>) offsets(%dma_start3A_370 : memref<128xi32, #tpu.memory_space<vmem>>) semaphore(%dma_start3A_375 : memref<!tpu.dma_semaphore, #tpu.memory_space<semaphore_mem>>) {add = true}
        } else {
        }
        %mul3A_330 = arith.constant 2 : i32
        %mul3A_331 = arith.muli %while3A_297, %mul3A_330 : i32
        %add3A_332 = arith.constant 0 : i32
        %add3A_333 = arith.addi %mul3A_331, %add3A_332 : i32
        %lt3A_334 = arith.cmpi slt, %add3A_333, %select_n3A_255 : i32
        %convert_element_type3A_335 = arith.extui %lt3A_334 : i1 to i32
        %cond3A_336 = arith.constant 0 : i32
        %cond3A_337 = arith.cmpi ne, %convert_element_type3A_335, %cond3A_336 : i32
        scf.if %cond3A_337 {
          %dma_wait3A_346 = arith.constant 0 : i32
          %dma_wait3A_347 = arith.constant 0 : i32
          %dma_wait3A_348 = arith.constant 0 : i32
          %dma_wait3A_349 = arith.constant 0 : i32
          %dma_wait3A_350 = arith.constant 0 : i32
          %dma_wait3A_351 = tpu.memref_slice %arg11[%dma_wait3A_346, %dma_wait3A_349, %dma_wait3A_350] : memref<2x128x128xf32, #tpu.memory_space<vmem>> -> memref<1x128x128xf32, #tpu.memory_space<vmem>>
          %dma_wait3A_352 = tpu.memref_squeeze %dma_wait3A_351 : memref<1x128x128xf32, #tpu.memory_space<vmem>> -> memref<128x128xf32, #tpu.memory_space<vmem>>
          %dma_wait3A_353 = arith.constant 0 : i32
          %dma_wait3A_354 = tpu.memref_slice %arg10[%dma_wait3A_347, %dma_wait3A_353] : memref<2x128xi32, #tpu.memory_space<vmem>> -> memref<1x128xi32, #tpu.memory_space<vmem>>
          %dma_wait3A_355 = tpu.memref_squeeze %dma_wait3A_354 : memref<1x128xi32, #tpu.memory_space<vmem>> -> memref<128xi32, #tpu.memory_space<vmem>>
          %dma_wait3A_356 = arith.constant 0 : i32
          %dma_wait3A_357 = arith.constant 0 : i32
          %dma_wait3A_358 = tpu.memref_slice %arg12[%dma_wait3A_356, %dma_wait3A_357] : memref<8584x128xf32, #tpu.memory_space<vmem_shared>> -> memref<8584x128xf32, #tpu.memory_space<vmem_shared>>
          %dma_wait3A_359 = tpu.memref_slice %arg14[%dma_wait3A_348] : memref<2x!tpu.dma_semaphore, #tpu.memory_space<semaphore_mem>> -> memref<1x!tpu.dma_semaphore, #tpu.memory_space<semaphore_mem>>
          %dma_wait3A_360 = tpu.memref_squeeze %dma_wait3A_359 : memref<1x!tpu.dma_semaphore, #tpu.memory_space<semaphore_mem>> -> memref<!tpu.dma_semaphore, #tpu.memory_space<semaphore_mem>>
          tpu.wait_indirect_dma semaphore(%dma_wait3A_360 : memref<!tpu.dma_semaphore, #tpu.memory_space<semaphore_mem>>) src(%dma_wait3A_352 : memref<128x128xf32, #tpu.memory_space<vmem>>) dst(%dma_wait3A_358 : memref<8584x128xf32, #tpu.memory_space<vmem_shared>>)
        } else {
        }
        %mul3A_338 = arith.constant 2 : i32
        %mul3A_339 = arith.muli %while3A_297, %mul3A_338 : i32
        %add3A_340 = arith.constant 1 : i32
        %add3A_341 = arith.addi %mul3A_339, %add3A_340 : i32
        %lt3A_342 = arith.cmpi slt, %add3A_341, %select_n3A_255 : i32
        %convert_element_type3A_343 = arith.extui %lt3A_342 : i1 to i32
        %cond3A_344 = arith.constant 0 : i32
        %cond3A_345 = arith.cmpi ne, %convert_element_type3A_343, %cond3A_344 : i32
        scf.if %cond3A_345 {
          %dma_wait3A_346 = arith.constant 1 : i32
          %dma_wait3A_347 = arith.constant 1 : i32
          %dma_wait3A_348 = arith.constant 1 : i32
          %dma_wait3A_349 = arith.constant 0 : i32
          %dma_wait3A_350 = arith.constant 0 : i32
          %dma_wait3A_351 = tpu.memref_slice %arg11[%dma_wait3A_346, %dma_wait3A_349, %dma_wait3A_350] : memref<2x128x128xf32, #tpu.memory_space<vmem>> -> memref<1x128x128xf32, #tpu.memory_space<vmem>>
          %dma_wait3A_352 = tpu.memref_squeeze %dma_wait3A_351 : memref<1x128x128xf32, #tpu.memory_space<vmem>> -> memref<128x128xf32, #tpu.memory_space<vmem>>
          %dma_wait3A_353 = arith.constant 0 : i32
          %dma_wait3A_354 = tpu.memref_slice %arg10[%dma_wait3A_347, %dma_wait3A_353] : memref<2x128xi32, #tpu.memory_space<vmem>> -> memref<1x128xi32, #tpu.memory_space<vmem>>
          %dma_wait3A_355 = tpu.memref_squeeze %dma_wait3A_354 : memref<1x128xi32, #tpu.memory_space<vmem>> -> memref<128xi32, #tpu.memory_space<vmem>>
          %dma_wait3A_356 = arith.constant 0 : i32
          %dma_wait3A_357 = arith.constant 0 : i32
          %dma_wait3A_358 = tpu.memref_slice %arg12[%dma_wait3A_356, %dma_wait3A_357] : memref<8584x128xf32, #tpu.memory_space<vmem_shared>> -> memref<8584x128xf32, #tpu.memory_space<vmem_shared>>
          %dma_wait3A_359 = tpu.memref_slice %arg14[%dma_wait3A_348] : memref<2x!tpu.dma_semaphore, #tpu.memory_space<semaphore_mem>> -> memref<1x!tpu.dma_semaphore, #tpu.memory_space<semaphore_mem>>
          %dma_wait3A_360 = tpu.memref_squeeze %dma_wait3A_359 : memref<1x!tpu.dma_semaphore, #tpu.memory_space<semaphore_mem>> -> memref<!tpu.dma_semaphore, #tpu.memory_space<semaphore_mem>>
          tpu.wait_indirect_dma semaphore(%dma_wait3A_360 : memref<!tpu.dma_semaphore, #tpu.memory_space<semaphore_mem>>) src(%dma_wait3A_352 : memref<128x128xf32, #tpu.memory_space<vmem>>) dst(%dma_wait3A_358 : memref<8584x128xf32, #tpu.memory_space<vmem_shared>>)
        } else {
        }
      }
      %barrier3A_294 = arith.constant 0 : index
      tpu.barrier barrier_id(%barrier3A_294)
      %mul3A_295 = arith.constant 536 : i32
      %mul3A_296 = arith.muli %arg1, %mul3A_295 : i32
      "tpu.region"() ({
        %run_scoped3A = tpu.sem_alloc : memref<!tpu.dma_semaphore, #tpu.memory_space<semaphore_mem>>
        %dma_start3A_297 = arith.constant 0 : i32
        %dma_start3A_298 = tpu.memref_slice %arg5[%add3A_161, %dma_start3A_297] : memref<200000x128xf32, #tpu.memory_space<hbm>> -> memref<536x128xf32, #tpu.memory_space<hbm>>
        %dma_start3A_299 = arith.constant 0 : i32
        %dma_start3A_300 = tpu.memref_slice %arg12[%mul3A_296, %dma_start3A_299] : memref<8584x128xf32, #tpu.memory_space<vmem_shared>> -> memref<536x128xf32, #tpu.memory_space<vmem_shared>>
        tpu.enqueue_dma source(%dma_start3A_300 : memref<536x128xf32, #tpu.memory_space<vmem_shared>>) target(%dma_start3A_298 : memref<536x128xf32, #tpu.memory_space<hbm>>) target_semaphore(%run_scoped3A : memref<!tpu.dma_semaphore, #tpu.memory_space<semaphore_mem>>)
        %dma_wait3A_301 = arith.constant 0 : i32
        %dma_wait3A_302 = tpu.memref_slice %arg5[%add3A_161, %dma_wait3A_301] : memref<200000x128xf32, #tpu.memory_space<hbm>> -> memref<536x128xf32, #tpu.memory_space<hbm>>
        %dma_wait3A_303 = arith.constant 0 : i32
        %dma_wait3A_304 = tpu.memref_slice %arg12[%mul3A_296, %dma_wait3A_303] : memref<8584x128xf32, #tpu.memory_space<vmem_shared>> -> memref<536x128xf32, #tpu.memory_space<vmem_shared>>
        tpu.wait_dma2 semaphore(%run_scoped3A : memref<!tpu.dma_semaphore, #tpu.memory_space<semaphore_mem>>) src(%dma_wait3A_304 : memref<536x128xf32, #tpu.memory_space<vmem_shared>>) dst(%dma_wait3A_302 : memref<536x128xf32, #tpu.memory_space<hbm>>)
        tpu.yield
      }) : () -> ()
    }
    %scan3A_5 = arith.constant 11 : i32
    %mul3A_6 = arith.constant 8576 : i32
    %mul3A_7 = arith.muli %arg0, %mul3A_6 : i32
    %add3A = arith.constant 188672 : i32
    %add3A_8 = arith.addi %add3A, %mul3A_7 : i32
    %mul3A_9 = arith.constant 536 : i32
    %mul3A_10 = arith.muli %arg1, %mul3A_9 : i32
    %add3A_11 = arith.addi %add3A_8, %mul3A_10 : i32
    %add3A_12 = arith.constant 536 : i32
    %add3A_13 = arith.addi %add3A_11, %add3A_12 : i32
    %le3A = arith.constant 200000 : i32
    %le3A_14 = arith.cmpi sle, %add3A_13, %le3A : i32
    %convert_element_type3A = arith.extui %le3A_14 : i1 to i32
    %cond3A = arith.constant 0 : i32
    %cond3A_15 = arith.cmpi ne, %convert_element_type3A, %cond3A : i32
    scf.if %cond3A_15 {
      %mul3A_153 = arith.constant 536 : i32
      %mul3A_154 = arith.muli %arg1, %mul3A_153 : i32
      "tpu.region"() ({
        %run_scoped3A = tpu.sem_alloc : memref<!tpu.dma_semaphore, #tpu.memory_space<semaphore_mem>>
        %dma_start3A = arith.constant 0 : i32
        %dma_start3A_155 = tpu.memref_slice %arg12[%mul3A_154, %dma_start3A] : memref<8584x128xf32, #tpu.memory_space<vmem_shared>> -> memref<536x128xf32, #tpu.memory_space<vmem_shared>>
        %dma_start3A_156 = arith.constant 0 : i32
        %dma_start3A_157 = tpu.memref_slice %arg2[%add3A_11, %dma_start3A_156] : memref<200000x128xf32, #tpu.memory_space<hbm>> -> memref<536x128xf32, #tpu.memory_space<hbm>>
        tpu.enqueue_dma source(%dma_start3A_157 : memref<536x128xf32, #tpu.memory_space<hbm>>) target(%dma_start3A_155 : memref<536x128xf32, #tpu.memory_space<vmem_shared>>) target_semaphore(%run_scoped3A : memref<!tpu.dma_semaphore, #tpu.memory_space<semaphore_mem>>)
        %dma_wait3A = arith.constant 0 : i32
        %dma_wait3A_158 = tpu.memref_slice %arg12[%mul3A_154, %dma_wait3A] : memref<8584x128xf32, #tpu.memory_space<vmem_shared>> -> memref<536x128xf32, #tpu.memory_space<vmem_shared>>
        %dma_wait3A_159 = arith.constant 0 : i32
        %dma_wait3A_160 = tpu.memref_slice %arg2[%add3A_11, %dma_wait3A_159] : memref<200000x128xf32, #tpu.memory_space<hbm>> -> memref<536x128xf32, #tpu.memory_space<hbm>>
        tpu.wait_dma2 semaphore(%run_scoped3A : memref<!tpu.dma_semaphore, #tpu.memory_space<semaphore_mem>>) src(%dma_wait3A_160 : memref<536x128xf32, #tpu.memory_space<hbm>>) dst(%dma_wait3A_158 : memref<536x128xf32, #tpu.memory_space<vmem_shared>>)
        tpu.yield
      }) : () -> ()
    } else {
    }
    %lt3A = arith.constant 200000 : i32
    %lt3A_16 = arith.cmpi slt, %add3A_11, %lt3A : i32
    %add3A_17 = arith.constant 536 : i32
    %add3A_18 = arith.addi %add3A_11, %add3A_17 : i32
    %gt3A = arith.constant 200000 : i32
    %gt3A_19 = arith.cmpi sgt, %add3A_18, %gt3A : i32
    %and3A = arith.andi %lt3A_16, %gt3A_19 : i1
    %convert_element_type3A_20 = arith.extui %and3A : i1 to i32
    %cond3A_21 = arith.constant 0 : i32
    %cond3A_22 = arith.cmpi ne, %convert_element_type3A_20, %cond3A_21 : i32
    scf.if %cond3A_22 {
      %mul3A_153 = arith.constant 536 : i32
      %mul3A_154 = arith.muli %arg1, %mul3A_153 : i32
      "tpu.region"() ({
        %run_scoped3A = tpu.sem_alloc : memref<!tpu.dma_semaphore, #tpu.memory_space<semaphore_mem>>
        %dma_start3A = arith.constant 0 : i32
        %dma_start3A_155 = tpu.memref_slice %arg12[%mul3A_154, %dma_start3A] : memref<8584x128xf32, #tpu.memory_space<vmem_shared>> -> memref<72x128xf32, #tpu.memory_space<vmem_shared>>
        %dma_start3A_156 = arith.constant 0 : i32
        %dma_start3A_157 = tpu.memref_slice %arg2[%add3A_11, %dma_start3A_156] : memref<200000x128xf32, #tpu.memory_space<hbm>> -> memref<72x128xf32, #tpu.memory_space<hbm>>
        tpu.enqueue_dma source(%dma_start3A_157 : memref<72x128xf32, #tpu.memory_space<hbm>>) target(%dma_start3A_155 : memref<72x128xf32, #tpu.memory_space<vmem_shared>>) target_semaphore(%run_scoped3A : memref<!tpu.dma_semaphore, #tpu.memory_space<semaphore_mem>>)
        %dma_wait3A = arith.constant 0 : i32
        %dma_wait3A_158 = tpu.memref_slice %arg12[%mul3A_154, %dma_wait3A] : memref<8584x128xf32, #tpu.memory_space<vmem_shared>> -> memref<72x128xf32, #tpu.memory_space<vmem_shared>>
        %dma_wait3A_159 = arith.constant 0 : i32
        %dma_wait3A_160 = tpu.memref_slice %arg2[%add3A_11, %dma_wait3A_159] : memref<200000x128xf32, #tpu.memory_space<hbm>> -> memref<72x128xf32, #tpu.memory_space<hbm>>
        tpu.wait_dma2 semaphore(%run_scoped3A : memref<!tpu.dma_semaphore, #tpu.memory_space<semaphore_mem>>) src(%dma_wait3A_160 : memref<72x128xf32, #tpu.memory_space<hbm>>) dst(%dma_wait3A_158 : memref<72x128xf32, #tpu.memory_space<vmem_shared>>)
        tpu.yield
      }) : () -> ()
    } else {
    }
    %scan3A_23 = arith.constant 0 : i32
    %scan3A_24 = arith.constant 0 : i32
    %scan3A_25 = arith.constant 592 : i32
    %scan3A_26 = arith.addi %scan3A_24, %scan3A_25 : i32
    %scan3A_27 = arith.constant 1 : i32
    %scan3A_28 = scf.for %scan3A_153 = %scan3A_24 to %scan3A_26 step %scan3A_27 iter_args(%scan3A_154 = %scan3A_23) -> (i32)  : i32 {
      %mul3A_155 = arith.constant 16 : i32
      %mul3A_156 = arith.muli %scan3A_153, %mul3A_155 : i32
      %add3A_157 = vector.broadcast %mul3A_156 : i32 to vector<16xi32>
      %add3A_158 = arith.addi %add3A_157, %iota3A : vector<16xi32>
      %gather3A = tpu.vector_load_idx %arg6[%add3A_158] : memref<9472xi32, #tpu.memory_space<vmem>>[vector<16xi32>], vector<16xi32>,
      %ge3A = vector.broadcast %add3A_8 : i32 to vector<16xi32>
      %ge3A_159 = arith.cmpi sge, %gather3A, %ge3A : vector<16xi32>
      %add3A_160 = arith.constant 8576 : i32
      %add3A_161 = arith.addi %add3A_8, %add3A_160 : i32
      %lt3A_162 = vector.broadcast %add3A_161 : i32 to vector<16xi32>
      %lt3A_163 = arith.cmpi slt, %gather3A, %lt3A_162 : vector<16xi32>
      %and3A_164 = arith.andi %ge3A_159, %lt3A_163 : vector<16xi1>
      %jit3A_165 = arith.constant 1 : i32
      %jit3A_166 = arith.constant 0 : i32
      %broadcast_in_dim3A_167 = vector.broadcast %jit3A_165 : i32 to vector<16xi32>
      %broadcast_in_dim3A_168 = vector.broadcast %jit3A_166 : i32 to vector<16xi32>
      %select_n3A_169 = arith.select %and3A_164, %broadcast_in_dim3A_167, %broadcast_in_dim3A_168 : vector<16xi1>, vector<16xi32>
      %broadcast_in_dim3A_170 = arith.constant true
      %broadcast_in_dim3A_171 = vector.broadcast %broadcast_in_dim3A_170 : i1 to vector<16xi1>
      %masked_cumsum3A = tpu.scan <sum>, %select_n3A_169 masked %broadcast_in_dim3A_171 : vector<16xi32>, vector<16xi1> -> vector<16xi32>
      %add3A_172 = vector.broadcast %scan3A_154 : i32 to vector<16xi32>
      %add3A_173 = arith.addi %add3A_172, %masked_cumsum3A : vector<16xi32>
      %sub3A_174 = arith.constant 1 : i32
      %sub3A_175 = vector.broadcast %sub3A_174 : i32 to vector<16xi32>
      %sub3A_176 = arith.subi %add3A_173, %sub3A_175 : vector<16xi32>
      tpu.vector_store_idx %arg8[%sub3A_176], %add3A_158 masked %and3A_164 : memref<9728xi32, #tpu.memory_space<vmem>>[vector<16xi32>], vector<16xi32>, vector<16xi1>
      %reduce_sum3A = arith.constant true
      %reduce_sum3A_177 = vector.broadcast %reduce_sum3A : i1 to vector<16xi1>
      %reduce_sum3A_178 = tpu.scan <sum>, %select_n3A_169 masked %reduce_sum3A_177 : vector<16xi32>, vector<16xi1> -> vector<16xi32>
      %reduce_sum3A_179 = vector.extract %reduce_sum3A_178[15] : i32 from vector<16xi32>
      %add3A_180 = arith.addi %scan3A_154, %reduce_sum3A_179 : i32
      scf.yield %add3A_180 : i32
    }
    %scan3A_29 = arith.constant 592 : i32
    %add3A_30 = arith.constant 0 : i32
    %add3A_31 = arith.addi %scan3A_28, %add3A_30 : i32
    %add3A_32 = vector.broadcast %add3A_31 : i32 to vector<16xi32>
    %add3A_33 = arith.addi %add3A_32, %iota3A : vector<16xi32>
    %broadcast_in_dim3A = arith.constant 9472 : i32
    %broadcast_in_dim3A_34 = vector.broadcast %broadcast_in_dim3A : i32 to vector<16xi32>
    tpu.vector_store_idx %arg8[%add3A_33], %broadcast_in_dim3A_34 : memref<9728xi32, #tpu.memory_space<vmem>>[vector<16xi32>], vector<16xi32>,
    %add3A_35 = arith.constant 16 : i32
    %add3A_36 = arith.addi %scan3A_28, %add3A_35 : i32
    %add3A_37 = vector.broadcast %add3A_36 : i32 to vector<16xi32>
    %add3A_38 = arith.addi %add3A_37, %iota3A : vector<16xi32>
    %broadcast_in_dim3A_39 = arith.constant 9472 : i32
    %broadcast_in_dim3A_40 = vector.broadcast %broadcast_in_dim3A_39 : i32 to vector<16xi32>
    tpu.vector_store_idx %arg8[%add3A_38], %broadcast_in_dim3A_40 : memref<9728xi32, #tpu.memory_space<vmem>>[vector<16xi32>], vector<16xi32>,
    %add3A_41 = arith.constant 32 : i32
    %add3A_42 = arith.addi %scan3A_28, %add3A_41 : i32
    %add3A_43 = vector.broadcast %add3A_42 : i32 to vector<16xi32>
    %add3A_44 = arith.addi %add3A_43, %iota3A : vector<16xi32>
    %broadcast_in_dim3A_45 = arith.constant 9472 : i32
    %broadcast_in_dim3A_46 = vector.broadcast %broadcast_in_dim3A_45 : i32 to vector<16xi32>
    tpu.vector_store_idx %arg8[%add3A_44], %broadcast_in_dim3A_46 : memref<9728xi32, #tpu.memory_space<vmem>>[vector<16xi32>], vector<16xi32>,
    %add3A_47 = arith.constant 48 : i32
    %add3A_48 = arith.addi %scan3A_28, %add3A_47 : i32
    %add3A_49 = vector.broadcast %add3A_48 : i32 to vector<16xi32>
    %add3A_50 = arith.addi %add3A_49, %iota3A : vector<16xi32>
    %broadcast_in_dim3A_51 = arith.constant 9472 : i32
    %broadcast_in_dim3A_52 = vector.broadcast %broadcast_in_dim3A_51 : i32 to vector<16xi32>
    tpu.vector_store_idx %arg8[%add3A_50], %broadcast_in_dim3A_52 : memref<9728xi32, #tpu.memory_space<vmem>>[vector<16xi32>], vector<16xi32>,
    %add3A_53 = arith.constant 64 : i32
    %add3A_54 = arith.addi %scan3A_28, %add3A_53 : i32
    %add3A_55 = vector.broadcast %add3A_54 : i32 to vector<16xi32>
    %add3A_56 = arith.addi %add3A_55, %iota3A : vector<16xi32>
    %broadcast_in_dim3A_57 = arith.constant 9472 : i32
    %broadcast_in_dim3A_58 = vector.broadcast %broadcast_in_dim3A_57 : i32 to vector<16xi32>
    tpu.vector_store_idx %arg8[%add3A_56], %broadcast_in_dim3A_58 : memref<9728xi32, #tpu.memory_space<vmem>>[vector<16xi32>], vector<16xi32>,
    %add3A_59 = arith.constant 80 : i32
    %add3A_60 = arith.addi %scan3A_28, %add3A_59 : i32
    %add3A_61 = vector.broadcast %add3A_60 : i32 to vector<16xi32>
    %add3A_62 = arith.addi %add3A_61, %iota3A : vector<16xi32>
    %broadcast_in_dim3A_63 = arith.constant 9472 : i32
    %broadcast_in_dim3A_64 = vector.broadcast %broadcast_in_dim3A_63 : i32 to vector<16xi32>
    tpu.vector_store_idx %arg8[%add3A_62], %broadcast_in_dim3A_64 : memref<9728xi32, #tpu.memory_space<vmem>>[vector<16xi32>], vector<16xi32>,
    %add3A_65 = arith.constant 96 : i32
    %add3A_66 = arith.addi %scan3A_28, %add3A_65 : i32
    %add3A_67 = vector.broadcast %add3A_66 : i32 to vector<16xi32>
    %add3A_68 = arith.addi %add3A_67, %iota3A : vector<16xi32>
    %broadcast_in_dim3A_69 = arith.constant 9472 : i32
    %broadcast_in_dim3A_70 = vector.broadcast %broadcast_in_dim3A_69 : i32 to vector<16xi32>
    tpu.vector_store_idx %arg8[%add3A_68], %broadcast_in_dim3A_70 : memref<9728xi32, #tpu.memory_space<vmem>>[vector<16xi32>], vector<16xi32>,
    %add3A_71 = arith.constant 112 : i32
    %add3A_72 = arith.addi %scan3A_28, %add3A_71 : i32
    %add3A_73 = vector.broadcast %add3A_72 : i32 to vector<16xi32>
    %add3A_74 = arith.addi %add3A_73, %iota3A : vector<16xi32>
    %broadcast_in_dim3A_75 = arith.constant 9472 : i32
    %broadcast_in_dim3A_76 = vector.broadcast %broadcast_in_dim3A_75 : i32 to vector<16xi32>
    tpu.vector_store_idx %arg8[%add3A_74], %broadcast_in_dim3A_76 : memref<9728xi32, #tpu.memory_space<vmem>>[vector<16xi32>], vector<16xi32>,
    %barrier3A = arith.constant 0 : index
    tpu.barrier barrier_id(%barrier3A)
    %add3A_77 = arith.constant 128 : i32
    %add3A_78 = arith.addi %scan3A_28, %add3A_77 : i32
    %sub3A = arith.constant 1 : i32
    %sub3A_79 = arith.subi %add3A_78, %sub3A : i32
    %jit3A = arith.constant 128 : i32
    %div3A = arith.divsi %sub3A_79, %jit3A : i32
    %sign3A = arith.constant 0 : i32
    %sign3A_80 = arith.cmpi sgt, %sub3A_79, %sign3A : i32
    %sign3A_81 = arith.extui %sign3A_80 : i1 to i32
    %sign3A_82 = arith.constant 0 : i32
    %sign3A_83 = arith.cmpi slt, %sub3A_79, %sign3A_82 : i32
    %sign3A_84 = arith.extui %sign3A_83 : i1 to i32
    %sign3A_85 = arith.subi %sign3A_81, %sign3A_84 : i32
    %sign3A_86 = arith.constant 0 : i32
    %sign3A_87 = arith.cmpi sgt, %jit3A, %sign3A_86 : i32
    %sign3A_88 = arith.extui %sign3A_87 : i1 to i32
    %sign3A_89 = arith.constant 0 : i32
    %sign3A_90 = arith.cmpi slt, %jit3A, %sign3A_89 : i32
    %sign3A_91 = arith.extui %sign3A_90 : i1 to i32
    %sign3A_92 = arith.subi %sign3A_88, %sign3A_91 : i32
    %ne3A = arith.cmpi ne, %sign3A_85, %sign3A_92 : i32
    %rem3A = arith.remsi %sub3A_79, %jit3A : i32
    %ne3A_93 = arith.constant 0 : i32
    %ne3A_94 = arith.cmpi ne, %rem3A, %ne3A_93 : i32
    %and3A_95 = arith.andi %ne3A, %ne3A_94 : i1
    %sub3A_96 = arith.constant 1 : i32
    %sub3A_97 = arith.subi %div3A, %sub3A_96 : i32
    %select_n3A = arith.select %and3A_95, %sub3A_97, %div3A : i32
    %add3A_98 = arith.constant 2 : i32
    %add3A_99 = arith.addi %select_n3A, %add3A_98 : i32
    %sub3A_100 = arith.constant 1 : i32
    %sub3A_101 = arith.subi %add3A_99, %sub3A_100 : i32
    %jit3A_102 = arith.constant 2 : i32
    %div3A_103 = arith.divsi %sub3A_101, %jit3A_102 : i32
    %sign3A_104 = arith.constant 0 : i32
    %sign3A_105 = arith.cmpi sgt, %sub3A_101, %sign3A_104 : i32
    %sign3A_106 = arith.extui %sign3A_105 : i1 to i32
    %sign3A_107 = arith.constant 0 : i32
    %sign3A_108 = arith.cmpi slt, %sub3A_101, %sign3A_107 : i32
    %sign3A_109 = arith.extui %sign3A_108 : i1 to i32
    %sign3A_110 = arith.subi %sign3A_106, %sign3A_109 : i32
    %sign3A_111 = arith.constant 0 : i32
    %sign3A_112 = arith.cmpi sgt, %jit3A_102, %sign3A_111 : i32
    %sign3A_113 = arith.extui %sign3A_112 : i1 to i32
    %sign3A_114 = arith.constant 0 : i32
    %sign3A_115 = arith.cmpi slt, %jit3A_102, %sign3A_114 : i32
    %sign3A_116 = arith.extui %sign3A_115 : i1 to i32
    %sign3A_117 = arith.subi %sign3A_113, %sign3A_116 : i32
    %ne3A_118 = arith.cmpi ne, %sign3A_110, %sign3A_117 : i32
    %rem3A_119 = arith.remsi %sub3A_101, %jit3A_102 : i32
    %ne3A_120 = arith.constant 0 : i32
    %ne3A_121 = arith.cmpi ne, %rem3A_119, %ne3A_120 : i32
    %and3A_122 = arith.andi %ne3A_118, %ne3A_121 : i1
    %sub3A_123 = arith.constant 1 : i32
    %sub3A_124 = arith.subi %div3A_103, %sub3A_123 : i32
    %select_n3A_125 = arith.select %and3A_122, %sub3A_124, %div3A_103 : i32
    %while3A = arith.constant 0 : i32
    %while3A_126 = arith.constant 0 : i32
    %while3A_127 = arith.subi %select_n3A_125, %while3A_126 : i32
    %while3A_128 = arith.addi %while3A_126, %while3A_127 : i32
    %while3A_129 = arith.constant 1 : i32
    %while3A_130 = arith.divsi %while3A_127, %while3A_129 : i32
    %while3A_131 = arith.muli %while3A_130, %while3A_129 : i32
    %while3A_132 = arith.addi %while3A_126, %while3A_131 : i32
    %while3A_133 = arith.constant 1 : i32
    scf.for %while3A_153 = %while3A_126 to %while3A_132 step %while3A_133  : i32 {
      %mul3A_154 = arith.constant 2 : i32
      %mul3A_155 = arith.muli %while3A_153, %mul3A_154 : i32
      %add3A_156 = arith.constant 0 : i32
      %add3A_157 = arith.addi %mul3A_155, %add3A_156 : i32
      %lt3A_158 = arith.cmpi slt, %add3A_157, %select_n3A : i32
      %convert_element_type3A_159 = arith.extui %lt3A_158 : i1 to i32
      %cond3A_160 = arith.constant 0 : i32
      %cond3A_161 = arith.cmpi ne, %convert_element_type3A_159, %cond3A_160 : i32
      scf.if %cond3A_161 {
        %mul3A_202 = arith.constant 128 : i32
        %mul3A_203 = arith.muli %add3A_157, %mul3A_202 : i32
        %add3A_204 = arith.constant 0 : i32
        %add3A_205 = arith.addi %mul3A_203, %add3A_204 : i32
        %add3A_206 = vector.broadcast %add3A_205 : i32 to vector<16xi32>
        %add3A_207 = arith.addi %add3A_206, %iota3A : vector<16xi32>
        %gather3A = tpu.vector_load_idx %arg8[%add3A_207] : memref<9728xi32, #tpu.memory_space<vmem>>[vector<16xi32>], vector<16xi32>,
        %min3A = arith.constant 9471 : i32
        %min3A_208 = vector.broadcast %min3A : i32 to vector<16xi32>
        %min3A_209 = arith.minsi %gather3A, %min3A_208 : vector<16xi32>
        %gather3A_210 = tpu.vector_load_idx %arg7[%min3A_209] : memref<9472xi32, #tpu.memory_space<vmem>>[vector<16xi32>], vector<16xi32>,
        %gather3A_211 = tpu.vector_load_idx %arg6[%min3A_209] : memref<9472xi32, #tpu.memory_space<vmem>>[vector<16xi32>], vector<16xi32>,
        %ge3A = arith.constant 9472 : i32
        %ge3A_212 = vector.broadcast %ge3A : i32 to vector<16xi32>
        %ge3A_213 = arith.cmpi sge, %gather3A, %ge3A_212 : vector<16xi32>
        %sub3A_214 = vector.broadcast %add3A_8 : i32 to vector<16xi32>
        %sub3A_215 = arith.subi %gather3A_211, %sub3A_214 : vector<16xi32>
        %jit3A_216 = arith.constant 8576 : i32
        %broadcast_in_dim3A_217 = vector.broadcast %jit3A_216 : i32 to vector<16xi32>
        %select_n3A_218 = arith.select %ge3A_213, %broadcast_in_dim3A_217, %sub3A_215 : vector<16xi1>, vector<16xi32>
        %swap3A = arith.constant 0 : i32
        %swap3A_219 = arith.constant 0 : i32
        %swap3A_220 = tpu.memref_slice %arg9[%swap3A, %swap3A_219] : memref<2x128xi32, #tpu.memory_space<vmem>> -> memref<1x128xi32, #tpu.memory_space<vmem>>
        %swap3A_221 = tpu.memref_squeeze %swap3A_220 : memref<1x128xi32, #tpu.memory_space<vmem>> -> memref<128xi32, #tpu.memory_space<vmem>>
        %swap3A_222 = arith.constant 0 : index
        %swap3A_223 = tpu.vector_load %swap3A_221[%swap3A_222] {strides = array<i32>} : memref<128xi32, #tpu.memory_space<vmem>>, vector<16xi32>,
        tpu.vector_store %swap3A_221[%swap3A_222], %gather3A_210 {strides = array<i32>} : memref<128xi32, #tpu.memory_space<vmem>>, vector<16xi32>,
        %swap3A_224 = arith.constant 0 : i32
        %swap3A_225 = arith.constant 0 : i32
        %swap3A_226 = tpu.memref_slice %arg10[%swap3A_224, %swap3A_225] : memref<2x128xi32, #tpu.memory_space<vmem>> -> memref<1x128xi32, #tpu.memory_space<vmem>>
        %swap3A_227 = tpu.memref_squeeze %swap3A_226 : memref<1x128xi32, #tpu.memory_space<vmem>> -> memref<128xi32, #tpu.memory_space<vmem>>
        %swap3A_228 = arith.constant 0 : index
        %swap3A_229 = tpu.vector_load %swap3A_227[%swap3A_228] {strides = array<i32>} : memref<128xi32, #tpu.memory_space<vmem>>, vector<16xi32>,
        tpu.vector_store %swap3A_227[%swap3A_228], %select_n3A_218 {strides = array<i32>} : memref<128xi32, #tpu.memory_space<vmem>>, vector<16xi32>,
        %mul3A_230 = arith.constant 128 : i32
        %mul3A_231 = arith.muli %add3A_157, %mul3A_230 : i32
        %add3A_232 = arith.constant 16 : i32
        %add3A_233 = arith.addi %mul3A_231, %add3A_232 : i32
        %add3A_234 = vector.broadcast %add3A_233 : i32 to vector<16xi32>
        %add3A_235 = arith.addi %add3A_234, %iota3A : vector<16xi32>
        %gather3A_236 = tpu.vector_load_idx %arg8[%add3A_235] : memref<9728xi32, #tpu.memory_space<vmem>>[vector<16xi32>], vector<16xi32>,
        %min3A_237 = arith.constant 9471 : i32
        %min3A_238 = vector.broadcast %min3A_237 : i32 to vector<16xi32>
        %min3A_239 = arith.minsi %gather3A_236, %min3A_238 : vector<16xi32>
        %gather3A_240 = tpu.vector_load_idx %arg7[%min3A_239] : memref<9472xi32, #tpu.memory_space<vmem>>[vector<16xi32>], vector<16xi32>,
        %gather3A_241 = tpu.vector_load_idx %arg6[%min3A_239] : memref<9472xi32, #tpu.memory_space<vmem>>[vector<16xi32>], vector<16xi32>,
        %ge3A_242 = arith.constant 9472 : i32
        %ge3A_243 = vector.broadcast %ge3A_242 : i32 to vector<16xi32>
        %ge3A_244 = arith.cmpi sge, %gather3A_236, %ge3A_243 : vector<16xi32>
        %sub3A_245 = vector.broadcast %add3A_8 : i32 to vector<16xi32>
        %sub3A_246 = arith.subi %gather3A_241, %sub3A_245 : vector<16xi32>
        %jit3A_247 = arith.constant 8576 : i32
        %broadcast_in_dim3A_248 = vector.broadcast %jit3A_247 : i32 to vector<16xi32>
        %select_n3A_249 = arith.select %ge3A_244, %broadcast_in_dim3A_248, %sub3A_246 : vector<16xi1>, vector<16xi32>
        %swap3A_250 = arith.constant 0 : i32
        %swap3A_251 = arith.constant 0 : i32
        %swap3A_252 = tpu.memref_slice %arg9[%swap3A_250, %swap3A_251] : memref<2x128xi32, #tpu.memory_space<vmem>> -> memref<1x128xi32, #tpu.memory_space<vmem>>
        %swap3A_253 = tpu.memref_squeeze %swap3A_252 : memref<1x128xi32, #tpu.memory_space<vmem>> -> memref<128xi32, #tpu.memory_space<vmem>>
        %swap3A_254 = arith.constant 16 : index
        %swap3A_255 = tpu.vector_load %swap3A_253[%swap3A_254] {strides = array<i32>} : memref<128xi32, #tpu.memory_space<vmem>>, vector<16xi32>,
        tpu.vector_store %swap3A_253[%swap3A_254], %gather3A_240 {strides = array<i32>} : memref<128xi32, #tpu.memory_space<vmem>>, vector<16xi32>,
        %swap3A_256 = arith.constant 0 : i32
        %swap3A_257 = arith.constant 0 : i32
        %swap3A_258 = tpu.memref_slice %arg10[%swap3A_256, %swap3A_257] : memref<2x128xi32, #tpu.memory_space<vmem>> -> memref<1x128xi32, #tpu.memory_space<vmem>>
        %swap3A_259 = tpu.memref_squeeze %swap3A_258 : memref<1x128xi32, #tpu.memory_space<vmem>> -> memref<128xi32, #tpu.memory_space<vmem>>
        %swap3A_260 = arith.constant 16 : index
        %swap3A_261 = tpu.vector_load %swap3A_259[%swap3A_260] {strides = array<i32>} : memref<128xi32, #tpu.memory_space<vmem>>, vector<16xi32>,
        tpu.vector_store %swap3A_259[%swap3A_260], %select_n3A_249 {strides = array<i32>} : memref<128xi32, #tpu.memory_space<vmem>>, vector<16xi32>,
        %mul3A_262 = arith.constant 128 : i32
        %mul3A_263 = arith.muli %add3A_157, %mul3A_262 : i32
        %add3A_264 = arith.constant 32 : i32
        %add3A_265 = arith.addi %mul3A_263, %add3A_264 : i32
        %add3A_266 = vector.broadcast %add3A_265 : i32 to vector<16xi32>
        %add3A_267 = arith.addi %add3A_266, %iota3A : vector<16xi32>
        %gather3A_268 = tpu.vector_load_idx %arg8[%add3A_267] : memref<9728xi32, #tpu.memory_space<vmem>>[vector<16xi32>], vector<16xi32>,
        %min3A_269 = arith.constant 9471 : i32
        %min3A_270 = vector.broadcast %min3A_269 : i32 to vector<16xi32>
        %min3A_271 = arith.minsi %gather3A_268, %min3A_270 : vector<16xi32>
        %gather3A_272 = tpu.vector_load_idx %arg7[%min3A_271] : memref<9472xi32, #tpu.memory_space<vmem>>[vector<16xi32>], vector<16xi32>,
        %gather3A_273 = tpu.vector_load_idx %arg6[%min3A_271] : memref<9472xi32, #tpu.memory_space<vmem>>[vector<16xi32>], vector<16xi32>,
        %ge3A_274 = arith.constant 9472 : i32
        %ge3A_275 = vector.broadcast %ge3A_274 : i32 to vector<16xi32>
        %ge3A_276 = arith.cmpi sge, %gather3A_268, %ge3A_275 : vector<16xi32>
        %sub3A_277 = vector.broadcast %add3A_8 : i32 to vector<16xi32>
        %sub3A_278 = arith.subi %gather3A_273, %sub3A_277 : vector<16xi32>
        %jit3A_279 = arith.constant 8576 : i32
        %broadcast_in_dim3A_280 = vector.broadcast %jit3A_279 : i32 to vector<16xi32>
        %select_n3A_281 = arith.select %ge3A_276, %broadcast_in_dim3A_280, %sub3A_278 : vector<16xi1>, vector<16xi32>
        %swap3A_282 = arith.constant 0 : i32
        %swap3A_283 = arith.constant 0 : i32
        %swap3A_284 = tpu.memref_slice %arg9[%swap3A_282, %swap3A_283] : memref<2x128xi32, #tpu.memory_space<vmem>> -> memref<1x128xi32, #tpu.memory_space<vmem>>
        %swap3A_285 = tpu.memref_squeeze %swap3A_284 : memref<1x128xi32, #tpu.memory_space<vmem>> -> memref<128xi32, #tpu.memory_space<vmem>>
        %swap3A_286 = arith.constant 32 : index
        %swap3A_287 = tpu.vector_load %swap3A_285[%swap3A_286] {strides = array<i32>} : memref<128xi32, #tpu.memory_space<vmem>>, vector<16xi32>,
        tpu.vector_store %swap3A_285[%swap3A_286], %gather3A_272 {strides = array<i32>} : memref<128xi32, #tpu.memory_space<vmem>>, vector<16xi32>,
        %swap3A_288 = arith.constant 0 : i32
        %swap3A_289 = arith.constant 0 : i32
        %swap3A_290 = tpu.memref_slice %arg10[%swap3A_288, %swap3A_289] : memref<2x128xi32, #tpu.memory_space<vmem>> -> memref<1x128xi32, #tpu.memory_space<vmem>>
        %swap3A_291 = tpu.memref_squeeze %swap3A_290 : memref<1x128xi32, #tpu.memory_space<vmem>> -> memref<128xi32, #tpu.memory_space<vmem>>
        %swap3A_292 = arith.constant 32 : index
        %swap3A_293 = tpu.vector_load %swap3A_291[%swap3A_292] {strides = array<i32>} : memref<128xi32, #tpu.memory_space<vmem>>, vector<16xi32>,
        tpu.vector_store %swap3A_291[%swap3A_292], %select_n3A_281 {strides = array<i32>} : memref<128xi32, #tpu.memory_space<vmem>>, vector<16xi32>,
        %mul3A_294 = arith.constant 128 : i32
        %mul3A_295 = arith.muli %add3A_157, %mul3A_294 : i32
        %add3A_296 = arith.constant 48 : i32
        %add3A_297 = arith.addi %mul3A_295, %add3A_296 : i32
        %add3A_298 = vector.broadcast %add3A_297 : i32 to vector<16xi32>
        %add3A_299 = arith.addi %add3A_298, %iota3A : vector<16xi32>
        %gather3A_300 = tpu.vector_load_idx %arg8[%add3A_299] : memref<9728xi32, #tpu.memory_space<vmem>>[vector<16xi32>], vector<16xi32>,
        %min3A_301 = arith.constant 9471 : i32
        %min3A_302 = vector.broadcast %min3A_301 : i32 to vector<16xi32>
        %min3A_303 = arith.minsi %gather3A_300, %min3A_302 : vector<16xi32>
        %gather3A_304 = tpu.vector_load_idx %arg7[%min3A_303] : memref<9472xi32, #tpu.memory_space<vmem>>[vector<16xi32>], vector<16xi32>,
        %gather3A_305 = tpu.vector_load_idx %arg6[%min3A_303] : memref<9472xi32, #tpu.memory_space<vmem>>[vector<16xi32>], vector<16xi32>,
        %ge3A_306 = arith.constant 9472 : i32
        %ge3A_307 = vector.broadcast %ge3A_306 : i32 to vector<16xi32>
        %ge3A_308 = arith.cmpi sge, %gather3A_300, %ge3A_307 : vector<16xi32>
        %sub3A_309 = vector.broadcast %add3A_8 : i32 to vector<16xi32>
        %sub3A_310 = arith.subi %gather3A_305, %sub3A_309 : vector<16xi32>
        %jit3A_311 = arith.constant 8576 : i32
        %broadcast_in_dim3A_312 = vector.broadcast %jit3A_311 : i32 to vector<16xi32>
        %select_n3A_313 = arith.select %ge3A_308, %broadcast_in_dim3A_312, %sub3A_310 : vector<16xi1>, vector<16xi32>
        %swap3A_314 = arith.constant 0 : i32
        %swap3A_315 = arith.constant 0 : i32
        %swap3A_316 = tpu.memref_slice %arg9[%swap3A_314, %swap3A_315] : memref<2x128xi32, #tpu.memory_space<vmem>> -> memref<1x128xi32, #tpu.memory_space<vmem>>
        %swap3A_317 = tpu.memref_squeeze %swap3A_316 : memref<1x128xi32, #tpu.memory_space<vmem>> -> memref<128xi32, #tpu.memory_space<vmem>>
        %swap3A_318 = arith.constant 48 : index
        %swap3A_319 = tpu.vector_load %swap3A_317[%swap3A_318] {strides = array<i32>} : memref<128xi32, #tpu.memory_space<vmem>>, vector<16xi32>,
        tpu.vector_store %swap3A_317[%swap3A_318], %gather3A_304 {strides = array<i32>} : memref<128xi32, #tpu.memory_space<vmem>>, vector<16xi32>,
        %swap3A_320 = arith.constant 0 : i32
        %swap3A_321 = arith.constant 0 : i32
        %swap3A_322 = tpu.memref_slice %arg10[%swap3A_320, %swap3A_321] : memref<2x128xi32, #tpu.memory_space<vmem>> -> memref<1x128xi32, #tpu.memory_space<vmem>>
        %swap3A_323 = tpu.memref_squeeze %swap3A_322 : memref<1x128xi32, #tpu.memory_space<vmem>> -> memref<128xi32, #tpu.memory_space<vmem>>
        %swap3A_324 = arith.constant 48 : index
        %swap3A_325 = tpu.vector_load %swap3A_323[%swap3A_324] {strides = array<i32>} : memref<128xi32, #tpu.memory_space<vmem>>, vector<16xi32>,
        tpu.vector_store %swap3A_323[%swap3A_324], %select_n3A_313 {strides = array<i32>} : memref<128xi32, #tpu.memory_space<vmem>>, vector<16xi32>,
        %mul3A_326 = arith.constant 128 : i32
        %mul3A_327 = arith.muli %add3A_157, %mul3A_326 : i32
        %add3A_328 = arith.constant 64 : i32
        %add3A_329 = arith.addi %mul3A_327, %add3A_328 : i32
        %add3A_330 = vector.broadcast %add3A_329 : i32 to vector<16xi32>
        %add3A_331 = arith.addi %add3A_330, %iota3A : vector<16xi32>
        %gather3A_332 = tpu.vector_load_idx %arg8[%add3A_331] : memref<9728xi32, #tpu.memory_space<vmem>>[vector<16xi32>], vector<16xi32>,
        %min3A_333 = arith.constant 9471 : i32
        %min3A_334 = vector.broadcast %min3A_333 : i32 to vector<16xi32>
        %min3A_335 = arith.minsi %gather3A_332, %min3A_334 : vector<16xi32>
        %gather3A_336 = tpu.vector_load_idx %arg7[%min3A_335] : memref<9472xi32, #tpu.memory_space<vmem>>[vector<16xi32>], vector<16xi32>,
        %gather3A_337 = tpu.vector_load_idx %arg6[%min3A_335] : memref<9472xi32, #tpu.memory_space<vmem>>[vector<16xi32>], vector<16xi32>,
        %ge3A_338 = arith.constant 9472 : i32
        %ge3A_339 = vector.broadcast %ge3A_338 : i32 to vector<16xi32>
        %ge3A_340 = arith.cmpi sge, %gather3A_332, %ge3A_339 : vector<16xi32>
        %sub3A_341 = vector.broadcast %add3A_8 : i32 to vector<16xi32>
        %sub3A_342 = arith.subi %gather3A_337, %sub3A_341 : vector<16xi32>
        %jit3A_343 = arith.constant 8576 : i32
        %broadcast_in_dim3A_344 = vector.broadcast %jit3A_343 : i32 to vector<16xi32>
        %select_n3A_345 = arith.select %ge3A_340, %broadcast_in_dim3A_344, %sub3A_342 : vector<16xi1>, vector<16xi32>
        %swap3A_346 = arith.constant 0 : i32
        %swap3A_347 = arith.constant 0 : i32
        %swap3A_348 = tpu.memref_slice %arg9[%swap3A_346, %swap3A_347] : memref<2x128xi32, #tpu.memory_space<vmem>> -> memref<1x128xi32, #tpu.memory_space<vmem>>
        %swap3A_349 = tpu.memref_squeeze %swap3A_348 : memref<1x128xi32, #tpu.memory_space<vmem>> -> memref<128xi32, #tpu.memory_space<vmem>>
        %swap3A_350 = arith.constant 64 : index
        %swap3A_351 = tpu.vector_load %swap3A_349[%swap3A_350] {strides = array<i32>} : memref<128xi32, #tpu.memory_space<vmem>>, vector<16xi32>,
        tpu.vector_store %swap3A_349[%swap3A_350], %gather3A_336 {strides = array<i32>} : memref<128xi32, #tpu.memory_space<vmem>>, vector<16xi32>,
        %swap3A_352 = arith.constant 0 : i32
        %swap3A_353 = arith.constant 0 : i32
        %swap3A_354 = tpu.memref_slice %arg10[%swap3A_352, %swap3A_353] : memref<2x128xi32, #tpu.memory_space<vmem>> -> memref<1x128xi32, #tpu.memory_space<vmem>>
        %swap3A_355 = tpu.memref_squeeze %swap3A_354 : memref<1x128xi32, #tpu.memory_space<vmem>> -> memref<128xi32, #tpu.memory_space<vmem>>
        %swap3A_356 = arith.constant 64 : index
        %swap3A_357 = tpu.vector_load %swap3A_355[%swap3A_356] {strides = array<i32>} : memref<128xi32, #tpu.memory_space<vmem>>, vector<16xi32>,
        tpu.vector_store %swap3A_355[%swap3A_356], %select_n3A_345 {strides = array<i32>} : memref<128xi32, #tpu.memory_space<vmem>>, vector<16xi32>,
        %mul3A_358 = arith.constant 128 : i32
        %mul3A_359 = arith.muli %add3A_157, %mul3A_358 : i32
        %add3A_360 = arith.constant 80 : i32
        %add3A_361 = arith.addi %mul3A_359, %add3A_360 : i32
        %add3A_362 = vector.broadcast %add3A_361 : i32 to vector<16xi32>
        %add3A_363 = arith.addi %add3A_362, %iota3A : vector<16xi32>
        %gather3A_364 = tpu.vector_load_idx %arg8[%add3A_363] : memref<9728xi32, #tpu.memory_space<vmem>>[vector<16xi32>], vector<16xi32>,
        %min3A_365 = arith.constant 9471 : i32
        %min3A_366 = vector.broadcast %min3A_365 : i32 to vector<16xi32>
        %min3A_367 = arith.minsi %gather3A_364, %min3A_366 : vector<16xi32>
        %gather3A_368 = tpu.vector_load_idx %arg7[%min3A_367] : memref<9472xi32, #tpu.memory_space<vmem>>[vector<16xi32>], vector<16xi32>,
        %gather3A_369 = tpu.vector_load_idx %arg6[%min3A_367] : memref<9472xi32, #tpu.memory_space<vmem>>[vector<16xi32>], vector<16xi32>,
        %ge3A_370 = arith.constant 9472 : i32
        %ge3A_371 = vector.broadcast %ge3A_370 : i32 to vector<16xi32>
        %ge3A_372 = arith.cmpi sge, %gather3A_364, %ge3A_371 : vector<16xi32>
        %sub3A_373 = vector.broadcast %add3A_8 : i32 to vector<16xi32>
        %sub3A_374 = arith.subi %gather3A_369, %sub3A_373 : vector<16xi32>
        %jit3A_375 = arith.constant 8576 : i32
        %broadcast_in_dim3A_376 = vector.broadcast %jit3A_375 : i32 to vector<16xi32>
        %select_n3A_377 = arith.select %ge3A_372, %broadcast_in_dim3A_376, %sub3A_374 : vector<16xi1>, vector<16xi32>
        %swap3A_378 = arith.constant 0 : i32
        %swap3A_379 = arith.constant 0 : i32
        %swap3A_380 = tpu.memref_slice %arg9[%swap3A_378, %swap3A_379] : memref<2x128xi32, #tpu.memory_space<vmem>> -> memref<1x128xi32, #tpu.memory_space<vmem>>
        %swap3A_381 = tpu.memref_squeeze %swap3A_380 : memref<1x128xi32, #tpu.memory_space<vmem>> -> memref<128xi32, #tpu.memory_space<vmem>>
        %swap3A_382 = arith.constant 80 : index
        %swap3A_383 = tpu.vector_load %swap3A_381[%swap3A_382] {strides = array<i32>} : memref<128xi32, #tpu.memory_space<vmem>>, vector<16xi32>,
        tpu.vector_store %swap3A_381[%swap3A_382], %gather3A_368 {strides = array<i32>} : memref<128xi32, #tpu.memory_space<vmem>>, vector<16xi32>,
        %swap3A_384 = arith.constant 0 : i32
        %swap3A_385 = arith.constant 0 : i32
        %swap3A_386 = tpu.memref_slice %arg10[%swap3A_384, %swap3A_385] : memref<2x128xi32, #tpu.memory_space<vmem>> -> memref<1x128xi32, #tpu.memory_space<vmem>>
        %swap3A_387 = tpu.memref_squeeze %swap3A_386 : memref<1x128xi32, #tpu.memory_space<vmem>> -> memref<128xi32, #tpu.memory_space<vmem>>
        %swap3A_388 = arith.constant 80 : index
        %swap3A_389 = tpu.vector_load %swap3A_387[%swap3A_388] {strides = array<i32>} : memref<128xi32, #tpu.memory_space<vmem>>, vector<16xi32>,
        tpu.vector_store %swap3A_387[%swap3A_388], %select_n3A_377 {strides = array<i32>} : memref<128xi32, #tpu.memory_space<vmem>>, vector<16xi32>,
        %mul3A_390 = arith.constant 128 : i32
        %mul3A_391 = arith.muli %add3A_157, %mul3A_390 : i32
        %add3A_392 = arith.constant 96 : i32
        %add3A_393 = arith.addi %mul3A_391, %add3A_392 : i32
        %add3A_394 = vector.broadcast %add3A_393 : i32 to vector<16xi32>
        %add3A_395 = arith.addi %add3A_394, %iota3A : vector<16xi32>
        %gather3A_396 = tpu.vector_load_idx %arg8[%add3A_395] : memref<9728xi32, #tpu.memory_space<vmem>>[vector<16xi32>], vector<16xi32>,
        %min3A_397 = arith.constant 9471 : i32
        %min3A_398 = vector.broadcast %min3A_397 : i32 to vector<16xi32>
        %min3A_399 = arith.minsi %gather3A_396, %min3A_398 : vector<16xi32>
        %gather3A_400 = tpu.vector_load_idx %arg7[%min3A_399] : memref<9472xi32, #tpu.memory_space<vmem>>[vector<16xi32>], vector<16xi32>,
        %gather3A_401 = tpu.vector_load_idx %arg6[%min3A_399] : memref<9472xi32, #tpu.memory_space<vmem>>[vector<16xi32>], vector<16xi32>,
        %ge3A_402 = arith.constant 9472 : i32
        %ge3A_403 = vector.broadcast %ge3A_402 : i32 to vector<16xi32>
        %ge3A_404 = arith.cmpi sge, %gather3A_396, %ge3A_403 : vector<16xi32>
        %sub3A_405 = vector.broadcast %add3A_8 : i32 to vector<16xi32>
        %sub3A_406 = arith.subi %gather3A_401, %sub3A_405 : vector<16xi32>
        %jit3A_407 = arith.constant 8576 : i32
        %broadcast_in_dim3A_408 = vector.broadcast %jit3A_407 : i32 to vector<16xi32>
        %select_n3A_409 = arith.select %ge3A_404, %broadcast_in_dim3A_408, %sub3A_406 : vector<16xi1>, vector<16xi32>
        %swap3A_410 = arith.constant 0 : i32
        %swap3A_411 = arith.constant 0 : i32
        %swap3A_412 = tpu.memref_slice %arg9[%swap3A_410, %swap3A_411] : memref<2x128xi32, #tpu.memory_space<vmem>> -> memref<1x128xi32, #tpu.memory_space<vmem>>
        %swap3A_413 = tpu.memref_squeeze %swap3A_412 : memref<1x128xi32, #tpu.memory_space<vmem>> -> memref<128xi32, #tpu.memory_space<vmem>>
        %swap3A_414 = arith.constant 96 : index
        %swap3A_415 = tpu.vector_load %swap3A_413[%swap3A_414] {strides = array<i32>} : memref<128xi32, #tpu.memory_space<vmem>>, vector<16xi32>,
        tpu.vector_store %swap3A_413[%swap3A_414], %gather3A_400 {strides = array<i32>} : memref<128xi32, #tpu.memory_space<vmem>>, vector<16xi32>,
        %swap3A_416 = arith.constant 0 : i32
        %swap3A_417 = arith.constant 0 : i32
        %swap3A_418 = tpu.memref_slice %arg10[%swap3A_416, %swap3A_417] : memref<2x128xi32, #tpu.memory_space<vmem>> -> memref<1x128xi32, #tpu.memory_space<vmem>>
        %swap3A_419 = tpu.memref_squeeze %swap3A_418 : memref<1x128xi32, #tpu.memory_space<vmem>> -> memref<128xi32, #tpu.memory_space<vmem>>
        %swap3A_420 = arith.constant 96 : index
        %swap3A_421 = tpu.vector_load %swap3A_419[%swap3A_420] {strides = array<i32>} : memref<128xi32, #tpu.memory_space<vmem>>, vector<16xi32>,
        tpu.vector_store %swap3A_419[%swap3A_420], %select_n3A_409 {strides = array<i32>} : memref<128xi32, #tpu.memory_space<vmem>>, vector<16xi32>,
        %mul3A_422 = arith.constant 128 : i32
        %mul3A_423 = arith.muli %add3A_157, %mul3A_422 : i32
        %add3A_424 = arith.constant 112 : i32
        %add3A_425 = arith.addi %mul3A_423, %add3A_424 : i32
        %add3A_426 = vector.broadcast %add3A_425 : i32 to vector<16xi32>
        %add3A_427 = arith.addi %add3A_426, %iota3A : vector<16xi32>
        %gather3A_428 = tpu.vector_load_idx %arg8[%add3A_427] : memref<9728xi32, #tpu.memory_space<vmem>>[vector<16xi32>], vector<16xi32>,
        %min3A_429 = arith.constant 9471 : i32
        %min3A_430 = vector.broadcast %min3A_429 : i32 to vector<16xi32>
        %min3A_431 = arith.minsi %gather3A_428, %min3A_430 : vector<16xi32>
        %gather3A_432 = tpu.vector_load_idx %arg7[%min3A_431] : memref<9472xi32, #tpu.memory_space<vmem>>[vector<16xi32>], vector<16xi32>,
        %gather3A_433 = tpu.vector_load_idx %arg6[%min3A_431] : memref<9472xi32, #tpu.memory_space<vmem>>[vector<16xi32>], vector<16xi32>,
        %ge3A_434 = arith.constant 9472 : i32
        %ge3A_435 = vector.broadcast %ge3A_434 : i32 to vector<16xi32>
        %ge3A_436 = arith.cmpi sge, %gather3A_428, %ge3A_435 : vector<16xi32>
        %sub3A_437 = vector.broadcast %add3A_8 : i32 to vector<16xi32>
        %sub3A_438 = arith.subi %gather3A_433, %sub3A_437 : vector<16xi32>
        %jit3A_439 = arith.constant 8576 : i32
        %broadcast_in_dim3A_440 = vector.broadcast %jit3A_439 : i32 to vector<16xi32>
        %select_n3A_441 = arith.select %ge3A_436, %broadcast_in_dim3A_440, %sub3A_438 : vector<16xi1>, vector<16xi32>
        %swap3A_442 = arith.constant 0 : i32
        %swap3A_443 = arith.constant 0 : i32
        %swap3A_444 = tpu.memref_slice %arg9[%swap3A_442, %swap3A_443] : memref<2x128xi32, #tpu.memory_space<vmem>> -> memref<1x128xi32, #tpu.memory_space<vmem>>
        %swap3A_445 = tpu.memref_squeeze %swap3A_444 : memref<1x128xi32, #tpu.memory_space<vmem>> -> memref<128xi32, #tpu.memory_space<vmem>>
        %swap3A_446 = arith.constant 112 : index
        %swap3A_447 = tpu.vector_load %swap3A_445[%swap3A_446] {strides = array<i32>} : memref<128xi32, #tpu.memory_space<vmem>>, vector<16xi32>,
        tpu.vector_store %swap3A_445[%swap3A_446], %gather3A_432 {strides = array<i32>} : memref<128xi32, #tpu.memory_space<vmem>>, vector<16xi32>,
        %swap3A_448 = arith.constant 0 : i32
        %swap3A_449 = arith.constant 0 : i32
        %swap3A_450 = tpu.memref_slice %arg10[%swap3A_448, %swap3A_449] : memref<2x128xi32, #tpu.memory_space<vmem>> -> memref<1x128xi32, #tpu.memory_space<vmem>>
        %swap3A_451 = tpu.memref_squeeze %swap3A_450 : memref<1x128xi32, #tpu.memory_space<vmem>> -> memref<128xi32, #tpu.memory_space<vmem>>
        %swap3A_452 = arith.constant 112 : index
        %swap3A_453 = tpu.vector_load %swap3A_451[%swap3A_452] {strides = array<i32>} : memref<128xi32, #tpu.memory_space<vmem>>, vector<16xi32>,
        tpu.vector_store %swap3A_451[%swap3A_452], %select_n3A_441 {strides = array<i32>} : memref<128xi32, #tpu.memory_space<vmem>>, vector<16xi32>,
        %dma_start3A = arith.constant 0 : i32
        %dma_start3A_454 = arith.constant 0 : i32
        %dma_start3A_455 = arith.constant 0 : i32
        %dma_start3A_456 = arith.constant 0 : i32
        %dma_start3A_457 = arith.constant 0 : i32
        %dma_start3A_458 = tpu.memref_slice %arg11[%dma_start3A_454, %dma_start3A_456, %dma_start3A_457] : memref<2x128x128xf32, #tpu.memory_space<vmem>> -> memref<1x128x128xf32, #tpu.memory_space<vmem>>
        %dma_start3A_459 = tpu.memref_squeeze %dma_start3A_458 : memref<1x128x128xf32, #tpu.memory_space<vmem>> -> memref<128x128xf32, #tpu.memory_space<vmem>>
        %dma_start3A_460 = arith.constant 0 : i32
        %dma_start3A_461 = tpu.memref_slice %arg9[%dma_start3A, %dma_start3A_460] : memref<2x128xi32, #tpu.memory_space<vmem>> -> memref<1x128xi32, #tpu.memory_space<vmem>>
        %dma_start3A_462 = tpu.memref_squeeze %dma_start3A_461 : memref<1x128xi32, #tpu.memory_space<vmem>> -> memref<128xi32, #tpu.memory_space<vmem>>
        %dma_start3A_463 = arith.constant 0 : i32
        %dma_start3A_464 = arith.constant 0 : i32
        %dma_start3A_465 = tpu.memref_slice %arg2[%dma_start3A_463, %dma_start3A_464] : memref<200000x128xf32, #tpu.memory_space<hbm>> -> memref<200000x128xf32, #tpu.memory_space<hbm>>
        %dma_start3A_466 = tpu.memref_slice %arg13[%dma_start3A_455] : memref<2x!tpu.dma_semaphore, #tpu.memory_space<semaphore_mem>> -> memref<1x!tpu.dma_semaphore, #tpu.memory_space<semaphore_mem>>
        %dma_start3A_467 = tpu.memref_squeeze %dma_start3A_466 : memref<1x!tpu.dma_semaphore, #tpu.memory_space<semaphore_mem>> -> memref<!tpu.dma_semaphore, #tpu.memory_space<semaphore_mem>>
        tpu.enqueue_indirect_dma source(%dma_start3A_465 : memref<200000x128xf32, #tpu.memory_space<hbm>>) target(%dma_start3A_459 : memref<128x128xf32, #tpu.memory_space<vmem>>) offsets(%dma_start3A_462 : memref<128xi32, #tpu.memory_space<vmem>>) semaphore(%dma_start3A_467 : memref<!tpu.dma_semaphore, #tpu.memory_space<semaphore_mem>>)
      } else {
      }
      %mul3A_162 = arith.constant 2 : i32
      %mul3A_163 = arith.muli %while3A_153, %mul3A_162 : i32
      %add3A_164 = arith.constant 1 : i32
      %add3A_165 = arith.addi %mul3A_163, %add3A_164 : i32
      %lt3A_166 = arith.cmpi slt, %add3A_165, %select_n3A : i32
      %convert_element_type3A_167 = arith.extui %lt3A_166 : i1 to i32
      %cond3A_168 = arith.constant 0 : i32
      %cond3A_169 = arith.cmpi ne, %convert_element_type3A_167, %cond3A_168 : i32
      scf.if %cond3A_169 {
        %mul3A_202 = arith.constant 128 : i32
        %mul3A_203 = arith.muli %add3A_165, %mul3A_202 : i32
        %add3A_204 = arith.constant 0 : i32
        %add3A_205 = arith.addi %mul3A_203, %add3A_204 : i32
        %add3A_206 = vector.broadcast %add3A_205 : i32 to vector<16xi32>
        %add3A_207 = arith.addi %add3A_206, %iota3A : vector<16xi32>
        %gather3A = tpu.vector_load_idx %arg8[%add3A_207] : memref<9728xi32, #tpu.memory_space<vmem>>[vector<16xi32>], vector<16xi32>,
        %min3A = arith.constant 9471 : i32
        %min3A_208 = vector.broadcast %min3A : i32 to vector<16xi32>
        %min3A_209 = arith.minsi %gather3A, %min3A_208 : vector<16xi32>
        %gather3A_210 = tpu.vector_load_idx %arg7[%min3A_209] : memref<9472xi32, #tpu.memory_space<vmem>>[vector<16xi32>], vector<16xi32>,
        %gather3A_211 = tpu.vector_load_idx %arg6[%min3A_209] : memref<9472xi32, #tpu.memory_space<vmem>>[vector<16xi32>], vector<16xi32>,
        %ge3A = arith.constant 9472 : i32
        %ge3A_212 = vector.broadcast %ge3A : i32 to vector<16xi32>
        %ge3A_213 = arith.cmpi sge, %gather3A, %ge3A_212 : vector<16xi32>
        %sub3A_214 = vector.broadcast %add3A_8 : i32 to vector<16xi32>
        %sub3A_215 = arith.subi %gather3A_211, %sub3A_214 : vector<16xi32>
        %jit3A_216 = arith.constant 8576 : i32
        %broadcast_in_dim3A_217 = vector.broadcast %jit3A_216 : i32 to vector<16xi32>
        %select_n3A_218 = arith.select %ge3A_213, %broadcast_in_dim3A_217, %sub3A_215 : vector<16xi1>, vector<16xi32>
        %swap3A = arith.constant 1 : i32
        %swap3A_219 = arith.constant 0 : i32
        %swap3A_220 = tpu.memref_slice %arg9[%swap3A, %swap3A_219] : memref<2x128xi32, #tpu.memory_space<vmem>> -> memref<1x128xi32, #tpu.memory_space<vmem>>
        %swap3A_221 = tpu.memref_squeeze %swap3A_220 : memref<1x128xi32, #tpu.memory_space<vmem>> -> memref<128xi32, #tpu.memory_space<vmem>>
        %swap3A_222 = arith.constant 0 : index
        %swap3A_223 = tpu.vector_load %swap3A_221[%swap3A_222] {strides = array<i32>} : memref<128xi32, #tpu.memory_space<vmem>>, vector<16xi32>,
        tpu.vector_store %swap3A_221[%swap3A_222], %gather3A_210 {strides = array<i32>} : memref<128xi32, #tpu.memory_space<vmem>>, vector<16xi32>,
        %swap3A_224 = arith.constant 1 : i32
        %swap3A_225 = arith.constant 0 : i32
        %swap3A_226 = tpu.memref_slice %arg10[%swap3A_224, %swap3A_225] : memref<2x128xi32, #tpu.memory_space<vmem>> -> memref<1x128xi32, #tpu.memory_space<vmem>>
        %swap3A_227 = tpu.memref_squeeze %swap3A_226 : memref<1x128xi32, #tpu.memory_space<vmem>> -> memref<128xi32, #tpu.memory_space<vmem>>
        %swap3A_228 = arith.constant 0 : index
        %swap3A_229 = tpu.vector_load %swap3A_227[%swap3A_228] {strides = array<i32>} : memref<128xi32, #tpu.memory_space<vmem>>, vector<16xi32>,
        tpu.vector_store %swap3A_227[%swap3A_228], %select_n3A_218 {strides = array<i32>} : memref<128xi32, #tpu.memory_space<vmem>>, vector<16xi32>,
        %mul3A_230 = arith.constant 128 : i32
        %mul3A_231 = arith.muli %add3A_165, %mul3A_230 : i32
        %add3A_232 = arith.constant 16 : i32
        %add3A_233 = arith.addi %mul3A_231, %add3A_232 : i32
        %add3A_234 = vector.broadcast %add3A_233 : i32 to vector<16xi32>
        %add3A_235 = arith.addi %add3A_234, %iota3A : vector<16xi32>
        %gather3A_236 = tpu.vector_load_idx %arg8[%add3A_235] : memref<9728xi32, #tpu.memory_space<vmem>>[vector<16xi32>], vector<16xi32>,
        %min3A_237 = arith.constant 9471 : i32
        %min3A_238 = vector.broadcast %min3A_237 : i32 to vector<16xi32>
        %min3A_239 = arith.minsi %gather3A_236, %min3A_238 : vector<16xi32>
        %gather3A_240 = tpu.vector_load_idx %arg7[%min3A_239] : memref<9472xi32, #tpu.memory_space<vmem>>[vector<16xi32>], vector<16xi32>,
        %gather3A_241 = tpu.vector_load_idx %arg6[%min3A_239] : memref<9472xi32, #tpu.memory_space<vmem>>[vector<16xi32>], vector<16xi32>,
        %ge3A_242 = arith.constant 9472 : i32
        %ge3A_243 = vector.broadcast %ge3A_242 : i32 to vector<16xi32>
        %ge3A_244 = arith.cmpi sge, %gather3A_236, %ge3A_243 : vector<16xi32>
        %sub3A_245 = vector.broadcast %add3A_8 : i32 to vector<16xi32>
        %sub3A_246 = arith.subi %gather3A_241, %sub3A_245 : vector<16xi32>
        %jit3A_247 = arith.constant 8576 : i32
        %broadcast_in_dim3A_248 = vector.broadcast %jit3A_247 : i32 to vector<16xi32>
        %select_n3A_249 = arith.select %ge3A_244, %broadcast_in_dim3A_248, %sub3A_246 : vector<16xi1>, vector<16xi32>
        %swap3A_250 = arith.constant 1 : i32
        %swap3A_251 = arith.constant 0 : i32
        %swap3A_252 = tpu.memref_slice %arg9[%swap3A_250, %swap3A_251] : memref<2x128xi32, #tpu.memory_space<vmem>> -> memref<1x128xi32, #tpu.memory_space<vmem>>
        %swap3A_253 = tpu.memref_squeeze %swap3A_252 : memref<1x128xi32, #tpu.memory_space<vmem>> -> memref<128xi32, #tpu.memory_space<vmem>>
        %swap3A_254 = arith.constant 16 : index
        %swap3A_255 = tpu.vector_load %swap3A_253[%swap3A_254] {strides = array<i32>} : memref<128xi32, #tpu.memory_space<vmem>>, vector<16xi32>,
        tpu.vector_store %swap3A_253[%swap3A_254], %gather3A_240 {strides = array<i32>} : memref<128xi32, #tpu.memory_space<vmem>>, vector<16xi32>,
        %swap3A_256 = arith.constant 1 : i32
        %swap3A_257 = arith.constant 0 : i32
        %swap3A_258 = tpu.memref_slice %arg10[%swap3A_256, %swap3A_257] : memref<2x128xi32, #tpu.memory_space<vmem>> -> memref<1x128xi32, #tpu.memory_space<vmem>>
        %swap3A_259 = tpu.memref_squeeze %swap3A_258 : memref<1x128xi32, #tpu.memory_space<vmem>> -> memref<128xi32, #tpu.memory_space<vmem>>
        %swap3A_260 = arith.constant 16 : index
        %swap3A_261 = tpu.vector_load %swap3A_259[%swap3A_260] {strides = array<i32>} : memref<128xi32, #tpu.memory_space<vmem>>, vector<16xi32>,
        tpu.vector_store %swap3A_259[%swap3A_260], %select_n3A_249 {strides = array<i32>} : memref<128xi32, #tpu.memory_space<vmem>>, vector<16xi32>,
        %mul3A_262 = arith.constant 128 : i32
        %mul3A_263 = arith.muli %add3A_165, %mul3A_262 : i32
        %add3A_264 = arith.constant 32 : i32
        %add3A_265 = arith.addi %mul3A_263, %add3A_264 : i32
        %add3A_266 = vector.broadcast %add3A_265 : i32 to vector<16xi32>
        %add3A_267 = arith.addi %add3A_266, %iota3A : vector<16xi32>
        %gather3A_268 = tpu.vector_load_idx %arg8[%add3A_267] : memref<9728xi32, #tpu.memory_space<vmem>>[vector<16xi32>], vector<16xi32>,
        %min3A_269 = arith.constant 9471 : i32
        %min3A_270 = vector.broadcast %min3A_269 : i32 to vector<16xi32>
        %min3A_271 = arith.minsi %gather3A_268, %min3A_270 : vector<16xi32>
        %gather3A_272 = tpu.vector_load_idx %arg7[%min3A_271] : memref<9472xi32, #tpu.memory_space<vmem>>[vector<16xi32>], vector<16xi32>,
        %gather3A_273 = tpu.vector_load_idx %arg6[%min3A_271] : memref<9472xi32, #tpu.memory_space<vmem>>[vector<16xi32>], vector<16xi32>,
        %ge3A_274 = arith.constant 9472 : i32
        %ge3A_275 = vector.broadcast %ge3A_274 : i32 to vector<16xi32>
        %ge3A_276 = arith.cmpi sge, %gather3A_268, %ge3A_275 : vector<16xi32>
        %sub3A_277 = vector.broadcast %add3A_8 : i32 to vector<16xi32>
        %sub3A_278 = arith.subi %gather3A_273, %sub3A_277 : vector<16xi32>
        %jit3A_279 = arith.constant 8576 : i32
        %broadcast_in_dim3A_280 = vector.broadcast %jit3A_279 : i32 to vector<16xi32>
        %select_n3A_281 = arith.select %ge3A_276, %broadcast_in_dim3A_280, %sub3A_278 : vector<16xi1>, vector<16xi32>
        %swap3A_282 = arith.constant 1 : i32
        %swap3A_283 = arith.constant 0 : i32
        %swap3A_284 = tpu.memref_slice %arg9[%swap3A_282, %swap3A_283] : memref<2x128xi32, #tpu.memory_space<vmem>> -> memref<1x128xi32, #tpu.memory_space<vmem>>
        %swap3A_285 = tpu.memref_squeeze %swap3A_284 : memref<1x128xi32, #tpu.memory_space<vmem>> -> memref<128xi32, #tpu.memory_space<vmem>>
        %swap3A_286 = arith.constant 32 : index
        %swap3A_287 = tpu.vector_load %swap3A_285[%swap3A_286] {strides = array<i32>} : memref<128xi32, #tpu.memory_space<vmem>>, vector<16xi32>,
        tpu.vector_store %swap3A_285[%swap3A_286], %gather3A_272 {strides = array<i32>} : memref<128xi32, #tpu.memory_space<vmem>>, vector<16xi32>,
        %swap3A_288 = arith.constant 1 : i32
        %swap3A_289 = arith.constant 0 : i32
        %swap3A_290 = tpu.memref_slice %arg10[%swap3A_288, %swap3A_289] : memref<2x128xi32, #tpu.memory_space<vmem>> -> memref<1x128xi32, #tpu.memory_space<vmem>>
        %swap3A_291 = tpu.memref_squeeze %swap3A_290 : memref<1x128xi32, #tpu.memory_space<vmem>> -> memref<128xi32, #tpu.memory_space<vmem>>
        %swap3A_292 = arith.constant 32 : index
        %swap3A_293 = tpu.vector_load %swap3A_291[%swap3A_292] {strides = array<i32>} : memref<128xi32, #tpu.memory_space<vmem>>, vector<16xi32>,
        tpu.vector_store %swap3A_291[%swap3A_292], %select_n3A_281 {strides = array<i32>} : memref<128xi32, #tpu.memory_space<vmem>>, vector<16xi32>,
        %mul3A_294 = arith.constant 128 : i32
        %mul3A_295 = arith.muli %add3A_165, %mul3A_294 : i32
        %add3A_296 = arith.constant 48 : i32
        %add3A_297 = arith.addi %mul3A_295, %add3A_296 : i32
        %add3A_298 = vector.broadcast %add3A_297 : i32 to vector<16xi32>
        %add3A_299 = arith.addi %add3A_298, %iota3A : vector<16xi32>
        %gather3A_300 = tpu.vector_load_idx %arg8[%add3A_299] : memref<9728xi32, #tpu.memory_space<vmem>>[vector<16xi32>], vector<16xi32>,
        %min3A_301 = arith.constant 9471 : i32
        %min3A_302 = vector.broadcast %min3A_301 : i32 to vector<16xi32>
        %min3A_303 = arith.minsi %gather3A_300, %min3A_302 : vector<16xi32>
        %gather3A_304 = tpu.vector_load_idx %arg7[%min3A_303] : memref<9472xi32, #tpu.memory_space<vmem>>[vector<16xi32>], vector<16xi32>,
        %gather3A_305 = tpu.vector_load_idx %arg6[%min3A_303] : memref<9472xi32, #tpu.memory_space<vmem>>[vector<16xi32>], vector<16xi32>,
        %ge3A_306 = arith.constant 9472 : i32
        %ge3A_307 = vector.broadcast %ge3A_306 : i32 to vector<16xi32>
        %ge3A_308 = arith.cmpi sge, %gather3A_300, %ge3A_307 : vector<16xi32>
        %sub3A_309 = vector.broadcast %add3A_8 : i32 to vector<16xi32>
        %sub3A_310 = arith.subi %gather3A_305, %sub3A_309 : vector<16xi32>
        %jit3A_311 = arith.constant 8576 : i32
        %broadcast_in_dim3A_312 = vector.broadcast %jit3A_311 : i32 to vector<16xi32>
        %select_n3A_313 = arith.select %ge3A_308, %broadcast_in_dim3A_312, %sub3A_310 : vector<16xi1>, vector<16xi32>
        %swap3A_314 = arith.constant 1 : i32
        %swap3A_315 = arith.constant 0 : i32
        %swap3A_316 = tpu.memref_slice %arg9[%swap3A_314, %swap3A_315] : memref<2x128xi32, #tpu.memory_space<vmem>> -> memref<1x128xi32, #tpu.memory_space<vmem>>
        %swap3A_317 = tpu.memref_squeeze %swap3A_316 : memref<1x128xi32, #tpu.memory_space<vmem>> -> memref<128xi32, #tpu.memory_space<vmem>>
        %swap3A_318 = arith.constant 48 : index
        %swap3A_319 = tpu.vector_load %swap3A_317[%swap3A_318] {strides = array<i32>} : memref<128xi32, #tpu.memory_space<vmem>>, vector<16xi32>,
        tpu.vector_store %swap3A_317[%swap3A_318], %gather3A_304 {strides = array<i32>} : memref<128xi32, #tpu.memory_space<vmem>>, vector<16xi32>,
        %swap3A_320 = arith.constant 1 : i32
        %swap3A_321 = arith.constant 0 : i32
        %swap3A_322 = tpu.memref_slice %arg10[%swap3A_320, %swap3A_321] : memref<2x128xi32, #tpu.memory_space<vmem>> -> memref<1x128xi32, #tpu.memory_space<vmem>>
        %swap3A_323 = tpu.memref_squeeze %swap3A_322 : memref<1x128xi32, #tpu.memory_space<vmem>> -> memref<128xi32, #tpu.memory_space<vmem>>
        %swap3A_324 = arith.constant 48 : index
        %swap3A_325 = tpu.vector_load %swap3A_323[%swap3A_324] {strides = array<i32>} : memref<128xi32, #tpu.memory_space<vmem>>, vector<16xi32>,
        tpu.vector_store %swap3A_323[%swap3A_324], %select_n3A_313 {strides = array<i32>} : memref<128xi32, #tpu.memory_space<vmem>>, vector<16xi32>,
        %mul3A_326 = arith.constant 128 : i32
        %mul3A_327 = arith.muli %add3A_165, %mul3A_326 : i32
        %add3A_328 = arith.constant 64 : i32
        %add3A_329 = arith.addi %mul3A_327, %add3A_328 : i32
        %add3A_330 = vector.broadcast %add3A_329 : i32 to vector<16xi32>
        %add3A_331 = arith.addi %add3A_330, %iota3A : vector<16xi32>
        %gather3A_332 = tpu.vector_load_idx %arg8[%add3A_331] : memref<9728xi32, #tpu.memory_space<vmem>>[vector<16xi32>], vector<16xi32>,
        %min3A_333 = arith.constant 9471 : i32
        %min3A_334 = vector.broadcast %min3A_333 : i32 to vector<16xi32>
        %min3A_335 = arith.minsi %gather3A_332, %min3A_334 : vector<16xi32>
        %gather3A_336 = tpu.vector_load_idx %arg7[%min3A_335] : memref<9472xi32, #tpu.memory_space<vmem>>[vector<16xi32>], vector<16xi32>,
        %gather3A_337 = tpu.vector_load_idx %arg6[%min3A_335] : memref<9472xi32, #tpu.memory_space<vmem>>[vector<16xi32>], vector<16xi32>,
        %ge3A_338 = arith.constant 9472 : i32
        %ge3A_339 = vector.broadcast %ge3A_338 : i32 to vector<16xi32>
        %ge3A_340 = arith.cmpi sge, %gather3A_332, %ge3A_339 : vector<16xi32>
        %sub3A_341 = vector.broadcast %add3A_8 : i32 to vector<16xi32>
        %sub3A_342 = arith.subi %gather3A_337, %sub3A_341 : vector<16xi32>
        %jit3A_343 = arith.constant 8576 : i32
        %broadcast_in_dim3A_344 = vector.broadcast %jit3A_343 : i32 to vector<16xi32>
        %select_n3A_345 = arith.select %ge3A_340, %broadcast_in_dim3A_344, %sub3A_342 : vector<16xi1>, vector<16xi32>
        %swap3A_346 = arith.constant 1 : i32
        %swap3A_347 = arith.constant 0 : i32
        %swap3A_348 = tpu.memref_slice %arg9[%swap3A_346, %swap3A_347] : memref<2x128xi32, #tpu.memory_space<vmem>> -> memref<1x128xi32, #tpu.memory_space<vmem>>
        %swap3A_349 = tpu.memref_squeeze %swap3A_348 : memref<1x128xi32, #tpu.memory_space<vmem>> -> memref<128xi32, #tpu.memory_space<vmem>>
        %swap3A_350 = arith.constant 64 : index
        %swap3A_351 = tpu.vector_load %swap3A_349[%swap3A_350] {strides = array<i32>} : memref<128xi32, #tpu.memory_space<vmem>>, vector<16xi32>,
        tpu.vector_store %swap3A_349[%swap3A_350], %gather3A_336 {strides = array<i32>} : memref<128xi32, #tpu.memory_space<vmem>>, vector<16xi32>,
        %swap3A_352 = arith.constant 1 : i32
        %swap3A_353 = arith.constant 0 : i32
        %swap3A_354 = tpu.memref_slice %arg10[%swap3A_352, %swap3A_353] : memref<2x128xi32, #tpu.memory_space<vmem>> -> memref<1x128xi32, #tpu.memory_space<vmem>>
        %swap3A_355 = tpu.memref_squeeze %swap3A_354 : memref<1x128xi32, #tpu.memory_space<vmem>> -> memref<128xi32, #tpu.memory_space<vmem>>
        %swap3A_356 = arith.constant 64 : index
        %swap3A_357 = tpu.vector_load %swap3A_355[%swap3A_356] {strides = array<i32>} : memref<128xi32, #tpu.memory_space<vmem>>, vector<16xi32>,
        tpu.vector_store %swap3A_355[%swap3A_356], %select_n3A_345 {strides = array<i32>} : memref<128xi32, #tpu.memory_space<vmem>>, vector<16xi32>,
        %mul3A_358 = arith.constant 128 : i32
        %mul3A_359 = arith.muli %add3A_165, %mul3A_358 : i32
        %add3A_360 = arith.constant 80 : i32
        %add3A_361 = arith.addi %mul3A_359, %add3A_360 : i32
        %add3A_362 = vector.broadcast %add3A_361 : i32 to vector<16xi32>
        %add3A_363 = arith.addi %add3A_362, %iota3A : vector<16xi32>
        %gather3A_364 = tpu.vector_load_idx %arg8[%add3A_363] : memref<9728xi32, #tpu.memory_space<vmem>>[vector<16xi32>], vector<16xi32>,
        %min3A_365 = arith.constant 9471 : i32
        %min3A_366 = vector.broadcast %min3A_365 : i32 to vector<16xi32>
        %min3A_367 = arith.minsi %gather3A_364, %min3A_366 : vector<16xi32>
        %gather3A_368 = tpu.vector_load_idx %arg7[%min3A_367] : memref<9472xi32, #tpu.memory_space<vmem>>[vector<16xi32>], vector<16xi32>,
        %gather3A_369 = tpu.vector_load_idx %arg6[%min3A_367] : memref<9472xi32, #tpu.memory_space<vmem>>[vector<16xi32>], vector<16xi32>,
        %ge3A_370 = arith.constant 9472 : i32
        %ge3A_371 = vector.broadcast %ge3A_370 : i32 to vector<16xi32>
        %ge3A_372 = arith.cmpi sge, %gather3A_364, %ge3A_371 : vector<16xi32>
        %sub3A_373 = vector.broadcast %add3A_8 : i32 to vector<16xi32>
        %sub3A_374 = arith.subi %gather3A_369, %sub3A_373 : vector<16xi32>
        %jit3A_375 = arith.constant 8576 : i32
        %broadcast_in_dim3A_376 = vector.broadcast %jit3A_375 : i32 to vector<16xi32>
        %select_n3A_377 = arith.select %ge3A_372, %broadcast_in_dim3A_376, %sub3A_374 : vector<16xi1>, vector<16xi32>
        %swap3A_378 = arith.constant 1 : i32
        %swap3A_379 = arith.constant 0 : i32
        %swap3A_380 = tpu.memref_slice %arg9[%swap3A_378, %swap3A_379] : memref<2x128xi32, #tpu.memory_space<vmem>> -> memref<1x128xi32, #tpu.memory_space<vmem>>
        %swap3A_381 = tpu.memref_squeeze %swap3A_380 : memref<1x128xi32, #tpu.memory_space<vmem>> -> memref<128xi32, #tpu.memory_space<vmem>>
        %swap3A_382 = arith.constant 80 : index
        %swap3A_383 = tpu.vector_load %swap3A_381[%swap3A_382] {strides = array<i32>} : memref<128xi32, #tpu.memory_space<vmem>>, vector<16xi32>,
        tpu.vector_store %swap3A_381[%swap3A_382], %gather3A_368 {strides = array<i32>} : memref<128xi32, #tpu.memory_space<vmem>>, vector<16xi32>,
        %swap3A_384 = arith.constant 1 : i32
        %swap3A_385 = arith.constant 0 : i32
        %swap3A_386 = tpu.memref_slice %arg10[%swap3A_384, %swap3A_385] : memref<2x128xi32, #tpu.memory_space<vmem>> -> memref<1x128xi32, #tpu.memory_space<vmem>>
        %swap3A_387 = tpu.memref_squeeze %swap3A_386 : memref<1x128xi32, #tpu.memory_space<vmem>> -> memref<128xi32, #tpu.memory_space<vmem>>
        %swap3A_388 = arith.constant 80 : index
        %swap3A_389 = tpu.vector_load %swap3A_387[%swap3A_388] {strides = array<i32>} : memref<128xi32, #tpu.memory_space<vmem>>, vector<16xi32>,
        tpu.vector_store %swap3A_387[%swap3A_388], %select_n3A_377 {strides = array<i32>} : memref<128xi32, #tpu.memory_space<vmem>>, vector<16xi32>,
        %mul3A_390 = arith.constant 128 : i32
        %mul3A_391 = arith.muli %add3A_165, %mul3A_390 : i32
        %add3A_392 = arith.constant 96 : i32
        %add3A_393 = arith.addi %mul3A_391, %add3A_392 : i32
        %add3A_394 = vector.broadcast %add3A_393 : i32 to vector<16xi32>
        %add3A_395 = arith.addi %add3A_394, %iota3A : vector<16xi32>
        %gather3A_396 = tpu.vector_load_idx %arg8[%add3A_395] : memref<9728xi32, #tpu.memory_space<vmem>>[vector<16xi32>], vector<16xi32>,
        %min3A_397 = arith.constant 9471 : i32
        %min3A_398 = vector.broadcast %min3A_397 : i32 to vector<16xi32>
        %min3A_399 = arith.minsi %gather3A_396, %min3A_398 : vector<16xi32>
        %gather3A_400 = tpu.vector_load_idx %arg7[%min3A_399] : memref<9472xi32, #tpu.memory_space<vmem>>[vector<16xi32>], vector<16xi32>,
        %gather3A_401 = tpu.vector_load_idx %arg6[%min3A_399] : memref<9472xi32, #tpu.memory_space<vmem>>[vector<16xi32>], vector<16xi32>,
        %ge3A_402 = arith.constant 9472 : i32
        %ge3A_403 = vector.broadcast %ge3A_402 : i32 to vector<16xi32>
        %ge3A_404 = arith.cmpi sge, %gather3A_396, %ge3A_403 : vector<16xi32>
        %sub3A_405 = vector.broadcast %add3A_8 : i32 to vector<16xi32>
        %sub3A_406 = arith.subi %gather3A_401, %sub3A_405 : vector<16xi32>
        %jit3A_407 = arith.constant 8576 : i32
        %broadcast_in_dim3A_408 = vector.broadcast %jit3A_407 : i32 to vector<16xi32>
        %select_n3A_409 = arith.select %ge3A_404, %broadcast_in_dim3A_408, %sub3A_406 : vector<16xi1>, vector<16xi32>
        %swap3A_410 = arith.constant 1 : i32
        %swap3A_411 = arith.constant 0 : i32
        %swap3A_412 = tpu.memref_slice %arg9[%swap3A_410, %swap3A_411] : memref<2x128xi32, #tpu.memory_space<vmem>> -> memref<1x128xi32, #tpu.memory_space<vmem>>
        %swap3A_413 = tpu.memref_squeeze %swap3A_412 : memref<1x128xi32, #tpu.memory_space<vmem>> -> memref<128xi32, #tpu.memory_space<vmem>>
        %swap3A_414 = arith.constant 96 : index
        %swap3A_415 = tpu.vector_load %swap3A_413[%swap3A_414] {strides = array<i32>} : memref<128xi32, #tpu.memory_space<vmem>>, vector<16xi32>,
        tpu.vector_store %swap3A_413[%swap3A_414], %gather3A_400 {strides = array<i32>} : memref<128xi32, #tpu.memory_space<vmem>>, vector<16xi32>,
        %swap3A_416 = arith.constant 1 : i32
        %swap3A_417 = arith.constant 0 : i32
        %swap3A_418 = tpu.memref_slice %arg10[%swap3A_416, %swap3A_417] : memref<2x128xi32, #tpu.memory_space<vmem>> -> memref<1x128xi32, #tpu.memory_space<vmem>>
        %swap3A_419 = tpu.memref_squeeze %swap3A_418 : memref<1x128xi32, #tpu.memory_space<vmem>> -> memref<128xi32, #tpu.memory_space<vmem>>
        %swap3A_420 = arith.constant 96 : index
        %swap3A_421 = tpu.vector_load %swap3A_419[%swap3A_420] {strides = array<i32>} : memref<128xi32, #tpu.memory_space<vmem>>, vector<16xi32>,
        tpu.vector_store %swap3A_419[%swap3A_420], %select_n3A_409 {strides = array<i32>} : memref<128xi32, #tpu.memory_space<vmem>>, vector<16xi32>,
        %mul3A_422 = arith.constant 128 : i32
        %mul3A_423 = arith.muli %add3A_165, %mul3A_422 : i32
        %add3A_424 = arith.constant 112 : i32
        %add3A_425 = arith.addi %mul3A_423, %add3A_424 : i32
        %add3A_426 = vector.broadcast %add3A_425 : i32 to vector<16xi32>
        %add3A_427 = arith.addi %add3A_426, %iota3A : vector<16xi32>
        %gather3A_428 = tpu.vector_load_idx %arg8[%add3A_427] : memref<9728xi32, #tpu.memory_space<vmem>>[vector<16xi32>], vector<16xi32>,
        %min3A_429 = arith.constant 9471 : i32
        %min3A_430 = vector.broadcast %min3A_429 : i32 to vector<16xi32>
        %min3A_431 = arith.minsi %gather3A_428, %min3A_430 : vector<16xi32>
        %gather3A_432 = tpu.vector_load_idx %arg7[%min3A_431] : memref<9472xi32, #tpu.memory_space<vmem>>[vector<16xi32>], vector<16xi32>,
        %gather3A_433 = tpu.vector_load_idx %arg6[%min3A_431] : memref<9472xi32, #tpu.memory_space<vmem>>[vector<16xi32>], vector<16xi32>,
        %ge3A_434 = arith.constant 9472 : i32
        %ge3A_435 = vector.broadcast %ge3A_434 : i32 to vector<16xi32>
        %ge3A_436 = arith.cmpi sge, %gather3A_428, %ge3A_435 : vector<16xi32>
        %sub3A_437 = vector.broadcast %add3A_8 : i32 to vector<16xi32>
        %sub3A_438 = arith.subi %gather3A_433, %sub3A_437 : vector<16xi32>
        %jit3A_439 = arith.constant 8576 : i32
        %broadcast_in_dim3A_440 = vector.broadcast %jit3A_439 : i32 to vector<16xi32>
        %select_n3A_441 = arith.select %ge3A_436, %broadcast_in_dim3A_440, %sub3A_438 : vector<16xi1>, vector<16xi32>
        %swap3A_442 = arith.constant 1 : i32
        %swap3A_443 = arith.constant 0 : i32
        %swap3A_444 = tpu.memref_slice %arg9[%swap3A_442, %swap3A_443] : memref<2x128xi32, #tpu.memory_space<vmem>> -> memref<1x128xi32, #tpu.memory_space<vmem>>
        %swap3A_445 = tpu.memref_squeeze %swap3A_444 : memref<1x128xi32, #tpu.memory_space<vmem>> -> memref<128xi32, #tpu.memory_space<vmem>>
        %swap3A_446 = arith.constant 112 : index
        %swap3A_447 = tpu.vector_load %swap3A_445[%swap3A_446] {strides = array<i32>} : memref<128xi32, #tpu.memory_space<vmem>>, vector<16xi32>,
        tpu.vector_store %swap3A_445[%swap3A_446], %gather3A_432 {strides = array<i32>} : memref<128xi32, #tpu.memory_space<vmem>>, vector<16xi32>,
        %swap3A_448 = arith.constant 1 : i32
        %swap3A_449 = arith.constant 0 : i32
        %swap3A_450 = tpu.memref_slice %arg10[%swap3A_448, %swap3A_449] : memref<2x128xi32, #tpu.memory_space<vmem>> -> memref<1x128xi32, #tpu.memory_space<vmem>>
        %swap3A_451 = tpu.memref_squeeze %swap3A_450 : memref<1x128xi32, #tpu.memory_space<vmem>> -> memref<128xi32, #tpu.memory_space<vmem>>
        %swap3A_452 = arith.constant 112 : index
        %swap3A_453 = tpu.vector_load %swap3A_451[%swap3A_452] {strides = array<i32>} : memref<128xi32, #tpu.memory_space<vmem>>, vector<16xi32>,
        tpu.vector_store %swap3A_451[%swap3A_452], %select_n3A_441 {strides = array<i32>} : memref<128xi32, #tpu.memory_space<vmem>>, vector<16xi32>,
        %dma_start3A = arith.constant 1 : i32
        %dma_start3A_454 = arith.constant 1 : i32
        %dma_start3A_455 = arith.constant 1 : i32
        %dma_start3A_456 = arith.constant 0 : i32
        %dma_start3A_457 = arith.constant 0 : i32
        %dma_start3A_458 = tpu.memref_slice %arg11[%dma_start3A_454, %dma_start3A_456, %dma_start3A_457] : memref<2x128x128xf32, #tpu.memory_space<vmem>> -> memref<1x128x128xf32, #tpu.memory_space<vmem>>
        %dma_start3A_459 = tpu.memref_squeeze %dma_start3A_458 : memref<1x128x128xf32, #tpu.memory_space<vmem>> -> memref<128x128xf32, #tpu.memory_space<vmem>>
        %dma_start3A_460 = arith.constant 0 : i32
        %dma_start3A_461 = tpu.memref_slice %arg9[%dma_start3A, %dma_start3A_460] : memref<2x128xi32, #tpu.memory_space<vmem>> -> memref<1x128xi32, #tpu.memory_space<vmem>>
        %dma_start3A_462 = tpu.memref_squeeze %dma_start3A_461 : memref<1x128xi32, #tpu.memory_space<vmem>> -> memref<128xi32, #tpu.memory_space<vmem>>
        %dma_start3A_463 = arith.constant 0 : i32
        %dma_start3A_464 = arith.constant 0 : i32
        %dma_start3A_465 = tpu.memref_slice %arg2[%dma_start3A_463, %dma_start3A_464] : memref<200000x128xf32, #tpu.memory_space<hbm>> -> memref<200000x128xf32, #tpu.memory_space<hbm>>
        %dma_start3A_466 = tpu.memref_slice %arg13[%dma_start3A_455] : memref<2x!tpu.dma_semaphore, #tpu.memory_space<semaphore_mem>> -> memref<1x!tpu.dma_semaphore, #tpu.memory_space<semaphore_mem>>
        %dma_start3A_467 = tpu.memref_squeeze %dma_start3A_466 : memref<1x!tpu.dma_semaphore, #tpu.memory_space<semaphore_mem>> -> memref<!tpu.dma_semaphore, #tpu.memory_space<semaphore_mem>>
        tpu.enqueue_indirect_dma source(%dma_start3A_465 : memref<200000x128xf32, #tpu.memory_space<hbm>>) target(%dma_start3A_459 : memref<128x128xf32, #tpu.memory_space<vmem>>) offsets(%dma_start3A_462 : memref<128xi32, #tpu.memory_space<vmem>>) semaphore(%dma_start3A_467 : memref<!tpu.dma_semaphore, #tpu.memory_space<semaphore_mem>>)
      } else {
      }
      %mul3A_170 = arith.constant 2 : i32
      %mul3A_171 = arith.muli %while3A_153, %mul3A_170 : i32
      %add3A_172 = arith.constant 0 : i32
      %add3A_173 = arith.addi %mul3A_171, %add3A_172 : i32
      %lt3A_174 = arith.cmpi slt, %add3A_173, %select_n3A : i32
      %convert_element_type3A_175 = arith.extui %lt3A_174 : i1 to i32
      %cond3A_176 = arith.constant 0 : i32
      %cond3A_177 = arith.cmpi ne, %convert_element_type3A_175, %cond3A_176 : i32
      scf.if %cond3A_177 {
        %dma_wait3A = arith.constant 0 : i32
        %dma_wait3A_202 = arith.constant 0 : i32
        %dma_wait3A_203 = arith.constant 0 : i32
        %dma_wait3A_204 = arith.constant 0 : i32
        %dma_wait3A_205 = arith.constant 0 : i32
        %dma_wait3A_206 = tpu.memref_slice %arg11[%dma_wait3A_202, %dma_wait3A_204, %dma_wait3A_205] : memref<2x128x128xf32, #tpu.memory_space<vmem>> -> memref<1x128x128xf32, #tpu.memory_space<vmem>>
        %dma_wait3A_207 = tpu.memref_squeeze %dma_wait3A_206 : memref<1x128x128xf32, #tpu.memory_space<vmem>> -> memref<128x128xf32, #tpu.memory_space<vmem>>
        %dma_wait3A_208 = arith.constant 0 : i32
        %dma_wait3A_209 = tpu.memref_slice %arg9[%dma_wait3A, %dma_wait3A_208] : memref<2x128xi32, #tpu.memory_space<vmem>> -> memref<1x128xi32, #tpu.memory_space<vmem>>
        %dma_wait3A_210 = tpu.memref_squeeze %dma_wait3A_209 : memref<1x128xi32, #tpu.memory_space<vmem>> -> memref<128xi32, #tpu.memory_space<vmem>>
        %dma_wait3A_211 = arith.constant 0 : i32
        %dma_wait3A_212 = arith.constant 0 : i32
        %dma_wait3A_213 = tpu.memref_slice %arg2[%dma_wait3A_211, %dma_wait3A_212] : memref<200000x128xf32, #tpu.memory_space<hbm>> -> memref<200000x128xf32, #tpu.memory_space<hbm>>
        %dma_wait3A_214 = tpu.memref_slice %arg13[%dma_wait3A_203] : memref<2x!tpu.dma_semaphore, #tpu.memory_space<semaphore_mem>> -> memref<1x!tpu.dma_semaphore, #tpu.memory_space<semaphore_mem>>
        %dma_wait3A_215 = tpu.memref_squeeze %dma_wait3A_214 : memref<1x!tpu.dma_semaphore, #tpu.memory_space<semaphore_mem>> -> memref<!tpu.dma_semaphore, #tpu.memory_space<semaphore_mem>>
        tpu.wait_indirect_dma semaphore(%dma_wait3A_215 : memref<!tpu.dma_semaphore, #tpu.memory_space<semaphore_mem>>) src(%dma_wait3A_213 : memref<200000x128xf32, #tpu.memory_space<hbm>>) dst(%dma_wait3A_207 : memref<128x128xf32, #tpu.memory_space<vmem>>)
        %dma_start3A = arith.constant 0 : i32
        %dma_start3A_216 = arith.constant 0 : i32
        %dma_start3A_217 = arith.constant 0 : i32
        %dma_start3A_218 = arith.constant 0 : i32
        %dma_start3A_219 = arith.constant 0 : i32
        %dma_start3A_220 = tpu.memref_slice %arg11[%dma_start3A, %dma_start3A_218, %dma_start3A_219] : memref<2x128x128xf32, #tpu.memory_space<vmem>> -> memref<1x128x128xf32, #tpu.memory_space<vmem>>
        %dma_start3A_221 = tpu.memref_squeeze %dma_start3A_220 : memref<1x128x128xf32, #tpu.memory_space<vmem>> -> memref<128x128xf32, #tpu.memory_space<vmem>>
        %dma_start3A_222 = arith.constant 0 : i32
        %dma_start3A_223 = tpu.memref_slice %arg10[%dma_start3A_216, %dma_start3A_222] : memref<2x128xi32, #tpu.memory_space<vmem>> -> memref<1x128xi32, #tpu.memory_space<vmem>>
        %dma_start3A_224 = tpu.memref_squeeze %dma_start3A_223 : memref<1x128xi32, #tpu.memory_space<vmem>> -> memref<128xi32, #tpu.memory_space<vmem>>
        %dma_start3A_225 = arith.constant 0 : i32
        %dma_start3A_226 = arith.constant 0 : i32
        %dma_start3A_227 = tpu.memref_slice %arg12[%dma_start3A_225, %dma_start3A_226] : memref<8584x128xf32, #tpu.memory_space<vmem_shared>> -> memref<8584x128xf32, #tpu.memory_space<vmem_shared>>
        %dma_start3A_228 = tpu.memref_slice %arg14[%dma_start3A_217] : memref<2x!tpu.dma_semaphore, #tpu.memory_space<semaphore_mem>> -> memref<1x!tpu.dma_semaphore, #tpu.memory_space<semaphore_mem>>
        %dma_start3A_229 = tpu.memref_squeeze %dma_start3A_228 : memref<1x!tpu.dma_semaphore, #tpu.memory_space<semaphore_mem>> -> memref<!tpu.dma_semaphore, #tpu.memory_space<semaphore_mem>>
        tpu.enqueue_indirect_dma source(%dma_start3A_221 : memref<128x128xf32, #tpu.memory_space<vmem>>) target(%dma_start3A_227 : memref<8584x128xf32, #tpu.memory_space<vmem_shared>>) offsets(%dma_start3A_224 : memref<128xi32, #tpu.memory_space<vmem>>) semaphore(%dma_start3A_229 : memref<!tpu.dma_semaphore, #tpu.memory_space<semaphore_mem>>) {add = true}
      } else {
      }
      %mul3A_178 = arith.constant 2 : i32
      %mul3A_179 = arith.muli %while3A_153, %mul3A_178 : i32
      %add3A_180 = arith.constant 1 : i32
      %add3A_181 = arith.addi %mul3A_179, %add3A_180 : i32
      %lt3A_182 = arith.cmpi slt, %add3A_181, %select_n3A : i32
      %convert_element_type3A_183 = arith.extui %lt3A_182 : i1 to i32
      %cond3A_184 = arith.constant 0 : i32
      %cond3A_185 = arith.cmpi ne, %convert_element_type3A_183, %cond3A_184 : i32
      scf.if %cond3A_185 {
        %dma_wait3A = arith.constant 1 : i32
        %dma_wait3A_202 = arith.constant 1 : i32
        %dma_wait3A_203 = arith.constant 1 : i32
        %dma_wait3A_204 = arith.constant 0 : i32
        %dma_wait3A_205 = arith.constant 0 : i32
        %dma_wait3A_206 = tpu.memref_slice %arg11[%dma_wait3A_202, %dma_wait3A_204, %dma_wait3A_205] : memref<2x128x128xf32, #tpu.memory_space<vmem>> -> memref<1x128x128xf32, #tpu.memory_space<vmem>>
        %dma_wait3A_207 = tpu.memref_squeeze %dma_wait3A_206 : memref<1x128x128xf32, #tpu.memory_space<vmem>> -> memref<128x128xf32, #tpu.memory_space<vmem>>
        %dma_wait3A_208 = arith.constant 0 : i32
        %dma_wait3A_209 = tpu.memref_slice %arg9[%dma_wait3A, %dma_wait3A_208] : memref<2x128xi32, #tpu.memory_space<vmem>> -> memref<1x128xi32, #tpu.memory_space<vmem>>
        %dma_wait3A_210 = tpu.memref_squeeze %dma_wait3A_209 : memref<1x128xi32, #tpu.memory_space<vmem>> -> memref<128xi32, #tpu.memory_space<vmem>>
        %dma_wait3A_211 = arith.constant 0 : i32
        %dma_wait3A_212 = arith.constant 0 : i32
        %dma_wait3A_213 = tpu.memref_slice %arg2[%dma_wait3A_211, %dma_wait3A_212] : memref<200000x128xf32, #tpu.memory_space<hbm>> -> memref<200000x128xf32, #tpu.memory_space<hbm>>
        %dma_wait3A_214 = tpu.memref_slice %arg13[%dma_wait3A_203] : memref<2x!tpu.dma_semaphore, #tpu.memory_space<semaphore_mem>> -> memref<1x!tpu.dma_semaphore, #tpu.memory_space<semaphore_mem>>
        %dma_wait3A_215 = tpu.memref_squeeze %dma_wait3A_214 : memref<1x!tpu.dma_semaphore, #tpu.memory_space<semaphore_mem>> -> memref<!tpu.dma_semaphore, #tpu.memory_space<semaphore_mem>>
        tpu.wait_indirect_dma semaphore(%dma_wait3A_215 : memref<!tpu.dma_semaphore, #tpu.memory_space<semaphore_mem>>) src(%dma_wait3A_213 : memref<200000x128xf32, #tpu.memory_space<hbm>>) dst(%dma_wait3A_207 : memref<128x128xf32, #tpu.memory_space<vmem>>)
        %dma_start3A = arith.constant 1 : i32
        %dma_start3A_216 = arith.constant 1 : i32
        %dma_start3A_217 = arith.constant 1 : i32
        %dma_start3A_218 = arith.constant 0 : i32
        %dma_start3A_219 = arith.constant 0 : i32
        %dma_start3A_220 = tpu.memref_slice %arg11[%dma_start3A, %dma_start3A_218, %dma_start3A_219] : memref<2x128x128xf32, #tpu.memory_space<vmem>> -> memref<1x128x128xf32, #tpu.memory_space<vmem>>
        %dma_start3A_221 = tpu.memref_squeeze %dma_start3A_220 : memref<1x128x128xf32, #tpu.memory_space<vmem>> -> memref<128x128xf32, #tpu.memory_space<vmem>>
        %dma_start3A_222 = arith.constant 0 : i32
        %dma_start3A_223 = tpu.memref_slice %arg10[%dma_start3A_216, %dma_start3A_222] : memref<2x128xi32, #tpu.memory_space<vmem>> -> memref<1x128xi32, #tpu.memory_space<vmem>>
        %dma_start3A_224 = tpu.memref_squeeze %dma_start3A_223 : memref<1x128xi32, #tpu.memory_space<vmem>> -> memref<128xi32, #tpu.memory_space<vmem>>
        %dma_start3A_225 = arith.constant 0 : i32
        %dma_start3A_226 = arith.constant 0 : i32
        %dma_start3A_227 = tpu.memref_slice %arg12[%dma_start3A_225, %dma_start3A_226] : memref<8584x128xf32, #tpu.memory_space<vmem_shared>> -> memref<8584x128xf32, #tpu.memory_space<vmem_shared>>
        %dma_start3A_228 = tpu.memref_slice %arg14[%dma_start3A_217] : memref<2x!tpu.dma_semaphore, #tpu.memory_space<semaphore_mem>> -> memref<1x!tpu.dma_semaphore, #tpu.memory_space<semaphore_mem>>
        %dma_start3A_229 = tpu.memref_squeeze %dma_start3A_228 : memref<1x!tpu.dma_semaphore, #tpu.memory_space<semaphore_mem>> -> memref<!tpu.dma_semaphore, #tpu.memory_space<semaphore_mem>>
        tpu.enqueue_indirect_dma source(%dma_start3A_221 : memref<128x128xf32, #tpu.memory_space<vmem>>) target(%dma_start3A_227 : memref<8584x128xf32, #tpu.memory_space<vmem_shared>>) offsets(%dma_start3A_224 : memref<128xi32, #tpu.memory_space<vmem>>) semaphore(%dma_start3A_229 : memref<!tpu.dma_semaphore, #tpu.memory_space<semaphore_mem>>) {add = true}
      } else {
      }
      %mul3A_186 = arith.constant 2 : i32
      %mul3A_187 = arith.muli %while3A_153, %mul3A_186 : i32
      %add3A_188 = arith.constant 0 : i32
      %add3A_189 = arith.addi %mul3A_187, %add3A_188 : i32
      %lt3A_190 = arith.cmpi slt, %add3A_189, %select_n3A : i32
      %convert_element_type3A_191 = arith.extui %lt3A_190 : i1 to i32
      %cond3A_192 = arith.constant 0 : i32
      %cond3A_193 = arith.cmpi ne, %convert_element_type3A_191, %cond3A_192 : i32
      scf.if %cond3A_193 {
        %dma_wait3A = arith.constant 0 : i32
        %dma_wait3A_202 = arith.constant 0 : i32
        %dma_wait3A_203 = arith.constant 0 : i32
        %dma_wait3A_204 = arith.constant 0 : i32
        %dma_wait3A_205 = arith.constant 0 : i32
        %dma_wait3A_206 = tpu.memref_slice %arg11[%dma_wait3A, %dma_wait3A_204, %dma_wait3A_205] : memref<2x128x128xf32, #tpu.memory_space<vmem>> -> memref<1x128x128xf32, #tpu.memory_space<vmem>>
        %dma_wait3A_207 = tpu.memref_squeeze %dma_wait3A_206 : memref<1x128x128xf32, #tpu.memory_space<vmem>> -> memref<128x128xf32, #tpu.memory_space<vmem>>
        %dma_wait3A_208 = arith.constant 0 : i32
        %dma_wait3A_209 = tpu.memref_slice %arg10[%dma_wait3A_202, %dma_wait3A_208] : memref<2x128xi32, #tpu.memory_space<vmem>> -> memref<1x128xi32, #tpu.memory_space<vmem>>
        %dma_wait3A_210 = tpu.memref_squeeze %dma_wait3A_209 : memref<1x128xi32, #tpu.memory_space<vmem>> -> memref<128xi32, #tpu.memory_space<vmem>>
        %dma_wait3A_211 = arith.constant 0 : i32
        %dma_wait3A_212 = arith.constant 0 : i32
        %dma_wait3A_213 = tpu.memref_slice %arg12[%dma_wait3A_211, %dma_wait3A_212] : memref<8584x128xf32, #tpu.memory_space<vmem_shared>> -> memref<8584x128xf32, #tpu.memory_space<vmem_shared>>
        %dma_wait3A_214 = tpu.memref_slice %arg14[%dma_wait3A_203] : memref<2x!tpu.dma_semaphore, #tpu.memory_space<semaphore_mem>> -> memref<1x!tpu.dma_semaphore, #tpu.memory_space<semaphore_mem>>
        %dma_wait3A_215 = tpu.memref_squeeze %dma_wait3A_214 : memref<1x!tpu.dma_semaphore, #tpu.memory_space<semaphore_mem>> -> memref<!tpu.dma_semaphore, #tpu.memory_space<semaphore_mem>>
        tpu.wait_indirect_dma semaphore(%dma_wait3A_215 : memref<!tpu.dma_semaphore, #tpu.memory_space<semaphore_mem>>) src(%dma_wait3A_207 : memref<128x128xf32, #tpu.memory_space<vmem>>) dst(%dma_wait3A_213 : memref<8584x128xf32, #tpu.memory_space<vmem_shared>>)
      } else {
      }
      %mul3A_194 = arith.constant 2 : i32
      %mul3A_195 = arith.muli %while3A_153, %mul3A_194 : i32
      %add3A_196 = arith.constant 1 : i32
      %add3A_197 = arith.addi %mul3A_195, %add3A_196 : i32
      %lt3A_198 = arith.cmpi slt, %add3A_197, %select_n3A : i32
      %convert_element_type3A_199 = arith.extui %lt3A_198 : i1 to i32
      %cond3A_200 = arith.constant 0 : i32
      %cond3A_201 = arith.cmpi ne, %convert_element_type3A_199, %cond3A_200 : i32
      scf.if %cond3A_201 {
        %dma_wait3A = arith.constant 1 : i32
        %dma_wait3A_202 = arith.constant 1 : i32
        %dma_wait3A_203 = arith.constant 1 : i32
        %dma_wait3A_204 = arith.constant 0 : i32
        %dma_wait3A_205 = arith.constant 0 : i32
        %dma_wait3A_206 = tpu.memref_slice %arg11[%dma_wait3A, %dma_wait3A_204, %dma_wait3A_205] : memref<2x128x128xf32, #tpu.memory_space<vmem>> -> memref<1x128x128xf32, #tpu.memory_space<vmem>>
        %dma_wait3A_207 = tpu.memref_squeeze %dma_wait3A_206 : memref<1x128x128xf32, #tpu.memory_space<vmem>> -> memref<128x128xf32, #tpu.memory_space<vmem>>
        %dma_wait3A_208 = arith.constant 0 : i32
        %dma_wait3A_209 = tpu.memref_slice %arg10[%dma_wait3A_202, %dma_wait3A_208] : memref<2x128xi32, #tpu.memory_space<vmem>> -> memref<1x128xi32, #tpu.memory_space<vmem>>
        %dma_wait3A_210 = tpu.memref_squeeze %dma_wait3A_209 : memref<1x128xi32, #tpu.memory_space<vmem>> -> memref<128xi32, #tpu.memory_space<vmem>>
        %dma_wait3A_211 = arith.constant 0 : i32
        %dma_wait3A_212 = arith.constant 0 : i32
        %dma_wait3A_213 = tpu.memref_slice %arg12[%dma_wait3A_211, %dma_wait3A_212] : memref<8584x128xf32, #tpu.memory_space<vmem_shared>> -> memref<8584x128xf32, #tpu.memory_space<vmem_shared>>
        %dma_wait3A_214 = tpu.memref_slice %arg14[%dma_wait3A_203] : memref<2x!tpu.dma_semaphore, #tpu.memory_space<semaphore_mem>> -> memref<1x!tpu.dma_semaphore, #tpu.memory_space<semaphore_mem>>
        %dma_wait3A_215 = tpu.memref_squeeze %dma_wait3A_214 : memref<1x!tpu.dma_semaphore, #tpu.memory_space<semaphore_mem>> -> memref<!tpu.dma_semaphore, #tpu.memory_space<semaphore_mem>>
        tpu.wait_indirect_dma semaphore(%dma_wait3A_215 : memref<!tpu.dma_semaphore, #tpu.memory_space<semaphore_mem>>) src(%dma_wait3A_207 : memref<128x128xf32, #tpu.memory_space<vmem>>) dst(%dma_wait3A_213 : memref<8584x128xf32, #tpu.memory_space<vmem_shared>>)
      } else {
      }
    }
    %while3A_134 = arith.constant 1 : i32
    scf.for %while3A_153 = %while3A_132 to %while3A_128 step %while3A_134  : i32 {
      %mul3A_154 = arith.constant 2 : i32
      %mul3A_155 = arith.muli %while3A_153, %mul3A_154 : i32
      %add3A_156 = arith.constant 0 : i32
      %add3A_157 = arith.addi %mul3A_155, %add3A_156 : i32
      %lt3A_158 = arith.cmpi slt, %add3A_157, %select_n3A : i32
      %convert_element_type3A_159 = arith.extui %lt3A_158 : i1 to i32
      %cond3A_160 = arith.constant 0 : i32
      %cond3A_161 = arith.cmpi ne, %convert_element_type3A_159, %cond3A_160 : i32
      scf.if %cond3A_161 {
        %mul3A_202 = arith.constant 128 : i32
        %mul3A_203 = arith.muli %add3A_157, %mul3A_202 : i32
        %add3A_204 = arith.constant 0 : i32
        %add3A_205 = arith.addi %mul3A_203, %add3A_204 : i32
        %add3A_206 = vector.broadcast %add3A_205 : i32 to vector<16xi32>
        %add3A_207 = arith.addi %add3A_206, %iota3A : vector<16xi32>
        %gather3A = tpu.vector_load_idx %arg8[%add3A_207] : memref<9728xi32, #tpu.memory_space<vmem>>[vector<16xi32>], vector<16xi32>,
        %min3A = arith.constant 9471 : i32
        %min3A_208 = vector.broadcast %min3A : i32 to vector<16xi32>
        %min3A_209 = arith.minsi %gather3A, %min3A_208 : vector<16xi32>
        %gather3A_210 = tpu.vector_load_idx %arg7[%min3A_209] : memref<9472xi32, #tpu.memory_space<vmem>>[vector<16xi32>], vector<16xi32>,
        %gather3A_211 = tpu.vector_load_idx %arg6[%min3A_209] : memref<9472xi32, #tpu.memory_space<vmem>>[vector<16xi32>], vector<16xi32>,
        %ge3A = arith.constant 9472 : i32
        %ge3A_212 = vector.broadcast %ge3A : i32 to vector<16xi32>
        %ge3A_213 = arith.cmpi sge, %gather3A, %ge3A_212 : vector<16xi32>
        %sub3A_214 = vector.broadcast %add3A_8 : i32 to vector<16xi32>
        %sub3A_215 = arith.subi %gather3A_211, %sub3A_214 : vector<16xi32>
        %jit3A_216 = arith.constant 8576 : i32
        %broadcast_in_dim3A_217 = vector.broadcast %jit3A_216 : i32 to vector<16xi32>
        %select_n3A_218 = arith.select %ge3A_213, %broadcast_in_dim3A_217, %sub3A_215 : vector<16xi1>, vector<16xi32>
        %swap3A = arith.constant 0 : i32
        %swap3A_219 = arith.constant 0 : i32
        %swap3A_220 = tpu.memref_slice %arg9[%swap3A, %swap3A_219] : memref<2x128xi32, #tpu.memory_space<vmem>> -> memref<1x128xi32, #tpu.memory_space<vmem>>
        %swap3A_221 = tpu.memref_squeeze %swap3A_220 : memref<1x128xi32, #tpu.memory_space<vmem>> -> memref<128xi32, #tpu.memory_space<vmem>>
        %swap3A_222 = arith.constant 0 : index
        %swap3A_223 = tpu.vector_load %swap3A_221[%swap3A_222] {strides = array<i32>} : memref<128xi32, #tpu.memory_space<vmem>>, vector<16xi32>,
        tpu.vector_store %swap3A_221[%swap3A_222], %gather3A_210 {strides = array<i32>} : memref<128xi32, #tpu.memory_space<vmem>>, vector<16xi32>,
        %swap3A_224 = arith.constant 0 : i32
        %swap3A_225 = arith.constant 0 : i32
        %swap3A_226 = tpu.memref_slice %arg10[%swap3A_224, %swap3A_225] : memref<2x128xi32, #tpu.memory_space<vmem>> -> memref<1x128xi32, #tpu.memory_space<vmem>>
        %swap3A_227 = tpu.memref_squeeze %swap3A_226 : memref<1x128xi32, #tpu.memory_space<vmem>> -> memref<128xi32, #tpu.memory_space<vmem>>
        %swap3A_228 = arith.constant 0 : index
        %swap3A_229 = tpu.vector_load %swap3A_227[%swap3A_228] {strides = array<i32>} : memref<128xi32, #tpu.memory_space<vmem>>, vector<16xi32>,
        tpu.vector_store %swap3A_227[%swap3A_228], %select_n3A_218 {strides = array<i32>} : memref<128xi32, #tpu.memory_space<vmem>>, vector<16xi32>,
        %mul3A_230 = arith.constant 128 : i32
        %mul3A_231 = arith.muli %add3A_157, %mul3A_230 : i32
        %add3A_232 = arith.constant 16 : i32
        %add3A_233 = arith.addi %mul3A_231, %add3A_232 : i32
        %add3A_234 = vector.broadcast %add3A_233 : i32 to vector<16xi32>
        %add3A_235 = arith.addi %add3A_234, %iota3A : vector<16xi32>
        %gather3A_236 = tpu.vector_load_idx %arg8[%add3A_235] : memref<9728xi32, #tpu.memory_space<vmem>>[vector<16xi32>], vector<16xi32>,
        %min3A_237 = arith.constant 9471 : i32
        %min3A_238 = vector.broadcast %min3A_237 : i32 to vector<16xi32>
        %min3A_239 = arith.minsi %gather3A_236, %min3A_238 : vector<16xi32>
        %gather3A_240 = tpu.vector_load_idx %arg7[%min3A_239] : memref<9472xi32, #tpu.memory_space<vmem>>[vector<16xi32>], vector<16xi32>,
        %gather3A_241 = tpu.vector_load_idx %arg6[%min3A_239] : memref<9472xi32, #tpu.memory_space<vmem>>[vector<16xi32>], vector<16xi32>,
        %ge3A_242 = arith.constant 9472 : i32
        %ge3A_243 = vector.broadcast %ge3A_242 : i32 to vector<16xi32>
        %ge3A_244 = arith.cmpi sge, %gather3A_236, %ge3A_243 : vector<16xi32>
        %sub3A_245 = vector.broadcast %add3A_8 : i32 to vector<16xi32>
        %sub3A_246 = arith.subi %gather3A_241, %sub3A_245 : vector<16xi32>
        %jit3A_247 = arith.constant 8576 : i32
        %broadcast_in_dim3A_248 = vector.broadcast %jit3A_247 : i32 to vector<16xi32>
        %select_n3A_249 = arith.select %ge3A_244, %broadcast_in_dim3A_248, %sub3A_246 : vector<16xi1>, vector<16xi32>
        %swap3A_250 = arith.constant 0 : i32
        %swap3A_251 = arith.constant 0 : i32
        %swap3A_252 = tpu.memref_slice %arg9[%swap3A_250, %swap3A_251] : memref<2x128xi32, #tpu.memory_space<vmem>> -> memref<1x128xi32, #tpu.memory_space<vmem>>
        %swap3A_253 = tpu.memref_squeeze %swap3A_252 : memref<1x128xi32, #tpu.memory_space<vmem>> -> memref<128xi32, #tpu.memory_space<vmem>>
        %swap3A_254 = arith.constant 16 : index
        %swap3A_255 = tpu.vector_load %swap3A_253[%swap3A_254] {strides = array<i32>} : memref<128xi32, #tpu.memory_space<vmem>>, vector<16xi32>,
        tpu.vector_store %swap3A_253[%swap3A_254], %gather3A_240 {strides = array<i32>} : memref<128xi32, #tpu.memory_space<vmem>>, vector<16xi32>,
        %swap3A_256 = arith.constant 0 : i32
        %swap3A_257 = arith.constant 0 : i32
        %swap3A_258 = tpu.memref_slice %arg10[%swap3A_256, %swap3A_257] : memref<2x128xi32, #tpu.memory_space<vmem>> -> memref<1x128xi32, #tpu.memory_space<vmem>>
        %swap3A_259 = tpu.memref_squeeze %swap3A_258 : memref<1x128xi32, #tpu.memory_space<vmem>> -> memref<128xi32, #tpu.memory_space<vmem>>
        %swap3A_260 = arith.constant 16 : index
        %swap3A_261 = tpu.vector_load %swap3A_259[%swap3A_260] {strides = array<i32>} : memref<128xi32, #tpu.memory_space<vmem>>, vector<16xi32>,
        tpu.vector_store %swap3A_259[%swap3A_260], %select_n3A_249 {strides = array<i32>} : memref<128xi32, #tpu.memory_space<vmem>>, vector<16xi32>,
        %mul3A_262 = arith.constant 128 : i32
        %mul3A_263 = arith.muli %add3A_157, %mul3A_262 : i32
        %add3A_264 = arith.constant 32 : i32
        %add3A_265 = arith.addi %mul3A_263, %add3A_264 : i32
        %add3A_266 = vector.broadcast %add3A_265 : i32 to vector<16xi32>
        %add3A_267 = arith.addi %add3A_266, %iota3A : vector<16xi32>
        %gather3A_268 = tpu.vector_load_idx %arg8[%add3A_267] : memref<9728xi32, #tpu.memory_space<vmem>>[vector<16xi32>], vector<16xi32>,
        %min3A_269 = arith.constant 9471 : i32
        %min3A_270 = vector.broadcast %min3A_269 : i32 to vector<16xi32>
        %min3A_271 = arith.minsi %gather3A_268, %min3A_270 : vector<16xi32>
        %gather3A_272 = tpu.vector_load_idx %arg7[%min3A_271] : memref<9472xi32, #tpu.memory_space<vmem>>[vector<16xi32>], vector<16xi32>,
        %gather3A_273 = tpu.vector_load_idx %arg6[%min3A_271] : memref<9472xi32, #tpu.memory_space<vmem>>[vector<16xi32>], vector<16xi32>,
        %ge3A_274 = arith.constant 9472 : i32
        %ge3A_275 = vector.broadcast %ge3A_274 : i32 to vector<16xi32>
        %ge3A_276 = arith.cmpi sge, %gather3A_268, %ge3A_275 : vector<16xi32>
        %sub3A_277 = vector.broadcast %add3A_8 : i32 to vector<16xi32>
        %sub3A_278 = arith.subi %gather3A_273, %sub3A_277 : vector<16xi32>
        %jit3A_279 = arith.constant 8576 : i32
        %broadcast_in_dim3A_280 = vector.broadcast %jit3A_279 : i32 to vector<16xi32>
        %select_n3A_281 = arith.select %ge3A_276, %broadcast_in_dim3A_280, %sub3A_278 : vector<16xi1>, vector<16xi32>
        %swap3A_282 = arith.constant 0 : i32
        %swap3A_283 = arith.constant 0 : i32
        %swap3A_284 = tpu.memref_slice %arg9[%swap3A_282, %swap3A_283] : memref<2x128xi32, #tpu.memory_space<vmem>> -> memref<1x128xi32, #tpu.memory_space<vmem>>
        %swap3A_285 = tpu.memref_squeeze %swap3A_284 : memref<1x128xi32, #tpu.memory_space<vmem>> -> memref<128xi32, #tpu.memory_space<vmem>>
        %swap3A_286 = arith.constant 32 : index
        %swap3A_287 = tpu.vector_load %swap3A_285[%swap3A_286] {strides = array<i32>} : memref<128xi32, #tpu.memory_space<vmem>>, vector<16xi32>,
        tpu.vector_store %swap3A_285[%swap3A_286], %gather3A_272 {strides = array<i32>} : memref<128xi32, #tpu.memory_space<vmem>>, vector<16xi32>,
        %swap3A_288 = arith.constant 0 : i32
        %swap3A_289 = arith.constant 0 : i32
        %swap3A_290 = tpu.memref_slice %arg10[%swap3A_288, %swap3A_289] : memref<2x128xi32, #tpu.memory_space<vmem>> -> memref<1x128xi32, #tpu.memory_space<vmem>>
        %swap3A_291 = tpu.memref_squeeze %swap3A_290 : memref<1x128xi32, #tpu.memory_space<vmem>> -> memref<128xi32, #tpu.memory_space<vmem>>
        %swap3A_292 = arith.constant 32 : index
        %swap3A_293 = tpu.vector_load %swap3A_291[%swap3A_292] {strides = array<i32>} : memref<128xi32, #tpu.memory_space<vmem>>, vector<16xi32>,
        tpu.vector_store %swap3A_291[%swap3A_292], %select_n3A_281 {strides = array<i32>} : memref<128xi32, #tpu.memory_space<vmem>>, vector<16xi32>,
        %mul3A_294 = arith.constant 128 : i32
        %mul3A_295 = arith.muli %add3A_157, %mul3A_294 : i32
        %add3A_296 = arith.constant 48 : i32
        %add3A_297 = arith.addi %mul3A_295, %add3A_296 : i32
        %add3A_298 = vector.broadcast %add3A_297 : i32 to vector<16xi32>
        %add3A_299 = arith.addi %add3A_298, %iota3A : vector<16xi32>
        %gather3A_300 = tpu.vector_load_idx %arg8[%add3A_299] : memref<9728xi32, #tpu.memory_space<vmem>>[vector<16xi32>], vector<16xi32>,
        %min3A_301 = arith.constant 9471 : i32
        %min3A_302 = vector.broadcast %min3A_301 : i32 to vector<16xi32>
        %min3A_303 = arith.minsi %gather3A_300, %min3A_302 : vector<16xi32>
        %gather3A_304 = tpu.vector_load_idx %arg7[%min3A_303] : memref<9472xi32, #tpu.memory_space<vmem>>[vector<16xi32>], vector<16xi32>,
        %gather3A_305 = tpu.vector_load_idx %arg6[%min3A_303] : memref<9472xi32, #tpu.memory_space<vmem>>[vector<16xi32>], vector<16xi32>,
        %ge3A_306 = arith.constant 9472 : i32
        %ge3A_307 = vector.broadcast %ge3A_306 : i32 to vector<16xi32>
        %ge3A_308 = arith.cmpi sge, %gather3A_300, %ge3A_307 : vector<16xi32>
        %sub3A_309 = vector.broadcast %add3A_8 : i32 to vector<16xi32>
        %sub3A_310 = arith.subi %gather3A_305, %sub3A_309 : vector<16xi32>
        %jit3A_311 = arith.constant 8576 : i32
        %broadcast_in_dim3A_312 = vector.broadcast %jit3A_311 : i32 to vector<16xi32>
        %select_n3A_313 = arith.select %ge3A_308, %broadcast_in_dim3A_312, %sub3A_310 : vector<16xi1>, vector<16xi32>
        %swap3A_314 = arith.constant 0 : i32
        %swap3A_315 = arith.constant 0 : i32
        %swap3A_316 = tpu.memref_slice %arg9[%swap3A_314, %swap3A_315] : memref<2x128xi32, #tpu.memory_space<vmem>> -> memref<1x128xi32, #tpu.memory_space<vmem>>
        %swap3A_317 = tpu.memref_squeeze %swap3A_316 : memref<1x128xi32, #tpu.memory_space<vmem>> -> memref<128xi32, #tpu.memory_space<vmem>>
        %swap3A_318 = arith.constant 48 : index
        %swap3A_319 = tpu.vector_load %swap3A_317[%swap3A_318] {strides = array<i32>} : memref<128xi32, #tpu.memory_space<vmem>>, vector<16xi32>,
        tpu.vector_store %swap3A_317[%swap3A_318], %gather3A_304 {strides = array<i32>} : memref<128xi32, #tpu.memory_space<vmem>>, vector<16xi32>,
        %swap3A_320 = arith.constant 0 : i32
        %swap3A_321 = arith.constant 0 : i32
        %swap3A_322 = tpu.memref_slice %arg10[%swap3A_320, %swap3A_321] : memref<2x128xi32, #tpu.memory_space<vmem>> -> memref<1x128xi32, #tpu.memory_space<vmem>>
        %swap3A_323 = tpu.memref_squeeze %swap3A_322 : memref<1x128xi32, #tpu.memory_space<vmem>> -> memref<128xi32, #tpu.memory_space<vmem>>
        %swap3A_324 = arith.constant 48 : index
        %swap3A_325 = tpu.vector_load %swap3A_323[%swap3A_324] {strides = array<i32>} : memref<128xi32, #tpu.memory_space<vmem>>, vector<16xi32>,
        tpu.vector_store %swap3A_323[%swap3A_324], %select_n3A_313 {strides = array<i32>} : memref<128xi32, #tpu.memory_space<vmem>>, vector<16xi32>,
        %mul3A_326 = arith.constant 128 : i32
        %mul3A_327 = arith.muli %add3A_157, %mul3A_326 : i32
        %add3A_328 = arith.constant 64 : i32
        %add3A_329 = arith.addi %mul3A_327, %add3A_328 : i32
        %add3A_330 = vector.broadcast %add3A_329 : i32 to vector<16xi32>
        %add3A_331 = arith.addi %add3A_330, %iota3A : vector<16xi32>
        %gather3A_332 = tpu.vector_load_idx %arg8[%add3A_331] : memref<9728xi32, #tpu.memory_space<vmem>>[vector<16xi32>], vector<16xi32>,
        %min3A_333 = arith.constant 9471 : i32
        %min3A_334 = vector.broadcast %min3A_333 : i32 to vector<16xi32>
        %min3A_335 = arith.minsi %gather3A_332, %min3A_334 : vector<16xi32>
        %gather3A_336 = tpu.vector_load_idx %arg7[%min3A_335] : memref<9472xi32, #tpu.memory_space<vmem>>[vector<16xi32>], vector<16xi32>,
        %gather3A_337 = tpu.vector_load_idx %arg6[%min3A_335] : memref<9472xi32, #tpu.memory_space<vmem>>[vector<16xi32>], vector<16xi32>,
        %ge3A_338 = arith.constant 9472 : i32
        %ge3A_339 = vector.broadcast %ge3A_338 : i32 to vector<16xi32>
        %ge3A_340 = arith.cmpi sge, %gather3A_332, %ge3A_339 : vector<16xi32>
        %sub3A_341 = vector.broadcast %add3A_8 : i32 to vector<16xi32>
        %sub3A_342 = arith.subi %gather3A_337, %sub3A_341 : vector<16xi32>
        %jit3A_343 = arith.constant 8576 : i32
        %broadcast_in_dim3A_344 = vector.broadcast %jit3A_343 : i32 to vector<16xi32>
        %select_n3A_345 = arith.select %ge3A_340, %broadcast_in_dim3A_344, %sub3A_342 : vector<16xi1>, vector<16xi32>
        %swap3A_346 = arith.constant 0 : i32
        %swap3A_347 = arith.constant 0 : i32
        %swap3A_348 = tpu.memref_slice %arg9[%swap3A_346, %swap3A_347] : memref<2x128xi32, #tpu.memory_space<vmem>> -> memref<1x128xi32, #tpu.memory_space<vmem>>
        %swap3A_349 = tpu.memref_squeeze %swap3A_348 : memref<1x128xi32, #tpu.memory_space<vmem>> -> memref<128xi32, #tpu.memory_space<vmem>>
        %swap3A_350 = arith.constant 64 : index
        %swap3A_351 = tpu.vector_load %swap3A_349[%swap3A_350] {strides = array<i32>} : memref<128xi32, #tpu.memory_space<vmem>>, vector<16xi32>,
        tpu.vector_store %swap3A_349[%swap3A_350], %gather3A_336 {strides = array<i32>} : memref<128xi32, #tpu.memory_space<vmem>>, vector<16xi32>,
        %swap3A_352 = arith.constant 0 : i32
        %swap3A_353 = arith.constant 0 : i32
        %swap3A_354 = tpu.memref_slice %arg10[%swap3A_352, %swap3A_353] : memref<2x128xi32, #tpu.memory_space<vmem>> -> memref<1x128xi32, #tpu.memory_space<vmem>>
        %swap3A_355 = tpu.memref_squeeze %swap3A_354 : memref<1x128xi32, #tpu.memory_space<vmem>> -> memref<128xi32, #tpu.memory_space<vmem>>
        %swap3A_356 = arith.constant 64 : index
        %swap3A_357 = tpu.vector_load %swap3A_355[%swap3A_356] {strides = array<i32>} : memref<128xi32, #tpu.memory_space<vmem>>, vector<16xi32>,
        tpu.vector_store %swap3A_355[%swap3A_356], %select_n3A_345 {strides = array<i32>} : memref<128xi32, #tpu.memory_space<vmem>>, vector<16xi32>,
        %mul3A_358 = arith.constant 128 : i32
        %mul3A_359 = arith.muli %add3A_157, %mul3A_358 : i32
        %add3A_360 = arith.constant 80 : i32
        %add3A_361 = arith.addi %mul3A_359, %add3A_360 : i32
        %add3A_362 = vector.broadcast %add3A_361 : i32 to vector<16xi32>
        %add3A_363 = arith.addi %add3A_362, %iota3A : vector<16xi32>
        %gather3A_364 = tpu.vector_load_idx %arg8[%add3A_363] : memref<9728xi32, #tpu.memory_space<vmem>>[vector<16xi32>], vector<16xi32>,
        %min3A_365 = arith.constant 9471 : i32
        %min3A_366 = vector.broadcast %min3A_365 : i32 to vector<16xi32>
        %min3A_367 = arith.minsi %gather3A_364, %min3A_366 : vector<16xi32>
        %gather3A_368 = tpu.vector_load_idx %arg7[%min3A_367] : memref<9472xi32, #tpu.memory_space<vmem>>[vector<16xi32>], vector<16xi32>,
        %gather3A_369 = tpu.vector_load_idx %arg6[%min3A_367] : memref<9472xi32, #tpu.memory_space<vmem>>[vector<16xi32>], vector<16xi32>,
        %ge3A_370 = arith.constant 9472 : i32
        %ge3A_371 = vector.broadcast %ge3A_370 : i32 to vector<16xi32>
        %ge3A_372 = arith.cmpi sge, %gather3A_364, %ge3A_371 : vector<16xi32>
        %sub3A_373 = vector.broadcast %add3A_8 : i32 to vector<16xi32>
        %sub3A_374 = arith.subi %gather3A_369, %sub3A_373 : vector<16xi32>
        %jit3A_375 = arith.constant 8576 : i32
        %broadcast_in_dim3A_376 = vector.broadcast %jit3A_375 : i32 to vector<16xi32>
        %select_n3A_377 = arith.select %ge3A_372, %broadcast_in_dim3A_376, %sub3A_374 : vector<16xi1>, vector<16xi32>
        %swap3A_378 = arith.constant 0 : i32
        %swap3A_379 = arith.constant 0 : i32
        %swap3A_380 = tpu.memref_slice %arg9[%swap3A_378, %swap3A_379] : memref<2x128xi32, #tpu.memory_space<vmem>> -> memref<1x128xi32, #tpu.memory_space<vmem>>
        %swap3A_381 = tpu.memref_squeeze %swap3A_380 : memref<1x128xi32, #tpu.memory_space<vmem>> -> memref<128xi32, #tpu.memory_space<vmem>>
        %swap3A_382 = arith.constant 80 : index
        %swap3A_383 = tpu.vector_load %swap3A_381[%swap3A_382] {strides = array<i32>} : memref<128xi32, #tpu.memory_space<vmem>>, vector<16xi32>,
        tpu.vector_store %swap3A_381[%swap3A_382], %gather3A_368 {strides = array<i32>} : memref<128xi32, #tpu.memory_space<vmem>>, vector<16xi32>,
        %swap3A_384 = arith.constant 0 : i32
        %swap3A_385 = arith.constant 0 : i32
        %swap3A_386 = tpu.memref_slice %arg10[%swap3A_384, %swap3A_385] : memref<2x128xi32, #tpu.memory_space<vmem>> -> memref<1x128xi32, #tpu.memory_space<vmem>>
        %swap3A_387 = tpu.memref_squeeze %swap3A_386 : memref<1x128xi32, #tpu.memory_space<vmem>> -> memref<128xi32, #tpu.memory_space<vmem>>
        %swap3A_388 = arith.constant 80 : index
        %swap3A_389 = tpu.vector_load %swap3A_387[%swap3A_388] {strides = array<i32>} : memref<128xi32, #tpu.memory_space<vmem>>, vector<16xi32>,
        tpu.vector_store %swap3A_387[%swap3A_388], %select_n3A_377 {strides = array<i32>} : memref<128xi32, #tpu.memory_space<vmem>>, vector<16xi32>,
        %mul3A_390 = arith.constant 128 : i32
        %mul3A_391 = arith.muli %add3A_157, %mul3A_390 : i32
        %add3A_392 = arith.constant 96 : i32
        %add3A_393 = arith.addi %mul3A_391, %add3A_392 : i32
        %add3A_394 = vector.broadcast %add3A_393 : i32 to vector<16xi32>
        %add3A_395 = arith.addi %add3A_394, %iota3A : vector<16xi32>
        %gather3A_396 = tpu.vector_load_idx %arg8[%add3A_395] : memref<9728xi32, #tpu.memory_space<vmem>>[vector<16xi32>], vector<16xi32>,
        %min3A_397 = arith.constant 9471 : i32
        %min3A_398 = vector.broadcast %min3A_397 : i32 to vector<16xi32>
        %min3A_399 = arith.minsi %gather3A_396, %min3A_398 : vector<16xi32>
        %gather3A_400 = tpu.vector_load_idx %arg7[%min3A_399] : memref<9472xi32, #tpu.memory_space<vmem>>[vector<16xi32>], vector<16xi32>,
        %gather3A_401 = tpu.vector_load_idx %arg6[%min3A_399] : memref<9472xi32, #tpu.memory_space<vmem>>[vector<16xi32>], vector<16xi32>,
        %ge3A_402 = arith.constant 9472 : i32
        %ge3A_403 = vector.broadcast %ge3A_402 : i32 to vector<16xi32>
        %ge3A_404 = arith.cmpi sge, %gather3A_396, %ge3A_403 : vector<16xi32>
        %sub3A_405 = vector.broadcast %add3A_8 : i32 to vector<16xi32>
        %sub3A_406 = arith.subi %gather3A_401, %sub3A_405 : vector<16xi32>
        %jit3A_407 = arith.constant 8576 : i32
        %broadcast_in_dim3A_408 = vector.broadcast %jit3A_407 : i32 to vector<16xi32>
        %select_n3A_409 = arith.select %ge3A_404, %broadcast_in_dim3A_408, %sub3A_406 : vector<16xi1>, vector<16xi32>
        %swap3A_410 = arith.constant 0 : i32
        %swap3A_411 = arith.constant 0 : i32
        %swap3A_412 = tpu.memref_slice %arg9[%swap3A_410, %swap3A_411] : memref<2x128xi32, #tpu.memory_space<vmem>> -> memref<1x128xi32, #tpu.memory_space<vmem>>
        %swap3A_413 = tpu.memref_squeeze %swap3A_412 : memref<1x128xi32, #tpu.memory_space<vmem>> -> memref<128xi32, #tpu.memory_space<vmem>>
        %swap3A_414 = arith.constant 96 : index
        %swap3A_415 = tpu.vector_load %swap3A_413[%swap3A_414] {strides = array<i32>} : memref<128xi32, #tpu.memory_space<vmem>>, vector<16xi32>,
        tpu.vector_store %swap3A_413[%swap3A_414], %gather3A_400 {strides = array<i32>} : memref<128xi32, #tpu.memory_space<vmem>>, vector<16xi32>,
        %swap3A_416 = arith.constant 0 : i32
        %swap3A_417 = arith.constant 0 : i32
        %swap3A_418 = tpu.memref_slice %arg10[%swap3A_416, %swap3A_417] : memref<2x128xi32, #tpu.memory_space<vmem>> -> memref<1x128xi32, #tpu.memory_space<vmem>>
        %swap3A_419 = tpu.memref_squeeze %swap3A_418 : memref<1x128xi32, #tpu.memory_space<vmem>> -> memref<128xi32, #tpu.memory_space<vmem>>
        %swap3A_420 = arith.constant 96 : index
        %swap3A_421 = tpu.vector_load %swap3A_419[%swap3A_420] {strides = array<i32>} : memref<128xi32, #tpu.memory_space<vmem>>, vector<16xi32>,
        tpu.vector_store %swap3A_419[%swap3A_420], %select_n3A_409 {strides = array<i32>} : memref<128xi32, #tpu.memory_space<vmem>>, vector<16xi32>,
        %mul3A_422 = arith.constant 128 : i32
        %mul3A_423 = arith.muli %add3A_157, %mul3A_422 : i32
        %add3A_424 = arith.constant 112 : i32
        %add3A_425 = arith.addi %mul3A_423, %add3A_424 : i32
        %add3A_426 = vector.broadcast %add3A_425 : i32 to vector<16xi32>
        %add3A_427 = arith.addi %add3A_426, %iota3A : vector<16xi32>
        %gather3A_428 = tpu.vector_load_idx %arg8[%add3A_427] : memref<9728xi32, #tpu.memory_space<vmem>>[vector<16xi32>], vector<16xi32>,
        %min3A_429 = arith.constant 9471 : i32
        %min3A_430 = vector.broadcast %min3A_429 : i32 to vector<16xi32>
        %min3A_431 = arith.minsi %gather3A_428, %min3A_430 : vector<16xi32>
        %gather3A_432 = tpu.vector_load_idx %arg7[%min3A_431] : memref<9472xi32, #tpu.memory_space<vmem>>[vector<16xi32>], vector<16xi32>,
        %gather3A_433 = tpu.vector_load_idx %arg6[%min3A_431] : memref<9472xi32, #tpu.memory_space<vmem>>[vector<16xi32>], vector<16xi32>,
        %ge3A_434 = arith.constant 9472 : i32
        %ge3A_435 = vector.broadcast %ge3A_434 : i32 to vector<16xi32>
        %ge3A_436 = arith.cmpi sge, %gather3A_428, %ge3A_435 : vector<16xi32>
        %sub3A_437 = vector.broadcast %add3A_8 : i32 to vector<16xi32>
        %sub3A_438 = arith.subi %gather3A_433, %sub3A_437 : vector<16xi32>
        %jit3A_439 = arith.constant 8576 : i32
        %broadcast_in_dim3A_440 = vector.broadcast %jit3A_439 : i32 to vector<16xi32>
        %select_n3A_441 = arith.select %ge3A_436, %broadcast_in_dim3A_440, %sub3A_438 : vector<16xi1>, vector<16xi32>
        %swap3A_442 = arith.constant 0 : i32
        %swap3A_443 = arith.constant 0 : i32
        %swap3A_444 = tpu.memref_slice %arg9[%swap3A_442, %swap3A_443] : memref<2x128xi32, #tpu.memory_space<vmem>> -> memref<1x128xi32, #tpu.memory_space<vmem>>
        %swap3A_445 = tpu.memref_squeeze %swap3A_444 : memref<1x128xi32, #tpu.memory_space<vmem>> -> memref<128xi32, #tpu.memory_space<vmem>>
        %swap3A_446 = arith.constant 112 : index
        %swap3A_447 = tpu.vector_load %swap3A_445[%swap3A_446] {strides = array<i32>} : memref<128xi32, #tpu.memory_space<vmem>>, vector<16xi32>,
        tpu.vector_store %swap3A_445[%swap3A_446], %gather3A_432 {strides = array<i32>} : memref<128xi32, #tpu.memory_space<vmem>>, vector<16xi32>,
        %swap3A_448 = arith.constant 0 : i32
        %swap3A_449 = arith.constant 0 : i32
        %swap3A_450 = tpu.memref_slice %arg10[%swap3A_448, %swap3A_449] : memref<2x128xi32, #tpu.memory_space<vmem>> -> memref<1x128xi32, #tpu.memory_space<vmem>>
        %swap3A_451 = tpu.memref_squeeze %swap3A_450 : memref<1x128xi32, #tpu.memory_space<vmem>> -> memref<128xi32, #tpu.memory_space<vmem>>
        %swap3A_452 = arith.constant 112 : index
        %swap3A_453 = tpu.vector_load %swap3A_451[%swap3A_452] {strides = array<i32>} : memref<128xi32, #tpu.memory_space<vmem>>, vector<16xi32>,
        tpu.vector_store %swap3A_451[%swap3A_452], %select_n3A_441 {strides = array<i32>} : memref<128xi32, #tpu.memory_space<vmem>>, vector<16xi32>,
        %dma_start3A = arith.constant 0 : i32
        %dma_start3A_454 = arith.constant 0 : i32
        %dma_start3A_455 = arith.constant 0 : i32
        %dma_start3A_456 = arith.constant 0 : i32
        %dma_start3A_457 = arith.constant 0 : i32
        %dma_start3A_458 = tpu.memref_slice %arg11[%dma_start3A_454, %dma_start3A_456, %dma_start3A_457] : memref<2x128x128xf32, #tpu.memory_space<vmem>> -> memref<1x128x128xf32, #tpu.memory_space<vmem>>
        %dma_start3A_459 = tpu.memref_squeeze %dma_start3A_458 : memref<1x128x128xf32, #tpu.memory_space<vmem>> -> memref<128x128xf32, #tpu.memory_space<vmem>>
        %dma_start3A_460 = arith.constant 0 : i32
        %dma_start3A_461 = tpu.memref_slice %arg9[%dma_start3A, %dma_start3A_460] : memref<2x128xi32, #tpu.memory_space<vmem>> -> memref<1x128xi32, #tpu.memory_space<vmem>>
        %dma_start3A_462 = tpu.memref_squeeze %dma_start3A_461 : memref<1x128xi32, #tpu.memory_space<vmem>> -> memref<128xi32, #tpu.memory_space<vmem>>
        %dma_start3A_463 = arith.constant 0 : i32
        %dma_start3A_464 = arith.constant 0 : i32
        %dma_start3A_465 = tpu.memref_slice %arg2[%dma_start3A_463, %dma_start3A_464] : memref<200000x128xf32, #tpu.memory_space<hbm>> -> memref<200000x128xf32, #tpu.memory_space<hbm>>
        %dma_start3A_466 = tpu.memref_slice %arg13[%dma_start3A_455] : memref<2x!tpu.dma_semaphore, #tpu.memory_space<semaphore_mem>> -> memref<1x!tpu.dma_semaphore, #tpu.memory_space<semaphore_mem>>
        %dma_start3A_467 = tpu.memref_squeeze %dma_start3A_466 : memref<1x!tpu.dma_semaphore, #tpu.memory_space<semaphore_mem>> -> memref<!tpu.dma_semaphore, #tpu.memory_space<semaphore_mem>>
        tpu.enqueue_indirect_dma source(%dma_start3A_465 : memref<200000x128xf32, #tpu.memory_space<hbm>>) target(%dma_start3A_459 : memref<128x128xf32, #tpu.memory_space<vmem>>) offsets(%dma_start3A_462 : memref<128xi32, #tpu.memory_space<vmem>>) semaphore(%dma_start3A_467 : memref<!tpu.dma_semaphore, #tpu.memory_space<semaphore_mem>>)
      } else {
      }
      %mul3A_162 = arith.constant 2 : i32
      %mul3A_163 = arith.muli %while3A_153, %mul3A_162 : i32
      %add3A_164 = arith.constant 1 : i32
      %add3A_165 = arith.addi %mul3A_163, %add3A_164 : i32
      %lt3A_166 = arith.cmpi slt, %add3A_165, %select_n3A : i32
      %convert_element_type3A_167 = arith.extui %lt3A_166 : i1 to i32
      %cond3A_168 = arith.constant 0 : i32
      %cond3A_169 = arith.cmpi ne, %convert_element_type3A_167, %cond3A_168 : i32
      scf.if %cond3A_169 {
        %mul3A_202 = arith.constant 128 : i32
        %mul3A_203 = arith.muli %add3A_165, %mul3A_202 : i32
        %add3A_204 = arith.constant 0 : i32
        %add3A_205 = arith.addi %mul3A_203, %add3A_204 : i32
        %add3A_206 = vector.broadcast %add3A_205 : i32 to vector<16xi32>
        %add3A_207 = arith.addi %add3A_206, %iota3A : vector<16xi32>
        %gather3A = tpu.vector_load_idx %arg8[%add3A_207] : memref<9728xi32, #tpu.memory_space<vmem>>[vector<16xi32>], vector<16xi32>,
        %min3A = arith.constant 9471 : i32
        %min3A_208 = vector.broadcast %min3A : i32 to vector<16xi32>
        %min3A_209 = arith.minsi %gather3A, %min3A_208 : vector<16xi32>
        %gather3A_210 = tpu.vector_load_idx %arg7[%min3A_209] : memref<9472xi32, #tpu.memory_space<vmem>>[vector<16xi32>], vector<16xi32>,
        %gather3A_211 = tpu.vector_load_idx %arg6[%min3A_209] : memref<9472xi32, #tpu.memory_space<vmem>>[vector<16xi32>], vector<16xi32>,
        %ge3A = arith.constant 9472 : i32
        %ge3A_212 = vector.broadcast %ge3A : i32 to vector<16xi32>
        %ge3A_213 = arith.cmpi sge, %gather3A, %ge3A_212 : vector<16xi32>
        %sub3A_214 = vector.broadcast %add3A_8 : i32 to vector<16xi32>
        %sub3A_215 = arith.subi %gather3A_211, %sub3A_214 : vector<16xi32>
        %jit3A_216 = arith.constant 8576 : i32
        %broadcast_in_dim3A_217 = vector.broadcast %jit3A_216 : i32 to vector<16xi32>
        %select_n3A_218 = arith.select %ge3A_213, %broadcast_in_dim3A_217, %sub3A_215 : vector<16xi1>, vector<16xi32>
        %swap3A = arith.constant 1 : i32
        %swap3A_219 = arith.constant 0 : i32
        %swap3A_220 = tpu.memref_slice %arg9[%swap3A, %swap3A_219] : memref<2x128xi32, #tpu.memory_space<vmem>> -> memref<1x128xi32, #tpu.memory_space<vmem>>
        %swap3A_221 = tpu.memref_squeeze %swap3A_220 : memref<1x128xi32, #tpu.memory_space<vmem>> -> memref<128xi32, #tpu.memory_space<vmem>>
        %swap3A_222 = arith.constant 0 : index
        %swap3A_223 = tpu.vector_load %swap3A_221[%swap3A_222] {strides = array<i32>} : memref<128xi32, #tpu.memory_space<vmem>>, vector<16xi32>,
        tpu.vector_store %swap3A_221[%swap3A_222], %gather3A_210 {strides = array<i32>} : memref<128xi32, #tpu.memory_space<vmem>>, vector<16xi32>,
        %swap3A_224 = arith.constant 1 : i32
        %swap3A_225 = arith.constant 0 : i32
        %swap3A_226 = tpu.memref_slice %arg10[%swap3A_224, %swap3A_225] : memref<2x128xi32, #tpu.memory_space<vmem>> -> memref<1x128xi32, #tpu.memory_space<vmem>>
        %swap3A_227 = tpu.memref_squeeze %swap3A_226 : memref<1x128xi32, #tpu.memory_space<vmem>> -> memref<128xi32, #tpu.memory_space<vmem>>
        %swap3A_228 = arith.constant 0 : index
        %swap3A_229 = tpu.vector_load %swap3A_227[%swap3A_228] {strides = array<i32>} : memref<128xi32, #tpu.memory_space<vmem>>, vector<16xi32>,
        tpu.vector_store %swap3A_227[%swap3A_228], %select_n3A_218 {strides = array<i32>} : memref<128xi32, #tpu.memory_space<vmem>>, vector<16xi32>,
        %mul3A_230 = arith.constant 128 : i32
        %mul3A_231 = arith.muli %add3A_165, %mul3A_230 : i32
        %add3A_232 = arith.constant 16 : i32
        %add3A_233 = arith.addi %mul3A_231, %add3A_232 : i32
        %add3A_234 = vector.broadcast %add3A_233 : i32 to vector<16xi32>
        %add3A_235 = arith.addi %add3A_234, %iota3A : vector<16xi32>
        %gather3A_236 = tpu.vector_load_idx %arg8[%add3A_235] : memref<9728xi32, #tpu.memory_space<vmem>>[vector<16xi32>], vector<16xi32>,
        %min3A_237 = arith.constant 9471 : i32
        %min3A_238 = vector.broadcast %min3A_237 : i32 to vector<16xi32>
        %min3A_239 = arith.minsi %gather3A_236, %min3A_238 : vector<16xi32>
        %gather3A_240 = tpu.vector_load_idx %arg7[%min3A_239] : memref<9472xi32, #tpu.memory_space<vmem>>[vector<16xi32>], vector<16xi32>,
        %gather3A_241 = tpu.vector_load_idx %arg6[%min3A_239] : memref<9472xi32, #tpu.memory_space<vmem>>[vector<16xi32>], vector<16xi32>,
        %ge3A_242 = arith.constant 9472 : i32
        %ge3A_243 = vector.broadcast %ge3A_242 : i32 to vector<16xi32>
        %ge3A_244 = arith.cmpi sge, %gather3A_236, %ge3A_243 : vector<16xi32>
        %sub3A_245 = vector.broadcast %add3A_8 : i32 to vector<16xi32>
        %sub3A_246 = arith.subi %gather3A_241, %sub3A_245 : vector<16xi32>
        %jit3A_247 = arith.constant 8576 : i32
        %broadcast_in_dim3A_248 = vector.broadcast %jit3A_247 : i32 to vector<16xi32>
        %select_n3A_249 = arith.select %ge3A_244, %broadcast_in_dim3A_248, %sub3A_246 : vector<16xi1>, vector<16xi32>
        %swap3A_250 = arith.constant 1 : i32
        %swap3A_251 = arith.constant 0 : i32
        %swap3A_252 = tpu.memref_slice %arg9[%swap3A_250, %swap3A_251] : memref<2x128xi32, #tpu.memory_space<vmem>> -> memref<1x128xi32, #tpu.memory_space<vmem>>
        %swap3A_253 = tpu.memref_squeeze %swap3A_252 : memref<1x128xi32, #tpu.memory_space<vmem>> -> memref<128xi32, #tpu.memory_space<vmem>>
        %swap3A_254 = arith.constant 16 : index
        %swap3A_255 = tpu.vector_load %swap3A_253[%swap3A_254] {strides = array<i32>} : memref<128xi32, #tpu.memory_space<vmem>>, vector<16xi32>,
        tpu.vector_store %swap3A_253[%swap3A_254], %gather3A_240 {strides = array<i32>} : memref<128xi32, #tpu.memory_space<vmem>>, vector<16xi32>,
        %swap3A_256 = arith.constant 1 : i32
        %swap3A_257 = arith.constant 0 : i32
        %swap3A_258 = tpu.memref_slice %arg10[%swap3A_256, %swap3A_257] : memref<2x128xi32, #tpu.memory_space<vmem>> -> memref<1x128xi32, #tpu.memory_space<vmem>>
        %swap3A_259 = tpu.memref_squeeze %swap3A_258 : memref<1x128xi32, #tpu.memory_space<vmem>> -> memref<128xi32, #tpu.memory_space<vmem>>
        %swap3A_260 = arith.constant 16 : index
        %swap3A_261 = tpu.vector_load %swap3A_259[%swap3A_260] {strides = array<i32>} : memref<128xi32, #tpu.memory_space<vmem>>, vector<16xi32>,
        tpu.vector_store %swap3A_259[%swap3A_260], %select_n3A_249 {strides = array<i32>} : memref<128xi32, #tpu.memory_space<vmem>>, vector<16xi32>,
        %mul3A_262 = arith.constant 128 : i32
        %mul3A_263 = arith.muli %add3A_165, %mul3A_262 : i32
        %add3A_264 = arith.constant 32 : i32
        %add3A_265 = arith.addi %mul3A_263, %add3A_264 : i32
        %add3A_266 = vector.broadcast %add3A_265 : i32 to vector<16xi32>
        %add3A_267 = arith.addi %add3A_266, %iota3A : vector<16xi32>
        %gather3A_268 = tpu.vector_load_idx %arg8[%add3A_267] : memref<9728xi32, #tpu.memory_space<vmem>>[vector<16xi32>], vector<16xi32>,
        %min3A_269 = arith.constant 9471 : i32
        %min3A_270 = vector.broadcast %min3A_269 : i32 to vector<16xi32>
        %min3A_271 = arith.minsi %gather3A_268, %min3A_270 : vector<16xi32>
        %gather3A_272 = tpu.vector_load_idx %arg7[%min3A_271] : memref<9472xi32, #tpu.memory_space<vmem>>[vector<16xi32>], vector<16xi32>,
        %gather3A_273 = tpu.vector_load_idx %arg6[%min3A_271] : memref<9472xi32, #tpu.memory_space<vmem>>[vector<16xi32>], vector<16xi32>,
        %ge3A_274 = arith.constant 9472 : i32
        %ge3A_275 = vector.broadcast %ge3A_274 : i32 to vector<16xi32>
        %ge3A_276 = arith.cmpi sge, %gather3A_268, %ge3A_275 : vector<16xi32>
        %sub3A_277 = vector.broadcast %add3A_8 : i32 to vector<16xi32>
        %sub3A_278 = arith.subi %gather3A_273, %sub3A_277 : vector<16xi32>
        %jit3A_279 = arith.constant 8576 : i32
        %broadcast_in_dim3A_280 = vector.broadcast %jit3A_279 : i32 to vector<16xi32>
        %select_n3A_281 = arith.select %ge3A_276, %broadcast_in_dim3A_280, %sub3A_278 : vector<16xi1>, vector<16xi32>
        %swap3A_282 = arith.constant 1 : i32
        %swap3A_283 = arith.constant 0 : i32
        %swap3A_284 = tpu.memref_slice %arg9[%swap3A_282, %swap3A_283] : memref<2x128xi32, #tpu.memory_space<vmem>> -> memref<1x128xi32, #tpu.memory_space<vmem>>
        %swap3A_285 = tpu.memref_squeeze %swap3A_284 : memref<1x128xi32, #tpu.memory_space<vmem>> -> memref<128xi32, #tpu.memory_space<vmem>>
        %swap3A_286 = arith.constant 32 : index
        %swap3A_287 = tpu.vector_load %swap3A_285[%swap3A_286] {strides = array<i32>} : memref<128xi32, #tpu.memory_space<vmem>>, vector<16xi32>,
        tpu.vector_store %swap3A_285[%swap3A_286], %gather3A_272 {strides = array<i32>} : memref<128xi32, #tpu.memory_space<vmem>>, vector<16xi32>,
        %swap3A_288 = arith.constant 1 : i32
        %swap3A_289 = arith.constant 0 : i32
        %swap3A_290 = tpu.memref_slice %arg10[%swap3A_288, %swap3A_289] : memref<2x128xi32, #tpu.memory_space<vmem>> -> memref<1x128xi32, #tpu.memory_space<vmem>>
        %swap3A_291 = tpu.memref_squeeze %swap3A_290 : memref<1x128xi32, #tpu.memory_space<vmem>> -> memref<128xi32, #tpu.memory_space<vmem>>
        %swap3A_292 = arith.constant 32 : index
        %swap3A_293 = tpu.vector_load %swap3A_291[%swap3A_292] {strides = array<i32>} : memref<128xi32, #tpu.memory_space<vmem>>, vector<16xi32>,
        tpu.vector_store %swap3A_291[%swap3A_292], %select_n3A_281 {strides = array<i32>} : memref<128xi32, #tpu.memory_space<vmem>>, vector<16xi32>,
        %mul3A_294 = arith.constant 128 : i32
        %mul3A_295 = arith.muli %add3A_165, %mul3A_294 : i32
        %add3A_296 = arith.constant 48 : i32
        %add3A_297 = arith.addi %mul3A_295, %add3A_296 : i32
        %add3A_298 = vector.broadcast %add3A_297 : i32 to vector<16xi32>
        %add3A_299 = arith.addi %add3A_298, %iota3A : vector<16xi32>
        %gather3A_300 = tpu.vector_load_idx %arg8[%add3A_299] : memref<9728xi32, #tpu.memory_space<vmem>>[vector<16xi32>], vector<16xi32>,
        %min3A_301 = arith.constant 9471 : i32
        %min3A_302 = vector.broadcast %min3A_301 : i32 to vector<16xi32>
        %min3A_303 = arith.minsi %gather3A_300, %min3A_302 : vector<16xi32>
        %gather3A_304 = tpu.vector_load_idx %arg7[%min3A_303] : memref<9472xi32, #tpu.memory_space<vmem>>[vector<16xi32>], vector<16xi32>,
        %gather3A_305 = tpu.vector_load_idx %arg6[%min3A_303] : memref<9472xi32, #tpu.memory_space<vmem>>[vector<16xi32>], vector<16xi32>,
        %ge3A_306 = arith.constant 9472 : i32
        %ge3A_307 = vector.broadcast %ge3A_306 : i32 to vector<16xi32>
        %ge3A_308 = arith.cmpi sge, %gather3A_300, %ge3A_307 : vector<16xi32>
        %sub3A_309 = vector.broadcast %add3A_8 : i32 to vector<16xi32>
        %sub3A_310 = arith.subi %gather3A_305, %sub3A_309 : vector<16xi32>
        %jit3A_311 = arith.constant 8576 : i32
        %broadcast_in_dim3A_312 = vector.broadcast %jit3A_311 : i32 to vector<16xi32>
        %select_n3A_313 = arith.select %ge3A_308, %broadcast_in_dim3A_312, %sub3A_310 : vector<16xi1>, vector<16xi32>
        %swap3A_314 = arith.constant 1 : i32
        %swap3A_315 = arith.constant 0 : i32
        %swap3A_316 = tpu.memref_slice %arg9[%swap3A_314, %swap3A_315] : memref<2x128xi32, #tpu.memory_space<vmem>> -> memref<1x128xi32, #tpu.memory_space<vmem>>
        %swap3A_317 = tpu.memref_squeeze %swap3A_316 : memref<1x128xi32, #tpu.memory_space<vmem>> -> memref<128xi32, #tpu.memory_space<vmem>>
        %swap3A_318 = arith.constant 48 : index
        %swap3A_319 = tpu.vector_load %swap3A_317[%swap3A_318] {strides = array<i32>} : memref<128xi32, #tpu.memory_space<vmem>>, vector<16xi32>,
        tpu.vector_store %swap3A_317[%swap3A_318], %gather3A_304 {strides = array<i32>} : memref<128xi32, #tpu.memory_space<vmem>>, vector<16xi32>,
        %swap3A_320 = arith.constant 1 : i32
        %swap3A_321 = arith.constant 0 : i32
        %swap3A_322 = tpu.memref_slice %arg10[%swap3A_320, %swap3A_321] : memref<2x128xi32, #tpu.memory_space<vmem>> -> memref<1x128xi32, #tpu.memory_space<vmem>>
        %swap3A_323 = tpu.memref_squeeze %swap3A_322 : memref<1x128xi32, #tpu.memory_space<vmem>> -> memref<128xi32, #tpu.memory_space<vmem>>
        %swap3A_324 = arith.constant 48 : index
        %swap3A_325 = tpu.vector_load %swap3A_323[%swap3A_324] {strides = array<i32>} : memref<128xi32, #tpu.memory_space<vmem>>, vector<16xi32>,
        tpu.vector_store %swap3A_323[%swap3A_324], %select_n3A_313 {strides = array<i32>} : memref<128xi32, #tpu.memory_space<vmem>>, vector<16xi32>,
        %mul3A_326 = arith.constant 128 : i32
        %mul3A_327 = arith.muli %add3A_165, %mul3A_326 : i32
        %add3A_328 = arith.constant 64 : i32
        %add3A_329 = arith.addi %mul3A_327, %add3A_328 : i32
        %add3A_330 = vector.broadcast %add3A_329 : i32 to vector<16xi32>
        %add3A_331 = arith.addi %add3A_330, %iota3A : vector<16xi32>
        %gather3A_332 = tpu.vector_load_idx %arg8[%add3A_331] : memref<9728xi32, #tpu.memory_space<vmem>>[vector<16xi32>], vector<16xi32>,
        %min3A_333 = arith.constant 9471 : i32
        %min3A_334 = vector.broadcast %min3A_333 : i32 to vector<16xi32>
        %min3A_335 = arith.minsi %gather3A_332, %min3A_334 : vector<16xi32>
        %gather3A_336 = tpu.vector_load_idx %arg7[%min3A_335] : memref<9472xi32, #tpu.memory_space<vmem>>[vector<16xi32>], vector<16xi32>,
        %gather3A_337 = tpu.vector_load_idx %arg6[%min3A_335] : memref<9472xi32, #tpu.memory_space<vmem>>[vector<16xi32>], vector<16xi32>,
        %ge3A_338 = arith.constant 9472 : i32
        %ge3A_339 = vector.broadcast %ge3A_338 : i32 to vector<16xi32>
        %ge3A_340 = arith.cmpi sge, %gather3A_332, %ge3A_339 : vector<16xi32>
        %sub3A_341 = vector.broadcast %add3A_8 : i32 to vector<16xi32>
        %sub3A_342 = arith.subi %gather3A_337, %sub3A_341 : vector<16xi32>
        %jit3A_343 = arith.constant 8576 : i32
        %broadcast_in_dim3A_344 = vector.broadcast %jit3A_343 : i32 to vector<16xi32>
        %select_n3A_345 = arith.select %ge3A_340, %broadcast_in_dim3A_344, %sub3A_342 : vector<16xi1>, vector<16xi32>
        %swap3A_346 = arith.constant 1 : i32
        %swap3A_347 = arith.constant 0 : i32
        %swap3A_348 = tpu.memref_slice %arg9[%swap3A_346, %swap3A_347] : memref<2x128xi32, #tpu.memory_space<vmem>> -> memref<1x128xi32, #tpu.memory_space<vmem>>
        %swap3A_349 = tpu.memref_squeeze %swap3A_348 : memref<1x128xi32, #tpu.memory_space<vmem>> -> memref<128xi32, #tpu.memory_space<vmem>>
        %swap3A_350 = arith.constant 64 : index
        %swap3A_351 = tpu.vector_load %swap3A_349[%swap3A_350] {strides = array<i32>} : memref<128xi32, #tpu.memory_space<vmem>>, vector<16xi32>,
        tpu.vector_store %swap3A_349[%swap3A_350], %gather3A_336 {strides = array<i32>} : memref<128xi32, #tpu.memory_space<vmem>>, vector<16xi32>,
        %swap3A_352 = arith.constant 1 : i32
        %swap3A_353 = arith.constant 0 : i32
        %swap3A_354 = tpu.memref_slice %arg10[%swap3A_352, %swap3A_353] : memref<2x128xi32, #tpu.memory_space<vmem>> -> memref<1x128xi32, #tpu.memory_space<vmem>>
        %swap3A_355 = tpu.memref_squeeze %swap3A_354 : memref<1x128xi32, #tpu.memory_space<vmem>> -> memref<128xi32, #tpu.memory_space<vmem>>
        %swap3A_356 = arith.constant 64 : index
        %swap3A_357 = tpu.vector_load %swap3A_355[%swap3A_356] {strides = array<i32>} : memref<128xi32, #tpu.memory_space<vmem>>, vector<16xi32>,
        tpu.vector_store %swap3A_355[%swap3A_356], %select_n3A_345 {strides = array<i32>} : memref<128xi32, #tpu.memory_space<vmem>>, vector<16xi32>,
        %mul3A_358 = arith.constant 128 : i32
        %mul3A_359 = arith.muli %add3A_165, %mul3A_358 : i32
        %add3A_360 = arith.constant 80 : i32
        %add3A_361 = arith.addi %mul3A_359, %add3A_360 : i32
        %add3A_362 = vector.broadcast %add3A_361 : i32 to vector<16xi32>
        %add3A_363 = arith.addi %add3A_362, %iota3A : vector<16xi32>
        %gather3A_364 = tpu.vector_load_idx %arg8[%add3A_363] : memref<9728xi32, #tpu.memory_space<vmem>>[vector<16xi32>], vector<16xi32>,
        %min3A_365 = arith.constant 9471 : i32
        %min3A_366 = vector.broadcast %min3A_365 : i32 to vector<16xi32>
        %min3A_367 = arith.minsi %gather3A_364, %min3A_366 : vector<16xi32>
        %gather3A_368 = tpu.vector_load_idx %arg7[%min3A_367] : memref<9472xi32, #tpu.memory_space<vmem>>[vector<16xi32>], vector<16xi32>,
        %gather3A_369 = tpu.vector_load_idx %arg6[%min3A_367] : memref<9472xi32, #tpu.memory_space<vmem>>[vector<16xi32>], vector<16xi32>,
        %ge3A_370 = arith.constant 9472 : i32
        %ge3A_371 = vector.broadcast %ge3A_370 : i32 to vector<16xi32>
        %ge3A_372 = arith.cmpi sge, %gather3A_364, %ge3A_371 : vector<16xi32>
        %sub3A_373 = vector.broadcast %add3A_8 : i32 to vector<16xi32>
        %sub3A_374 = arith.subi %gather3A_369, %sub3A_373 : vector<16xi32>
        %jit3A_375 = arith.constant 8576 : i32
        %broadcast_in_dim3A_376 = vector.broadcast %jit3A_375 : i32 to vector<16xi32>
        %select_n3A_377 = arith.select %ge3A_372, %broadcast_in_dim3A_376, %sub3A_374 : vector<16xi1>, vector<16xi32>
        %swap3A_378 = arith.constant 1 : i32
        %swap3A_379 = arith.constant 0 : i32
        %swap3A_380 = tpu.memref_slice %arg9[%swap3A_378, %swap3A_379] : memref<2x128xi32, #tpu.memory_space<vmem>> -> memref<1x128xi32, #tpu.memory_space<vmem>>
        %swap3A_381 = tpu.memref_squeeze %swap3A_380 : memref<1x128xi32, #tpu.memory_space<vmem>> -> memref<128xi32, #tpu.memory_space<vmem>>
        %swap3A_382 = arith.constant 80 : index
        %swap3A_383 = tpu.vector_load %swap3A_381[%swap3A_382] {strides = array<i32>} : memref<128xi32, #tpu.memory_space<vmem>>, vector<16xi32>,
        tpu.vector_store %swap3A_381[%swap3A_382], %gather3A_368 {strides = array<i32>} : memref<128xi32, #tpu.memory_space<vmem>>, vector<16xi32>,
        %swap3A_384 = arith.constant 1 : i32
        %swap3A_385 = arith.constant 0 : i32
        %swap3A_386 = tpu.memref_slice %arg10[%swap3A_384, %swap3A_385] : memref<2x128xi32, #tpu.memory_space<vmem>> -> memref<1x128xi32, #tpu.memory_space<vmem>>
        %swap3A_387 = tpu.memref_squeeze %swap3A_386 : memref<1x128xi32, #tpu.memory_space<vmem>> -> memref<128xi32, #tpu.memory_space<vmem>>
        %swap3A_388 = arith.constant 80 : index
        %swap3A_389 = tpu.vector_load %swap3A_387[%swap3A_388] {strides = array<i32>} : memref<128xi32, #tpu.memory_space<vmem>>, vector<16xi32>,
        tpu.vector_store %swap3A_387[%swap3A_388], %select_n3A_377 {strides = array<i32>} : memref<128xi32, #tpu.memory_space<vmem>>, vector<16xi32>,
        %mul3A_390 = arith.constant 128 : i32
        %mul3A_391 = arith.muli %add3A_165, %mul3A_390 : i32
        %add3A_392 = arith.constant 96 : i32
        %add3A_393 = arith.addi %mul3A_391, %add3A_392 : i32
        %add3A_394 = vector.broadcast %add3A_393 : i32 to vector<16xi32>
        %add3A_395 = arith.addi %add3A_394, %iota3A : vector<16xi32>
        %gather3A_396 = tpu.vector_load_idx %arg8[%add3A_395] : memref<9728xi32, #tpu.memory_space<vmem>>[vector<16xi32>], vector<16xi32>,
        %min3A_397 = arith.constant 9471 : i32
        %min3A_398 = vector.broadcast %min3A_397 : i32 to vector<16xi32>
        %min3A_399 = arith.minsi %gather3A_396, %min3A_398 : vector<16xi32>
        %gather3A_400 = tpu.vector_load_idx %arg7[%min3A_399] : memref<9472xi32, #tpu.memory_space<vmem>>[vector<16xi32>], vector<16xi32>,
        %gather3A_401 = tpu.vector_load_idx %arg6[%min3A_399] : memref<9472xi32, #tpu.memory_space<vmem>>[vector<16xi32>], vector<16xi32>,
        %ge3A_402 = arith.constant 9472 : i32
        %ge3A_403 = vector.broadcast %ge3A_402 : i32 to vector<16xi32>
        %ge3A_404 = arith.cmpi sge, %gather3A_396, %ge3A_403 : vector<16xi32>
        %sub3A_405 = vector.broadcast %add3A_8 : i32 to vector<16xi32>
        %sub3A_406 = arith.subi %gather3A_401, %sub3A_405 : vector<16xi32>
        %jit3A_407 = arith.constant 8576 : i32
        %broadcast_in_dim3A_408 = vector.broadcast %jit3A_407 : i32 to vector<16xi32>
        %select_n3A_409 = arith.select %ge3A_404, %broadcast_in_dim3A_408, %sub3A_406 : vector<16xi1>, vector<16xi32>
        %swap3A_410 = arith.constant 1 : i32
        %swap3A_411 = arith.constant 0 : i32
        %swap3A_412 = tpu.memref_slice %arg9[%swap3A_410, %swap3A_411] : memref<2x128xi32, #tpu.memory_space<vmem>> -> memref<1x128xi32, #tpu.memory_space<vmem>>
        %swap3A_413 = tpu.memref_squeeze %swap3A_412 : memref<1x128xi32, #tpu.memory_space<vmem>> -> memref<128xi32, #tpu.memory_space<vmem>>
        %swap3A_414 = arith.constant 96 : index
        %swap3A_415 = tpu.vector_load %swap3A_413[%swap3A_414] {strides = array<i32>} : memref<128xi32, #tpu.memory_space<vmem>>, vector<16xi32>,
        tpu.vector_store %swap3A_413[%swap3A_414], %gather3A_400 {strides = array<i32>} : memref<128xi32, #tpu.memory_space<vmem>>, vector<16xi32>,
        %swap3A_416 = arith.constant 1 : i32
        %swap3A_417 = arith.constant 0 : i32
        %swap3A_418 = tpu.memref_slice %arg10[%swap3A_416, %swap3A_417] : memref<2x128xi32, #tpu.memory_space<vmem>> -> memref<1x128xi32, #tpu.memory_space<vmem>>
        %swap3A_419 = tpu.memref_squeeze %swap3A_418 : memref<1x128xi32, #tpu.memory_space<vmem>> -> memref<128xi32, #tpu.memory_space<vmem>>
        %swap3A_420 = arith.constant 96 : index
        %swap3A_421 = tpu.vector_load %swap3A_419[%swap3A_420] {strides = array<i32>} : memref<128xi32, #tpu.memory_space<vmem>>, vector<16xi32>,
        tpu.vector_store %swap3A_419[%swap3A_420], %select_n3A_409 {strides = array<i32>} : memref<128xi32, #tpu.memory_space<vmem>>, vector<16xi32>,
        %mul3A_422 = arith.constant 128 : i32
        %mul3A_423 = arith.muli %add3A_165, %mul3A_422 : i32
        %add3A_424 = arith.constant 112 : i32
        %add3A_425 = arith.addi %mul3A_423, %add3A_424 : i32
        %add3A_426 = vector.broadcast %add3A_425 : i32 to vector<16xi32>
        %add3A_427 = arith.addi %add3A_426, %iota3A : vector<16xi32>
        %gather3A_428 = tpu.vector_load_idx %arg8[%add3A_427] : memref<9728xi32, #tpu.memory_space<vmem>>[vector<16xi32>], vector<16xi32>,
        %min3A_429 = arith.constant 9471 : i32
        %min3A_430 = vector.broadcast %min3A_429 : i32 to vector<16xi32>
        %min3A_431 = arith.minsi %gather3A_428, %min3A_430 : vector<16xi32>
        %gather3A_432 = tpu.vector_load_idx %arg7[%min3A_431] : memref<9472xi32, #tpu.memory_space<vmem>>[vector<16xi32>], vector<16xi32>,
        %gather3A_433 = tpu.vector_load_idx %arg6[%min3A_431] : memref<9472xi32, #tpu.memory_space<vmem>>[vector<16xi32>], vector<16xi32>,
        %ge3A_434 = arith.constant 9472 : i32
        %ge3A_435 = vector.broadcast %ge3A_434 : i32 to vector<16xi32>
        %ge3A_436 = arith.cmpi sge, %gather3A_428, %ge3A_435 : vector<16xi32>
        %sub3A_437 = vector.broadcast %add3A_8 : i32 to vector<16xi32>
        %sub3A_438 = arith.subi %gather3A_433, %sub3A_437 : vector<16xi32>
        %jit3A_439 = arith.constant 8576 : i32
        %broadcast_in_dim3A_440 = vector.broadcast %jit3A_439 : i32 to vector<16xi32>
        %select_n3A_441 = arith.select %ge3A_436, %broadcast_in_dim3A_440, %sub3A_438 : vector<16xi1>, vector<16xi32>
        %swap3A_442 = arith.constant 1 : i32
        %swap3A_443 = arith.constant 0 : i32
        %swap3A_444 = tpu.memref_slice %arg9[%swap3A_442, %swap3A_443] : memref<2x128xi32, #tpu.memory_space<vmem>> -> memref<1x128xi32, #tpu.memory_space<vmem>>
        %swap3A_445 = tpu.memref_squeeze %swap3A_444 : memref<1x128xi32, #tpu.memory_space<vmem>> -> memref<128xi32, #tpu.memory_space<vmem>>
        %swap3A_446 = arith.constant 112 : index
        %swap3A_447 = tpu.vector_load %swap3A_445[%swap3A_446] {strides = array<i32>} : memref<128xi32, #tpu.memory_space<vmem>>, vector<16xi32>,
        tpu.vector_store %swap3A_445[%swap3A_446], %gather3A_432 {strides = array<i32>} : memref<128xi32, #tpu.memory_space<vmem>>, vector<16xi32>,
        %swap3A_448 = arith.constant 1 : i32
        %swap3A_449 = arith.constant 0 : i32
        %swap3A_450 = tpu.memref_slice %arg10[%swap3A_448, %swap3A_449] : memref<2x128xi32, #tpu.memory_space<vmem>> -> memref<1x128xi32, #tpu.memory_space<vmem>>
        %swap3A_451 = tpu.memref_squeeze %swap3A_450 : memref<1x128xi32, #tpu.memory_space<vmem>> -> memref<128xi32, #tpu.memory_space<vmem>>
        %swap3A_452 = arith.constant 112 : index
        %swap3A_453 = tpu.vector_load %swap3A_451[%swap3A_452] {strides = array<i32>} : memref<128xi32, #tpu.memory_space<vmem>>, vector<16xi32>,
        tpu.vector_store %swap3A_451[%swap3A_452], %select_n3A_441 {strides = array<i32>} : memref<128xi32, #tpu.memory_space<vmem>>, vector<16xi32>,
        %dma_start3A = arith.constant 1 : i32
        %dma_start3A_454 = arith.constant 1 : i32
        %dma_start3A_455 = arith.constant 1 : i32
        %dma_start3A_456 = arith.constant 0 : i32
        %dma_start3A_457 = arith.constant 0 : i32
        %dma_start3A_458 = tpu.memref_slice %arg11[%dma_start3A_454, %dma_start3A_456, %dma_start3A_457] : memref<2x128x128xf32, #tpu.memory_space<vmem>> -> memref<1x128x128xf32, #tpu.memory_space<vmem>>
        %dma_start3A_459 = tpu.memref_squeeze %dma_start3A_458 : memref<1x128x128xf32, #tpu.memory_space<vmem>> -> memref<128x128xf32, #tpu.memory_space<vmem>>
        %dma_start3A_460 = arith.constant 0 : i32
        %dma_start3A_461 = tpu.memref_slice %arg9[%dma_start3A, %dma_start3A_460] : memref<2x128xi32, #tpu.memory_space<vmem>> -> memref<1x128xi32, #tpu.memory_space<vmem>>
        %dma_start3A_462 = tpu.memref_squeeze %dma_start3A_461 : memref<1x128xi32, #tpu.memory_space<vmem>> -> memref<128xi32, #tpu.memory_space<vmem>>
        %dma_start3A_463 = arith.constant 0 : i32
        %dma_start3A_464 = arith.constant 0 : i32
        %dma_start3A_465 = tpu.memref_slice %arg2[%dma_start3A_463, %dma_start3A_464] : memref<200000x128xf32, #tpu.memory_space<hbm>> -> memref<200000x128xf32, #tpu.memory_space<hbm>>
        %dma_start3A_466 = tpu.memref_slice %arg13[%dma_start3A_455] : memref<2x!tpu.dma_semaphore, #tpu.memory_space<semaphore_mem>> -> memref<1x!tpu.dma_semaphore, #tpu.memory_space<semaphore_mem>>
        %dma_start3A_467 = tpu.memref_squeeze %dma_start3A_466 : memref<1x!tpu.dma_semaphore, #tpu.memory_space<semaphore_mem>> -> memref<!tpu.dma_semaphore, #tpu.memory_space<semaphore_mem>>
        tpu.enqueue_indirect_dma source(%dma_start3A_465 : memref<200000x128xf32, #tpu.memory_space<hbm>>) target(%dma_start3A_459 : memref<128x128xf32, #tpu.memory_space<vmem>>) offsets(%dma_start3A_462 : memref<128xi32, #tpu.memory_space<vmem>>) semaphore(%dma_start3A_467 : memref<!tpu.dma_semaphore, #tpu.memory_space<semaphore_mem>>)
      } else {
      }
      %mul3A_170 = arith.constant 2 : i32
      %mul3A_171 = arith.muli %while3A_153, %mul3A_170 : i32
      %add3A_172 = arith.constant 0 : i32
      %add3A_173 = arith.addi %mul3A_171, %add3A_172 : i32
      %lt3A_174 = arith.cmpi slt, %add3A_173, %select_n3A : i32
      %convert_element_type3A_175 = arith.extui %lt3A_174 : i1 to i32
      %cond3A_176 = arith.constant 0 : i32
      %cond3A_177 = arith.cmpi ne, %convert_element_type3A_175, %cond3A_176 : i32
      scf.if %cond3A_177 {
        %dma_wait3A = arith.constant 0 : i32
        %dma_wait3A_202 = arith.constant 0 : i32
        %dma_wait3A_203 = arith.constant 0 : i32
        %dma_wait3A_204 = arith.constant 0 : i32
        %dma_wait3A_205 = arith.constant 0 : i32
        %dma_wait3A_206 = tpu.memref_slice %arg11[%dma_wait3A_202, %dma_wait3A_204, %dma_wait3A_205] : memref<2x128x128xf32, #tpu.memory_space<vmem>> -> memref<1x128x128xf32, #tpu.memory_space<vmem>>
        %dma_wait3A_207 = tpu.memref_squeeze %dma_wait3A_206 : memref<1x128x128xf32, #tpu.memory_space<vmem>> -> memref<128x128xf32, #tpu.memory_space<vmem>>
        %dma_wait3A_208 = arith.constant 0 : i32
        %dma_wait3A_209 = tpu.memref_slice %arg9[%dma_wait3A, %dma_wait3A_208] : memref<2x128xi32, #tpu.memory_space<vmem>> -> memref<1x128xi32, #tpu.memory_space<vmem>>
        %dma_wait3A_210 = tpu.memref_squeeze %dma_wait3A_209 : memref<1x128xi32, #tpu.memory_space<vmem>> -> memref<128xi32, #tpu.memory_space<vmem>>
        %dma_wait3A_211 = arith.constant 0 : i32
        %dma_wait3A_212 = arith.constant 0 : i32
        %dma_wait3A_213 = tpu.memref_slice %arg2[%dma_wait3A_211, %dma_wait3A_212] : memref<200000x128xf32, #tpu.memory_space<hbm>> -> memref<200000x128xf32, #tpu.memory_space<hbm>>
        %dma_wait3A_214 = tpu.memref_slice %arg13[%dma_wait3A_203] : memref<2x!tpu.dma_semaphore, #tpu.memory_space<semaphore_mem>> -> memref<1x!tpu.dma_semaphore, #tpu.memory_space<semaphore_mem>>
        %dma_wait3A_215 = tpu.memref_squeeze %dma_wait3A_214 : memref<1x!tpu.dma_semaphore, #tpu.memory_space<semaphore_mem>> -> memref<!tpu.dma_semaphore, #tpu.memory_space<semaphore_mem>>
        tpu.wait_indirect_dma semaphore(%dma_wait3A_215 : memref<!tpu.dma_semaphore, #tpu.memory_space<semaphore_mem>>) src(%dma_wait3A_213 : memref<200000x128xf32, #tpu.memory_space<hbm>>) dst(%dma_wait3A_207 : memref<128x128xf32, #tpu.memory_space<vmem>>)
        %dma_start3A = arith.constant 0 : i32
        %dma_start3A_216 = arith.constant 0 : i32
        %dma_start3A_217 = arith.constant 0 : i32
        %dma_start3A_218 = arith.constant 0 : i32
        %dma_start3A_219 = arith.constant 0 : i32
        %dma_start3A_220 = tpu.memref_slice %arg11[%dma_start3A, %dma_start3A_218, %dma_start3A_219] : memref<2x128x128xf32, #tpu.memory_space<vmem>> -> memref<1x128x128xf32, #tpu.memory_space<vmem>>
        %dma_start3A_221 = tpu.memref_squeeze %dma_start3A_220 : memref<1x128x128xf32, #tpu.memory_space<vmem>> -> memref<128x128xf32, #tpu.memory_space<vmem>>
        %dma_start3A_222 = arith.constant 0 : i32
        %dma_start3A_223 = tpu.memref_slice %arg10[%dma_start3A_216, %dma_start3A_222] : memref<2x128xi32, #tpu.memory_space<vmem>> -> memref<1x128xi32, #tpu.memory_space<vmem>>
        %dma_start3A_224 = tpu.memref_squeeze %dma_start3A_223 : memref<1x128xi32, #tpu.memory_space<vmem>> -> memref<128xi32, #tpu.memory_space<vmem>>
        %dma_start3A_225 = arith.constant 0 : i32
        %dma_start3A_226 = arith.constant 0 : i32
        %dma_start3A_227 = tpu.memref_slice %arg12[%dma_start3A_225, %dma_start3A_226] : memref<8584x128xf32, #tpu.memory_space<vmem_shared>> -> memref<8584x128xf32, #tpu.memory_space<vmem_shared>>
        %dma_start3A_228 = tpu.memref_slice %arg14[%dma_start3A_217] : memref<2x!tpu.dma_semaphore, #tpu.memory_space<semaphore_mem>> -> memref<1x!tpu.dma_semaphore, #tpu.memory_space<semaphore_mem>>
        %dma_start3A_229 = tpu.memref_squeeze %dma_start3A_228 : memref<1x!tpu.dma_semaphore, #tpu.memory_space<semaphore_mem>> -> memref<!tpu.dma_semaphore, #tpu.memory_space<semaphore_mem>>
        tpu.enqueue_indirect_dma source(%dma_start3A_221 : memref<128x128xf32, #tpu.memory_space<vmem>>) target(%dma_start3A_227 : memref<8584x128xf32, #tpu.memory_space<vmem_shared>>) offsets(%dma_start3A_224 : memref<128xi32, #tpu.memory_space<vmem>>) semaphore(%dma_start3A_229 : memref<!tpu.dma_semaphore, #tpu.memory_space<semaphore_mem>>) {add = true}
      } else {
      }
      %mul3A_178 = arith.constant 2 : i32
      %mul3A_179 = arith.muli %while3A_153, %mul3A_178 : i32
      %add3A_180 = arith.constant 1 : i32
      %add3A_181 = arith.addi %mul3A_179, %add3A_180 : i32
      %lt3A_182 = arith.cmpi slt, %add3A_181, %select_n3A : i32
      %convert_element_type3A_183 = arith.extui %lt3A_182 : i1 to i32
      %cond3A_184 = arith.constant 0 : i32
      %cond3A_185 = arith.cmpi ne, %convert_element_type3A_183, %cond3A_184 : i32
      scf.if %cond3A_185 {
        %dma_wait3A = arith.constant 1 : i32
        %dma_wait3A_202 = arith.constant 1 : i32
        %dma_wait3A_203 = arith.constant 1 : i32
        %dma_wait3A_204 = arith.constant 0 : i32
        %dma_wait3A_205 = arith.constant 0 : i32
        %dma_wait3A_206 = tpu.memref_slice %arg11[%dma_wait3A_202, %dma_wait3A_204, %dma_wait3A_205] : memref<2x128x128xf32, #tpu.memory_space<vmem>> -> memref<1x128x128xf32, #tpu.memory_space<vmem>>
        %dma_wait3A_207 = tpu.memref_squeeze %dma_wait3A_206 : memref<1x128x128xf32, #tpu.memory_space<vmem>> -> memref<128x128xf32, #tpu.memory_space<vmem>>
        %dma_wait3A_208 = arith.constant 0 : i32
        %dma_wait3A_209 = tpu.memref_slice %arg9[%dma_wait3A, %dma_wait3A_208] : memref<2x128xi32, #tpu.memory_space<vmem>> -> memref<1x128xi32, #tpu.memory_space<vmem>>
        %dma_wait3A_210 = tpu.memref_squeeze %dma_wait3A_209 : memref<1x128xi32, #tpu.memory_space<vmem>> -> memref<128xi32, #tpu.memory_space<vmem>>
        %dma_wait3A_211 = arith.constant 0 : i32
        %dma_wait3A_212 = arith.constant 0 : i32
        %dma_wait3A_213 = tpu.memref_slice %arg2[%dma_wait3A_211, %dma_wait3A_212] : memref<200000x128xf32, #tpu.memory_space<hbm>> -> memref<200000x128xf32, #tpu.memory_space<hbm>>
        %dma_wait3A_214 = tpu.memref_slice %arg13[%dma_wait3A_203] : memref<2x!tpu.dma_semaphore, #tpu.memory_space<semaphore_mem>> -> memref<1x!tpu.dma_semaphore, #tpu.memory_space<semaphore_mem>>
        %dma_wait3A_215 = tpu.memref_squeeze %dma_wait3A_214 : memref<1x!tpu.dma_semaphore, #tpu.memory_space<semaphore_mem>> -> memref<!tpu.dma_semaphore, #tpu.memory_space<semaphore_mem>>
        tpu.wait_indirect_dma semaphore(%dma_wait3A_215 : memref<!tpu.dma_semaphore, #tpu.memory_space<semaphore_mem>>) src(%dma_wait3A_213 : memref<200000x128xf32, #tpu.memory_space<hbm>>) dst(%dma_wait3A_207 : memref<128x128xf32, #tpu.memory_space<vmem>>)
        %dma_start3A = arith.constant 1 : i32
        %dma_start3A_216 = arith.constant 1 : i32
        %dma_start3A_217 = arith.constant 1 : i32
        %dma_start3A_218 = arith.constant 0 : i32
        %dma_start3A_219 = arith.constant 0 : i32
        %dma_start3A_220 = tpu.memref_slice %arg11[%dma_start3A, %dma_start3A_218, %dma_start3A_219] : memref<2x128x128xf32, #tpu.memory_space<vmem>> -> memref<1x128x128xf32, #tpu.memory_space<vmem>>
        %dma_start3A_221 = tpu.memref_squeeze %dma_start3A_220 : memref<1x128x128xf32, #tpu.memory_space<vmem>> -> memref<128x128xf32, #tpu.memory_space<vmem>>
        %dma_start3A_222 = arith.constant 0 : i32
        %dma_start3A_223 = tpu.memref_slice %arg10[%dma_start3A_216, %dma_start3A_222] : memref<2x128xi32, #tpu.memory_space<vmem>> -> memref<1x128xi32, #tpu.memory_space<vmem>>
        %dma_start3A_224 = tpu.memref_squeeze %dma_start3A_223 : memref<1x128xi32, #tpu.memory_space<vmem>> -> memref<128xi32, #tpu.memory_space<vmem>>
        %dma_start3A_225 = arith.constant 0 : i32
        %dma_start3A_226 = arith.constant 0 : i32
        %dma_start3A_227 = tpu.memref_slice %arg12[%dma_start3A_225, %dma_start3A_226] : memref<8584x128xf32, #tpu.memory_space<vmem_shared>> -> memref<8584x128xf32, #tpu.memory_space<vmem_shared>>
        %dma_start3A_228 = tpu.memref_slice %arg14[%dma_start3A_217] : memref<2x!tpu.dma_semaphore, #tpu.memory_space<semaphore_mem>> -> memref<1x!tpu.dma_semaphore, #tpu.memory_space<semaphore_mem>>
        %dma_start3A_229 = tpu.memref_squeeze %dma_start3A_228 : memref<1x!tpu.dma_semaphore, #tpu.memory_space<semaphore_mem>> -> memref<!tpu.dma_semaphore, #tpu.memory_space<semaphore_mem>>
        tpu.enqueue_indirect_dma source(%dma_start3A_221 : memref<128x128xf32, #tpu.memory_space<vmem>>) target(%dma_start3A_227 : memref<8584x128xf32, #tpu.memory_space<vmem_shared>>) offsets(%dma_start3A_224 : memref<128xi32, #tpu.memory_space<vmem>>) semaphore(%dma_start3A_229 : memref<!tpu.dma_semaphore, #tpu.memory_space<semaphore_mem>>) {add = true}
      } else {
      }
      %mul3A_186 = arith.constant 2 : i32
      %mul3A_187 = arith.muli %while3A_153, %mul3A_186 : i32
      %add3A_188 = arith.constant 0 : i32
      %add3A_189 = arith.addi %mul3A_187, %add3A_188 : i32
      %lt3A_190 = arith.cmpi slt, %add3A_189, %select_n3A : i32
      %convert_element_type3A_191 = arith.extui %lt3A_190 : i1 to i32
      %cond3A_192 = arith.constant 0 : i32
      %cond3A_193 = arith.cmpi ne, %convert_element_type3A_191, %cond3A_192 : i32
      scf.if %cond3A_193 {
        %dma_wait3A = arith.constant 0 : i32
        %dma_wait3A_202 = arith.constant 0 : i32
        %dma_wait3A_203 = arith.constant 0 : i32
        %dma_wait3A_204 = arith.constant 0 : i32
        %dma_wait3A_205 = arith.constant 0 : i32
        %dma_wait3A_206 = tpu.memref_slice %arg11[%dma_wait3A, %dma_wait3A_204, %dma_wait3A_205] : memref<2x128x128xf32, #tpu.memory_space<vmem>> -> memref<1x128x128xf32, #tpu.memory_space<vmem>>
        %dma_wait3A_207 = tpu.memref_squeeze %dma_wait3A_206 : memref<1x128x128xf32, #tpu.memory_space<vmem>> -> memref<128x128xf32, #tpu.memory_space<vmem>>
        %dma_wait3A_208 = arith.constant 0 : i32
        %dma_wait3A_209 = tpu.memref_slice %arg10[%dma_wait3A_202, %dma_wait3A_208] : memref<2x128xi32, #tpu.memory_space<vmem>> -> memref<1x128xi32, #tpu.memory_space<vmem>>
        %dma_wait3A_210 = tpu.memref_squeeze %dma_wait3A_209 : memref<1x128xi32, #tpu.memory_space<vmem>> -> memref<128xi32, #tpu.memory_space<vmem>>
        %dma_wait3A_211 = arith.constant 0 : i32
        %dma_wait3A_212 = arith.constant 0 : i32
        %dma_wait3A_213 = tpu.memref_slice %arg12[%dma_wait3A_211, %dma_wait3A_212] : memref<8584x128xf32, #tpu.memory_space<vmem_shared>> -> memref<8584x128xf32, #tpu.memory_space<vmem_shared>>
        %dma_wait3A_214 = tpu.memref_slice %arg14[%dma_wait3A_203] : memref<2x!tpu.dma_semaphore, #tpu.memory_space<semaphore_mem>> -> memref<1x!tpu.dma_semaphore, #tpu.memory_space<semaphore_mem>>
        %dma_wait3A_215 = tpu.memref_squeeze %dma_wait3A_214 : memref<1x!tpu.dma_semaphore, #tpu.memory_space<semaphore_mem>> -> memref<!tpu.dma_semaphore, #tpu.memory_space<semaphore_mem>>
        tpu.wait_indirect_dma semaphore(%dma_wait3A_215 : memref<!tpu.dma_semaphore, #tpu.memory_space<semaphore_mem>>) src(%dma_wait3A_207 : memref<128x128xf32, #tpu.memory_space<vmem>>) dst(%dma_wait3A_213 : memref<8584x128xf32, #tpu.memory_space<vmem_shared>>)
      } else {
      }
      %mul3A_194 = arith.constant 2 : i32
      %mul3A_195 = arith.muli %while3A_153, %mul3A_194 : i32
      %add3A_196 = arith.constant 1 : i32
      %add3A_197 = arith.addi %mul3A_195, %add3A_196 : i32
      %lt3A_198 = arith.cmpi slt, %add3A_197, %select_n3A : i32
      %convert_element_type3A_199 = arith.extui %lt3A_198 : i1 to i32
      %cond3A_200 = arith.constant 0 : i32
      %cond3A_201 = arith.cmpi ne, %convert_element_type3A_199, %cond3A_200 : i32
      scf.if %cond3A_201 {
        %dma_wait3A = arith.constant 1 : i32
        %dma_wait3A_202 = arith.constant 1 : i32
        %dma_wait3A_203 = arith.constant 1 : i32
        %dma_wait3A_204 = arith.constant 0 : i32
        %dma_wait3A_205 = arith.constant 0 : i32
        %dma_wait3A_206 = tpu.memref_slice %arg11[%dma_wait3A, %dma_wait3A_204, %dma_wait3A_205] : memref<2x128x128xf32, #tpu.memory_space<vmem>> -> memref<1x128x128xf32, #tpu.memory_space<vmem>>
        %dma_wait3A_207 = tpu.memref_squeeze %dma_wait3A_206 : memref<1x128x128xf32, #tpu.memory_space<vmem>> -> memref<128x128xf32, #tpu.memory_space<vmem>>
        %dma_wait3A_208 = arith.constant 0 : i32
        %dma_wait3A_209 = tpu.memref_slice %arg10[%dma_wait3A_202, %dma_wait3A_208] : memref<2x128xi32, #tpu.memory_space<vmem>> -> memref<1x128xi32, #tpu.memory_space<vmem>>
        %dma_wait3A_210 = tpu.memref_squeeze %dma_wait3A_209 : memref<1x128xi32, #tpu.memory_space<vmem>> -> memref<128xi32, #tpu.memory_space<vmem>>
        %dma_wait3A_211 = arith.constant 0 : i32
        %dma_wait3A_212 = arith.constant 0 : i32
        %dma_wait3A_213 = tpu.memref_slice %arg12[%dma_wait3A_211, %dma_wait3A_212] : memref<8584x128xf32, #tpu.memory_space<vmem_shared>> -> memref<8584x128xf32, #tpu.memory_space<vmem_shared>>
        %dma_wait3A_214 = tpu.memref_slice %arg14[%dma_wait3A_203] : memref<2x!tpu.dma_semaphore, #tpu.memory_space<semaphore_mem>> -> memref<1x!tpu.dma_semaphore, #tpu.memory_space<semaphore_mem>>
        %dma_wait3A_215 = tpu.memref_squeeze %dma_wait3A_214 : memref<1x!tpu.dma_semaphore, #tpu.memory_space<semaphore_mem>> -> memref<!tpu.dma_semaphore, #tpu.memory_space<semaphore_mem>>
        tpu.wait_indirect_dma semaphore(%dma_wait3A_215 : memref<!tpu.dma_semaphore, #tpu.memory_space<semaphore_mem>>) src(%dma_wait3A_207 : memref<128x128xf32, #tpu.memory_space<vmem>>) dst(%dma_wait3A_213 : memref<8584x128xf32, #tpu.memory_space<vmem_shared>>)
      } else {
      }
    }
    %barrier3A_135 = arith.constant 0 : index
    tpu.barrier barrier_id(%barrier3A_135)
    %add3A_136 = arith.constant 536 : i32
    %add3A_137 = arith.addi %add3A_11, %add3A_136 : i32
    %le3A_138 = arith.constant 200000 : i32
    %le3A_139 = arith.cmpi sle, %add3A_137, %le3A_138 : i32
    %convert_element_type3A_140 = arith.extui %le3A_139 : i1 to i32
    %cond3A_141 = arith.constant 0 : i32
    %cond3A_142 = arith.cmpi ne, %convert_element_type3A_140, %cond3A_141 : i32
    scf.if %cond3A_142 {
      %mul3A_153 = arith.constant 536 : i32
      %mul3A_154 = arith.muli %arg1, %mul3A_153 : i32
      "tpu.region"() ({
        %run_scoped3A = tpu.sem_alloc : memref<!tpu.dma_semaphore, #tpu.memory_space<semaphore_mem>>
        %dma_start3A = arith.constant 0 : i32
        %dma_start3A_155 = tpu.memref_slice %arg5[%add3A_11, %dma_start3A] : memref<200000x128xf32, #tpu.memory_space<hbm>> -> memref<536x128xf32, #tpu.memory_space<hbm>>
        %dma_start3A_156 = arith.constant 0 : i32
        %dma_start3A_157 = tpu.memref_slice %arg12[%mul3A_154, %dma_start3A_156] : memref<8584x128xf32, #tpu.memory_space<vmem_shared>> -> memref<536x128xf32, #tpu.memory_space<vmem_shared>>
        tpu.enqueue_dma source(%dma_start3A_157 : memref<536x128xf32, #tpu.memory_space<vmem_shared>>) target(%dma_start3A_155 : memref<536x128xf32, #tpu.memory_space<hbm>>) target_semaphore(%run_scoped3A : memref<!tpu.dma_semaphore, #tpu.memory_space<semaphore_mem>>)
        %dma_wait3A = arith.constant 0 : i32
        %dma_wait3A_158 = tpu.memref_slice %arg5[%add3A_11, %dma_wait3A] : memref<200000x128xf32, #tpu.memory_space<hbm>> -> memref<536x128xf32, #tpu.memory_space<hbm>>
        %dma_wait3A_159 = arith.constant 0 : i32
        %dma_wait3A_160 = tpu.memref_slice %arg12[%mul3A_154, %dma_wait3A_159] : memref<8584x128xf32, #tpu.memory_space<vmem_shared>> -> memref<536x128xf32, #tpu.memory_space<vmem_shared>>
        tpu.wait_dma2 semaphore(%run_scoped3A : memref<!tpu.dma_semaphore, #tpu.memory_space<semaphore_mem>>) src(%dma_wait3A_160 : memref<536x128xf32, #tpu.memory_space<vmem_shared>>) dst(%dma_wait3A_158 : memref<536x128xf32, #tpu.memory_space<hbm>>)
        tpu.yield
      }) : () -> ()
    } else {
    }
    %lt3A_143 = arith.constant 200000 : i32
    %lt3A_144 = arith.cmpi slt, %add3A_11, %lt3A_143 : i32
    %add3A_145 = arith.constant 536 : i32
    %add3A_146 = arith.addi %add3A_11, %add3A_145 : i32
    %gt3A_147 = arith.constant 200000 : i32
    %gt3A_148 = arith.cmpi sgt, %add3A_146, %gt3A_147 : i32
    %and3A_149 = arith.andi %lt3A_144, %gt3A_148 : i1
    %convert_element_type3A_150 = arith.extui %and3A_149 : i1 to i32
    %cond3A_151 = arith.constant 0 : i32
    %cond3A_152 = arith.cmpi ne, %convert_element_type3A_150, %cond3A_151 : i32
    scf.if %cond3A_152 {
      %mul3A_153 = arith.constant 536 : i32
      %mul3A_154 = arith.muli %arg1, %mul3A_153 : i32
      "tpu.region"() ({
        %run_scoped3A = tpu.sem_alloc : memref<!tpu.dma_semaphore, #tpu.memory_space<semaphore_mem>>
        %dma_start3A = arith.constant 0 : i32
        %dma_start3A_155 = tpu.memref_slice %arg5[%add3A_11, %dma_start3A] : memref<200000x128xf32, #tpu.memory_space<hbm>> -> memref<72x128xf32, #tpu.memory_space<hbm>>
        %dma_start3A_156 = arith.constant 0 : i32
        %dma_start3A_157 = tpu.memref_slice %arg12[%mul3A_154, %dma_start3A_156] : memref<8584x128xf32, #tpu.memory_space<vmem_shared>> -> memref<72x128xf32, #tpu.memory_space<vmem_shared>>
        tpu.enqueue_dma source(%dma_start3A_157 : memref<72x128xf32, #tpu.memory_space<vmem_shared>>) target(%dma_start3A_155 : memref<72x128xf32, #tpu.memory_space<hbm>>) target_semaphore(%run_scoped3A : memref<!tpu.dma_semaphore, #tpu.memory_space<semaphore_mem>>)
        %dma_wait3A = arith.constant 0 : i32
        %dma_wait3A_158 = tpu.memref_slice %arg5[%add3A_11, %dma_wait3A] : memref<200000x128xf32, #tpu.memory_space<hbm>> -> memref<72x128xf32, #tpu.memory_space<hbm>>
        %dma_wait3A_159 = arith.constant 0 : i32
        %dma_wait3A_160 = tpu.memref_slice %arg12[%mul3A_154, %dma_wait3A_159] : memref<8584x128xf32, #tpu.memory_space<vmem_shared>> -> memref<72x128xf32, #tpu.memory_space<vmem_shared>>
        tpu.wait_dma2 semaphore(%run_scoped3A : memref<!tpu.dma_semaphore, #tpu.memory_space<semaphore_mem>>) src(%dma_wait3A_160 : memref<72x128xf32, #tpu.memory_space<vmem_shared>>) dst(%dma_wait3A_158 : memref<72x128xf32, #tpu.memory_space<hbm>>)
        tpu.yield
      }) : () -> ()
    } else {
    }
    return
  }
}

module attributes {stable_mosaic.version = 14 : i64} {
  func.func @_matmul_kernel(%arg0: i32, %arg1: memref<2000x100xf32, #tpu.memory_space<vmem>>, %arg2: memref<100x128xf32, #tpu.memory_space<vmem>>, %arg3: memref<8x128xf32, #tpu.memory_space<vmem>>, %arg4: memref<2000x128xf32, #tpu.memory_space<vmem>>) attributes {dimension_semantics = [#tpu.dimension_semantics<arbitrary>], iteration_bounds = array<i64: 100>, scalar_prefetch = 0 : i64, scratch_operands = 0 : i64, tpu.core_type = #tpu.core_type<tc>, window_params = [{transform_indices = @transform_0, window_bounds = array<i64: 2000, 100>}, {pipeline_mode = #tpu.pipeline_mode<synchronous>, transform_indices = @transform_1, window_bounds = array<i64: 100, 128>}, {pipeline_mode = #tpu.pipeline_mode<synchronous>, transform_indices = @transform_2, window_bounds = array<i64: 8, 128>}, {transform_indices = @transform_3, window_bounds = array<i64: 2000, 128>}]} {
    %get3A = arith.constant 0 : index
    %get3A_0 = arith.constant 0 : index
    %get3A_1 = vector.load %arg1[%get3A, %get3A_0] : memref<2000x100xf32, #tpu.memory_space<vmem>>, vector<2000x100xf32>
    %get3A_2 = arith.constant 0 : index
    %get3A_3 = arith.constant 0 : index
    %get3A_4 = vector.load %arg2[%get3A_2, %get3A_3] : memref<100x128xf32, #tpu.memory_space<vmem>>, vector<100x128xf32>
    %dot_general3A = arith.constant dense<0.000000e+00> : vector<2000x128xf32>
    %dot_general3A_5 = tpu.matmul %get3A_1, %get3A_4, %dot_general3A {dimension_numbers = #tpu.dot_dimension_numbers<[1], [0], [0], [1], [0, 0, 1, 1], [], []>, transpose_lhs_hint = false} : vector<2000x100xf32>, vector<100x128xf32>, vector<2000x128xf32> -> vector<2000x128xf32>
    %get3A_6 = arith.constant 0 : index
    %get3A_7 = arith.constant 0 : index
    %get3A_8 = vector.load %arg3[%get3A_6, %get3A_7] : memref<8x128xf32, #tpu.memory_space<vmem>>, vector<1x128xf32>
    %add3A = vector.broadcast %get3A_8 : vector<1x128xf32> to vector<2000x128xf32>
    %add3A_9 = arith.addf %dot_general3A_5, %add3A : vector<2000x128xf32>
    %swap3A = arith.constant 0 : index
    %swap3A_10 = arith.constant 0 : index
    %swap3A_11 = vector.load %arg4[%swap3A, %swap3A_10] : memref<2000x128xf32, #tpu.memory_space<vmem>>, vector<2000x128xf32>
    tpu.vector_store %arg4[%swap3A, %swap3A_10], %add3A_9 {strides = array<i32>} : memref<2000x128xf32, #tpu.memory_space<vmem>>, vector<2000x128xf32>,
    return
  }
  func.func @transform_0(%arg0: i32) -> (i32, i32) {
    %c0_i32 = arith.constant 0 : i32
    %c0_i32_0 = arith.constant 0 : i32
    return %arg0, %c0_i32 : i32, i32
  }
  func.func @transform_1(%arg0: i32) -> (i32, i32) {
    %c0_i32 = arith.constant 0 : i32
    %c0_i32_0 = arith.constant 0 : i32
    %c0_i32_1 = arith.constant 0 : i32
    return %c0_i32, %c0_i32_0 : i32, i32
  }
  func.func @transform_2(%arg0: i32) -> (i32, i32) {
    %c0_i32 = arith.constant 0 : i32
    %c0_i32_0 = arith.constant 0 : i32
    %c0_i32_1 = arith.constant 0 : i32
    return %c0_i32, %c0_i32_0 : i32, i32
  }
  func.func @transform_3(%arg0: i32) -> (i32, i32) {
    %c0_i32 = arith.constant 0 : i32
    %c0_i32_0 = arith.constant 0 : i32
    return %arg0, %c0_i32 : i32, i32
  }
}

</mosaic_0001>

<sc_bundles>
// kernel: kernel.4.cloned.1.call-start
scs
__scs_entry_jumppad:
0x0: {  	(pc) =	sbr.rel $0x88, $3  }
0x1: {  	(tag) =	ssettag $0x0;
	lr =	simm.s32 $0x1  }
0x2: {  	[smem:$0x3F9C] =	sst lr;
	_ =	strace $0xD0000000  }
0x3: {  	_ = 	snop  }
0x4: {  	_ = 	snop  }
0x5: {  	_ = 	snop  }
0x6: {  	_ = 	snop  }
0x7: {  	_ = 	snop  }
__scs_overlays_trampoline_lowered:
0x8: {  	[smem:$0x3FAB] =	sst s0  }
0x9: {  	[smem:$0x3FAC] =	sst s1  }
0xa: {  	[smem:$0x3FAD] =	sst s2  }
0xb: {  	[smem:$0x3FAE] =	sst s3  }
0xc: {  	[smem:$0x3FAF] =	sst s4  }
0xd: {  	[smem:$0x3FB0] =	sst s5  }
0xe: {  	[smem:$0x3FB1] =	sst s6  }
0xf: {  	[smem:$0x3FB2] =	sst s7  }
0x10: {  	[smem:$0x3FB3] =	sst s8  }
0x11: {  	[smem:$0x3FB4] =	sst s9;
	s0 =	simm.s32 @!p0 $0x0  }
0x12: {  	s1 =	sld [smem:$0x3F9A];
	s0 =	simm.s32 @p0 $0x1  }
0x13: {  	[smem:$0x3FB5] =	sst s0;
	s0 =	simm.s32 @!p1 $0x0  }
0x14: {  	s2 =	sld [smem:$0x3F99];
	s0 =	simm.s32 @p1 $0x1  }
0x15: {  	[smem:$0x3FB6] =	sst s0;
	s0 =	simm.s32 @!p2 $0x0  }
0x16: {  	s3 =	sld [smem:$0x3FDB];
	s0 =	simm.s32 @p2 $0x1  }
0x17: {  	s4 =	simm.s32 $0x1BF5;
	[smem:$0x3FB8] =	sst s0  }
0x18: {  	s0 =	sld [smem:$0x3F9B];
	_ =	swait.ge [sflag:s4], $0x0  }
0x19: {  	s7 =	sld [smem:$0x3F9C]  }
0x1a: {  	s8 =	sadd.s32 $0xFFFFE003, lr  }
0x1b: {  	s9 =	sadd.s32 $0xFFFFFEF7, lr;
	s5 =	simm.s32 $0xFFFFFFFF;
	p2 =	slt.u32 s8, $0xFFFFF086  }
0x1c: {  	p1 =	slt.u32 s9, $0xF7A;
	s5 =	simm.s32 @!p2 $0x0  }
0x1d: {  	s5 =	simm.s32 @p1 $0x1;
	p0 =	seq.s32 s7, s2  }
0x1e: {  	s7 =	smul.u32 @!p0 $0xF7A, s2;
	p2 =	seq.s32 @!p0 s5, $0x0  }
0x1f: {  	s9 =	smul.u32 $0xF7A, s1;
	s8 =	simm.s32 @!p0 $0x1BF5;
	p2 =	por !p2, p0  }
0x20: {  	[sflag:s8] =	ssyncset.s32 @!p0 $0xFFFFF086;
	s6 =	sadd.s32 @!p0 s3, s7;
	s7 =	simm.s32 @!p0 $0x108  }
0x21: {  	s3 =	sadd.s32 s3, s9;
	s6 =	sadd.s32 @!p0 $0x88, s6;
	s7 =	simm.s32 @p2 $0x1082  }
0x22: {  	[simem:s7], [sflag:s8] =	dma.local @!p0 [hbm:s6], $0xF7A  }
0x23: {  	s9 =	sor.u32 $0xD0000000, s2;
	s6 =	simm.s32 $0x108;
	_ =	swait.ge @!p0 [sflag:s8], $0x0  }
0x24: {  	s3 =	sadd.s32 $0x88, s3;
	s6 =	simm.s32 @!p1 $0x1082;
	[sflag:s4] =	ssyncset.s32 $0xFFFFF086  }
0x25: {  	[simem:s6], [sflag:s4] =	dma.local [hbm:s3], $0xF7A  }
0x26: {  	[smem:$0x3F9C] =	sst s1;
	(tag) =	ssettag s2;
	_ =	strace s9  }
0x27: {  	s1 =	sld [smem:$0x3FAC]  }
0x28: {  	s2 =	sld [smem:$0x3FAD]  }
0x29: {  	s4 =	sld [smem:$0x3FAF]  }
0x2a: {  	p0 =	seq.s32 s5, $0x0;
	s5 =	sld [smem:$0x3FB0]  }
0x2b: {  	s6 =	sld [smem:$0x3FB1]  }
0x2c: {  	s7 =	sld [smem:$0x3FB2]  }
0x2d: {  	s3 =	simm.s32 $0x108;
	s8 =	sld [smem:$0x3FB3]  }
0x2e: {  	s3 =	simm.s32 @!p0 $0x1082;
	s9 =	sld [smem:$0x3FB4]  }
0x2f: {  	lr =	sadd.s32 s0, s3;
	s0 =	sld [smem:$0x3FAB]  }
0x30: {  	s3 =	sld [smem:$0x3FAE]  }
0x31: {  	[smem:$0x3FB7] =	sst s10  }
0x32: {  	s10 =	sld [smem:$0x3FB5];
	_ =	sdelay $0x3  }
0x33: {  	p0 =	seq.s32 s10, $0x1;
	s10 =	sld [smem:$0x3FB7];
	_ =	sdelay $0x3  }
0x34: {  	[smem:$0x3FB7] =	sst s10  }
0x35: {  	s10 =	sld [smem:$0x3FB6];
	_ =	sdelay $0x3  }
0x36: {  	p1 =	seq.s32 s10, $0x1;
	s10 =	sld [smem:$0x3FB7];
	_ =	sdelay $0x3  }
0x37: {  	[smem:$0x3FB7] =	sst s10  }
0x38: {  	s10 =	sld [smem:$0x3FB8]  }
0x39: {  	_ = 	snop;
	(pc) =	sbr.ind lr, $3  }
0x3a: {  	_ = 	snop  }
0x3b: {  	_ = 	snop  }
0x3c: {  	p2 =	seq.s32 s10, $0x1;
	s10 =	sld [smem:$0x3FB7]  }
0x3d: {  	_ =	shalt  }
0x3e: {  	_ =	shalt  }
0x3f: {  	_ =	shalt  }
0x40: {  	_ =	shalt  }
0x41: {  	_ =	shalt  }
0x42: {  	_ =	shalt  }
0x43: {  	_ =	shalt  }
0x44: {  	_ =	shalt  }
0x45: {  	_ =	shalt  }
0x46: {  	_ =	shalt  }
0x47: {  	_ =	shalt  }
0x48: {  	_ =	shalt  }
0x49: {  	_ =	shalt  }
0x4a: {  	_ =	shalt  }
0x4b: {  	_ =	shalt  }
0x4c: {  	_ =	shalt  }
0x4d: {  	_ =	shalt  }
0x4e: {  	_ =	shalt  }
0x4f: {  	_ =	shalt  }
0x50: {  	_ =	shalt  }
0x51: {  	_ =	shalt  }
0x52: {  	_ =	shalt  }
0x53: {  	_ =	shalt  }
0x54: {  	_ =	shalt  }
0x55: {  	_ =	shalt  }
0x56: {  	_ =	shalt  }
0x57: {  	_ =	shalt  }
0x58: {  	_ =	shalt  }
0x59: {  	_ =	shalt  }
0x5a: {  	_ =	shalt  }
0x5b: {  	_ =	shalt  }
0x5c: {  	_ =	shalt  }
0x5d: {  	_ =	shalt  }
0x5e: {  	_ =	shalt  }
0x5f: {  	_ =	shalt  }
0x60: {  	_ =	shalt  }
0x61: {  	_ =	shalt  }
0x62: {  	_ =	shalt  }
0x63: {  	_ =	shalt  }
0x64: {  	_ =	shalt  }
0x65: {  	_ =	shalt  }
0x66: {  	_ =	shalt  }
0x67: {  	_ =	shalt  }
0x68: {  	_ =	shalt  }
0x69: {  	_ =	shalt  }
0x6a: {  	_ =	shalt  }
0x6b: {  	_ =	shalt  }
0x6c: {  	_ =	shalt  }
0x6d: {  	_ =	shalt  }
0x6e: {  	_ =	shalt  }
0x6f: {  	_ =	shalt  }
0x70: {  	_ =	shalt  }
0x71: {  	_ =	shalt  }
0x72: {  	_ =	shalt  }
0x73: {  	_ =	shalt  }
0x74: {  	_ =	shalt  }
0x75: {  	_ =	shalt  }
0x76: {  	_ =	shalt  }
0x77: {  	_ =	shalt  }
0x78: {  	_ =	shalt  }
0x79: {  	_ =	shalt  }
0x7a: {  	_ =	shalt  }
0x7b: {  	_ =	shalt  }
0x7c: {  	_ =	shalt  }
0x7d: {  	_ =	shalt  }
0x7e: {  	_ =	shalt  }
0x7f: {  	_ =	shalt  }
0x80: {  	_ =	shalt  }
0x81: {  	_ =	shalt  }
0x82: {  	_ =	shalt  }
0x83: {  	_ =	shalt  }
0x84: {  	_ =	shalt  }
0x85: {  	_ =	shalt  }
0x86: {  	_ =	shalt  }
0x87: {  	_ =	shalt  }
.Lfunc_end0:
.L_simem_size_0:
called_computation.1_lowered:
.L_overlay_start_0:
0x88: {  	s2 =	sld [smem:$0x3FD9]  }
0x89: {  	s3 =	sld [smem:$0x3FFE];
	_ =	sdelay $0x1  }
0x8a: {  	s1 =	srdreg.scid  }
0x8b: {  	s0 =	sand.u32 $0x1, s1  }
0x8c: {  	s17 =	sshll.u32 s0, $0xA;
	s2 =	sadd.s32 s3, s2  }
0x8d: {  	s2 =	sadd.s32 s2, s17  }
0x8e: {  	[smem:$0x3FC3] =	sst s2  }
0x8f: {  	_ = 	snop  }
0x90: {  	s2 =	sld [smem:$0x3FD0];
	(tm) =	ssettm $0x1  }
0x91: {  	s18 =	sld [smem:$0x3FFB];
	_ =	sdelay $0x3  }
0x92: {  	_ =	strace s18  }
0x93: {  	s3 =	sld [smem:$0x3FFC];
	_ =	sdelay $0x3  }
0x94: {  	_ =	strace s3  }
0x95: {  	s3 =	sld [smem:$0x3FFD];
	_ =	sdelay $0x3  }
0x96: {  	_ =	strace s3  }
0x97: {  	_ =	strace $0x8FFFFFFF  }
0x98: {  	s19 =	sld [smem:$0x3FDB];
	_ =	sdelay $0x1  }
0x99: {  	s4 =	simm.s32 $_scs_section_size  }
0x9a: {  	s5 =	simm.s32 $_size__tile_overlayer_lowered;
	s6 =	simm.s32 $_tile_overlayer_lowered  }
0x9b: {  	s22 =	simm.s32 $0x1BFF;
	s21 =	sshll.u32 s6, $0x1;
	s3 =	sadd.s32 s4, s19  }
0x9c: {  	s7 =	simm.s32 $0x0;
	s20 =	sshll.u32 s5, $0x1;
	s5 =	sadd.s32 s21, s3  }
0x9d: {  	[timem:s7], [sflag:s22] =	dma.local [hbm:s5], s20  }
0x9e: {  	_ =	swait.ge [sflag:s22], s20  }
0x9f: {  	s4 =	ssub.s32 $0x0, s20;
	[sflag:s22] =	ssyncset.done $0x0  }
0xa0: {  	[sflag:s22] =	ssyncadd.s32 s4;
	_ =	sdelay $0x1  }
0xa1: {  	s23 =	simm.s32 $0x1B8B  }
0xa2: {  	_ =	swait.ge [sflag:s23], $0x1  }
0xa3: {  	[sflag:s23] =	ssyncset.done $0x0  }
0xa4: {  	s25 =	simm.s32 $0x1B8E;
	s24 =	sld [smem:$0x3FFE];
	[sflag:s23] =	ssyncadd.s32 $0xFFFFFFFF  }
0xa5: {  	s26 =	simm.s32 $execute0_lowered;
	[smem:$0x3FD2] =	sst s25  }
0xa6: {  	s5 =	sshll.u32 s26, $0x1;
	_ =	strace $0x80000046;
	[dreg:$0x1] =	wrdreg $0xFFFFFFFF  }
0xa7: {  	s28 =	simm.s32 $_size_execute0_lowered;
	s3 =	sadd.s32 s3, s5;
	[dreg:$0x0] =	wrdreg $0x0  }
0xa8: {  	s5 =	sshll.u32 s28, $0x1;
	[dreg:$0x2] =	wrdreg s3  }
0xa9: {  	[dreg:$0x3] =	wrdreg s5  }
0xaa: {  	[dreg:$0x4] =	wrdreg $0xC0  }
0xab: {  	_ =	task [dreg:s7], $0x5FFFF  }
0xac: {  	[dreg:$0x1] =	wrdreg $0xFFFFFFFF  }
0xad: {  	[dreg:$0x0] =	wrdreg $0x60  }
0xae: {  	[dreg:$0x2] =	wrdreg s24  }
0xaf: {  	[dreg:$0x3] =	wrdreg s2  }
0xb0: {  	[dreg:$0x4] =	wrdreg $0xF2000  }
0xb1: {  	[dreg:$0x5] =	wrdreg $0x9  }
0xb2: {  	_ =	task.clear_ibuf [dreg:s7], $0x6FFFF;
	_ =	strace $0x90000046  }
0xb3: {  	s29 =	simm.s32 $0x9;
	_ =	strace $0x80000048  }
0xb4: {  	_ =	swait.ge [sflag:s29], $0x1  }
0xb5: {  	[sflag:s29] =	ssyncadd.s32 $0xFFFFFFFF  }
0xb6: {  	_ =	strace $0x90000048  }
0xb7: {  	_ =	sfence  }
0xb8: {  	s30 =	sld [smem:$0x0];
	_ =	sdelay $0x2  }
0xb9: {  	s31 =	sshll.u32 s1, $0xD;
	s1 =	sshrl.u32 s1, $0x2  }
0xba: {  	s3 =	sand.u32 $0x4000, s31;
	s1 =	sadd.s32 s1, s30  }
0xbb: {  	s0 =	sor.u32 s3, s0;
	s1 =	sshll.u32 s1, $0x11  }
0xbc: {  	s0 =	sor.u32 s1, s0  }
0xbd: {  	s0 =	sadd.s32 $0x8F2B, s0  }
0xbe: {  	[sflag:s0] =	ssyncadd.remote.s32 $0x1  }
0xbf: {  	_ =	sfence.sel $0xFFFF  }
0xc0: {  	[dreg:$0x0] =	wrdreg $0xFFFFFFFF;
	(pc) =	sbr.abs _section_cstart, $3  }
0xc1: {  	[dreg:$0x1] =	wrdreg $0xFFFFFFFF  }
0xc2: {  	_ =	task.clear_ibuf [dreg:s7], $0x2FFFF;
	_ =	strace $0x9FFFFFFF  }
0xc3: {  	(tm) =	ssettm $0x7FFFFFFF  }
tec
execute0_lowered:
.L_overlay_start_1:
0x0: {  	(tag) =	ssettag $0x1  }
0x1: {  	s0 =	rddreg [dreg:$0x0]  }
0x2: {  	s1 =	rddreg [dreg:$0x1]  }
0x3: {  	s2 =	rddreg [dreg:$0x2]  }
0x4: {  	s3 =	simm.s32 $0x0;
	s13 =	stileid.u32;
	s4 =	srdreg.scid  }
0x5: {  	s14 =	simm.s32 $0x6;
	s16 =	simm.s32 $0x2500;
	s21 =	simm.s32 $0x80  }
0x6: {  	s22 =	simm.s32 $0x7000;
	s23 =	simm.s32 $0x7200;
	s24 =	simm.s32 $0x7080  }
0x7: {  	s26 =	simm.s32 $0x0;
	[smem:$0x7FF] =	sst s3;
	s8 =	smul.u32 $0x4A0, s13  }
0x8: {  	s6 =	sand.u32 $0x1, s4;
	s5 =	sadd.s32 $0x312600, s0;
	s10 =	smul.u32 $0x43000, s13  }
0x9: {  	s7 =	sadd.s32 $0x800, s0;
	s15 =	sshll.u32 s13, $0x6;
	s4 =	smul.u32 $0x2180, s6  }
0xa: {  	_ =	strace $0x80000047;
	s9 =	ssub.s32 $0x2, s6;
	s6 =	smul.u32 $0x218, s13  }
0xb: {  	s17 =	sor.u32 $0x1C05, s15;
	s11 =	sadd.s32 s8, s0;
	s12 =	sshrl.u32 s9, $0x1  }
0xc: {  	s1 =	sadd.s32 s1, s8;
	s29 =	sshrl.u32 s10, $0x2;
	s28 =	ssub.s32 s9, s12  }
0xd: {  	s19 =	sadd.s32 $0x2E100, s4;
	[dreg:$0x4] =	wrdreg s1;
	s30 =	sadd.s32 $0x30DC00, s11  }
0xe: {  	s10 =	sadd.s32 s29, s2;
	s20 =	sadd.s32 $0x30280, s4;
	s25 =	sadd.s32 s6, s19  }
.Ltmp0:
0xf: {  	[dreg:$0x5] =	wrdreg s30;
	s0 =	smax.u32 s28, $0x1;
	(pc) =	sbr.rel .LBB2_1-.Ltmp0, $4  }
0x10: {  	v2 =	vlaneseq.u32;
	s18 =	sshrl.u32 s10, $0x3;
	v0 =	vmov s19;
	v1 =	vmov s20;
	s19 =	simm.s32 $0x4A00;
	s20 =	simm.s32 $0x5  }
0x11: {  	v3 =	vimm.s32 $0x0;
	v4 =	vimm.s32 $0x2500;
	v5 =	vor.u32 $0x10, v2;
	s31 =	sshll.u32 s25, $0x4;
	[dreg:$0x6] =	wrdreg s0;
	p0 =	sgt.u32 s25, $0x30B28  }
0x12: {  	v6 =	vor.u32 $0x20, v2;
	v7 =	vor.u32 $0x30, v2;
	v8 =	vor.u32 $0x40, v2;
	s11 =	sadd.s32 s5, s31;
	s12 =	sadd.s32 s7, s31;
	p2 =	sgt.u32 @p0 s25, $0x30D3F  }
0x13: {  	v9 =	vor.u32 $0x50, v2;
	v10 =	vor.u32 $0x60, v2;
	v11 =	vor.u32 $0x70, v2;
	s25 =	simm.s32 $0xB200;
	p1 =	por p2, !p0;
	p2 =	por !p2, !p0  }
.LBB2_21:
0x14: {  	[bflag:$0x0] =	sbarrier.arrive $0xFFFF;
	s0 =	simm.s32 @!p0 $0x6  }
0x15: {  	[hbm:s12], [sflag:s28] =	dma.local @!p0 [spmem:s29], $0x2180  }
0x16: {  	_ =	swait.ge @!p0 [sflag:s0], $0x2180  }
0x17: {  	[sflag:s0] =	ssyncset.done @!p0 $0x0  }
0x18: {  	[sflag:s0] =	ssyncadd.s32 @!p0 $0xFFFFDE80;
	s0 =	sshrl.u32 @p3 s10, $0x3  }
0x19: {  	[hbm:s12], [sflag:s28] =	dma.local @p3 [spmem:s0], $0x480  }
0x1a: {  	s0 =	simm.s32 @p3 $0x6  }
0x1b: {  	_ =	swait.ge @p3 [sflag:s0], $0x480  }
0x1c: {  	s26 =	sadd.s32 $0x1, s26;
	s1 =	rddreg [dreg:$0x6]  }
0x1d: {  	p4 =	sne.s32 s26, s1  }
.Ltmp1:
0x1e: {  	_ = 	snop;
	(pc) =	sbr.rel @!p4 .LBB2_22-.Ltmp1, $3  }
0x1f: {  	_ =	sdelay $0x1  }
0x20: {  	[sflag:s0] =	ssyncset.done @p3 $0x0  }
0x21: {  	[sflag:s0] =	ssyncadd.s32 @p3 $0xFFFFFB80  }
.LBB2_1:
0x22: {  	s0 =	rddreg [dreg:$0x4]  }
0x23: {  	[tilespmem:s3], [sflag:$0x6] =	stream.linear.gather [hbm4b:s0+s3], $0x2500, $0x38;
	[tilespmem:$0x1FE40] =	vst v63  }
0x24: {  	_ =	swait.ge [sflag:s14], $0x2500  }
0x25: {  	[sflag:s14] =	ssyncset.done $0x0  }
.Ltmp2:
0x26: {  	s31 =	rddreg [dreg:$0x5];
	[sflag:s14] =	ssyncadd.s32 $0xFFFFDB00;
	(pc) =	sbr.rel .LBB2_2-.Ltmp2, $4  }
0x27: {  	[tilespmem:s16], [sflag:$0x6] =	stream.linear.gather [hbm4b:s31+s3], $0x2500, $0x38;
	[tilespmem:$0x1FE40] =	vst v63  }
0x28: {  	_ =	swait.ge [sflag:s14], $0x2500  }
0x29: {  	[sflag:s14] =	ssyncset.done $0x0  }
0x2a: {  	s29 =	simm.s32 $0x0;
	[sflag:s14] =	ssyncadd.s32 $0xFFFFDB00  }
.LBB2_11:
0x2b: {  	s29 =	sadd.s32 $0x1, s29  }
0x2c: {  	[bflag:$0x0] =	sbarrier.arrive $0xFFFF;
	p3 =	sne.s32 s29, $0xB  }
.Ltmp3:
0x2d: {  	s0 =	sadd.s32 s7, s28;
	s28 =	sor.u32 $0x1C06, s15;
	(pc) =	sbr.rel @!p3 .LBB2_12-.Ltmp3, $4  }
0x2e: {  	[hbm:s0], [sflag:s28] =	dma.local [spmem:s18], $0x2180  }
0x2f: {  	_ =	swait.ge [sflag:s14], $0x2180  }
0x30: {  	[sflag:s14] =	ssyncset.done $0x0  }
0x31: {  	[sflag:s14] =	ssyncadd.s32 $0xFFFFDE80  }
.LBB2_2:
0x32: {  	s1 =	smul.u32 $0x4300, s29  }
0x33: {  	s0 =	simm.s32 $0x0  }
0x34: {  	v13 =	vor.u32 s0, v2;
	s1 =	sadd.s32 s4, s1  }
0x35: {  	s28 =	sadd.s32 s6, s1  }
0x36: {  	s28 =	sshll.u32 s28, $0x4  }
0x37: {  	s30 =	sadd.s32 s5, s28  }
0x38: {  	[spmem:s18], [sflag:s17] =	dma.local [hbm:s30], $0x2180  }
0x39: {  	v15 =	vld.idx.msk [tilespmem:v13+s3+$0x0], $0xffff;
	_ =	sdelay $0x2  }
0x3a: {  	s13 =	sadd.s32 $0x2180, s1  }
0x3b: {  	v12 =	vmov s1;
	v14 =	vmov s13  }
0x3c: {  	vm0 =	vge.s32 v15, v12;
	vm1 =	vlt.s32 v15, v14  }
0x3d: {  	vm0 =	vmand vm0, vm1  }
0x3e: {  	v15 =	vsel vm0, $0x1, v3  }
0x3f: {  	(xrf0) =	vadd.scan.msk.s32 $0xffff, v15;
	_ =	sdelay $0x2  }
0x40: {  	v15 =	vmov s0  }
0x41: {  	v15 =	vadd.s32 $0xFFFFFFFF, v15  }
0x42: {  	v15 =	vbroadcast v15, $0x0  }
0x43: {  	v17, _, _ =	vpop (xrf0)  }
0x44: {  	s31 =	simm.s32 $0x10;
	v16 =	vadd.s32 v17, v15;
	(v2sf) =	vpush v17, $0xF  }
0x45: {  	s1 =	simm.s32 $0x20;
	v15 =	vor.u32 s31, v2  }
.LBB2_3:
0x46: {  	p3 =	sne.s32 s1, $0x24F0;
	_ =	sdelay $0x2  }
0x47: {  	[tilespmem:v16+s19+$0x0] =	vst.idx.msk vm0, v13;
	v13 =	vmov v15  }
0x48: {  	v15 =	vld.idx.msk [tilespmem:v15+s3+$0x0], $0xffff;
	_ =	sdelay $0x5  }
0x49: {  	vm0 =	vge.s32 v15, v12;
	vm1 =	vlt.s32 v15, v14  }
0x4a: {  	vm0 =	vmand vm0, vm1  }
0x4b: {  	v15 =	vsel vm0, $0x1, v3  }
0x4c: {  	(xrf0) =	vadd.scan.msk.s32 $0xffff, v15;
	s30 =	spop (v2sf)  }
0x4d: {  	s0 =	sadd.s32 s0, s30  }
0x4e: {  	v15 =	vmov s0  }
0x4f: {  	v15 =	vadd.s32 $0xFFFFFFFF, v15  }
.Ltmp4:
0x50: {  	v15 =	vbroadcast v15, $0x0;
	(pc) =	sbr.rel @p3 .LBB2_3-.Ltmp4, $4  }
0x51: {  	_ = 	snop  }
0x52: {  	v17, _, _ =	vpop (xrf0)  }
0x53: {  	v16 =	vadd.s32 v17, v15;
	(v2sf) =	vpush v17, $0xF  }
0x54: {  	v15 =	vor.u32 s1, v2;
	s1 =	sadd.s32 $0x10, s1  }
0x55: {  	_ =	sdelay $0x4  }
0x56: {  	[tilespmem:v16+s19+$0x0] =	vst.idx.msk vm0, v13  }
0x57: {  	v13 =	vld.idx.msk [tilespmem:v15+s3+$0x0], $0xffff;
	_ =	sdelay $0x4  }
0x58: {  	vm15 =	vge.s32 v13, v12;
	vm1 =	vlt.s32 v13, v14  }
0x59: {  	vm0 =	vmand vm15, vm1  }
0x5a: {  	v13 =	vsel vm0, $0x1, v3  }
0x5b: {  	(xrf0) =	vadd.scan.msk.s32 $0xffff, v13;
	_ =	sdelay $0x5  }
0x5c: {  	v13, _, _ =	vpop (xrf0)  }
0x5d: {  	(v2sf) =	vpush v13, $0xF;
	_ =	sdelay $0xb  }
0x5e: {  	s1 =	spop (v2sf)  }
0x5f: {  	s0 =	sadd.s32 s0, s1  }
0x60: {  	v14 =	vmov s0  }
0x61: {  	v14 =	vadd.s32 $0xFFFFFFFF, v14;
	s8 =	spop (v2sf)  }
0x62: {  	v14 =	vbroadcast v14, $0x0;
	s0 =	sadd.s32 s0, s8  }
0x63: {  	s9 =	sadd.s32 $0x20, s0;
	s31 =	sadd.s32 $0x7F, s0  }
0x64: {  	v13 =	vadd.s32 v13, v14;
	s1 =	sadd.s32 $0x10, s0;
	v17 =	vadd.s32 s9, v2;
	s9 =	sand.u32 $0x7F, s31  }
0x65: {  	v14 =	vadd.s32 s0, v2;
	s13 =	sshra.s32 s31, $0x1F;
	p4 =	slt.s32 s31, $0x1;
	p3 =	sne.s32 s9, $0x0  }
0x66: {  	s30 =	sadd.s32 $0x30, s0;
	v62 =	vadd.s32 s1, v2;
	s9 =	sshrl.u32 s13, $0x19;
	p3 =	por !p4, !p3  }
0x67: {  	s13 =	sadd.s32 s9, s31;
	s9 =	simm.s32 $0x1;
	p3 =	por !p3, !p3  }
0x68: {  	s1 =	sadd.s32 $0x40, s0;
	v18 =	vadd.s32 s30, v2;
	s13 =	sshra.s32 s13, $0x7;
	s9 =	simm.s32 @!p3 $0x0  }
0x69: {  	[tilespmem:v13+s19+$0x0] =	vst.idx.msk vm0, v15;
	s8 =	sadd.s32 $0x50, s0;
	v13 =	vadd.s32 s1, v2;
	s30 =	ssub.s32 s13, s9  }
0x6a: {  	v15 =	vadd.s32 s8, v2;
	s1 =	sadd.s32 $0x60, s0;
	[tilespmem:v14+s19+$0x0] =	vst.idx.msk $0xffff, v4;
	s8 =	sadd.s32 $0x1, s30  }
0x6b: {  	s0 =	sadd.s32 $0x70, s0;
	v14 =	vadd.s32 s1, v2;
	[tilespmem:v62+s19+$0x0] =	vst.idx.msk $0xffff, v4;
	s9 =	sand.u32 $0x1, s8  }
0x6c: {  	v63 =	vadd.s32 s0, v2;
	[tilespmem:v17+s19+$0x0] =	vst.idx.msk $0xffff, v4;
	p5 =	slt.s32 s30, $0x0;
	p6 =	seq.s32 s9, $0x1  }
0x6d: {  	[tilespmem:v18+s19+$0x0] =	vst.idx.msk $0xffff, v4;
	s13 =	sshrl.u32 s8, $0x1F;
	p3 =	por !p5, !p6  }
0x6e: {  	s1 =	simm.s32 $0x1;
	[tilespmem:v13+s19+$0x0] =	vst.idx.msk $0xffff, v4;
	s0 =	sadd.s32 s13, s8;
	p3 =	por !p3, !p3  }
0x6f: {  	[tilespmem:v15+s19+$0x0] =	vst.idx.msk $0xffff, v4;
	s0 =	sshra.s32 s0, $0x1;
	s1 =	simm.s32 @!p3 $0x0  }
0x70: {  	[tilespmem:v14+s19+$0x0] =	vst.idx.msk $0xffff, v4;
	s31 =	ssub.s32 s0, s1  }
0x71: {  	[tilespmem:v63+s19+$0x0] =	vst.idx.msk $0xffff, v4;
	p3 =	slt.s32 s31, $0x1  }
.Ltmp5:
0x72: {  	_ =	swait.ge [sflag:s20], $0x2180;
	(pc) =	sbr.rel @p3 .LBB2_11-.Ltmp5, $3  }
0x73: {  	[sflag:s20] =	ssyncset.done $0x0  }
0x74: {  	[sflag:s20] =	ssyncadd.s32 $0xFFFFDE80  }
0x75: {  	[bflag:$0x0] =	sbarrier.arrive $0xFFFF;
	_ =	sdelay $0x1  }
.Ltmp6:
0x76: {  	(pc) =	sbr.rel .LBB2_6-.Ltmp6, $2  }
0x77: {  	_ =	sdelay $0x2  }
0x78: {  	s0 =	simm.s32 $0x0;
	s1 =	simm.s32 $0x1  }
.LBB2_10:
0x79: {  	s8 =	simm.s32 @!p3 $0x1  }
0x7a: {  	_ =	swait.ge @!p3 [sflag:s8], $0x4000  }
0x7b: {  	s9 =	simm.s32 @!p3 $0x7100;
	[sflag:s8] =	ssyncset.done @!p3 $0x0  }
0x7c: {  	s13 =	simm.s32 @!p3 $0x7200;
	[sflag:s8] =	ssyncadd.s32 @!p3 $0xFFFFC000;
	s8 =	simm.s32 @!p3 $0x80  }
0x7d: {  	[spmem:s2] =	stream.indirect.scatter.add.f32 @!p3 [tilespmem:s13], [sflag:$0x3], $0x80, s9, s8, $0xb8;
	[tilespmem:$0x1FE40] =	vst v63  }
0x7e: {  	s8 =	simm.s32 @!p4 $0x2  }
0x7f: {  	_ =	swait.ge @!p4 [sflag:s8], $0x4000  }
0x80: {  	s9 =	simm.s32 @!p4 $0x7180;
	[sflag:s8] =	ssyncset.done @!p4 $0x0  }
0x81: {  	s13 =	simm.s32 @!p4 $0xB200;
	[sflag:s8] =	ssyncadd.s32 @!p4 $0xFFFFC000;
	s8 =	simm.s32 @!p4 $0x80  }
0x82: {  	[spmem:s2] =	stream.indirect.scatter.add.f32 @!p4 [tilespmem:s13], [sflag:$0x4], $0x80, s9, s8, $0xb8;
	[tilespmem:$0x1FE40] =	vst v63  }
0x83: {  	s8 =	simm.s32 @!p3 $0x3  }
0x84: {  	_ =	swait.ge @!p3 [sflag:s8], $0x4000  }
0x85: {  	s31 =	sadd.s32 $0xFFFFFFFF, s31;
	[sflag:s8] =	ssyncset.done @!p3 $0x0  }
0x86: {  	[sflag:s8] =	ssyncadd.s32 @!p3 $0xFFFFC000;
	p3 =	sne.s32 s31, $0x0  }
.Ltmp7:
0x87: {  	_ = 	snop;
	(pc) =	sbr.rel @!p3 .LBB2_11-.Ltmp7, $4  }
0x88: {  	s8 =	simm.s32 @!p4 $0x4  }
0x89: {  	_ =	swait.ge @!p4 [sflag:s8], $0x4000  }
0x8a: {  	[sflag:s8] =	ssyncset.done @!p4 $0x0  }
0x8b: {  	s0 =	sadd.s32 $0x100, s0;
	s1 =	sadd.s32 $0x2, s1;
	[sflag:s8] =	ssyncadd.s32 @!p4 $0xFFFFC000  }
.LBB2_6:
0x8c: {  	s8 =	sadd.s32 $0xFFFFFFFF, s1  }
0x8d: {  	p3 =	sge.s32 s8, s30  }
.Ltmp8:
0x8e: {  	_ = 	snop;
	(pc) =	sbr.rel @p3 .LBB2_8-.Ltmp8, $1  }
0x8f: {  	_ =	sdelay $0x3  }
0x90: {  	v13 =	vmov s0  }
0x91: {  	v13 =	vshrl.u32 v13, $0x7  }
0x92: {  	v13 =	vshll.u32 v13, $0x7  }
0x93: {  	v13 =	vbroadcast v13, $0x0;
	_ =	sdelay $0x1  }
0x94: {  	v14 =	vor.u32 v2, v13;
	_ =	sdelay $0x4  }
0x95: {  	v14 =	vld.idx.msk [tilespmem:v14+s19+$0x0], $0xffff;
	_ =	sdelay $0x4  }
0x96: {  	vm0 =	vgt.s32 v14, $0x24FF  }
0x97: {  	v14 =	vsel vm0, $0x24FF, v14;
	_ =	sdelay $0x4  }
0x98: {  	v15 =	vld.idx.msk [tilespmem:v14+s3+$0x0], $0xffff  }
0x99: {  	v14 =	vld.idx.msk [tilespmem:v14+s16+$0x0], $0xffff;
	_ =	sdelay $0x1  }
0x9a: {  	v16 =	vor.u32 v5, v13;
	_ =	sdelay $0x1  }
0x9b: {  	v15 =	vsub.s32 v15, v12  }
0x9c: {  	[tilespmem:$0x7000] =	vst v14;
	v15 =	vsel vm0, $0x2180, v15  }
0x9d: {  	[tilespmem:$0x7100] =	vst v15  }
0x9e: {  	v14 =	vld.idx.msk [tilespmem:v16+s19+$0x0], $0xffff;
	_ =	sdelay $0x4  }
0x9f: {  	vm9 =	vgt.s32 v14, $0x24FF  }
0xa0: {  	v14 =	vsel vm9, $0x24FF, v14;
	_ =	sdelay $0x4  }
0xa1: {  	v15 =	vld.idx.msk [tilespmem:v14+s3+$0x0], $0xffff  }
0xa2: {  	v14 =	vld.idx.msk [tilespmem:v14+s16+$0x0], $0xffff;
	_ =	sdelay $0x1  }
0xa3: {  	v59 =	vor.u32 v6, v13;
	_ =	sdelay $0x1  }
0xa4: {  	v15 =	vsub.s32 v15, v12  }
0xa5: {  	[tilespmem:$0x7010] =	vst v14;
	v15 =	vsel vm9, $0x2180, v15  }
0xa6: {  	[tilespmem:$0x7110] =	vst v15  }
0xa7: {  	v14 =	vld.idx.msk [tilespmem:v59+s19+$0x0], $0xffff;
	_ =	sdelay $0x4  }
0xa8: {  	vm10 =	vgt.s32 v14, $0x24FF  }
0xa9: {  	v14 =	vsel vm10, $0x24FF, v14;
	_ =	sdelay $0x4  }
0xaa: {  	v15 =	vld.idx.msk [tilespmem:v14+s3+$0x0], $0xffff  }
0xab: {  	v14 =	vld.idx.msk [tilespmem:v14+s16+$0x0], $0xffff;
	_ =	sdelay $0x1  }
0xac: {  	v60 =	vor.u32 v7, v13;
	_ =	sdelay $0x1  }
0xad: {  	v15 =	vsub.s32 v15, v12  }
0xae: {  	[tilespmem:$0x7020] =	vst v14;
	v15 =	vsel vm10, $0x2180, v15  }
0xaf: {  	[tilespmem:$0x7120] =	vst v15  }
0xb0: {  	v14 =	vld.idx.msk [tilespmem:v60+s19+$0x0], $0xffff;
	_ =	sdelay $0x4  }
0xb1: {  	vm11 =	vgt.s32 v14, $0x24FF  }
0xb2: {  	v14 =	vsel vm11, $0x24FF, v14;
	_ =	sdelay $0x4  }
0xb3: {  	v15 =	vld.idx.msk [tilespmem:v14+s3+$0x0], $0xffff  }
0xb4: {  	v14 =	vld.idx.msk [tilespmem:v14+s16+$0x0], $0xffff;
	_ =	sdelay $0x1  }
0xb5: {  	v61 =	vor.u32 v8, v13;
	_ =	sdelay $0x1  }
0xb6: {  	v15 =	vsub.s32 v15, v12  }
0xb7: {  	[tilespmem:$0x7030] =	vst v14;
	v15 =	vsel vm11, $0x2180, v15  }
0xb8: {  	[tilespmem:$0x7130] =	vst v15  }
0xb9: {  	v14 =	vld.idx.msk [tilespmem:v61+s19+$0x0], $0xffff;
	_ =	sdelay $0x4  }
0xba: {  	vm12 =	vgt.s32 v14, $0x24FF  }
0xbb: {  	v14 =	vsel vm12, $0x24FF, v14;
	_ =	sdelay $0x4  }
0xbc: {  	v15 =	vld.idx.msk [tilespmem:v14+s3+$0x0], $0xffff  }
0xbd: {  	v14 =	vld.idx.msk [tilespmem:v14+s16+$0x0], $0xffff;
	_ =	sdelay $0x1  }
0xbe: {  	v62 =	vor.u32 v9, v13;
	_ =	sdelay $0x1  }
0xbf: {  	v15 =	vsub.s32 v15, v12  }
0xc0: {  	[tilespmem:$0x7040] =	vst v14;
	v15 =	vsel vm12, $0x2180, v15  }
0xc1: {  	[tilespmem:$0x7140] =	vst v15  }
0xc2: {  	v14 =	vld.idx.msk [tilespmem:v62+s19+$0x0], $0xffff;
	_ =	sdelay $0x4  }
0xc3: {  	vm13 =	vgt.s32 v14, $0x24FF  }
0xc4: {  	v14 =	vsel vm13, $0x24FF, v14;
	_ =	sdelay $0x4  }
0xc5: {  	v15 =	vld.idx.msk [tilespmem:v14+s3+$0x0], $0xffff  }
0xc6: {  	v14 =	vld.idx.msk [tilespmem:v14+s16+$0x0], $0xffff;
	_ =	sdelay $0x1  }
0xc7: {  	v63 =	vor.u32 v10, v13;
	_ =	sdelay $0x1  }
0xc8: {  	v15 =	vsub.s32 v15, v12  }
0xc9: {  	[tilespmem:$0x7050] =	vst v14;
	v14 =	vsel vm13, $0x2180, v15  }
0xca: {  	[tilespmem:$0x7150] =	vst v14  }
0xcb: {  	v14 =	vld.idx.msk [tilespmem:v63+s19+$0x0], $0xffff;
	_ =	sdelay $0x4  }
0xcc: {  	vm14 =	vgt.s32 v14, $0x24FF  }
0xcd: {  	v14 =	vsel vm14, $0x24FF, v14;
	_ =	sdelay $0x4  }
0xce: {  	v15 =	vld.idx.msk [tilespmem:v14+s3+$0x0], $0xffff  }
0xcf: {  	v14 =	vld.idx.msk [tilespmem:v14+s16+$0x0], $0xffff;
	_ =	sdelay $0x1  }
0xd0: {  	v13 =	vor.u32 v11, v13;
	_ =	sdelay $0x1  }
0xd1: {  	v15 =	vsub.s32 v15, v12  }
0xd2: {  	[tilespmem:$0x7060] =	vst v14;
	v15 =	vsel vm14, $0x2180, v15  }
0xd3: {  	[tilespmem:$0x7160] =	vst v15  }
0xd4: {  	v13 =	vld.idx.msk [tilespmem:v13+s19+$0x0], $0xffff;
	_ =	sdelay $0x4  }
0xd5: {  	vm15 =	vgt.s32 v13, $0x24FF  }
0xd6: {  	v13 =	vsel vm15, $0x24FF, v13;
	_ =	sdelay $0x4  }
0xd7: {  	v14 =	vld.idx.msk [tilespmem:v13+s3+$0x0], $0xffff  }
0xd8: {  	v13 =	vld.idx.msk [tilespmem:v13+s16+$0x0], $0xffff;
	_ =	sdelay $0x3  }
0xd9: {  	v14 =	vsub.s32 v14, v12  }
0xda: {  	[tilespmem:$0x7070] =	vst v13;
	v14 =	vsel vm15, $0x2180, v14  }
0xdb: {  	[tilespmem:$0x7170] =	vst v14  }
0xdc: {  	[tilespmem:s23], [sflag:$0x1] =	stream.indirect.gather [hbm4b:s5+s21], $0x80, s22, s21, $0xb8;
	[tilespmem:$0x1FE40] =	vst v63  }
.LBB2_8:
0xdd: {  	p4 =	sge.s32 s1, s30  }
.Ltmp9:
0xde: {  	_ = 	snop;
	(pc) =	sbr.rel @p4 .LBB2_10-.Ltmp9, $1  }
0xdf: {  	_ =	sdelay $0x3  }
0xe0: {  	s8 =	sadd.s32 $0x80, s0  }
0xe1: {  	v13 =	vmov s8  }
0xe2: {  	v13 =	vshrl.u32 v13, $0x7  }
0xe3: {  	v13 =	vshll.u32 v13, $0x7  }
0xe4: {  	v13 =	vbroadcast v13, $0x0;
	_ =	sdelay $0x1  }
0xe5: {  	v14 =	vor.u32 v2, v13;
	_ =	sdelay $0x4  }
0xe6: {  	v14 =	vld.idx.msk [tilespmem:v14+s19+$0x0], $0xffff;
	_ =	sdelay $0x4  }
0xe7: {  	vm0 =	vgt.s32 v14, $0x24FF  }
0xe8: {  	v14 =	vsel vm0, $0x24FF, v14;
	_ =	sdelay $0x4  }
0xe9: {  	v15 =	vld.idx.msk [tilespmem:v14+s3+$0x0], $0xffff  }
0xea: {  	v14 =	vld.idx.msk [tilespmem:v14+s16+$0x0], $0xffff;
	_ =	sdelay $0x1  }
0xeb: {  	v16 =	vor.u32 v5, v13;
	_ =	sdelay $0x1  }
0xec: {  	v15 =	vsub.s32 v15, v12  }
0xed: {  	[tilespmem:$0x7080] =	vst v14;
	v15 =	vsel vm0, $0x2180, v15  }
0xee: {  	[tilespmem:$0x7180] =	vst v15  }
0xef: {  	v14 =	vld.idx.msk [tilespmem:v16+s19+$0x0], $0xffff;
	_ =	sdelay $0x4  }
0xf0: {  	vm9 =	vgt.s32 v14, $0x24FF  }
0xf1: {  	v14 =	vsel vm9, $0x24FF, v14;
	_ =	sdelay $0x4  }
0xf2: {  	v15 =	vld.idx.msk [tilespmem:v14+s3+$0x0], $0xffff  }
0xf3: {  	v14 =	vld.idx.msk [tilespmem:v14+s16+$0x0], $0xffff;
	_ =	sdelay $0x1  }
0xf4: {  	v59 =	vor.u32 v6, v13;
	_ =	sdelay $0x1  }
0xf5: {  	v15 =	vsub.s32 v15, v12  }
0xf6: {  	[tilespmem:$0x7090] =	vst v14;
	v15 =	vsel vm9, $0x2180, v15  }
0xf7: {  	[tilespmem:$0x7190] =	vst v15  }
0xf8: {  	v14 =	vld.idx.msk [tilespmem:v59+s19+$0x0], $0xffff;
	_ =	sdelay $0x4  }
0xf9: {  	vm10 =	vgt.s32 v14, $0x24FF  }
0xfa: {  	v14 =	vsel vm10, $0x24FF, v14;
	_ =	sdelay $0x4  }
0xfb: {  	v15 =	vld.idx.msk [tilespmem:v14+s3+$0x0], $0xffff  }
0xfc: {  	v14 =	vld.idx.msk [tilespmem:v14+s16+$0x0], $0xffff;
	_ =	sdelay $0x1  }
0xfd: {  	v60 =	vor.u32 v7, v13;
	_ =	sdelay $0x1  }
0xfe: {  	v15 =	vsub.s32 v15, v12  }
0xff: {  	[tilespmem:$0x70A0] =	vst v14;
	v15 =	vsel vm10, $0x2180, v15  }
0x100: {  	[tilespmem:$0x71A0] =	vst v15  }
0x101: {  	v14 =	vld.idx.msk [tilespmem:v60+s19+$0x0], $0xffff;
	_ =	sdelay $0x4  }
0x102: {  	vm11 =	vgt.s32 v14, $0x24FF  }
0x103: {  	v14 =	vsel vm11, $0x24FF, v14;
	_ =	sdelay $0x4  }
0x104: {  	v15 =	vld.idx.msk [tilespmem:v14+s3+$0x0], $0xffff  }
0x105: {  	v14 =	vld.idx.msk [tilespmem:v14+s16+$0x0], $0xffff;
	_ =	sdelay $0x1  }
0x106: {  	v61 =	vor.u32 v8, v13;
	_ =	sdelay $0x1  }
0x107: {  	v15 =	vsub.s32 v15, v12  }
0x108: {  	[tilespmem:$0x70B0] =	vst v14;
	v15 =	vsel vm11, $0x2180, v15  }
0x109: {  	[tilespmem:$0x71B0] =	vst v15  }
0x10a: {  	v14 =	vld.idx.msk [tilespmem:v61+s19+$0x0], $0xffff;
	_ =	sdelay $0x4  }
0x10b: {  	vm12 =	vgt.s32 v14, $0x24FF  }
0x10c: {  	v14 =	vsel vm12, $0x24FF, v14;
	_ =	sdelay $0x4  }
0x10d: {  	v15 =	vld.idx.msk [tilespmem:v14+s3+$0x0], $0xffff  }
0x10e: {  	v14 =	vld.idx.msk [tilespmem:v14+s16+$0x0], $0xffff;
	_ =	sdelay $0x1  }
0x10f: {  	v62 =	vor.u32 v9, v13;
	_ =	sdelay $0x1  }
0x110: {  	v15 =	vsub.s32 v15, v12  }
0x111: {  	[tilespmem:$0x70C0] =	vst v14;
	v15 =	vsel vm12, $0x2180, v15  }
0x112: {  	[tilespmem:$0x71C0] =	vst v15  }
0x113: {  	v14 =	vld.idx.msk [tilespmem:v62+s19+$0x0], $0xffff;
	_ =	sdelay $0x4  }
0x114: {  	vm13 =	vgt.s32 v14, $0x24FF  }
0x115: {  	v14 =	vsel vm13, $0x24FF, v14;
	_ =	sdelay $0x4  }
0x116: {  	v15 =	vld.idx.msk [tilespmem:v14+s3+$0x0], $0xffff  }
0x117: {  	v14 =	vld.idx.msk [tilespmem:v14+s16+$0x0], $0xffff;
	_ =	sdelay $0x1  }
0x118: {  	v63 =	vor.u32 v10, v13;
	_ =	sdelay $0x1  }
0x119: {  	v15 =	vsub.s32 v15, v12  }
0x11a: {  	[tilespmem:$0x70D0] =	vst v14;
	v14 =	vsel vm13, $0x2180, v15  }
0x11b: {  	[tilespmem:$0x71D0] =	vst v14  }
0x11c: {  	v14 =	vld.idx.msk [tilespmem:v63+s19+$0x0], $0xffff;
	_ =	sdelay $0x4  }
0x11d: {  	vm14 =	vgt.s32 v14, $0x24FF  }
0x11e: {  	v14 =	vsel vm14, $0x24FF, v14;
	_ =	sdelay $0x4  }
0x11f: {  	v15 =	vld.idx.msk [tilespmem:v14+s3+$0x0], $0xffff  }
0x120: {  	v14 =	vld.idx.msk [tilespmem:v14+s16+$0x0], $0xffff;
	_ =	sdelay $0x1  }
0x121: {  	v13 =	vor.u32 v11, v13;
	_ =	sdelay $0x1  }
0x122: {  	v15 =	vsub.s32 v15, v12  }
0x123: {  	[tilespmem:$0x70E0] =	vst v14;
	v15 =	vsel vm14, $0x2180, v15  }
0x124: {  	[tilespmem:$0x71E0] =	vst v15  }
0x125: {  	v13 =	vld.idx.msk [tilespmem:v13+s19+$0x0], $0xffff;
	_ =	sdelay $0x4  }
0x126: {  	vm15 =	vgt.s32 v13, $0x24FF  }
0x127: {  	v13 =	vsel vm15, $0x24FF, v13;
	_ =	sdelay $0x4  }
0x128: {  	v14 =	vld.idx.msk [tilespmem:v13+s3+$0x0], $0xffff  }
0x129: {  	v13 =	vld.idx.msk [tilespmem:v13+s16+$0x0], $0xffff;
	_ =	sdelay $0x2  }
.Ltmp10:
0x12a: {  	_ = 	snop;
	(pc) =	sbr.rel .LBB2_10-.Ltmp10, $4  }
0x12b: {  	v14 =	vsub.s32 v14, v12  }
0x12c: {  	[tilespmem:$0x70F0] =	vst v13;
	v14 =	vsel vm15, $0x2180, v14  }
0x12d: {  	[tilespmem:$0x71F0] =	vst v14  }
0x12e: {  	[tilespmem:s25], [sflag:$0x2] =	stream.indirect.gather [hbm4b:s5+s21], $0x80, s24, s21, $0xb8;
	[tilespmem:$0x1FE40] =	vst v63  }
.LBB2_12:
0x12f: {  	s0 =	sshrl.u32 @!p1 s10, $0x3  }
0x130: {  	[spmem:s0], [sflag:s28] =	dma.local @!p1 [hbm:s11], $0x480  }
0x131: {  	s0 =	simm.s32 @!p1 $0x6  }
0x132: {  	_ =	swait.ge @!p1 [sflag:s0], $0x480  }
0x133: {  	[sflag:s0] =	ssyncset.done @!p1 $0x0  }
0x134: {  	[sflag:s0] =	ssyncadd.s32 @!p1 $0xFFFFFB80;
	s0 =	simm.s32 $0x0  }
0x135: {  	s29 =	sshrl.u32 @!p0 s10, $0x3;
	s1 =	simm.s32 @!p0 $0x6;
	v12 =	vor.u32 s0, v2  }
0x136: {  	[spmem:s29], [sflag:s28] =	dma.local @!p0 [hbm:s11], $0x2180  }
0x137: {  	_ =	swait.ge @!p0 [sflag:s1], $0x2180  }
0x138: {  	[sflag:s1] =	ssyncset.done @!p0 $0x0  }
0x139: {  	[sflag:s1] =	ssyncadd.s32 @!p0 $0xFFFFDE80  }
0x13a: {  	v13 =	vld.idx.msk [tilespmem:v12+s3+$0x0], $0xffff;
	_ =	sdelay $0x4  }
0x13b: {  	vm0 =	vge.s32 v13, v0;
	vm1 =	vlt.s32 v13, v1  }
0x13c: {  	vm0 =	vmand vm0, vm1  }
0x13d: {  	v13 =	vsel vm0, $0x1, v3  }
0x13e: {  	(xrf0) =	vadd.scan.msk.s32 $0xffff, v13;
	_ =	sdelay $0x2  }
0x13f: {  	v13 =	vmov s0  }
0x140: {  	v13 =	vadd.s32 $0xFFFFFFFF, v13  }
0x141: {  	v13 =	vbroadcast v13, $0x0  }
0x142: {  	p4 =	por @p0 $0x0, $0x0;
	p3 =	por @!p1 $0x1, $0x1;
	v15, _, _ =	vpop (xrf0)  }
0x143: {  	s31 =	simm.s32 $0x10;
	p3 =	por @!p2 p4, p4;
	p4 =	por @!p0 $0x0, $0x0;
	v14 =	vadd.s32 v15, v13;
	(v2sf) =	vpush v15, $0xF  }
0x144: {  	p3 =	por @!p0 p4, p4;
	s1 =	simm.s32 $0x20;
	v13 =	vor.u32 s31, v2  }
.LBB2_13:
0x145: {  	p4 =	sne.s32 s1, $0x24F0;
	_ =	sdelay $0x2  }
0x146: {  	[tilespmem:v14+s19+$0x0] =	vst.idx.msk vm0, v12;
	v12 =	vmov v13  }
0x147: {  	v13 =	vld.idx.msk [tilespmem:v13+s3+$0x0], $0xffff;
	_ =	sdelay $0x5  }
0x148: {  	vm0 =	vge.s32 v13, v0;
	vm1 =	vlt.s32 v13, v1  }
0x149: {  	vm0 =	vmand vm0, vm1  }
0x14a: {  	v13 =	vsel vm0, $0x1, v3  }
0x14b: {  	(xrf0) =	vadd.scan.msk.s32 $0xffff, v13;
	s8 =	spop (v2sf)  }
0x14c: {  	s0 =	sadd.s32 s0, s8  }
0x14d: {  	v13 =	vmov s0  }
0x14e: {  	v13 =	vadd.s32 $0xFFFFFFFF, v13  }
.Ltmp11:
0x14f: {  	v13 =	vbroadcast v13, $0x0;
	(pc) =	sbr.rel @p4 .LBB2_13-.Ltmp11, $4  }
0x150: {  	_ = 	snop  }
0x151: {  	v15, _, _ =	vpop (xrf0)  }
0x152: {  	v14 =	vadd.s32 v15, v13;
	(v2sf) =	vpush v15, $0xF  }
0x153: {  	v13 =	vor.u32 s1, v2;
	s1 =	sadd.s32 $0x10, s1  }
0x154: {  	_ =	sdelay $0x4  }
0x155: {  	[tilespmem:v14+s19+$0x0] =	vst.idx.msk vm0, v12  }
0x156: {  	v12 =	vld.idx.msk [tilespmem:v13+s3+$0x0], $0xffff;
	_ =	sdelay $0x4  }
0x157: {  	vm15 =	vge.s32 v12, v0;
	vm1 =	vlt.s32 v12, v1  }
0x158: {  	vm0 =	vmand vm15, vm1  }
0x159: {  	v57 =	vsel vm0, $0x1, v3  }
0x15a: {  	(xrf0) =	vadd.scan.msk.s32 $0xffff, v57;
	_ =	sdelay $0x5  }
0x15b: {  	v12, _, _ =	vpop (xrf0)  }
0x15c: {  	(v2sf) =	vpush v12, $0xF;
	_ =	sdelay $0xd  }
0x15d: {  	s1 =	spop (v2sf)  }
0x15e: {  	s0 =	sadd.s32 s0, s1;
	s9 =	spop (v2sf)  }
0x15f: {  	v58 =	vmov s0;
	s0 =	sadd.s32 s0, s9  }
0x160: {  	s1 =	sadd.s32 $0x7F, s0  }
0x161: {  	v14 =	vadd.s32 $0xFFFFFFFF, v58;
	s13 =	sand.u32 $0x7F, s1  }
0x162: {  	v14 =	vbroadcast v14, $0x0;
	p5 =	slt.s32 s1, $0x1;
	p4 =	sne.s32 s13, $0x0;
	s13 =	sshra.s32 s1, $0x1F  }
0x163: {  	s9 =	sadd.s32 $0x20, s0;
	s13 =	sshrl.u32 s13, $0x19;
	p4 =	por !p5, !p4  }
0x164: {  	v12 =	vadd.s32 v12, v14;
	v16 =	vadd.s32 s9, v2;
	s9 =	simm.s32 $0x1;
	s1 =	sadd.s32 s13, s1;
	p4 =	por !p4, !p4  }
0x165: {  	s8 =	sadd.s32 $0x10, s0;
	v59 =	vadd.s32 s0, v2;
	s1 =	sshra.s32 s1, $0x7;
	s9 =	simm.s32 @!p4 $0x0  }
0x166: {  	v15 =	vadd.s32 s8, v2;
	s8 =	sadd.s32 $0x30, s0;
	s30 =	ssub.s32 s1, s9  }
0x167: {  	v17 =	vadd.s32 s8, v2;
	s13 =	sadd.s32 $0x40, s0;
	s8 =	sadd.s32 $0x1, s30  }
0x168: {  	v60 =	vadd.s32 s13, v2;
	s13 =	sadd.s32 $0x50, s0;
	s9 =	sand.u32 $0x1, s8  }
0x169: {  	[tilespmem:v12+s19+$0x0] =	vst.idx.msk vm0, v13;
	v61 =	vadd.s32 s13, v2;
	s13 =	sadd.s32 $0x60, s0;
	p5 =	slt.s32 s30, $0x0;
	p6 =	seq.s32 s9, $0x1  }
0x16a: {  	[tilespmem:v59+s19+$0x0] =	vst.idx.msk $0xffff, v4;
	s0 =	sadd.s32 $0x70, s0;
	v62 =	vadd.s32 s13, v2;
	s13 =	sshrl.u32 s8, $0x1F;
	p4 =	por !p5, !p6  }
0x16b: {  	[tilespmem:v15+s19+$0x0] =	vst.idx.msk $0xffff, v4;
	s1 =	simm.s32 $0x1;
	v63 =	vadd.s32 s0, v2;
	s0 =	sadd.s32 s13, s8;
	p4 =	por !p4, !p4  }
0x16c: {  	[tilespmem:v16+s19+$0x0] =	vst.idx.msk $0xffff, v4;
	s0 =	sshra.s32 s0, $0x1;
	s1 =	simm.s32 @!p4 $0x0  }
0x16d: {  	[tilespmem:v17+s19+$0x0] =	vst.idx.msk $0xffff, v4;
	s31 =	ssub.s32 s0, s1  }
0x16e: {  	[tilespmem:v60+s19+$0x0] =	vst.idx.msk $0xffff, v4;
	p4 =	slt.s32 s31, $0x1  }
.Ltmp12:
0x16f: {  	[tilespmem:v61+s19+$0x0] =	vst.idx.msk $0xffff, v4;
	(pc) =	sbr.rel @p4 .LBB2_21-.Ltmp12, $3  }
0x170: {  	[tilespmem:v62+s19+$0x0] =	vst.idx.msk $0xffff, v4  }
0x171: {  	[tilespmem:v63+s19+$0x0] =	vst.idx.msk $0xffff, v4  }
0x172: {  	[bflag:$0x0] =	sbarrier.arrive $0xFFFF;
	_ =	sdelay $0x1  }
.Ltmp13:
0x173: {  	(pc) =	sbr.rel .LBB2_16-.Ltmp13, $2  }
0x174: {  	_ =	sdelay $0x2  }
0x175: {  	s0 =	simm.s32 $0x0;
	s1 =	simm.s32 $0x1  }
.LBB2_20:
0x176: {  	s8 =	simm.s32 @!p4 $0x1  }
0x177: {  	_ =	swait.ge @!p4 [sflag:s8], $0x4000  }
0x178: {  	s9 =	simm.s32 @!p4 $0x7100;
	[sflag:s8] =	ssyncset.done @!p4 $0x0  }
0x179: {  	s13 =	simm.s32 @!p4 $0x7200;
	[sflag:s8] =	ssyncadd.s32 @!p4 $0xFFFFC000;
	s8 =	simm.s32 @!p4 $0x80  }
0x17a: {  	[spmem:s2] =	stream.indirect.scatter.add.f32 @!p4 [tilespmem:s13], [sflag:$0x3], $0x80, s9, s8, $0xb8;
	[tilespmem:$0x1FE40] =	vst v63  }
0x17b: {  	s8 =	simm.s32 @!p5 $0x2  }
0x17c: {  	_ =	swait.ge @!p5 [sflag:s8], $0x4000  }
0x17d: {  	s9 =	simm.s32 @!p5 $0x7180;
	[sflag:s8] =	ssyncset.done @!p5 $0x0  }
0x17e: {  	s13 =	simm.s32 @!p5 $0xB200;
	[sflag:s8] =	ssyncadd.s32 @!p5 $0xFFFFC000;
	s8 =	simm.s32 @!p5 $0x80  }
0x17f: {  	[spmem:s2] =	stream.indirect.scatter.add.f32 @!p5 [tilespmem:s13], [sflag:$0x4], $0x80, s9, s8, $0xb8;
	[tilespmem:$0x1FE40] =	vst v63  }
0x180: {  	s8 =	simm.s32 @!p4 $0x3  }
0x181: {  	_ =	swait.ge @!p4 [sflag:s8], $0x4000  }
0x182: {  	s31 =	sadd.s32 $0xFFFFFFFF, s31;
	[sflag:s8] =	ssyncset.done @!p4 $0x0  }
0x183: {  	[sflag:s8] =	ssyncadd.s32 @!p4 $0xFFFFC000;
	p4 =	sne.s32 s31, $0x0  }
.Ltmp14:
0x184: {  	_ = 	snop;
	(pc) =	sbr.rel @!p4 .LBB2_21-.Ltmp14, $4  }
0x185: {  	s8 =	simm.s32 @!p5 $0x4  }
0x186: {  	_ =	swait.ge @!p5 [sflag:s8], $0x4000  }
0x187: {  	[sflag:s8] =	ssyncset.done @!p5 $0x0  }
0x188: {  	s0 =	sadd.s32 $0x100, s0;
	s1 =	sadd.s32 $0x2, s1;
	[sflag:s8] =	ssyncadd.s32 @!p5 $0xFFFFC000  }
.LBB2_16:
0x189: {  	s8 =	sadd.s32 $0xFFFFFFFF, s1  }
0x18a: {  	p4 =	sge.s32 s8, s30  }
.Ltmp15:
0x18b: {  	_ = 	snop;
	(pc) =	sbr.rel @p4 .LBB2_18-.Ltmp15, $1  }
0x18c: {  	_ =	sdelay $0x3  }
0x18d: {  	v12 =	vmov s0  }
0x18e: {  	v12 =	vshrl.u32 v12, $0x7  }
0x18f: {  	v12 =	vshll.u32 v12, $0x7  }
0x190: {  	v12 =	vbroadcast v12, $0x0;
	_ =	sdelay $0x1  }
0x191: {  	v13 =	vor.u32 v2, v12;
	_ =	sdelay $0x4  }
0x192: {  	v13 =	vld.idx.msk [tilespmem:v13+s19+$0x0], $0xffff;
	_ =	sdelay $0x4  }
0x193: {  	vm0 =	vgt.s32 v13, $0x24FF  }
0x194: {  	v13 =	vsel vm0, $0x24FF, v13;
	_ =	sdelay $0x4  }
0x195: {  	v14 =	vld.idx.msk [tilespmem:v13+s3+$0x0], $0xffff  }
0x196: {  	v13 =	vld.idx.msk [tilespmem:v13+s16+$0x0], $0xffff;
	_ =	sdelay $0x1  }
0x197: {  	v15 =	vor.u32 v5, v12;
	_ =	sdelay $0x1  }
0x198: {  	v14 =	vsub.s32 v14, v0  }
0x199: {  	[tilespmem:$0x7000] =	vst v13;
	v14 =	vsel vm0, $0x2180, v14  }
0x19a: {  	[tilespmem:$0x7100] =	vst v14  }
0x19b: {  	v13 =	vld.idx.msk [tilespmem:v15+s19+$0x0], $0xffff;
	_ =	sdelay $0x4  }
0x19c: {  	vm9 =	vgt.s32 v13, $0x24FF  }
0x19d: {  	v13 =	vsel vm9, $0x24FF, v13;
	_ =	sdelay $0x4  }
0x19e: {  	v14 =	vld.idx.msk [tilespmem:v13+s3+$0x0], $0xffff  }
0x19f: {  	v13 =	vld.idx.msk [tilespmem:v13+s16+$0x0], $0xffff;
	_ =	sdelay $0x1  }
0x1a0: {  	v57 =	vor.u32 v6, v12;
	_ =	sdelay $0x1  }
0x1a1: {  	v14 =	vsub.s32 v14, v0  }
0x1a2: {  	[tilespmem:$0x7010] =	vst v13;
	v14 =	vsel vm9, $0x2180, v14  }
0x1a3: {  	[tilespmem:$0x7110] =	vst v14  }
0x1a4: {  	v13 =	vld.idx.msk [tilespmem:v57+s19+$0x0], $0xffff;
	_ =	sdelay $0x4  }
0x1a5: {  	vm10 =	vgt.s32 v13, $0x24FF  }
0x1a6: {  	v13 =	vsel vm10, $0x24FF, v13;
	_ =	sdelay $0x4  }
0x1a7: {  	v14 =	vld.idx.msk [tilespmem:v13+s3+$0x0], $0xffff  }
0x1a8: {  	v13 =	vld.idx.msk [tilespmem:v13+s16+$0x0], $0xffff;
	_ =	sdelay $0x1  }
0x1a9: {  	v58 =	vor.u32 v7, v12;
	_ =	sdelay $0x1  }
0x1aa: {  	v14 =	vsub.s32 v14, v0  }
0x1ab: {  	[tilespmem:$0x7020] =	vst v13;
	v14 =	vsel vm10, $0x2180, v14  }
0x1ac: {  	[tilespmem:$0x7120] =	vst v14  }
0x1ad: {  	v13 =	vld.idx.msk [tilespmem:v58+s19+$0x0], $0xffff;
	_ =	sdelay $0x4  }
0x1ae: {  	vm11 =	vgt.s32 v13, $0x24FF  }
0x1af: {  	v13 =	vsel vm11, $0x24FF, v13;
	_ =	sdelay $0x4  }
0x1b0: {  	v14 =	vld.idx.msk [tilespmem:v13+s3+$0x0], $0xffff  }
0x1b1: {  	v13 =	vld.idx.msk [tilespmem:v13+s16+$0x0], $0xffff;
	_ =	sdelay $0x1  }
0x1b2: {  	v59 =	vor.u32 v8, v12;
	_ =	sdelay $0x1  }
0x1b3: {  	v14 =	vsub.s32 v14, v0  }
0x1b4: {  	[tilespmem:$0x7030] =	vst v13;
	v14 =	vsel vm11, $0x2180, v14  }
0x1b5: {  	[tilespmem:$0x7130] =	vst v14  }
0x1b6: {  	v13 =	vld.idx.msk [tilespmem:v59+s19+$0x0], $0xffff;
	_ =	sdelay $0x4  }
0x1b7: {  	vm12 =	vgt.s32 v13, $0x24FF  }
0x1b8: {  	v13 =	vsel vm12, $0x24FF, v13;
	_ =	sdelay $0x4  }
0x1b9: {  	v14 =	vld.idx.msk [tilespmem:v13+s3+$0x0], $0xffff  }
0x1ba: {  	v13 =	vld.idx.msk [tilespmem:v13+s16+$0x0], $0xffff;
	_ =	sdelay $0x1  }
0x1bb: {  	v60 =	vor.u32 v9, v12;
	_ =	sdelay $0x1  }
0x1bc: {  	v14 =	vsub.s32 v14, v0  }
0x1bd: {  	[tilespmem:$0x7040] =	vst v13;
	v14 =	vsel vm12, $0x2180, v14  }
0x1be: {  	[tilespmem:$0x7140] =	vst v14  }
0x1bf: {  	v13 =	vld.idx.msk [tilespmem:v60+s19+$0x0], $0xffff;
	_ =	sdelay $0x4  }
0x1c0: {  	vm13 =	vgt.s32 v13, $0x24FF  }
0x1c1: {  	v13 =	vsel vm13, $0x24FF, v13;
	_ =	sdelay $0x4  }
0x1c2: {  	v14 =	vld.idx.msk [tilespmem:v13+s3+$0x0], $0xffff  }
0x1c3: {  	v13 =	vld.idx.msk [tilespmem:v13+s16+$0x0], $0xffff;
	_ =	sdelay $0x1  }
0x1c4: {  	v61 =	vor.u32 v10, v12;
	_ =	sdelay $0x1  }
0x1c5: {  	v14 =	vsub.s32 v14, v0  }
0x1c6: {  	[tilespmem:$0x7050] =	vst v13;
	v62 =	vsel vm13, $0x2180, v14  }
0x1c7: {  	[tilespmem:$0x7150] =	vst v62  }
0x1c8: {  	v13 =	vld.idx.msk [tilespmem:v61+s19+$0x0], $0xffff;
	_ =	sdelay $0x4  }
0x1c9: {  	vm14 =	vgt.s32 v13, $0x24FF  }
0x1ca: {  	v13 =	vsel vm14, $0x24FF, v13;
	_ =	sdelay $0x4  }
0x1cb: {  	v63 =	vld.idx.msk [tilespmem:v13+s3+$0x0], $0xffff  }
0x1cc: {  	v13 =	vld.idx.msk [tilespmem:v13+s16+$0x0], $0xffff;
	_ =	sdelay $0x1  }
0x1cd: {  	v12 =	vor.u32 v11, v12;
	_ =	sdelay $0x1  }
0x1ce: {  	v14 =	vsub.s32 v63, v0  }
0x1cf: {  	[tilespmem:$0x7060] =	vst v13;
	v14 =	vsel vm14, $0x2180, v14  }
0x1d0: {  	[tilespmem:$0x7160] =	vst v14  }
0x1d1: {  	v12 =	vld.idx.msk [tilespmem:v12+s19+$0x0], $0xffff;
	_ =	sdelay $0x4  }
0x1d2: {  	vm15 =	vgt.s32 v12, $0x24FF  }
0x1d3: {  	v12 =	vsel vm15, $0x24FF, v12;
	_ =	sdelay $0x4  }
0x1d4: {  	v13 =	vld.idx.msk [tilespmem:v12+s3+$0x0], $0xffff  }
0x1d5: {  	v12 =	vld.idx.msk [tilespmem:v12+s16+$0x0], $0xffff;
	_ =	sdelay $0x3  }
0x1d6: {  	v13 =	vsub.s32 v13, v0  }
0x1d7: {  	[tilespmem:$0x7070] =	vst v12;
	v13 =	vsel vm15, $0x2180, v13  }
0x1d8: {  	[tilespmem:$0x7170] =	vst v13  }
0x1d9: {  	[tilespmem:s23], [sflag:$0x1] =	stream.indirect.gather [hbm4b:s5+s21], $0x80, s22, s21, $0xb8;
	[tilespmem:$0x1FE40] =	vst v63  }
.LBB2_18:
0x1da: {  	p5 =	sge.s32 s1, s30  }
.Ltmp16:
0x1db: {  	_ = 	snop;
	(pc) =	sbr.rel @p5 .LBB2_20-.Ltmp16, $1  }
0x1dc: {  	_ =	sdelay $0x3  }
0x1dd: {  	s8 =	sadd.s32 $0x80, s0  }
0x1de: {  	v12 =	vmov s8  }
0x1df: {  	v12 =	vshrl.u32 v12, $0x7  }
0x1e0: {  	v12 =	vshll.u32 v12, $0x7  }
0x1e1: {  	v12 =	vbroadcast v12, $0x0;
	_ =	sdelay $0x1  }
0x1e2: {  	v13 =	vor.u32 v2, v12;
	_ =	sdelay $0x4  }
0x1e3: {  	v13 =	vld.idx.msk [tilespmem:v13+s19+$0x0], $0xffff;
	_ =	sdelay $0x4  }
0x1e4: {  	vm0 =	vgt.s32 v13, $0x24FF  }
0x1e5: {  	v13 =	vsel vm0, $0x24FF, v13;
	_ =	sdelay $0x4  }
0x1e6: {  	v14 =	vld.idx.msk [tilespmem:v13+s3+$0x0], $0xffff  }
0x1e7: {  	v13 =	vld.idx.msk [tilespmem:v13+s16+$0x0], $0xffff;
	_ =	sdelay $0x1  }
0x1e8: {  	v15 =	vor.u32 v5, v12;
	_ =	sdelay $0x1  }
0x1e9: {  	v14 =	vsub.s32 v14, v0  }
0x1ea: {  	[tilespmem:$0x7080] =	vst v13;
	v14 =	vsel vm0, $0x2180, v14  }
0x1eb: {  	[tilespmem:$0x7180] =	vst v14  }
0x1ec: {  	v13 =	vld.idx.msk [tilespmem:v15+s19+$0x0], $0xffff;
	_ =	sdelay $0x4  }
0x1ed: {  	vm9 =	vgt.s32 v13, $0x24FF  }
0x1ee: {  	v13 =	vsel vm9, $0x24FF, v13;
	_ =	sdelay $0x4  }
0x1ef: {  	v14 =	vld.idx.msk [tilespmem:v13+s3+$0x0], $0xffff  }
0x1f0: {  	v13 =	vld.idx.msk [tilespmem:v13+s16+$0x0], $0xffff;
	_ =	sdelay $0x1  }
0x1f1: {  	v57 =	vor.u32 v6, v12;
	_ =	sdelay $0x1  }
0x1f2: {  	v14 =	vsub.s32 v14, v0  }
0x1f3: {  	[tilespmem:$0x7090] =	vst v13;
	v14 =	vsel vm9, $0x2180, v14  }
0x1f4: {  	[tilespmem:$0x7190] =	vst v14  }
0x1f5: {  	v13 =	vld.idx.msk [tilespmem:v57+s19+$0x0], $0xffff;
	_ =	sdelay $0x4  }
0x1f6: {  	vm10 =	vgt.s32 v13, $0x24FF  }
0x1f7: {  	v13 =	vsel vm10, $0x24FF, v13;
	_ =	sdelay $0x4  }
0x1f8: {  	v14 =	vld.idx.msk [tilespmem:v13+s3+$0x0], $0xffff  }
0x1f9: {  	v13 =	vld.idx.msk [tilespmem:v13+s16+$0x0], $0xffff;
	_ =	sdelay $0x1  }
0x1fa: {  	v58 =	vor.u32 v7, v12;
	_ =	sdelay $0x1  }
0x1fb: {  	v14 =	vsub.s32 v14, v0  }
0x1fc: {  	[tilespmem:$0x70A0] =	vst v13;
	v14 =	vsel vm10, $0x2180, v14  }
0x1fd: {  	[tilespmem:$0x71A0] =	vst v14  }
0x1fe: {  	v13 =	vld.idx.msk [tilespmem:v58+s19+$0x0], $0xffff;
	_ =	sdelay $0x4  }
0x1ff: {  	vm11 =	vgt.s32 v13, $0x24FF  }
0x200: {  	v13 =	vsel vm11, $0x24FF, v13;
	_ =	sdelay $0x4  }
0x201: {  	v14 =	vld.idx.msk [tilespmem:v13+s3+$0x0], $0xffff  }
0x202: {  	v13 =	vld.idx.msk [tilespmem:v13+s16+$0x0], $0xffff;
	_ =	sdelay $0x1  }
0x203: {  	v59 =	vor.u32 v8, v12;
	_ =	sdelay $0x1  }
0x204: {  	v14 =	vsub.s32 v14, v0  }
0x205: {  	[tilespmem:$0x70B0] =	vst v13;
	v14 =	vsel vm11, $0x2180, v14  }
0x206: {  	[tilespmem:$0x71B0] =	vst v14  }
0x207: {  	v13 =	vld.idx.msk [tilespmem:v59+s19+$0x0], $0xffff;
	_ =	sdelay $0x4  }
0x208: {  	vm12 =	vgt.s32 v13, $0x24FF  }
0x209: {  	v13 =	vsel vm12, $0x24FF, v13;
	_ =	sdelay $0x4  }
0x20a: {  	v14 =	vld.idx.msk [tilespmem:v13+s3+$0x0], $0xffff  }
0x20b: {  	v13 =	vld.idx.msk [tilespmem:v13+s16+$0x0], $0xffff;
	_ =	sdelay $0x1  }
0x20c: {  	v60 =	vor.u32 v9, v12;
	_ =	sdelay $0x1  }
0x20d: {  	v14 =	vsub.s32 v14, v0  }
0x20e: {  	[tilespmem:$0x70C0] =	vst v13;
	v14 =	vsel vm12, $0x2180, v14  }
0x20f: {  	[tilespmem:$0x71C0] =	vst v14  }
0x210: {  	v13 =	vld.idx.msk [tilespmem:v60+s19+$0x0], $0xffff;
	_ =	sdelay $0x4  }
0x211: {  	vm13 =	vgt.s32 v13, $0x24FF  }
0x212: {  	v13 =	vsel vm13, $0x24FF, v13;
	_ =	sdelay $0x4  }
0x213: {  	v14 =	vld.idx.msk [tilespmem:v13+s3+$0x0], $0xffff  }
0x214: {  	v13 =	vld.idx.msk [tilespmem:v13+s16+$0x0], $0xffff;
	_ =	sdelay $0x1  }
0x215: {  	v61 =	vor.u32 v10, v12;
	_ =	sdelay $0x1  }
0x216: {  	v14 =	vsub.s32 v14, v0  }
0x217: {  	[tilespmem:$0x70D0] =	vst v13;
	v62 =	vsel vm13, $0x2180, v14  }
0x218: {  	[tilespmem:$0x71D0] =	vst v62  }
0x219: {  	v13 =	vld.idx.msk [tilespmem:v61+s19+$0x0], $0xffff;
	_ =	sdelay $0x4  }
0x21a: {  	vm14 =	vgt.s32 v13, $0x24FF  }
0x21b: {  	v13 =	vsel vm14, $0x24FF, v13;
	_ =	sdelay $0x4  }
0x21c: {  	v63 =	vld.idx.msk [tilespmem:v13+s3+$0x0], $0xffff  }
0x21d: {  	v13 =	vld.idx.msk [tilespmem:v13+s16+$0x0], $0xffff;
	_ =	sdelay $0x1  }
0x21e: {  	v12 =	vor.u32 v11, v12;
	_ =	sdelay $0x1  }
0x21f: {  	v14 =	vsub.s32 v63, v0  }
0x220: {  	[tilespmem:$0x70E0] =	vst v13;
	v14 =	vsel vm14, $0x2180, v14  }
0x221: {  	[tilespmem:$0x71E0] =	vst v14  }
0x222: {  	v12 =	vld.idx.msk [tilespmem:v12+s19+$0x0], $0xffff;
	_ =	sdelay $0x4  }
0x223: {  	vm15 =	vgt.s32 v12, $0x24FF  }
0x224: {  	v12 =	vsel vm15, $0x24FF, v12;
	_ =	sdelay $0x4  }
0x225: {  	v13 =	vld.idx.msk [tilespmem:v12+s3+$0x0], $0xffff  }
0x226: {  	v12 =	vld.idx.msk [tilespmem:v12+s16+$0x0], $0xffff;
	_ =	sdelay $0x2  }
.Ltmp17:
0x227: {  	_ = 	snop;
	(pc) =	sbr.rel .LBB2_20-.Ltmp17, $4  }
0x228: {  	v13 =	vsub.s32 v13, v0  }
0x229: {  	[tilespmem:$0x70F0] =	vst v12;
	v13 =	vsel vm15, $0x2180, v13  }
0x22a: {  	[tilespmem:$0x71F0] =	vst v13  }
0x22b: {  	[tilespmem:s25], [sflag:$0x2] =	stream.indirect.gather [hbm4b:s5+s21], $0x80, s24, s21, $0xb8;
	[tilespmem:$0x1FE40] =	vst v63  }
.LBB2_22:
0x22c: {  	_ =	sfence.sel $0x180000  }
0x22d: {  	[bflag:$0x0] =	sbarrier.arrive $0xFFFF  }
0x22e: {  	_ =	strace $0x90000047  }
0x22f: {  	s0 =	stileid.u32;
	[bflag:$0x2] =	sbarrier.arrive $0xFFFF  }
0x230: {  	p0 =	sne.s32 s0, $0x0;
	s0 =	rddreg [dreg:$0x3]  }
0x231: {  	s0 =	sadd.s32 @!p0 $0x100000, s0  }
0x232: {  	[sflag:s0] =	ssyncadd.tile.s32 @!p0 $0x1;
	_ =	shalt  }
.Lfunc_end2:
_tile_overlayer_lowered:
.L_overlay_start_2:
0x233: {  	(tag) =	ssettag $0x2  }
0x234: {  	s0 =	rddreg [dreg:$0x0];
	s2 =	stileid.u32  }
0x235: {  	s1 =	rddreg [dreg:$0x1];
	p0 =	sne.s32 s2, $0x0  }
0x236: {  	s3 =	rddreg [dreg:$0x2];
	[bflag:$0x3] =	sbarrier.arrive $0xFFFF;
	s2 =	simm.s32 @!p0 $0x1C06  }
0x237: {  	[timem:s3], [sflag:s2] =	dma.local @!p0 [hbm:s0], s1  }
0x238: {  	s0 =	simm.s32 @!p0 $0x6  }
0x239: {  	_ =	swait.ge @!p0 [sflag:s0], s1  }
0x23a: {  	s1 =	ssub.s32 @!p0 $0x0, s1;
	[sflag:s0] =	ssyncset.done @!p0 $0x0  }
0x23b: {  	[sflag:s0] =	ssyncadd.s32 @!p0 s1  }
0x23c: {  	[bflag:$0x3] =	sbarrier.arrive $0xFFFF  }
0x23d: {  	_ =	shalt  }

// kernel: sparse-core-data-format-call.cloned.1.call-start
scs
called_computation_lowered:
.L_overlay_start_0:
0x0: {  	s2 =	sld [smem:$0x3FD9]  }
0x1: {  	s3 =	sld [smem:$0x3FFE];
	_ =	sdelay $0x1  }
0x2: {  	s1 =	srdreg.scid  }
0x3: {  	s0 =	sand.u32 $0x1, s1  }
0x4: {  	s18 =	sshll.u32 s0, $0xA;
	s2 =	sadd.s32 s3, s2  }
0x5: {  	s2 =	sadd.s32 s2, s18  }
0x6: {  	[smem:$0x3FC3] =	sst s2  }
0x7: {  	_ = 	snop  }
0x8: {  	s2 =	sld [smem:$0x3FD0];
	(tm) =	ssettm $0x1  }
0x9: {  	s19 =	sld [smem:$0x3FFB];
	_ =	sdelay $0x3  }
0xa: {  	_ =	strace s19  }
0xb: {  	s3 =	sld [smem:$0x3FFC];
	_ =	sdelay $0x3  }
0xc: {  	_ =	strace s3  }
0xd: {  	s3 =	sld [smem:$0x3FFD];
	_ =	sdelay $0x3  }
0xe: {  	_ =	strace s3  }
0xf: {  	_ =	strace $0x8FFFFFFF  }
0x10: {  	s20 =	sld [smem:$0x3FDB];
	_ =	sdelay $0x1  }
0x11: {  	s4 =	simm.s32 $_scs_section_size  }
0x12: {  	s5 =	simm.s32 $_size__tile_overlayer_lowered;
	s6 =	simm.s32 $_tile_overlayer_lowered  }
0x13: {  	s23 =	simm.s32 $0x1BFF;
	s22 =	sshll.u32 s6, $0x1;
	s3 =	sadd.s32 s4, s20  }
0x14: {  	s7 =	simm.s32 $0x0;
	s21 =	sshll.u32 s5, $0x1;
	s5 =	sadd.s32 s22, s3  }
0x15: {  	[timem:s7], [sflag:s23] =	dma.local [hbm:s5], s21  }
0x16: {  	_ =	swait.ge [sflag:s23], s21  }
0x17: {  	s4 =	ssub.s32 $0x0, s21;
	[sflag:s23] =	ssyncset.done $0x0  }
0x18: {  	[sflag:s23] =	ssyncadd.s32 s4;
	_ =	sdelay $0x1  }
0x19: {  	s24 =	simm.s32 $0x1B8B  }
0x1a: {  	_ =	swait.ge [sflag:s24], $0x1  }
0x1b: {  	[sflag:s24] =	ssyncset.done $0x0  }
0x1c: {  	s26 =	simm.s32 $0x1B8E;
	s25 =	sld [smem:$0x3FFE];
	[sflag:s24] =	ssyncadd.s32 $0xFFFFFFFF  }
0x1d: {  	s27 =	simm.s32 $execute0_lowered;
	[smem:$0x3FD2] =	sst s26  }
0x1e: {  	s5 =	sshll.u32 s27, $0x1;
	_ =	strace $0x80000049;
	[dreg:$0x1] =	wrdreg $0xFFFFFFFF  }
0x1f: {  	s28 =	simm.s32 $_size_execute0_lowered;
	s3 =	sadd.s32 s3, s5;
	[dreg:$0x0] =	wrdreg $0x0  }
0x20: {  	s5 =	sshll.u32 s28, $0x1;
	[dreg:$0x2] =	wrdreg s3  }
0x21: {  	[dreg:$0x3] =	wrdreg s5  }
0x22: {  	[dreg:$0x4] =	wrdreg $0xC0  }
0x23: {  	_ =	task [dreg:s7], $0x5FFFF  }
0x24: {  	[dreg:$0x1] =	wrdreg $0xFFFFFFFF  }
0x25: {  	[dreg:$0x0] =	wrdreg $0x60  }
0x26: {  	[dreg:$0x2] =	wrdreg s25  }
0x27: {  	[dreg:$0x3] =	wrdreg s2  }
0x28: {  	[dreg:$0x4] =	wrdreg $0x9  }
0x29: {  	_ =	task.clear_ibuf [dreg:s7], $0x5FFFF;
	_ =	strace $0x90000049  }
0x2a: {  	s29 =	simm.s32 $0x9;
	_ =	strace $0x8000004B  }
0x2b: {  	_ =	swait.ge [sflag:s29], $0x1  }
0x2c: {  	[sflag:s29] =	ssyncadd.s32 $0xFFFFFFFF  }
0x2d: {  	_ =	strace $0x9000004B  }
0x2e: {  	_ =	sfence  }
0x2f: {  	s30 =	sld [smem:$0x0];
	_ =	sdelay $0x2  }
0x30: {  	s31 =	sshll.u32 s1, $0xD;
	s1 =	sshrl.u32 s1, $0x2  }
0x31: {  	s3 =	sand.u32 $0x4000, s31;
	s1 =	sadd.s32 s1, s30  }
0x32: {  	s0 =	sor.u32 s3, s0;
	s1 =	sshll.u32 s1, $0x11  }
0x33: {  	s0 =	sor.u32 s1, s0  }
0x34: {  	s0 =	sadd.s32 $0x8F2B, s0  }
0x35: {  	[sflag:s0] =	ssyncadd.remote.s32 $0x1  }
0x36: {  	_ =	sfence.sel $0xFFFF  }
0x37: {  	[dreg:$0x0] =	wrdreg $0xFFFFFFFF;
	(pc) =	sbr.abs _section_cstart, $3  }
0x38: {  	[dreg:$0x1] =	wrdreg $0xFFFFFFFF  }
0x39: {  	_ =	task.clear_ibuf [dreg:s7], $0x2FFFF;
	_ =	strace $0x9FFFFFFF  }
0x3a: {  	(tm) =	ssettm $0x7FFFFFFF  }
0x3b: {  	_ =	shalt  }
tec
execute0_lowered:
.L_overlay_start_1:
0x0: {  	(tag) =	ssettag $0x1  }
0x1: {  	s4 =	rddreg [dreg:$0x0]  }
0x2: {  	s0 =	srdreg.scid;
	s2 =	rddreg [dreg:$0x1]  }
0x3: {  	s1 =	stileid.u32;
	s5 =	simm.s32 $0x1;
	s0 =	sshll.u32 s0, $0x4  }
0x4: {  	s7 =	simm.s32 $0x2;
	s12 =	simm.s32 $0x0;
	s3 =	sand.u32 $0x10, s0  }
.Ltmp0:
0x5: {  	s8 =	simm.s32 $0x186C00;
	s3 =	sor.u32 s1, s3;
	(pc) =	sbr.rel .LBB1_1-.Ltmp0, $4  }
0x6: {  	s10 =	simm.s32 $0x0;
	s11 =	simm.s32 $0x0;
	s3 =	sshll.u32 s3, $0x7  }
0x7: {  	s0 =	rddreg [dreg:$0x2];
	_ =	strace $0x8000004A;
	s6 =	ssub.s32 $0x30D00, s3  }
0x8: {  	s4 =	sadd.s32 $0x800, s4;
	[sflag:s5] =	ssyncpa.u1 $0x0;
	s6 =	sshrl.u32 s6, $0xC  }
0x9: {  	[sflag:s7] =	ssyncpa.u1 $0x0;
	s9 =	smov.u32 s3;
	s7 =	sadd.s32 $0x2, s6  }
.LBB1_5:
0xa: {  	[tilespmem:s23+$0x0 ss:$0x81] =	vst.msk $0xffff, v4;
	s15 =	sadd.s32 s18, s20  }
0xb: {  	s16 =	sadd.s32 s18, s21;
	[tilespmem:s15+$0x0 ss:$0x81] =	vst.msk $0xffff, v2  }
0xc: {  	s31 =	sadd.s32 s18, s22;
	[tilespmem:s16+$0x0 ss:$0x81] =	vst.msk $0xffff, v1  }
0xd: {  	[tilespmem:s31+$0x0 ss:$0x81] =	vst.msk $0xffff, v3  }
.LBB1_6:
0xe: {  	s15 =	sshll.u32 s10, $0x3  }
0xf: {  	s15 =	sand.u32 $0xFFFFFC00, s15  }
0x10: {  	s16 =	sshrl.u32 s15, $0x7  }
0x11: {  	s16 =	smulhi.u32 $0xA7B7EF, s16;
	_ =	sdelay $0x1  }
0x12: {  	s16 =	sshrl.u32 s16, $0x2  }
0x13: {  	s17 =	smul.u32 $0x4EC5, s16  }
0x14: {  	p0 =	sgt.s32 s10, $0x30D00;
	s20 =	smov.u32 s10  }
0x15: {  	s20 =	simm.s32 @!p0 $0x30D00;
	s17 =	sshrl.u32 s17, $0x15  }
0x16: {  	s18 =	sand.u32 $0x7F, s10;
	s13 =	sadd.s32 s13, s20;
	s17 =	smul.u32 $0x68, s17  }
0x17: {  	s15 =	sor.u32 s18, s15;
	s30 =	sadd.s32 $0xFFFCF300, s13;
	s19 =	smul.u32 $0x30D80, s16  }
0x18: {  	s13 =	ssub.s32 $0x30D80, s13;
	p0 =	sgt.s32 s30, $0x7F;
	s16 =	ssub.s32 s16, s17  }
0x19: {  	s13 =	smul.u32 $0x1A0, s13;
	s15 =	ssub.s32 s15, s19;
	s16 =	sand.u32 $0xFFFF, s16  }
0x1a: {  	s31 =	sshrl.u32 s15, $0x3;
	s15 =	sand.u32 $0x7, s15;
	s16 =	smul.u32 $0x61B0, s16  }
0x1b: {  	s13 =	sshrl.u32 s13, $0x2;
	s15 =	sshll.u32 s15, $0x12;
	s17 =	sadd.s32 s2, s31  }
0x1c: {  	s13 =	simm.s32 @p0 $0x0;
	s15 =	sor.u32 $0x400, s15;
	s16 =	sadd.s32 s16, s17  }
0x1d: {  	[hbm4b:s16+s15] =	stream.strided.scatter [tilespmem:s14], [sflag:$0x2], s13, s8, s15, $0x20;
	[tilespmem:$0x10100] =	vst v63  }
.LBB1_7:
0x1e: {  	p0 =	slt.u32 s11, $0x2  }
0x1f: {  	p1 =	sgt.s32 @!p0 s12, $0x30D00  }
0x20: {  	s13 =	smov.u32 s12;
	s14 =	sshra.s32 @!p0 s12, $0x1F;
	p1 =	por !p1, p0  }
0x21: {  	s12 =	sand.u32 @!p0 s14, s12;
	s13 =	simm.s32 @p1 $0x30D00  }
0x22: {  	s12 =	ssub.s32 @!p0 s13, s12  }
0x23: {  	s13 =	ssub.s32 @!p0 $0x30D80, s12  }
0x24: {  	s12 =	sadd.s32 @!p0 $0xFFFCF300, s12;
	s13 =	smul.u32 @!p0 $0x1A0, s13  }
0x25: {  	p1 =	sgt.s32 @!p0 s12, $0x7F  }
0x26: {  	s14 =	sadd.s32 $0x1000, s9;
	p1 =	por !p1, p0;
	s12 =	sshrl.u32 @!p0 s13, $0x2  }
0x27: {  	s12 =	simm.s32 @!p1 $0x0;
	p1 =	sgt.s32 s14, $0x30D3F  }
0x28: {  	s14 =	smov.u32 @p1 s3;
	p1 =	sne.s32 s11, s7  }
.Ltmp1:
0x29: {  	_ = 	snop;
	(pc) =	sbr.rel @!p1 .LBB1_8-.Ltmp1, $4  }
0x2a: {  	s13 =	simm.s32 @!p0 $0x2  }
0x2b: {  	_ =	swait.ge @!p0 [sflag:s13], s12;
	s15 =	ssub.s32 @!p0 $0x0, s12  }
0x2c: {  	s12 =	smov.u32 s10;
	s11 =	sadd.s32 $0x1, s11;
	[sflag:s13] =	ssyncset.done @!p0 $0x0  }
0x2d: {  	s10 =	smov.u32 s9;
	s9 =	smov.u32 s14;
	[sflag:s13] =	ssyncadd.s32 @!p0 s15  }
.LBB1_1:
0x2e: {  	p0 =	sgt.u32 s11, s6  }
0x2f: {  	s13 =	sand.u32 @!p0 $0x1FFFFFF, s9  }
0x30: {  	p1 =	sgt.s32 @!p0 s9, $0x30CC0;
	s14 =	smulhi.u32 @!p0 $0x14F8B59, s13  }
0x31: {  	s15 =	smov.u32 s9;
	s16 =	sshra.s32 @!p0 s9, $0x1F;
	p1 =	por !p1, p0  }
0x32: {  	s16 =	sand.u32 @!p0 s16, s9;
	s15 =	simm.s32 @p1 $0x30CC0;
	s14 =	sshrl.u32 @!p0 s14, $0xA  }
0x33: {  	s15 =	ssub.s32 @!p0 s15, s16;
	s14 =	smul.u32 @!p0 $0x30D40, s14  }
0x34: {  	s16 =	sxor.u32 @!p0 $0xFFFFFFFF, s11;
	s15 =	sadd.s32 @!p0 $0xFFFCF340, s15  }
0x35: {  	s16 =	sshll.u32 @!p0 s16, $0xE;
	s13 =	ssub.s32 @!p0 s13, s14;
	s14 =	sshll.u32 @!p0 s15, $0x9  }
0x36: {  	s16 =	sand.u32 @!p0 $0x4000, s16;
	p1 =	sgt.s32 @!p0 s15, $0x7F;
	s14 =	ssub.s32 @!p0 $0x10000, s14  }
0x37: {  	p1 =	por !p1, p0;
	s13 =	sshll.u32 @!p0 s13, $0x4;
	s14 =	sshrl.u32 @!p0 s14, $0x2  }
0x38: {  	s15 =	simm.s32 @!p0 $0x0;
	s13 =	sadd.s32 @!p0 s4, s13;
	s14 =	simm.s32 @!p1 $0x0  }
0x39: {  	[tilespmem:s16], [sflag:$0x1] =	stream.linear.gather @!p0 [hbm4b:s13+s15], s14, $0x38;
	[tilespmem:$0x10100] =	vst v63  }
0x3a: {  	p0 =	seq.s32 s11, $0x0  }
0x3b: {  	p1 =	sge.u32 @!p0 s11, s7  }
0x3c: {  	p0 =	por p0, p1  }
.Ltmp2:
0x3d: {  	_ = 	snop;
	(pc) =	sbr.rel @p0 .LBB1_7-.Ltmp2, $1  }
0x3e: {  	_ =	sdelay $0x3  }
0x3f: {  	s13 =	ssub.s32 $0x0, s10  }
0x40: {  	s14 =	sshra.s32 s10, $0x1F;
	p0 =	sgt.s32 s10, $0x30CC0;
	s15 =	smov.u32 s10  }
0x41: {  	s13 =	sand.u32 s13, s14;
	s15 =	simm.s32 @!p0 $0x30CC0  }
0x42: {  	s14 =	sadd.s32 s13, s15  }
0x43: {  	s17 =	sadd.s32 $0x80, s10;
	s14 =	sadd.s32 $0xFFFCF340, s14  }
0x44: {  	p1 =	slt.s32 s17, $0x30D40;
	s31 =	sshll.u32 s14, $0x9  }
0x45: {  	s17 =	simm.s32 @!p1 $0x30D40;
	s15 =	ssub.s32 $0x10000, s31  }
0x46: {  	p0 =	sgt.s32 s14, $0x7F;
	s14 =	sshrl.u32 s15, $0x2;
	s15 =	ssub.s32 s17, s10  }
0x47: {  	s14 =	simm.s32 @p0 $0x0;
	p0 =	slt.s32 s15, $0x1  }
.Ltmp3:
0x48: {  	_ = 	snop;
	(pc) =	sbr.rel @p0 .LBB1_6-.Ltmp3, $4  }
0x49: {  	s16 =	sand.u32 $0x1, s11  }
0x4a: {  	s18 =	smul.u32 $0x4080, s16;
	_ =	swait.ge [sflag:s5], s14  }
0x4b: {  	s14 =	ssub.s32 $0x0, s14;
	[sflag:s5] =	ssyncset.done $0x0  }
0x4c: {  	[sflag:s5] =	ssyncadd.s32 s14;
	s14 =	sor.u32 $0x8000, s18  }
0x4d: {  	s18 =	sshll.u32 s16, $0xE;
	s19 =	simm.s32 $0x0  }
0x4e: {  	s20 =	simm.s32 $0x10;
	s21 =	simm.s32 $0x20;
	s19 =	sand.u32 $0x78, s19  }
0x4f: {  	s20 =	sand.u32 $0x78, s20;
	s31 =	sxor.u32 $0x40, s19;
	s19 =	smul.u32 $0x204, s19  }
0x50: {  	s23 =	simm.s32 $0x30;
	v0 =	vmov s18;
	s21 =	sand.u32 $0x78, s21;
	s20 =	smul.u32 $0x204, s20  }
0x51: {  	s24 =	simm.s32 $0x50;
	s23 =	sand.u32 $0x78, s23;
	s21 =	smul.u32 $0x204, s21  }
0x52: {  	s25 =	simm.s32 $0x60;
	s24 =	sand.u32 $0x78, s24;
	s23 =	smul.u32 $0x204, s23  }
0x53: {  	s16 =	simm.s32 $0x0;
	s25 =	sand.u32 $0x78, s25;
	s24 =	smul.u32 $0x204, s24  }
0x54: {  	s22 =	sand.u32 $0x3F80, s16;
	s30 =	smul.u32 $0x204, s25  }
0x55: {  	s17 =	simm.s32 $0x1;
	p0 =	sne.s32 s15, $0x1;
	s18 =	smul.u32 $0x204, s31;
	v1 =	vld.idx.msk [tilespmem:v0+s22+$0x40 ss:$0x1], $0xffff  }
0x56: {  	s19 =	sshrl.u32 s19, $0x2;
	s20 =	sshrl.u32 s20, $0x2;
	s21 =	sshrl.u32 s21, $0x2;
	v3 =	vld.idx.msk [tilespmem:v0+s22+$0x0 ss:$0x1], $0xffff  }
0x57: {  	s29 =	sshrl.u32 s23, $0x2;
	s25 =	sshrl.u32 s30, $0x2;
	s26 =	sshrl.u32 s18, $0x2;
	v5 =	vld.idx.msk [tilespmem:v0+s22+$0x10 ss:$0x1], $0xffff  }
.Ltmp4:
0x58: {  	s18 =	sand.u32 $0x7F, s16;
	s26 =	sadd.s32 s26, s14;
	v4 =	vld.idx.msk [tilespmem:v0+s22+$0x20 ss:$0x1], $0xffff;
	(pc) =	sbr.rel @!p0 .LBB1_5-.Ltmp4, $4  }
0x59: {  	s19 =	sadd.s32 s19, s14;
	s27 =	sadd.s32 s20, s14;
	v2 =	vld.idx.msk [tilespmem:v0+s22+$0x30 ss:$0x1], $0xffff;
	s26 =	sadd.s32 s18, s26  }
0x5a: {  	s28 =	sadd.s32 s21, s14;
	s21 =	sshrl.u32 s24, $0x2;
	s19 =	sadd.s32 s18, s19;
	[tilespmem:s26+$0x0 ss:$0x81] =	vst.msk $0xffff, v1;
	v1 =	vld.idx.msk [tilespmem:v0+s22+$0x50 ss:$0x1], $0xffff  }
0x5b: {  	s20 =	sadd.s32 s29, s14;
	s31 =	sadd.s32 s18, s27;
	s21 =	sadd.s32 s21, s14;
	[tilespmem:s19+$0x0 ss:$0x81] =	vst.msk $0xffff, v3;
	v3 =	vld.idx.msk [tilespmem:v0+s22+$0x60 ss:$0x1], $0xffff  }
0x5c: {  	s23 =	sadd.s32 s18, s28;
	[tilespmem:s31+$0x0 ss:$0x81] =	vst.msk $0xffff, v5;
	s22 =	sadd.s32 s25, s14;
	s19 =	simm.s32 $0x3008  }
.LBB1_4:
0x5d: {  	s24 =	sadd.s32 $0xFFFFD000, s19  }
0x5e: {  	s25 =	sadd.s32 $0xFFFFD800, s19;
	[tilespmem:s23+$0x0 ss:$0x81] =	vst.msk $0xffff, v4;
	s23 =	smov.u32 s17;
	s17 =	sadd.s32 $0x1, s17  }
0x5f: {  	s16 =	sadd.s32 $0x80, s16;
	s24 =	sshrl.u32 s24, $0x7;
	p0 =	sne.s32 s15, s17  }
0x60: {  	s27 =	sadd.s32 $0xFFFFE000, s19;
	s26 =	sand.u32 $0x3F80, s16;
	s24 =	sand.u32 $0x78, s24  }
0x61: {  	s28 =	sadd.s32 $0xFFFFE800, s19;
	s30 =	sadd.s32 $0xFFFFF800, s19;
	v5 =	vld.idx.msk [tilespmem:v0+s26+$0x40 ss:$0x1], $0xffff;
	s29 =	sxor.u32 $0x40, s24  }
0x62: {  	s25 =	sshrl.u32 s25, $0x7;
	s27 =	sshrl.u32 s27, $0x7;
	v6 =	vld.idx.msk [tilespmem:v0+s26+$0x0 ss:$0x1], $0xffff;
	s29 =	smul.u32 $0x204, s29  }
0x63: {  	s31 =	sshrl.u32 s19, $0x7;
	s28 =	sshrl.u32 s28, $0x7;
	s30 =	sshrl.u32 s30, $0x7;
	v7 =	vld.idx.msk [tilespmem:v0+s26+$0x10 ss:$0x1], $0xffff  }
0x64: {  	s25 =	sand.u32 $0x78, s25;
	s27 =	sand.u32 $0x78, s27;
	v4 =	vld.idx.msk [tilespmem:v0+s26+$0x20 ss:$0x1], $0xffff;
	s29 =	sshrl.u32 s29, $0x2  }
0x65: {  	s23 =	sand.u32 $0x7F, s23;
	s28 =	sand.u32 $0x78, s28;
	v8 =	vld.idx.msk [tilespmem:v0+s26+$0x30 ss:$0x1], $0xffff;
	s29 =	sadd.s32 s29, s14  }
0x66: {  	s31 =	sand.u32 $0x78, s31;
	s30 =	sand.u32 $0x78, s30;
	s29 =	sadd.s32 s23, s29;
	v9 =	vld.idx.msk [tilespmem:v0+s26+$0x50 ss:$0x1], $0xffff  }
0x67: {  	s20 =	sadd.s32 s18, s20;
	s21 =	sadd.s32 s18, s21;
	s24 =	smul.u32 $0x204, s24;
	[tilespmem:s29+$0x0 ss:$0x81] =	vst.msk $0xffff, v5;
	v5 =	vld.idx.msk [tilespmem:v0+s26+$0x60 ss:$0x1], $0xffff  }
0x68: {  	s25 =	smul.u32 $0x204, s25;
	[tilespmem:s20+$0x0 ss:$0x81] =	vst.msk $0xffff, v2;
	s20 =	sadd.s32 s18, s22  }
0x69: {  	s18 =	smov.u32 s23;
	s22 =	sshrl.u32 s24, $0x2;
	s23 =	smul.u32 $0x204, s27  }
0x6a: {  	s24 =	smul.u32 $0x204, s28;
	[tilespmem:s21+$0x0 ss:$0x81] =	vst.msk $0xffff, v1;
	s21 =	sadd.s32 s22, s14  }
0x6b: {  	s22 =	sshrl.u32 s25, $0x2;
	[tilespmem:s20+$0x0 ss:$0x81] =	vst.msk $0xffff, v3;
	s20 =	sshrl.u32 s23, $0x2;
	s23 =	smul.u32 $0x204, s30  }
.Ltmp5:
0x6c: {  	s22 =	sadd.s32 s22, s14;
	(pc) =	sbr.rel @p0 .LBB1_4-.Ltmp5, $4  }
0x6d: {  	v2 =	vmov v8;
	s25 =	sadd.s32 s20, s14;
	s20 =	sshrl.u32 s24, $0x2;
	s24 =	smul.u32 $0x204, s31;
	v1 =	vmov v9  }
0x6e: {  	s21 =	sadd.s32 s18, s21;
	s20 =	sadd.s32 s20, s14;
	s23 =	sshrl.u32 s23, $0x2;
	v3 =	vmov v5  }
0x6f: {  	s22 =	sadd.s32 s18, s22;
	s24 =	sshrl.u32 s24, $0x2;
	[tilespmem:s21+$0x0 ss:$0x81] =	vst.msk $0xffff, v6;
	s21 =	sadd.s32 s23, s14  }
0x70: {  	s19 =	sadd.s32 $0x8, s19;
	s23 =	sadd.s32 s18, s25;
	[tilespmem:s22+$0x0 ss:$0x81] =	vst.msk $0xffff, v7;
	s22 =	sadd.s32 s24, s14  }
.Ltmp6:
0x71: {  	_ = 	snop;
	(pc) =	sbr.rel .LBB1_5-.Ltmp6, $1  }
0x72: {  	_ =	sdelay $0x3  }
.LBB1_8:
0x73: {  	_ =	sfence.sel $0x180000  }
0x74: {  	s2 =	simm.s32 $0x1;
	[bflag:$0x0] =	sbarrier.arrive $0xFFFF  }
0x75: {  	s31 =	simm.s32 $0x2;
	[sflag:s2] =	ssyncpa.u1 $0x1  }
0x76: {  	[sflag:s31] =	ssyncpa.u1 $0x1  }
0x77: {  	p0 =	sne.s32 s1, $0x0;
	_ =	strace $0x9000004A  }
0x78: {  	s0 =	sadd.s32 @!p0 $0x100000, s0;
	[bflag:$0x2] =	sbarrier.arrive $0xFFFF  }
0x79: {  	[sflag:s0] =	ssyncadd.tile.s32 @!p0 $0x1;
	_ =	shalt  }
.Lfunc_end1:
_tile_overlayer_lowered:
.L_overlay_start_2:
0x7a: {  	(tag) =	ssettag $0x2  }
0x7b: {  	s0 =	rddreg [dreg:$0x0];
	s2 =	stileid.u32  }
0x7c: {  	s1 =	rddreg [dreg:$0x1];
	p0 =	sne.s32 s2, $0x0  }
0x7d: {  	s3 =	rddreg [dreg:$0x2];
	[bflag:$0x3] =	sbarrier.arrive $0xFFFF;
	s2 =	simm.s32 @!p0 $0x1C01  }
0x7e: {  	[timem:s3], [sflag:s2] =	dma.local @!p0 [hbm:s0], s1  }
0x7f: {  	s0 =	simm.s32 @!p0 $0x1  }
0x80: {  	_ =	swait.ge @!p0 [sflag:s0], s1  }
0x81: {  	s1 =	ssub.s32 @!p0 $0x0, s1;
	[sflag:s0] =	ssyncset.done @!p0 $0x0  }
0x82: {  	[sflag:s0] =	ssyncadd.s32 @!p0 s1  }
0x83: {  	[bflag:$0x3] =	sbarrier.arrive $0xFFFF  }
0x84: {  	_ =	shalt  }

</sc_bundles>
